<compile_context>
chip_gen: v7x
topology: tpu7x:2x2x1
jax: 0.10.2.dev20260603
libtpu: 0.0.44.dev20260713+nightly
codegen_flags: <defaults>
</compile_context>

<pallas_src>
import functools

import jax
import jax.numpy as jnp
from jax import lax
from jax.experimental import pallas as pl
from jax.experimental.pallas import tpu as pltpu
from jax.experimental.pallas import tpu_sc as plsc

_NW = 32
_NB = 80
_LANES = 16


def _pack_pairs(y):
    xi = jax.lax.bitcast_convert_type(y, jnp.int32)
    r = xi + 32767 + jnp.bitwise_and(jax.lax.shift_right_logical(xi, 16), 1)
    n = y.shape[-1] // 2
    lo = jax.lax.shift_right_logical(r[:, :n], 16)
    hi = jnp.bitwise_and(r[:, n:], jnp.int32(-65536))
    return jnp.bitwise_or(hi, lo)


def _prep_body(z_ref, w_ref, b_ref, zc_ref, pj_ref, zp_ref):
    y = jnp.dot(z_ref[...], w_ref[...], preferred_element_type=jnp.float32)
    y = y + b_ref[...]
    y = jnp.where(y >= 0.0, y, 0.01 * y)
    pj_ref[...] = _pack_pairs(y)
    zp_ref[...] = _pack_pairs(zc_ref[...])


def _prep_tc(z_gene, W_gene, b_gene, z_cell):
    n, d = z_gene.shape
    blk = 1000
    return pl.pallas_call(
        _prep_body,
        grid=(n // blk,),
        in_specs=[
            pl.BlockSpec((blk, d), lambda i: (i, 0)),
            pl.BlockSpec((d, d), lambda i: (0, 0)),
            pl.BlockSpec((1, d), lambda i: (0, 0)),
            pl.BlockSpec((blk, d), lambda i: (i, 0)),
        ],
        out_specs=[
            pl.BlockSpec((blk, d // 2), lambda i: (i, 0)),
            pl.BlockSpec((blk, d // 2), lambda i: (i, 0)),
        ],
        out_shape=[
            jax.ShapeDtypeStruct((n, d // 2), jnp.int32),
            jax.ShapeDtypeStruct((n, d // 2), jnp.int32),
        ],
    )(z_gene, W_gene, b_gene.reshape(1, d), z_cell)


def _edge_sc(src, dst, zc_p, vg, nid_batch, scale_cell, bias_cell,
             std_cell):
    E = src.shape[0]
    nc, d2 = zc_p.shape
    dvg = vg.shape[1]
    d = 2 * d2
    epw = E // _NW
    nblk = epw // _NB
    ng = _NB // _LANES

    mesh = plsc.VectorSubcoreMesh(core_axis_name="c", subcore_axis_name="s")

    @functools.partial(
        pl.kernel,
        mesh=mesh,
        compiler_params=pltpu.CompilerParams(
            needs_layout_passes=False, use_tc_tiling_on_sc=False),
        out_type=(
            jax.ShapeDtypeStruct((E,), jnp.float32),
            jax.ShapeDtypeStruct((E,), jnp.float32),
        ),
        scratch_types=[
            pltpu.VMEM((nc,), jnp.int32),
            pltpu.VMEM((nc,), jnp.float32),
            pltpu.VMEM((nc,), jnp.float32),
            pltpu.VMEM((nc,), jnp.float32),
            pltpu.VMEM((epw,), jnp.int32),
            pltpu.VMEM((epw,), jnp.int32),
            pltpu.VMEM((_NB, d2), jnp.int32),
            pltpu.VMEM((_NB, d2), jnp.int32),
            pltpu.VMEM((_NB, dvg), jnp.int32),
            pltpu.VMEM((_NB, dvg), jnp.int32),
            pltpu.VMEM((_NB,), jnp.float32),
            pltpu.VMEM((_NB,), jnp.float32),
            pltpu.VMEM((_NB,), jnp.float32),
            pltpu.VMEM((_NB,), jnp.float32),
            pltpu.SemaphoreType.DMA,
            pltpu.SemaphoreType.DMA,
            pltpu.SemaphoreType.DMA,
            pltpu.SemaphoreType.DMA,
        ],
    )
    def k(src_h, dst_h, zc_h, vg_h, nidc_h, sc_h, bc_h, stc_h,
          loc_h, std_h,
          t_nidc, t_sc, t_bc, t_stc, t_src, t_dst,
          u0, u1, vg0, vg1, lo0, lo1, s0, s1,
          sem_d0, sem_d1, sem_w0, sem_w1):
        wid = lax.axis_index("c") * 16 + lax.axis_index("s")
        base0 = wid * epw
        stage = [
            pltpu.async_copy(nidc_h, t_nidc, sem_d0),
            pltpu.async_copy(sc_h, t_sc, sem_d0),
            pltpu.async_copy(bc_h, t_bc, sem_d0),
            pltpu.async_copy(stc_h, t_stc, sem_d0),
            pltpu.async_copy(src_h.at[pl.ds(base0, epw)], t_src, sem_d0),
            pltpu.async_copy(dst_h.at[pl.ds(base0, epw)], t_dst, sem_d0),
        ]
        for c in stage:
            c.wait()

        def fire(nb, u_v, vg_v, sem):
            pltpu.async_copy(zc_h.at[t_src.at[pl.ds(nb * _NB, _NB)]],
                             u_v, sem)
            pltpu.async_copy(vg_h.at[t_dst.at[pl.ds(nb * _NB, _NB)]],
                             vg_v, sem)

        def drain_data(u_v, vg_v, sem):
            pltpu.make_async_copy(
                zc_h.at[t_src.at[pl.ds(0, _NB)]], u_v, sem).wait()
            pltpu.make_async_copy(
                vg_h.at[t_dst.at[pl.ds(0, _NB)]], vg_v, sem).wait()

        def drain_wb(lo_v, s_v, sem):
            pltpu.make_async_copy(
                lo_v, loc_h.at[pl.ds(base0, _NB)], sem).wait()
            pltpu.make_async_copy(
                s_v, std_h.at[pl.ds(base0, _NB)], sem).wait()

        himask = jnp.full((_LANES,), -65536, jnp.int32)
        lane = jnp.arange(_LANES, dtype=jnp.int32)
        zero = jnp.zeros((_LANES,), jnp.float32)

        def compute(nb, u_v, vg_v, lo_v, s_v, sem_w):
            for gi in range(ng):
                s16 = t_src[pl.ds(nb * _NB + gi * _LANES, _LANES)]
                e16 = jnp.arange(_LANES, dtype=jnp.int32) + (gi * _LANES)
                c16 = plsc.load_gather(t_nidc, [s16])
                nid = jnp.bitwise_and(c16, 16383)
                b16 = jnp.right_shift(c16, 14)
                cs = plsc.load_gather(t_sc, [nid])
                cb = plsc.load_gather(t_bc, [nid])
                ct = plsc.load_gather(t_stc, [nid])

                def term(kv, e16=e16, u_v=u_v, vg_v=vg_v):
                    pu = plsc.load_gather(u_v, [e16, kv])
                    pv = plsc.load_gather(vg_v, [e16, kv])
                    ua = plsc.bitcast(jnp.left_shift(pu, 16), jnp.float32)
                    ub = plsc.bitcast(jnp.bitwise_and(pu, himask),
                                      jnp.float32)
                    va = plsc.bitcast(jnp.left_shift(pv, 16), jnp.float32)
                    vb = plsc.bitcast(jnp.bitwise_and(pv, himask),
                                      jnp.float32)
                    return ua * va + ub * vb

                @plsc.parallel_loop(0, d2, step=2, unroll=4,
                                    carry=(zero, zero))
                def dot_loop(i, c):
                    a, b = c
                    a = a + term(jnp.bitwise_and(lane + i, d2 - 1))
                    b = b + term(jnp.bitwise_and(lane + (i + 1), d2 - 1))
                    return (a, b)

                acc = dot_loop[0] + dot_loop[1]
                dsc = plsc.bitcast(
                    plsc.load_gather(vg_v, [e16, b16 + d2]), jnp.float32)
                dbi = plsc.bitcast(
                    plsc.load_gather(vg_v, [e16, b16 + (d2 + 8)]),
                    jnp.float32)
                dsd = plsc.bitcast(
                    plsc.load_gather(vg_v, [e16, b16 + (d2 + 16)]),
                    jnp.float32)
                lo_v[pl.ds(gi * _LANES, _LANES)] = acc * cs * dsc + cb + dbi
                s = ct + dsd
                z = jnp.exp(-jnp.abs(s))
                l = z * (0.9999818851 + z * (-0.4991880462 + z * (
                    0.3244126860 + z * (-0.2086712627 + z * (
                        0.1002884377 + z * -0.0236895699)))))
                s_v[pl.ds(gi * _LANES, _LANES)] = (
                    jnp.maximum(s, 0.0) + l + 1e-4)
            base = base0 + nb * _NB
            pltpu.async_copy(lo_v, loc_h.at[pl.ds(base, _NB)], sem_w)
            pltpu.async_copy(s_v, std_h.at[pl.ds(base, _NB)], sem_w)

        fire(0, u0, vg0, sem_d0)

        def blk_body(t, carry):
            a = 2 * t
            fire(a + 1, u1, vg1, sem_d1)
            drain_data(u0, vg0, sem_d0)

            @pl.when(t > 0)
            def _():
                drain_wb(lo0, s0, sem_w0)

            compute(a, u0, vg0, lo0, s0, sem_w0)
            fire(a + 2, u0, vg0, sem_d0)
            drain_data(u1, vg1, sem_d1)

            @pl.when(t > 0)
            def _():
                drain_wb(lo1, s1, sem_w1)

            compute(a + 1, u1, vg1, lo1, s1, sem_w1)
            return carry

        lax.fori_loop(0, (nblk - 1) // 2, blk_body, 0)
        drain_data(u0, vg0, sem_d0)
        drain_wb(lo0, s0, sem_w0)
        compute(nblk - 1, u0, vg0, lo0, s0, sem_w0)
        drain_wb(lo0, s0, sem_w0)
        drain_wb(lo1, s1, sem_w1)

    return k(src, dst, zc_p, vg, nid_batch, scale_cell, bias_cell,
             std_cell)


def kernel(z_cell, z_gene, W_gene, b_gene, scale_cell, bias_cell, std_cell,
           scale_gene, bias_gene, std_gene, edge_index, n_id_cell,
           n_id_gene, batch_cell):
    E = edge_index.shape[1]
    src = edge_index[0].astype(jnp.int32)
    dst = edge_index[1].astype(jnp.int32)
    g = scale_gene.shape[1]
    gene32 = jnp.concatenate(
        [scale_gene.T, bias_gene.T, std_gene.T,
         jnp.zeros((g, 8), jnp.float32)], axis=1)
    gene32_i = jax.lax.bitcast_convert_type(gene32, jnp.int32)
    pj_p, zc_p = _prep_tc(z_gene, W_gene, b_gene, z_cell)
    vg = jnp.concatenate([pj_p, jnp.take(gene32_i, n_id_gene, axis=0)],
                         axis=1)
    nid_batch = jnp.bitwise_or(n_id_cell.astype(jnp.int32),
                               jnp.left_shift(batch_cell.astype(jnp.int32),
                                              14))
    loc, std = _edge_sc(src, dst, zc_p, vg, nid_batch, scale_cell,
                        bias_cell, std_cell)
    return jnp.stack([loc, std], axis=0)

# --- scband reference (transcript-rebuilt; emitter-appended) ---
"""Pipeline reference for scband-relational-edge-distribution-decoder-1855425872454 (READ-ONLY COPY).

The authoritative reference and input builder live on the scoring server;
editing this copy changes nothing except your own understanding.
"""

import jax, jax.numpy as jnp
import numpy as np

N_CELL, N_GENE, E, D = 10000, 10000, 320000, 128
B, G_TOTAL, C_TOTAL = 8, 20000, 10000


def setup_inputs(seed: int = 0) -> dict:
    key = jax.random.key(seed)
    ks = jax.random.split(key, 16)
    return {
        "z_cell": jax.random.normal(ks[0], (N_CELL, D), dtype=jnp.float32),
        "z_gene": jax.random.normal(ks[1], (N_GENE, D), dtype=jnp.float32),
        "W_gene": jax.random.normal(ks[2], (D, D), dtype=jnp.float32) * (1.0 / np.sqrt(D)),
        "b_gene": jnp.zeros((D,), dtype=jnp.float32),
        "scale_cell": jax.random.normal(ks[3], (C_TOTAL,), dtype=jnp.float32),
        "bias_cell": jax.random.normal(ks[4], (C_TOTAL,), dtype=jnp.float32),
        "std_cell": jax.random.normal(ks[5], (C_TOTAL,), dtype=jnp.float32),
        "scale_gene": jax.random.normal(ks[6], (B, G_TOTAL), dtype=jnp.float32),
        "bias_gene": jax.random.normal(ks[7], (B, G_TOTAL), dtype=jnp.float32),
        "std_gene": jax.random.normal(ks[8], (B, G_TOTAL), dtype=jnp.float32),
        "edge_index": jax.random.randint(ks[9], (2, E), 0, N_CELL, dtype=jnp.int64) if jax.config.jax_enable_x64 else jax.random.randint(ks[9], (2, E), 0, N_CELL).astype(jnp.int32),
        "n_id_cell": jax.random.randint(ks[10], (N_CELL,), 0, C_TOTAL).astype(jnp.int32),
        "n_id_gene": jax.random.randint(ks[11], (N_GENE,), 0, G_TOTAL).astype(jnp.int32),
        "batch_cell": jax.random.randint(ks[12], (N_CELL,), 0, B).astype(jnp.int32),
    }


def reference(z_cell, z_gene, W_gene, b_gene,
              scale_cell, bias_cell, std_cell,
              scale_gene, bias_gene, std_gene,
              edge_index, n_id_cell, n_id_gene, batch_cell):
    # Single hetero edge type: ('cell', 'expr', 'gene'); src='cell', dst='gene'.
    src = edge_index[0]
    dst = edge_index[1]

    # gather latents per edge
    src_z = jnp.take(z_cell, src, axis=0)
    dst_z = jnp.take(z_gene, dst, axis=0)

    # project: proj_dict['cell'] = Identity, proj_dict['gene'] = Linear + LeakyReLU
    u = src_z
    v = jax.nn.leaky_relu(dst_z @ W_gene + b_gene, negative_slope=0.01)

    # src side: 'cell' not in batch_feature -> 1D indexing by global node id
    src_node_id = jnp.take(n_id_cell, src, axis=0)
    src_scale = jnp.take(scale_cell, src_node_id, axis=0)
    src_bias = jnp.take(bias_cell, src_node_id, axis=0)
    src_std = jnp.take(std_cell, src_node_id, axis=0)

    # dst side: 'gene' in batch_feature and src_type == 'cell' -> 2D [batch, gene_id] indexing
    dst_node_id = jnp.take(n_id_gene, dst, axis=0)
    batches = jnp.take(batch_cell, src, axis=0)
    dst_scale = scale_gene[batches, dst_node_id]
    dst_bias = bias_gene[batches, dst_node_id]
    dst_std = std_gene[batches, dst_node_id]

    # probabilistic edge decoder: Normal(loc, std) parameters per edge
    dot = jnp.sum(u * v, axis=-1)
    loc = dot * src_scale * dst_scale + src_bias + dst_bias
    std = jax.nn.softplus(src_std + dst_std) + 1e-4
    return jnp.stack([loc, std], axis=0)


if False:  # reference __main__ guard neutralized (emitter)
    out = reference(**setup_inputs())
    print(out.shape, out.dtype)

if __name__ == "__main__":
    import jax
    _d = setup_inputs()
    print(jax.jit(kernel)(*tuple(_d.values())))

</pallas_src>

<mosaic_0001>
#map = affine_map<(d0, d1) -> (0)>
#map1 = affine_map<(d0, d1) -> (0, 0)>
module attributes {stable_mosaic.version = 14 : i64} {
  func.func @k(%arg0: i32, %arg1: i32, %arg2: memref<320000xi32, #tpu.memory_space<hbm>>, %arg3: memref<320000xi32, #tpu.memory_space<hbm>>, %arg4: memref<10000x64xi32, #tpu.memory_space<hbm>>, %arg5: memref<10000x96xi32, #tpu.memory_space<hbm>>, %arg6: memref<10000xi32, #tpu.memory_space<hbm>>, %arg7: memref<10000xf32, #tpu.memory_space<hbm>>, %arg8: memref<10000xf32, #tpu.memory_space<hbm>>, %arg9: memref<10000xf32, #tpu.memory_space<hbm>>, %arg10: memref<320000xf32, #tpu.memory_space<hbm>>, %arg11: memref<320000xf32, #tpu.memory_space<hbm>>, %arg12: memref<10000xi32, #tpu.memory_space<vmem>>, %arg13: memref<10000xf32, #tpu.memory_space<vmem>>, %arg14: memref<10000xf32, #tpu.memory_space<vmem>>, %arg15: memref<10000xf32, #tpu.memory_space<vmem>>, %arg16: memref<10000xi32, #tpu.memory_space<vmem>>, %arg17: memref<10000xi32, #tpu.memory_space<vmem>>, %arg18: memref<80x64xi32, #tpu.memory_space<vmem>>, %arg19: memref<80x64xi32, #tpu.memory_space<vmem>>, %arg20: memref<80x96xi32, #tpu.memory_space<vmem>>, %arg21: memref<80x96xi32, #tpu.memory_space<vmem>>, %arg22: memref<80xf32, #tpu.memory_space<vmem>>, %arg23: memref<80xf32, #tpu.memory_space<vmem>>, %arg24: memref<80xf32, #tpu.memory_space<vmem>>, %arg25: memref<80xf32, #tpu.memory_space<vmem>>, %arg26: memref<!tpu.dma_semaphore, #tpu.memory_space<semaphore_mem>>, %arg27: memref<!tpu.dma_semaphore, #tpu.memory_space<semaphore_mem>>, %arg28: memref<!tpu.dma_semaphore, #tpu.memory_space<semaphore_mem>>, %arg29: memref<!tpu.dma_semaphore, #tpu.memory_space<semaphore_mem>>) attributes {dimension_semantics = [#tpu.dimension_semantics<core_parallel>, #tpu.dimension_semantics<subcore_parallel>], iteration_bounds = array<i64: 2, 16>, scalar_prefetch = 0 : i64, scratch_operands = 18 : i64, tpu.core_type = #tpu.core_type<sc_vector_subcore>, window_params = [{transform_indices = #map}, {transform_indices = #map}, {transform_indices = #map1}, {transform_indices = #map1}, {transform_indices = #map}, {transform_indices = #map}, {transform_indices = #map}, {transform_indices = #map}, {transform_indices = #map}, {transform_indices = #map}]} {
    %mul3A = arith.constant 16 : i32
    %mul3A_0 = arith.muli %arg0, %mul3A : i32
    %add3A = arith.addi %mul3A_0, %arg1 : i32
    %mul3A_1 = arith.constant 10000 : i32
    %mul3A_2 = arith.muli %add3A, %mul3A_1 : i32
    tpu.enqueue_dma source(%arg6 : memref<10000xi32, #tpu.memory_space<hbm>>) target(%arg12 : memref<10000xi32, #tpu.memory_space<vmem>>) target_semaphore(%arg26 : memref<!tpu.dma_semaphore, #tpu.memory_space<semaphore_mem>>)
    tpu.enqueue_dma source(%arg7 : memref<10000xf32, #tpu.memory_space<hbm>>) target(%arg13 : memref<10000xf32, #tpu.memory_space<vmem>>) target_semaphore(%arg26 : memref<!tpu.dma_semaphore, #tpu.memory_space<semaphore_mem>>)
    tpu.enqueue_dma source(%arg8 : memref<10000xf32, #tpu.memory_space<hbm>>) target(%arg14 : memref<10000xf32, #tpu.memory_space<vmem>>) target_semaphore(%arg26 : memref<!tpu.dma_semaphore, #tpu.memory_space<semaphore_mem>>)
    tpu.enqueue_dma source(%arg9 : memref<10000xf32, #tpu.memory_space<hbm>>) target(%arg15 : memref<10000xf32, #tpu.memory_space<vmem>>) target_semaphore(%arg26 : memref<!tpu.dma_semaphore, #tpu.memory_space<semaphore_mem>>)
    %dma_start3A = tpu.memref_slice %arg2[%mul3A_2] : memref<320000xi32, #tpu.memory_space<hbm>> -> memref<10000xi32, #tpu.memory_space<hbm>>
    %dma_start3A_3 = tpu.memref_slice %arg2[%mul3A_2] : memref<320000xi32, #tpu.memory_space<hbm>> -> memref<10000xi32, #tpu.memory_space<hbm>>
    tpu.enqueue_dma source(%dma_start3A_3 : memref<10000xi32, #tpu.memory_space<hbm>>) target(%arg16 : memref<10000xi32, #tpu.memory_space<vmem>>) target_semaphore(%arg26 : memref<!tpu.dma_semaphore, #tpu.memory_space<semaphore_mem>>)
    %dma_start3A_4 = tpu.memref_slice %arg3[%mul3A_2] : memref<320000xi32, #tpu.memory_space<hbm>> -> memref<10000xi32, #tpu.memory_space<hbm>>
    %dma_start3A_5 = tpu.memref_slice %arg3[%mul3A_2] : memref<320000xi32, #tpu.memory_space<hbm>> -> memref<10000xi32, #tpu.memory_space<hbm>>
    tpu.enqueue_dma source(%dma_start3A_5 : memref<10000xi32, #tpu.memory_space<hbm>>) target(%arg17 : memref<10000xi32, #tpu.memory_space<vmem>>) target_semaphore(%arg26 : memref<!tpu.dma_semaphore, #tpu.memory_space<semaphore_mem>>)
    tpu.wait_dma2 semaphore(%arg26 : memref<!tpu.dma_semaphore, #tpu.memory_space<semaphore_mem>>) src(%arg6 : memref<10000xi32, #tpu.memory_space<hbm>>) dst(%arg12 : memref<10000xi32, #tpu.memory_space<vmem>>)
    tpu.wait_dma2 semaphore(%arg26 : memref<!tpu.dma_semaphore, #tpu.memory_space<semaphore_mem>>) src(%arg7 : memref<10000xf32, #tpu.memory_space<hbm>>) dst(%arg13 : memref<10000xf32, #tpu.memory_space<vmem>>)
    tpu.wait_dma2 semaphore(%arg26 : memref<!tpu.dma_semaphore, #tpu.memory_space<semaphore_mem>>) src(%arg8 : memref<10000xf32, #tpu.memory_space<hbm>>) dst(%arg14 : memref<10000xf32, #tpu.memory_space<vmem>>)
    tpu.wait_dma2 semaphore(%arg26 : memref<!tpu.dma_semaphore, #tpu.memory_space<semaphore_mem>>) src(%arg9 : memref<10000xf32, #tpu.memory_space<hbm>>) dst(%arg15 : memref<10000xf32, #tpu.memory_space<vmem>>)
    %dma_wait3A = tpu.memref_slice %arg2[%mul3A_2] : memref<320000xi32, #tpu.memory_space<hbm>> -> memref<10000xi32, #tpu.memory_space<hbm>>
    %dma_wait3A_6 = tpu.memref_slice %arg2[%mul3A_2] : memref<320000xi32, #tpu.memory_space<hbm>> -> memref<10000xi32, #tpu.memory_space<hbm>>
    tpu.wait_dma2 semaphore(%arg26 : memref<!tpu.dma_semaphore, #tpu.memory_space<semaphore_mem>>) src(%dma_wait3A_6 : memref<10000xi32, #tpu.memory_space<hbm>>) dst(%arg16 : memref<10000xi32, #tpu.memory_space<vmem>>)
    %dma_wait3A_7 = tpu.memref_slice %arg3[%mul3A_2] : memref<320000xi32, #tpu.memory_space<hbm>> -> memref<10000xi32, #tpu.memory_space<hbm>>
    %dma_wait3A_8 = tpu.memref_slice %arg3[%mul3A_2] : memref<320000xi32, #tpu.memory_space<hbm>> -> memref<10000xi32, #tpu.memory_space<hbm>>
    tpu.wait_dma2 semaphore(%arg26 : memref<!tpu.dma_semaphore, #tpu.memory_space<semaphore_mem>>) src(%dma_wait3A_8 : memref<10000xi32, #tpu.memory_space<hbm>>) dst(%arg17 : memref<10000xi32, #tpu.memory_space<vmem>>)
    %broadcast_in_dim3A = arith.constant -65536 : i32
    %broadcast_in_dim3A_9 = vector.broadcast %broadcast_in_dim3A : i32 to vector<16xi32>
    %iota3A = tpu.iota {dimensions = array<i32: 0>} : vector<16xi32>
    %broadcast_in_dim3A_10 = arith.constant 0.000000e+00 : f32
    %broadcast_in_dim3A_11 = vector.broadcast %broadcast_in_dim3A_10 : f32 to vector<16xf32>
    %dma_start3A_12 = arith.constant 0 : i32
    %dma_start3A_13 = tpu.memref_slice %arg16[%dma_start3A_12] : memref<10000xi32, #tpu.memory_space<vmem>> -> memref<80xi32, #tpu.memory_space<vmem>>
    %dma_start3A_14 = arith.constant 0 : i32
    %dma_start3A_15 = arith.constant 0 : i32
    %dma_start3A_16 = tpu.memref_slice %arg4[%dma_start3A_14, %dma_start3A_15] : memref<10000x64xi32, #tpu.memory_space<hbm>> -> memref<10000x64xi32, #tpu.memory_space<hbm>>
    tpu.enqueue_indirect_dma source(%dma_start3A_16 : memref<10000x64xi32, #tpu.memory_space<hbm>>) target(%arg18 : memref<80x64xi32, #tpu.memory_space<vmem>>) offsets(%dma_start3A_13 : memref<80xi32, #tpu.memory_space<vmem>>) semaphore(%arg26 : memref<!tpu.dma_semaphore, #tpu.memory_space<semaphore_mem>>)
    %dma_start3A_17 = arith.constant 0 : i32
    %dma_start3A_18 = tpu.memref_slice %arg17[%dma_start3A_17] : memref<10000xi32, #tpu.memory_space<vmem>> -> memref<80xi32, #tpu.memory_space<vmem>>
    %dma_start3A_19 = arith.constant 0 : i32
    %dma_start3A_20 = arith.constant 0 : i32
    %dma_start3A_21 = tpu.memref_slice %arg5[%dma_start3A_19, %dma_start3A_20] : memref<10000x96xi32, #tpu.memory_space<hbm>> -> memref<10000x96xi32, #tpu.memory_space<hbm>>
    tpu.enqueue_indirect_dma source(%dma_start3A_21 : memref<10000x96xi32, #tpu.memory_space<hbm>>) target(%arg20 : memref<80x96xi32, #tpu.memory_space<vmem>>) offsets(%dma_start3A_18 : memref<80xi32, #tpu.memory_space<vmem>>) semaphore(%arg26 : memref<!tpu.dma_semaphore, #tpu.memory_space<semaphore_mem>>)
    %scan3A = arith.constant 0 : i32
    %scan3A_22 = arith.constant 0 : i32
    %scan3A_23 = arith.constant 62 : i32
    %scan3A_24 = arith.addi %scan3A_22, %scan3A_23 : i32
    %scan3A_25 = arith.constant 1 : i32
    scf.for %scan3A_444 = %scan3A_22 to %scan3A_24 step %scan3A_25  : i32 {
      %mul3A_445 = arith.constant 2 : i32
      %mul3A_446 = arith.muli %mul3A_445, %scan3A_444 : i32
      %add3A_447 = arith.constant 1 : i32
      %add3A_448 = arith.addi %mul3A_446, %add3A_447 : i32
      %mul3A_449 = arith.constant 80 : i32
      %mul3A_450 = arith.muli %add3A_448, %mul3A_449 : i32
      %dma_start3A_451 = tpu.memref_slice %arg16[%mul3A_450] : memref<10000xi32, #tpu.memory_space<vmem>> -> memref<80xi32, #tpu.memory_space<vmem>>
      %dma_start3A_452 = arith.constant 0 : i32
      %dma_start3A_453 = arith.constant 0 : i32
      %dma_start3A_454 = tpu.memref_slice %arg4[%dma_start3A_452, %dma_start3A_453] : memref<10000x64xi32, #tpu.memory_space<hbm>> -> memref<10000x64xi32, #tpu.memory_space<hbm>>
      tpu.enqueue_indirect_dma source(%dma_start3A_454 : memref<10000x64xi32, #tpu.memory_space<hbm>>) target(%arg19 : memref<80x64xi32, #tpu.memory_space<vmem>>) offsets(%dma_start3A_451 : memref<80xi32, #tpu.memory_space<vmem>>) semaphore(%arg27 : memref<!tpu.dma_semaphore, #tpu.memory_space<semaphore_mem>>)
      %mul3A_455 = arith.constant 80 : i32
      %mul3A_456 = arith.muli %add3A_448, %mul3A_455 : i32
      %dma_start3A_457 = tpu.memref_slice %arg17[%mul3A_456] : memref<10000xi32, #tpu.memory_space<vmem>> -> memref<80xi32, #tpu.memory_space<vmem>>
      %dma_start3A_458 = arith.constant 0 : i32
      %dma_start3A_459 = arith.constant 0 : i32
      %dma_start3A_460 = tpu.memref_slice %arg5[%dma_start3A_458, %dma_start3A_459] : memref<10000x96xi32, #tpu.memory_space<hbm>> -> memref<10000x96xi32, #tpu.memory_space<hbm>>
      tpu.enqueue_indirect_dma source(%dma_start3A_460 : memref<10000x96xi32, #tpu.memory_space<hbm>>) target(%arg21 : memref<80x96xi32, #tpu.memory_space<vmem>>) offsets(%dma_start3A_457 : memref<80xi32, #tpu.memory_space<vmem>>) semaphore(%arg27 : memref<!tpu.dma_semaphore, #tpu.memory_space<semaphore_mem>>)
      %dma_wait3A_461 = arith.constant 0 : i32
      %dma_wait3A_462 = tpu.memref_slice %arg16[%dma_wait3A_461] : memref<10000xi32, #tpu.memory_space<vmem>> -> memref<80xi32, #tpu.memory_space<vmem>>
      %dma_wait3A_463 = arith.constant 0 : i32
      %dma_wait3A_464 = arith.constant 0 : i32
      %dma_wait3A_465 = tpu.memref_slice %arg4[%dma_wait3A_463, %dma_wait3A_464] : memref<10000x64xi32, #tpu.memory_space<hbm>> -> memref<10000x64xi32, #tpu.memory_space<hbm>>
      tpu.wait_indirect_dma semaphore(%arg26 : memref<!tpu.dma_semaphore, #tpu.memory_space<semaphore_mem>>) src(%dma_wait3A_465 : memref<10000x64xi32, #tpu.memory_space<hbm>>) dst(%arg18 : memref<80x64xi32, #tpu.memory_space<vmem>>)
      %dma_wait3A_466 = arith.constant 0 : i32
      %dma_wait3A_467 = tpu.memref_slice %arg17[%dma_wait3A_466] : memref<10000xi32, #tpu.memory_space<vmem>> -> memref<80xi32, #tpu.memory_space<vmem>>
      %dma_wait3A_468 = arith.constant 0 : i32
      %dma_wait3A_469 = arith.constant 0 : i32
      %dma_wait3A_470 = tpu.memref_slice %arg5[%dma_wait3A_468, %dma_wait3A_469] : memref<10000x96xi32, #tpu.memory_space<hbm>> -> memref<10000x96xi32, #tpu.memory_space<hbm>>
      tpu.wait_indirect_dma semaphore(%arg26 : memref<!tpu.dma_semaphore, #tpu.memory_space<semaphore_mem>>) src(%dma_wait3A_470 : memref<10000x96xi32, #tpu.memory_space<hbm>>) dst(%arg20 : memref<80x96xi32, #tpu.memory_space<vmem>>)
      %gt3A = arith.constant 0 : i32
      %gt3A_471 = arith.cmpi sgt, %scan3A_444, %gt3A : i32
      %convert_element_type3A = arith.extui %gt3A_471 : i1 to i32
      %cond3A = arith.constant 0 : i32
      %cond3A_472 = arith.cmpi ne, %convert_element_type3A, %cond3A : i32
      scf.if %cond3A_472 {
        %dma_wait3A_1358 = tpu.memref_slice %arg10[%mul3A_2] : memref<320000xf32, #tpu.memory_space<hbm>> -> memref<80xf32, #tpu.memory_space<hbm>>
        %dma_wait3A_1359 = tpu.memref_slice %arg10[%mul3A_2] : memref<320000xf32, #tpu.memory_space<hbm>> -> memref<80xf32, #tpu.memory_space<hbm>>
        tpu.wait_dma2 semaphore(%arg28 : memref<!tpu.dma_semaphore, #tpu.memory_space<semaphore_mem>>) src(%arg22 : memref<80xf32, #tpu.memory_space<vmem>>) dst(%dma_wait3A_1359 : memref<80xf32, #tpu.memory_space<hbm>>)
        %dma_wait3A_1360 = tpu.memref_slice %arg11[%mul3A_2] : memref<320000xf32, #tpu.memory_space<hbm>> -> memref<80xf32, #tpu.memory_space<hbm>>
        %dma_wait3A_1361 = tpu.memref_slice %arg11[%mul3A_2] : memref<320000xf32, #tpu.memory_space<hbm>> -> memref<80xf32, #tpu.memory_space<hbm>>
        tpu.wait_dma2 semaphore(%arg28 : memref<!tpu.dma_semaphore, #tpu.memory_space<semaphore_mem>>) src(%arg24 : memref<80xf32, #tpu.memory_space<vmem>>) dst(%dma_wait3A_1361 : memref<80xf32, #tpu.memory_space<hbm>>)
      } else {
      }
      %mul3A_473 = arith.constant 80 : i32
      %mul3A_474 = arith.muli %mul3A_446, %mul3A_473 : i32
      %add3A_475 = arith.constant 0 : i32
      %add3A_476 = arith.addi %mul3A_474, %add3A_475 : i32
      %get3A_477 = arith.index_cast %add3A_476 : i32 to index
      %get3A_478 = tpu.vector_load %arg16[%get3A_477] {strides = array<i32>} : memref<10000xi32, #tpu.memory_space<vmem>>, vector<16xi32>,
      %iota3A_479 = tpu.iota {dimensions = array<i32: 0>} : vector<16xi32>
      %add3A_480 = arith.constant 0 : i32
      %add3A_481 = vector.broadcast %add3A_480 : i32 to vector<16xi32>
      %add3A_482 = arith.addi %iota3A_479, %add3A_481 : vector<16xi32>
      %gather3A_483 = tpu.vector_load_idx %arg12[%get3A_478] : memref<10000xi32, #tpu.memory_space<vmem>>[vector<16xi32>], vector<16xi32>,
      %and3A_484 = arith.constant 16383 : i32
      %and3A_485 = vector.broadcast %and3A_484 : i32 to vector<16xi32>
      %and3A_486 = arith.andi %gather3A_483, %and3A_485 : vector<16xi32>
      %shift_right_arithmetic3A_487 = arith.constant 14 : i32
      %shift_right_arithmetic3A_488 = vector.broadcast %shift_right_arithmetic3A_487 : i32 to vector<16xi32>
      %shift_right_arithmetic3A_489 = arith.shrsi %gather3A_483, %shift_right_arithmetic3A_488 : vector<16xi32>
      %gather3A_490 = tpu.vector_load_idx %arg13[%and3A_486] : memref<10000xf32, #tpu.memory_space<vmem>>[vector<16xi32>], vector<16xf32>,
      %gather3A_491 = tpu.vector_load_idx %arg14[%and3A_486] : memref<10000xf32, #tpu.memory_space<vmem>>[vector<16xi32>], vector<16xf32>,
      %gather3A_492 = tpu.vector_load_idx %arg15[%and3A_486] : memref<10000xf32, #tpu.memory_space<vmem>>[vector<16xi32>], vector<16xf32>,
      %parallel_loop3A_493 = arith.constant 0 : i32
      %parallel_loop3A_494 = arith.constant 64 : i32
      %parallel_loop3A_495 = arith.constant 2 : i32
      %parallel_loop3A_496:2 = scf.for %parallel_loop3A_1358 = %parallel_loop3A_493 to %parallel_loop3A_494 step %parallel_loop3A_495 iter_args(%parallel_loop3A_1359 = %broadcast_in_dim3A_11, %parallel_loop3A_1360 = %broadcast_in_dim3A_11) -> (vector<16xf32>, vector<16xf32>)  : i32 {
        %parallel_loop3A_1361 = vector.broadcast %parallel_loop3A_1358 : i32 to vector<16xi32>
        %parallel_loop3A_1362 = arith.addi %iota3A, %parallel_loop3A_1361 : vector<16xi32>
        %parallel_loop3A_1363 = arith.constant 63 : i32
        %parallel_loop3A_1364 = vector.broadcast %parallel_loop3A_1363 : i32 to vector<16xi32>
        %parallel_loop3A_1365 = arith.andi %parallel_loop3A_1362, %parallel_loop3A_1364 : vector<16xi32>
        %parallel_loop3A_1366 = tpu.vector_load_idx %arg18[%add3A_482, %parallel_loop3A_1365] : memref<80x64xi32, #tpu.memory_space<vmem>>[vector<16xi32>, vector<16xi32>], vector<16xi32>,
        %parallel_loop3A_1367 = tpu.vector_load_idx %arg20[%add3A_482, %parallel_loop3A_1365] : memref<80x96xi32, #tpu.memory_space<vmem>>[vector<16xi32>, vector<16xi32>], vector<16xi32>,
        %parallel_loop3A_1368 = arith.constant 16 : i32
        %parallel_loop3A_1369 = vector.broadcast %parallel_loop3A_1368 : i32 to vector<16xi32>
        %parallel_loop3A_1370 = arith.shli %parallel_loop3A_1366, %parallel_loop3A_1369 : vector<16xi32>
        %parallel_loop3A_1371 = vector.bitcast %parallel_loop3A_1370 : vector<16xi32> to vector<16xf32>
        %parallel_loop3A_1372 = arith.andi %parallel_loop3A_1366, %broadcast_in_dim3A_9 : vector<16xi32>
        %parallel_loop3A_1373 = vector.bitcast %parallel_loop3A_1372 : vector<16xi32> to vector<16xf32>
        %parallel_loop3A_1374 = arith.constant 16 : i32
        %parallel_loop3A_1375 = vector.broadcast %parallel_loop3A_1374 : i32 to vector<16xi32>
        %parallel_loop3A_1376 = arith.shli %parallel_loop3A_1367, %parallel_loop3A_1375 : vector<16xi32>
        %parallel_loop3A_1377 = vector.bitcast %parallel_loop3A_1376 : vector<16xi32> to vector<16xf32>
        %parallel_loop3A_1378 = arith.andi %parallel_loop3A_1367, %broadcast_in_dim3A_9 : vector<16xi32>
        %parallel_loop3A_1379 = vector.bitcast %parallel_loop3A_1378 : vector<16xi32> to vector<16xf32>
        %parallel_loop3A_1380 = arith.mulf %parallel_loop3A_1371, %parallel_loop3A_1377 : vector<16xf32>
        %parallel_loop3A_1381 = arith.mulf %parallel_loop3A_1373, %parallel_loop3A_1379 : vector<16xf32>
        %parallel_loop3A_1382 = arith.addf %parallel_loop3A_1380, %parallel_loop3A_1381 : vector<16xf32>
        %parallel_loop3A_1383 = arith.addf %parallel_loop3A_1359, %parallel_loop3A_1382 : vector<16xf32>
        %parallel_loop3A_1384 = arith.constant 1 : i32
        %parallel_loop3A_1385 = arith.addi %parallel_loop3A_1358, %parallel_loop3A_1384 : i32
        %parallel_loop3A_1386 = vector.broadcast %parallel_loop3A_1385 : i32 to vector<16xi32>
        %parallel_loop3A_1387 = arith.addi %iota3A, %parallel_loop3A_1386 : vector<16xi32>
        %parallel_loop3A_1388 = arith.constant 63 : i32
        %parallel_loop3A_1389 = vector.broadcast %parallel_loop3A_1388 : i32 to vector<16xi32>
        %parallel_loop3A_1390 = arith.andi %parallel_loop3A_1387, %parallel_loop3A_1389 : vector<16xi32>
        %parallel_loop3A_1391 = tpu.vector_load_idx %arg18[%add3A_482, %parallel_loop3A_1390] : memref<80x64xi32, #tpu.memory_space<vmem>>[vector<16xi32>, vector<16xi32>], vector<16xi32>,
        %parallel_loop3A_1392 = tpu.vector_load_idx %arg20[%add3A_482, %parallel_loop3A_1390] : memref<80x96xi32, #tpu.memory_space<vmem>>[vector<16xi32>, vector<16xi32>], vector<16xi32>,
        %parallel_loop3A_1393 = arith.constant 16 : i32
        %parallel_loop3A_1394 = vector.broadcast %parallel_loop3A_1393 : i32 to vector<16xi32>
        %parallel_loop3A_1395 = arith.shli %parallel_loop3A_1391, %parallel_loop3A_1394 : vector<16xi32>
        %parallel_loop3A_1396 = vector.bitcast %parallel_loop3A_1395 : vector<16xi32> to vector<16xf32>
        %parallel_loop3A_1397 = arith.andi %parallel_loop3A_1391, %broadcast_in_dim3A_9 : vector<16xi32>
        %parallel_loop3A_1398 = vector.bitcast %parallel_loop3A_1397 : vector<16xi32> to vector<16xf32>
        %parallel_loop3A_1399 = arith.constant 16 : i32
        %parallel_loop3A_1400 = vector.broadcast %parallel_loop3A_1399 : i32 to vector<16xi32>
        %parallel_loop3A_1401 = arith.shli %parallel_loop3A_1392, %parallel_loop3A_1400 : vector<16xi32>
        %parallel_loop3A_1402 = vector.bitcast %parallel_loop3A_1401 : vector<16xi32> to vector<16xf32>
        %parallel_loop3A_1403 = arith.andi %parallel_loop3A_1392, %broadcast_in_dim3A_9 : vector<16xi32>
        %parallel_loop3A_1404 = vector.bitcast %parallel_loop3A_1403 : vector<16xi32> to vector<16xf32>
        %parallel_loop3A_1405 = arith.mulf %parallel_loop3A_1396, %parallel_loop3A_1402 : vector<16xf32>
        %parallel_loop3A_1406 = arith.mulf %parallel_loop3A_1398, %parallel_loop3A_1404 : vector<16xf32>
        %parallel_loop3A_1407 = arith.addf %parallel_loop3A_1405, %parallel_loop3A_1406 : vector<16xf32>
        %parallel_loop3A_1408 = arith.addf %parallel_loop3A_1360, %parallel_loop3A_1407 : vector<16xf32>
        scf.yield %parallel_loop3A_1383, %parallel_loop3A_1408 : vector<16xf32>, vector<16xf32>
      } {sc.loop_unroll_factor = 4 : i64, sc.parallel_access}
      %add3A_497 = arith.addf %parallel_loop3A_496#0, %parallel_loop3A_496#1 : vector<16xf32>
      %add3A_498 = arith.constant 64 : i32
      %add3A_499 = vector.broadcast %add3A_498 : i32 to vector<16xi32>
      %add3A_500 = arith.addi %shift_right_arithmetic3A_489, %add3A_499 : vector<16xi32>
      %gather3A_501 = tpu.vector_load_idx %arg20[%add3A_482, %add3A_500] : memref<80x96xi32, #tpu.memory_space<vmem>>[vector<16xi32>, vector<16xi32>], vector<16xi32>,
      %bitcast3A_502 = vector.bitcast %gather3A_501 : vector<16xi32> to vector<16xf32>
      %add3A_503 = arith.constant 72 : i32
      %add3A_504 = vector.broadcast %add3A_503 : i32 to vector<16xi32>
      %add3A_505 = arith.addi %shift_right_arithmetic3A_489, %add3A_504 : vector<16xi32>
      %gather3A_506 = tpu.vector_load_idx %arg20[%add3A_482, %add3A_505] : memref<80x96xi32, #tpu.memory_space<vmem>>[vector<16xi32>, vector<16xi32>], vector<16xi32>,
      %bitcast3A_507 = vector.bitcast %gather3A_506 : vector<16xi32> to vector<16xf32>
      %add3A_508 = arith.constant 80 : i32
      %add3A_509 = vector.broadcast %add3A_508 : i32 to vector<16xi32>
      %add3A_510 = arith.addi %shift_right_arithmetic3A_489, %add3A_509 : vector<16xi32>
      %gather3A_511 = tpu.vector_load_idx %arg20[%add3A_482, %add3A_510] : memref<80x96xi32, #tpu.memory_space<vmem>>[vector<16xi32>, vector<16xi32>], vector<16xi32>,
      %bitcast3A_512 = vector.bitcast %gather3A_511 : vector<16xi32> to vector<16xf32>
      %mul3A_513 = arith.mulf %add3A_497, %gather3A_490 : vector<16xf32>
      %mul3A_514 = arith.mulf %mul3A_513, %bitcast3A_502 : vector<16xf32>
      %add3A_515 = arith.addf %mul3A_514, %gather3A_491 : vector<16xf32>
      %add3A_516 = arith.addf %add3A_515, %bitcast3A_507 : vector<16xf32>
      %swap3A_517 = arith.constant 0 : index
      %swap3A_518 = tpu.vector_load %arg22[%swap3A_517] {strides = array<i32>} : memref<80xf32, #tpu.memory_space<vmem>>, vector<16xf32>,
      tpu.vector_store %arg22[%swap3A_517], %add3A_516 {strides = array<i32>} : memref<80xf32, #tpu.memory_space<vmem>>, vector<16xf32>,
      %add3A_519 = arith.addf %gather3A_492, %bitcast3A_512 : vector<16xf32>
      %abs3A_520 = math.absf %add3A_519 : vector<16xf32>
      %neg3A_521 = arith.constant 0.000000e+00 : f32
      %neg3A_522 = vector.broadcast %neg3A_521 : f32 to vector<16xf32>
      %neg3A_523 = arith.subf %neg3A_522, %abs3A_520 : vector<16xf32>
      %exp3A_524 = math.exp %neg3A_523 : vector<16xf32>
      %mul3A_525 = arith.constant -0.0236895699 : f32
      %mul3A_526 = vector.broadcast %mul3A_525 : f32 to vector<16xf32>
      %mul3A_527 = arith.mulf %exp3A_524, %mul3A_526 : vector<16xf32>
      %add3A_528 = arith.constant 0.100288436 : f32
      %add3A_529 = vector.broadcast %add3A_528 : f32 to vector<16xf32>
      %add3A_530 = arith.addf %add3A_529, %mul3A_527 : vector<16xf32>
      %mul3A_531 = arith.mulf %exp3A_524, %add3A_530 : vector<16xf32>
      %add3A_532 = arith.constant -0.208671257 : f32
      %add3A_533 = vector.broadcast %add3A_532 : f32 to vector<16xf32>
      %add3A_534 = arith.addf %add3A_533, %mul3A_531 : vector<16xf32>
      %mul3A_535 = arith.mulf %exp3A_524, %add3A_534 : vector<16xf32>
      %add3A_536 = arith.constant 0.324412674 : f32
      %add3A_537 = vector.broadcast %add3A_536 : f32 to vector<16xf32>
      %add3A_538 = arith.addf %add3A_537, %mul3A_535 : vector<16xf32>
      %mul3A_539 = arith.mulf %exp3A_524, %add3A_538 : vector<16xf32>
      %add3A_540 = arith.constant -0.499188036 : f32
      %add3A_541 = vector.broadcast %add3A_540 : f32 to vector<16xf32>
      %add3A_542 = arith.addf %add3A_541, %mul3A_539 : vector<16xf32>
      %mul3A_543 = arith.mulf %exp3A_524, %add3A_542 : vector<16xf32>
      %add3A_544 = arith.constant 0.99998188 : f32
      %add3A_545 = vector.broadcast %add3A_544 : f32 to vector<16xf32>
      %add3A_546 = arith.addf %add3A_545, %mul3A_543 : vector<16xf32>
      %mul3A_547 = arith.mulf %exp3A_524, %add3A_546 : vector<16xf32>
      %max3A_548 = arith.constant 0.000000e+00 : f32
      %max3A_549 = vector.broadcast %max3A_548 : f32 to vector<16xf32>
      %max3A_550 = arith.maximumf %add3A_519, %max3A_549 : vector<16xf32>
      %add3A_551 = arith.addf %max3A_550, %mul3A_547 : vector<16xf32>
      %add3A_552 = arith.constant 9.99999974E-5 : f32
      %add3A_553 = vector.broadcast %add3A_552 : f32 to vector<16xf32>
      %add3A_554 = arith.addf %add3A_551, %add3A_553 : vector<16xf32>
      %swap3A_555 = arith.constant 0 : index
      %swap3A_556 = tpu.vector_load %arg24[%swap3A_555] {strides = array<i32>} : memref<80xf32, #tpu.memory_space<vmem>>, vector<16xf32>,
      tpu.vector_store %arg24[%swap3A_555], %add3A_554 {strides = array<i32>} : memref<80xf32, #tpu.memory_space<vmem>>, vector<16xf32>,
      %mul3A_557 = arith.constant 80 : i32
      %mul3A_558 = arith.muli %mul3A_446, %mul3A_557 : i32
      %add3A_559 = arith.constant 16 : i32
      %add3A_560 = arith.addi %mul3A_558, %add3A_559 : i32
      %get3A_561 = arith.index_cast %add3A_560 : i32 to index
      %get3A_562 = tpu.vector_load %arg16[%get3A_561] {strides = array<i32>} : memref<10000xi32, #tpu.memory_space<vmem>>, vector<16xi32>,
      %iota3A_563 = tpu.iota {dimensions = array<i32: 0>} : vector<16xi32>
      %add3A_564 = arith.constant 16 : i32
      %add3A_565 = vector.broadcast %add3A_564 : i32 to vector<16xi32>
      %add3A_566 = arith.addi %iota3A_563, %add3A_565 : vector<16xi32>
      %gather3A_567 = tpu.vector_load_idx %arg12[%get3A_562] : memref<10000xi32, #tpu.memory_space<vmem>>[vector<16xi32>], vector<16xi32>,
      %and3A_568 = arith.constant 16383 : i32
      %and3A_569 = vector.broadcast %and3A_568 : i32 to vector<16xi32>
      %and3A_570 = arith.andi %gather3A_567, %and3A_569 : vector<16xi32>
      %shift_right_arithmetic3A_571 = arith.constant 14 : i32
      %shift_right_arithmetic3A_572 = vector.broadcast %shift_right_arithmetic3A_571 : i32 to vector<16xi32>
      %shift_right_arithmetic3A_573 = arith.shrsi %gather3A_567, %shift_right_arithmetic3A_572 : vector<16xi32>
      %gather3A_574 = tpu.vector_load_idx %arg13[%and3A_570] : memref<10000xf32, #tpu.memory_space<vmem>>[vector<16xi32>], vector<16xf32>,
      %gather3A_575 = tpu.vector_load_idx %arg14[%and3A_570] : memref<10000xf32, #tpu.memory_space<vmem>>[vector<16xi32>], vector<16xf32>,
      %gather3A_576 = tpu.vector_load_idx %arg15[%and3A_570] : memref<10000xf32, #tpu.memory_space<vmem>>[vector<16xi32>], vector<16xf32>,
      %parallel_loop3A_577 = arith.constant 0 : i32
      %parallel_loop3A_578 = arith.constant 64 : i32
      %parallel_loop3A_579 = arith.constant 2 : i32
      %parallel_loop3A_580:2 = scf.for %parallel_loop3A_1358 = %parallel_loop3A_577 to %parallel_loop3A_578 step %parallel_loop3A_579 iter_args(%parallel_loop3A_1359 = %broadcast_in_dim3A_11, %parallel_loop3A_1360 = %broadcast_in_dim3A_11) -> (vector<16xf32>, vector<16xf32>)  : i32 {
        %parallel_loop3A_1361 = vector.broadcast %parallel_loop3A_1358 : i32 to vector<16xi32>
        %parallel_loop3A_1362 = arith.addi %iota3A, %parallel_loop3A_1361 : vector<16xi32>
        %parallel_loop3A_1363 = arith.constant 63 : i32
        %parallel_loop3A_1364 = vector.broadcast %parallel_loop3A_1363 : i32 to vector<16xi32>
        %parallel_loop3A_1365 = arith.andi %parallel_loop3A_1362, %parallel_loop3A_1364 : vector<16xi32>
        %parallel_loop3A_1366 = tpu.vector_load_idx %arg18[%add3A_566, %parallel_loop3A_1365] : memref<80x64xi32, #tpu.memory_space<vmem>>[vector<16xi32>, vector<16xi32>], vector<16xi32>,
        %parallel_loop3A_1367 = tpu.vector_load_idx %arg20[%add3A_566, %parallel_loop3A_1365] : memref<80x96xi32, #tpu.memory_space<vmem>>[vector<16xi32>, vector<16xi32>], vector<16xi32>,
        %parallel_loop3A_1368 = arith.constant 16 : i32
        %parallel_loop3A_1369 = vector.broadcast %parallel_loop3A_1368 : i32 to vector<16xi32>
        %parallel_loop3A_1370 = arith.shli %parallel_loop3A_1366, %parallel_loop3A_1369 : vector<16xi32>
        %parallel_loop3A_1371 = vector.bitcast %parallel_loop3A_1370 : vector<16xi32> to vector<16xf32>
        %parallel_loop3A_1372 = arith.andi %parallel_loop3A_1366, %broadcast_in_dim3A_9 : vector<16xi32>
        %parallel_loop3A_1373 = vector.bitcast %parallel_loop3A_1372 : vector<16xi32> to vector<16xf32>
        %parallel_loop3A_1374 = arith.constant 16 : i32
        %parallel_loop3A_1375 = vector.broadcast %parallel_loop3A_1374 : i32 to vector<16xi32>
        %parallel_loop3A_1376 = arith.shli %parallel_loop3A_1367, %parallel_loop3A_1375 : vector<16xi32>
        %parallel_loop3A_1377 = vector.bitcast %parallel_loop3A_1376 : vector<16xi32> to vector<16xf32>
        %parallel_loop3A_1378 = arith.andi %parallel_loop3A_1367, %broadcast_in_dim3A_9 : vector<16xi32>
        %parallel_loop3A_1379 = vector.bitcast %parallel_loop3A_1378 : vector<16xi32> to vector<16xf32>
        %parallel_loop3A_1380 = arith.mulf %parallel_loop3A_1371, %parallel_loop3A_1377 : vector<16xf32>
        %parallel_loop3A_1381 = arith.mulf %parallel_loop3A_1373, %parallel_loop3A_1379 : vector<16xf32>
        %parallel_loop3A_1382 = arith.addf %parallel_loop3A_1380, %parallel_loop3A_1381 : vector<16xf32>
        %parallel_loop3A_1383 = arith.addf %parallel_loop3A_1359, %parallel_loop3A_1382 : vector<16xf32>
        %parallel_loop3A_1384 = arith.constant 1 : i32
        %parallel_loop3A_1385 = arith.addi %parallel_loop3A_1358, %parallel_loop3A_1384 : i32
        %parallel_loop3A_1386 = vector.broadcast %parallel_loop3A_1385 : i32 to vector<16xi32>
        %parallel_loop3A_1387 = arith.addi %iota3A, %parallel_loop3A_1386 : vector<16xi32>
        %parallel_loop3A_1388 = arith.constant 63 : i32
        %parallel_loop3A_1389 = vector.broadcast %parallel_loop3A_1388 : i32 to vector<16xi32>
        %parallel_loop3A_1390 = arith.andi %parallel_loop3A_1387, %parallel_loop3A_1389 : vector<16xi32>
        %parallel_loop3A_1391 = tpu.vector_load_idx %arg18[%add3A_566, %parallel_loop3A_1390] : memref<80x64xi32, #tpu.memory_space<vmem>>[vector<16xi32>, vector<16xi32>], vector<16xi32>,
        %parallel_loop3A_1392 = tpu.vector_load_idx %arg20[%add3A_566, %parallel_loop3A_1390] : memref<80x96xi32, #tpu.memory_space<vmem>>[vector<16xi32>, vector<16xi32>], vector<16xi32>,
        %parallel_loop3A_1393 = arith.constant 16 : i32
        %parallel_loop3A_1394 = vector.broadcast %parallel_loop3A_1393 : i32 to vector<16xi32>
        %parallel_loop3A_1395 = arith.shli %parallel_loop3A_1391, %parallel_loop3A_1394 : vector<16xi32>
        %parallel_loop3A_1396 = vector.bitcast %parallel_loop3A_1395 : vector<16xi32> to vector<16xf32>
        %parallel_loop3A_1397 = arith.andi %parallel_loop3A_1391, %broadcast_in_dim3A_9 : vector<16xi32>
        %parallel_loop3A_1398 = vector.bitcast %parallel_loop3A_1397 : vector<16xi32> to vector<16xf32>
        %parallel_loop3A_1399 = arith.constant 16 : i32
        %parallel_loop3A_1400 = vector.broadcast %parallel_loop3A_1399 : i32 to vector<16xi32>
        %parallel_loop3A_1401 = arith.shli %parallel_loop3A_1392, %parallel_loop3A_1400 : vector<16xi32>
        %parallel_loop3A_1402 = vector.bitcast %parallel_loop3A_1401 : vector<16xi32> to vector<16xf32>
        %parallel_loop3A_1403 = arith.andi %parallel_loop3A_1392, %broadcast_in_dim3A_9 : vector<16xi32>
        %parallel_loop3A_1404 = vector.bitcast %parallel_loop3A_1403 : vector<16xi32> to vector<16xf32>
        %parallel_loop3A_1405 = arith.mulf %parallel_loop3A_1396, %parallel_loop3A_1402 : vector<16xf32>
        %parallel_loop3A_1406 = arith.mulf %parallel_loop3A_1398, %parallel_loop3A_1404 : vector<16xf32>
        %parallel_loop3A_1407 = arith.addf %parallel_loop3A_1405, %parallel_loop3A_1406 : vector<16xf32>
        %parallel_loop3A_1408 = arith.addf %parallel_loop3A_1360, %parallel_loop3A_1407 : vector<16xf32>
        scf.yield %parallel_loop3A_1383, %parallel_loop3A_1408 : vector<16xf32>, vector<16xf32>
      } {sc.loop_unroll_factor = 4 : i64, sc.parallel_access}
      %add3A_581 = arith.addf %parallel_loop3A_580#0, %parallel_loop3A_580#1 : vector<16xf32>
      %add3A_582 = arith.constant 64 : i32
      %add3A_583 = vector.broadcast %add3A_582 : i32 to vector<16xi32>
      %add3A_584 = arith.addi %shift_right_arithmetic3A_573, %add3A_583 : vector<16xi32>
      %gather3A_585 = tpu.vector_load_idx %arg20[%add3A_566, %add3A_584] : memref<80x96xi32, #tpu.memory_space<vmem>>[vector<16xi32>, vector<16xi32>], vector<16xi32>,
      %bitcast3A_586 = vector.bitcast %gather3A_585 : vector<16xi32> to vector<16xf32>
      %add3A_587 = arith.constant 72 : i32
      %add3A_588 = vector.broadcast %add3A_587 : i32 to vector<16xi32>
      %add3A_589 = arith.addi %shift_right_arithmetic3A_573, %add3A_588 : vector<16xi32>
      %gather3A_590 = tpu.vector_load_idx %arg20[%add3A_566, %add3A_589] : memref<80x96xi32, #tpu.memory_space<vmem>>[vector<16xi32>, vector<16xi32>], vector<16xi32>,
      %bitcast3A_591 = vector.bitcast %gather3A_590 : vector<16xi32> to vector<16xf32>
      %add3A_592 = arith.constant 80 : i32
      %add3A_593 = vector.broadcast %add3A_592 : i32 to vector<16xi32>
      %add3A_594 = arith.addi %shift_right_arithmetic3A_573, %add3A_593 : vector<16xi32>
      %gather3A_595 = tpu.vector_load_idx %arg20[%add3A_566, %add3A_594] : memref<80x96xi32, #tpu.memory_space<vmem>>[vector<16xi32>, vector<16xi32>], vector<16xi32>,
      %bitcast3A_596 = vector.bitcast %gather3A_595 : vector<16xi32> to vector<16xf32>
      %mul3A_597 = arith.mulf %add3A_581, %gather3A_574 : vector<16xf32>
      %mul3A_598 = arith.mulf %mul3A_597, %bitcast3A_586 : vector<16xf32>
      %add3A_599 = arith.addf %mul3A_598, %gather3A_575 : vector<16xf32>
      %add3A_600 = arith.addf %add3A_599, %bitcast3A_591 : vector<16xf32>
      %swap3A_601 = arith.constant 16 : index
      %swap3A_602 = tpu.vector_load %arg22[%swap3A_601] {strides = array<i32>} : memref<80xf32, #tpu.memory_space<vmem>>, vector<16xf32>,
      tpu.vector_store %arg22[%swap3A_601], %add3A_600 {strides = array<i32>} : memref<80xf32, #tpu.memory_space<vmem>>, vector<16xf32>,
      %add3A_603 = arith.addf %gather3A_576, %bitcast3A_596 : vector<16xf32>
      %abs3A_604 = math.absf %add3A_603 : vector<16xf32>
      %neg3A_605 = arith.constant 0.000000e+00 : f32
      %neg3A_606 = vector.broadcast %neg3A_605 : f32 to vector<16xf32>
      %neg3A_607 = arith.subf %neg3A_606, %abs3A_604 : vector<16xf32>
      %exp3A_608 = math.exp %neg3A_607 : vector<16xf32>
      %mul3A_609 = arith.constant -0.0236895699 : f32
      %mul3A_610 = vector.broadcast %mul3A_609 : f32 to vector<16xf32>
      %mul3A_611 = arith.mulf %exp3A_608, %mul3A_610 : vector<16xf32>
      %add3A_612 = arith.constant 0.100288436 : f32
      %add3A_613 = vector.broadcast %add3A_612 : f32 to vector<16xf32>
      %add3A_614 = arith.addf %add3A_613, %mul3A_611 : vector<16xf32>
      %mul3A_615 = arith.mulf %exp3A_608, %add3A_614 : vector<16xf32>
      %add3A_616 = arith.constant -0.208671257 : f32
      %add3A_617 = vector.broadcast %add3A_616 : f32 to vector<16xf32>
      %add3A_618 = arith.addf %add3A_617, %mul3A_615 : vector<16xf32>
      %mul3A_619 = arith.mulf %exp3A_608, %add3A_618 : vector<16xf32>
      %add3A_620 = arith.constant 0.324412674 : f32
      %add3A_621 = vector.broadcast %add3A_620 : f32 to vector<16xf32>
      %add3A_622 = arith.addf %add3A_621, %mul3A_619 : vector<16xf32>
      %mul3A_623 = arith.mulf %exp3A_608, %add3A_622 : vector<16xf32>
      %add3A_624 = arith.constant -0.499188036 : f32
      %add3A_625 = vector.broadcast %add3A_624 : f32 to vector<16xf32>
      %add3A_626 = arith.addf %add3A_625, %mul3A_623 : vector<16xf32>
      %mul3A_627 = arith.mulf %exp3A_608, %add3A_626 : vector<16xf32>
      %add3A_628 = arith.constant 0.99998188 : f32
      %add3A_629 = vector.broadcast %add3A_628 : f32 to vector<16xf32>
      %add3A_630 = arith.addf %add3A_629, %mul3A_627 : vector<16xf32>
      %mul3A_631 = arith.mulf %exp3A_608, %add3A_630 : vector<16xf32>
      %max3A_632 = arith.constant 0.000000e+00 : f32
      %max3A_633 = vector.broadcast %max3A_632 : f32 to vector<16xf32>
      %max3A_634 = arith.maximumf %add3A_603, %max3A_633 : vector<16xf32>
      %add3A_635 = arith.addf %max3A_634, %mul3A_631 : vector<16xf32>
      %add3A_636 = arith.constant 9.99999974E-5 : f32
      %add3A_637 = vector.broadcast %add3A_636 : f32 to vector<16xf32>
      %add3A_638 = arith.addf %add3A_635, %add3A_637 : vector<16xf32>
      %swap3A_639 = arith.constant 16 : index
      %swap3A_640 = tpu.vector_load %arg24[%swap3A_639] {strides = array<i32>} : memref<80xf32, #tpu.memory_space<vmem>>, vector<16xf32>,
      tpu.vector_store %arg24[%swap3A_639], %add3A_638 {strides = array<i32>} : memref<80xf32, #tpu.memory_space<vmem>>, vector<16xf32>,
      %mul3A_641 = arith.constant 80 : i32
      %mul3A_642 = arith.muli %mul3A_446, %mul3A_641 : i32
      %add3A_643 = arith.constant 32 : i32
      %add3A_644 = arith.addi %mul3A_642, %add3A_643 : i32
      %get3A_645 = arith.index_cast %add3A_644 : i32 to index
      %get3A_646 = tpu.vector_load %arg16[%get3A_645] {strides = array<i32>} : memref<10000xi32, #tpu.memory_space<vmem>>, vector<16xi32>,
      %iota3A_647 = tpu.iota {dimensions = array<i32: 0>} : vector<16xi32>
      %add3A_648 = arith.constant 32 : i32
      %add3A_649 = vector.broadcast %add3A_648 : i32 to vector<16xi32>
      %add3A_650 = arith.addi %iota3A_647, %add3A_649 : vector<16xi32>
      %gather3A_651 = tpu.vector_load_idx %arg12[%get3A_646] : memref<10000xi32, #tpu.memory_space<vmem>>[vector<16xi32>], vector<16xi32>,
      %and3A_652 = arith.constant 16383 : i32
      %and3A_653 = vector.broadcast %and3A_652 : i32 to vector<16xi32>
      %and3A_654 = arith.andi %gather3A_651, %and3A_653 : vector<16xi32>
      %shift_right_arithmetic3A_655 = arith.constant 14 : i32
      %shift_right_arithmetic3A_656 = vector.broadcast %shift_right_arithmetic3A_655 : i32 to vector<16xi32>
      %shift_right_arithmetic3A_657 = arith.shrsi %gather3A_651, %shift_right_arithmetic3A_656 : vector<16xi32>
      %gather3A_658 = tpu.vector_load_idx %arg13[%and3A_654] : memref<10000xf32, #tpu.memory_space<vmem>>[vector<16xi32>], vector<16xf32>,
      %gather3A_659 = tpu.vector_load_idx %arg14[%and3A_654] : memref<10000xf32, #tpu.memory_space<vmem>>[vector<16xi32>], vector<16xf32>,
      %gather3A_660 = tpu.vector_load_idx %arg15[%and3A_654] : memref<10000xf32, #tpu.memory_space<vmem>>[vector<16xi32>], vector<16xf32>,
      %parallel_loop3A_661 = arith.constant 0 : i32
      %parallel_loop3A_662 = arith.constant 64 : i32
      %parallel_loop3A_663 = arith.constant 2 : i32
      %parallel_loop3A_664:2 = scf.for %parallel_loop3A_1358 = %parallel_loop3A_661 to %parallel_loop3A_662 step %parallel_loop3A_663 iter_args(%parallel_loop3A_1359 = %broadcast_in_dim3A_11, %parallel_loop3A_1360 = %broadcast_in_dim3A_11) -> (vector<16xf32>, vector<16xf32>)  : i32 {
        %parallel_loop3A_1361 = vector.broadcast %parallel_loop3A_1358 : i32 to vector<16xi32>
        %parallel_loop3A_1362 = arith.addi %iota3A, %parallel_loop3A_1361 : vector<16xi32>
        %parallel_loop3A_1363 = arith.constant 63 : i32
        %parallel_loop3A_1364 = vector.broadcast %parallel_loop3A_1363 : i32 to vector<16xi32>
        %parallel_loop3A_1365 = arith.andi %parallel_loop3A_1362, %parallel_loop3A_1364 : vector<16xi32>
        %parallel_loop3A_1366 = tpu.vector_load_idx %arg18[%add3A_650, %parallel_loop3A_1365] : memref<80x64xi32, #tpu.memory_space<vmem>>[vector<16xi32>, vector<16xi32>], vector<16xi32>,
        %parallel_loop3A_1367 = tpu.vector_load_idx %arg20[%add3A_650, %parallel_loop3A_1365] : memref<80x96xi32, #tpu.memory_space<vmem>>[vector<16xi32>, vector<16xi32>], vector<16xi32>,
        %parallel_loop3A_1368 = arith.constant 16 : i32
        %parallel_loop3A_1369 = vector.broadcast %parallel_loop3A_1368 : i32 to vector<16xi32>
        %parallel_loop3A_1370 = arith.shli %parallel_loop3A_1366, %parallel_loop3A_1369 : vector<16xi32>
        %parallel_loop3A_1371 = vector.bitcast %parallel_loop3A_1370 : vector<16xi32> to vector<16xf32>
        %parallel_loop3A_1372 = arith.andi %parallel_loop3A_1366, %broadcast_in_dim3A_9 : vector<16xi32>
        %parallel_loop3A_1373 = vector.bitcast %parallel_loop3A_1372 : vector<16xi32> to vector<16xf32>
        %parallel_loop3A_1374 = arith.constant 16 : i32
        %parallel_loop3A_1375 = vector.broadcast %parallel_loop3A_1374 : i32 to vector<16xi32>
        %parallel_loop3A_1376 = arith.shli %parallel_loop3A_1367, %parallel_loop3A_1375 : vector<16xi32>
        %parallel_loop3A_1377 = vector.bitcast %parallel_loop3A_1376 : vector<16xi32> to vector<16xf32>
        %parallel_loop3A_1378 = arith.andi %parallel_loop3A_1367, %broadcast_in_dim3A_9 : vector<16xi32>
        %parallel_loop3A_1379 = vector.bitcast %parallel_loop3A_1378 : vector<16xi32> to vector<16xf32>
        %parallel_loop3A_1380 = arith.mulf %parallel_loop3A_1371, %parallel_loop3A_1377 : vector<16xf32>
        %parallel_loop3A_1381 = arith.mulf %parallel_loop3A_1373, %parallel_loop3A_1379 : vector<16xf32>
        %parallel_loop3A_1382 = arith.addf %parallel_loop3A_1380, %parallel_loop3A_1381 : vector<16xf32>
        %parallel_loop3A_1383 = arith.addf %parallel_loop3A_1359, %parallel_loop3A_1382 : vector<16xf32>
        %parallel_loop3A_1384 = arith.constant 1 : i32
        %parallel_loop3A_1385 = arith.addi %parallel_loop3A_1358, %parallel_loop3A_1384 : i32
        %parallel_loop3A_1386 = vector.broadcast %parallel_loop3A_1385 : i32 to vector<16xi32>
        %parallel_loop3A_1387 = arith.addi %iota3A, %parallel_loop3A_1386 : vector<16xi32>
        %parallel_loop3A_1388 = arith.constant 63 : i32
        %parallel_loop3A_1389 = vector.broadcast %parallel_loop3A_1388 : i32 to vector<16xi32>
        %parallel_loop3A_1390 = arith.andi %parallel_loop3A_1387, %parallel_loop3A_1389 : vector<16xi32>
        %parallel_loop3A_1391 = tpu.vector_load_idx %arg18[%add3A_650, %parallel_loop3A_1390] : memref<80x64xi32, #tpu.memory_space<vmem>>[vector<16xi32>, vector<16xi32>], vector<16xi32>,
        %parallel_loop3A_1392 = tpu.vector_load_idx %arg20[%add3A_650, %parallel_loop3A_1390] : memref<80x96xi32, #tpu.memory_space<vmem>>[vector<16xi32>, vector<16xi32>], vector<16xi32>,
        %parallel_loop3A_1393 = arith.constant 16 : i32
        %parallel_loop3A_1394 = vector.broadcast %parallel_loop3A_1393 : i32 to vector<16xi32>
        %parallel_loop3A_1395 = arith.shli %parallel_loop3A_1391, %parallel_loop3A_1394 : vector<16xi32>
        %parallel_loop3A_1396 = vector.bitcast %parallel_loop3A_1395 : vector<16xi32> to vector<16xf32>
        %parallel_loop3A_1397 = arith.andi %parallel_loop3A_1391, %broadcast_in_dim3A_9 : vector<16xi32>
        %parallel_loop3A_1398 = vector.bitcast %parallel_loop3A_1397 : vector<16xi32> to vector<16xf32>
        %parallel_loop3A_1399 = arith.constant 16 : i32
        %parallel_loop3A_1400 = vector.broadcast %parallel_loop3A_1399 : i32 to vector<16xi32>
        %parallel_loop3A_1401 = arith.shli %parallel_loop3A_1392, %parallel_loop3A_1400 : vector<16xi32>
        %parallel_loop3A_1402 = vector.bitcast %parallel_loop3A_1401 : vector<16xi32> to vector<16xf32>
        %parallel_loop3A_1403 = arith.andi %parallel_loop3A_1392, %broadcast_in_dim3A_9 : vector<16xi32>
        %parallel_loop3A_1404 = vector.bitcast %parallel_loop3A_1403 : vector<16xi32> to vector<16xf32>
        %parallel_loop3A_1405 = arith.mulf %parallel_loop3A_1396, %parallel_loop3A_1402 : vector<16xf32>
        %parallel_loop3A_1406 = arith.mulf %parallel_loop3A_1398, %parallel_loop3A_1404 : vector<16xf32>
        %parallel_loop3A_1407 = arith.addf %parallel_loop3A_1405, %parallel_loop3A_1406 : vector<16xf32>
        %parallel_loop3A_1408 = arith.addf %parallel_loop3A_1360, %parallel_loop3A_1407 : vector<16xf32>
        scf.yield %parallel_loop3A_1383, %parallel_loop3A_1408 : vector<16xf32>, vector<16xf32>
      } {sc.loop_unroll_factor = 4 : i64, sc.parallel_access}
      %add3A_665 = arith.addf %parallel_loop3A_664#0, %parallel_loop3A_664#1 : vector<16xf32>
      %add3A_666 = arith.constant 64 : i32
      %add3A_667 = vector.broadcast %add3A_666 : i32 to vector<16xi32>
      %add3A_668 = arith.addi %shift_right_arithmetic3A_657, %add3A_667 : vector<16xi32>
      %gather3A_669 = tpu.vector_load_idx %arg20[%add3A_650, %add3A_668] : memref<80x96xi32, #tpu.memory_space<vmem>>[vector<16xi32>, vector<16xi32>], vector<16xi32>,
      %bitcast3A_670 = vector.bitcast %gather3A_669 : vector<16xi32> to vector<16xf32>
      %add3A_671 = arith.constant 72 : i32
      %add3A_672 = vector.broadcast %add3A_671 : i32 to vector<16xi32>
      %add3A_673 = arith.addi %shift_right_arithmetic3A_657, %add3A_672 : vector<16xi32>
      %gather3A_674 = tpu.vector_load_idx %arg20[%add3A_650, %add3A_673] : memref<80x96xi32, #tpu.memory_space<vmem>>[vector<16xi32>, vector<16xi32>], vector<16xi32>,
      %bitcast3A_675 = vector.bitcast %gather3A_674 : vector<16xi32> to vector<16xf32>
      %add3A_676 = arith.constant 80 : i32
      %add3A_677 = vector.broadcast %add3A_676 : i32 to vector<16xi32>
      %add3A_678 = arith.addi %shift_right_arithmetic3A_657, %add3A_677 : vector<16xi32>
      %gather3A_679 = tpu.vector_load_idx %arg20[%add3A_650, %add3A_678] : memref<80x96xi32, #tpu.memory_space<vmem>>[vector<16xi32>, vector<16xi32>], vector<16xi32>,
      %bitcast3A_680 = vector.bitcast %gather3A_679 : vector<16xi32> to vector<16xf32>
      %mul3A_681 = arith.mulf %add3A_665, %gather3A_658 : vector<16xf32>
      %mul3A_682 = arith.mulf %mul3A_681, %bitcast3A_670 : vector<16xf32>
      %add3A_683 = arith.addf %mul3A_682, %gather3A_659 : vector<16xf32>
      %add3A_684 = arith.addf %add3A_683, %bitcast3A_675 : vector<16xf32>
      %swap3A_685 = arith.constant 32 : index
      %swap3A_686 = tpu.vector_load %arg22[%swap3A_685] {strides = array<i32>} : memref<80xf32, #tpu.memory_space<vmem>>, vector<16xf32>,
      tpu.vector_store %arg22[%swap3A_685], %add3A_684 {strides = array<i32>} : memref<80xf32, #tpu.memory_space<vmem>>, vector<16xf32>,
      %add3A_687 = arith.addf %gather3A_660, %bitcast3A_680 : vector<16xf32>
      %abs3A_688 = math.absf %add3A_687 : vector<16xf32>
      %neg3A_689 = arith.constant 0.000000e+00 : f32
      %neg3A_690 = vector.broadcast %neg3A_689 : f32 to vector<16xf32>
      %neg3A_691 = arith.subf %neg3A_690, %abs3A_688 : vector<16xf32>
      %exp3A_692 = math.exp %neg3A_691 : vector<16xf32>
      %mul3A_693 = arith.constant -0.0236895699 : f32
      %mul3A_694 = vector.broadcast %mul3A_693 : f32 to vector<16xf32>
      %mul3A_695 = arith.mulf %exp3A_692, %mul3A_694 : vector<16xf32>
      %add3A_696 = arith.constant 0.100288436 : f32
      %add3A_697 = vector.broadcast %add3A_696 : f32 to vector<16xf32>
      %add3A_698 = arith.addf %add3A_697, %mul3A_695 : vector<16xf32>
      %mul3A_699 = arith.mulf %exp3A_692, %add3A_698 : vector<16xf32>
      %add3A_700 = arith.constant -0.208671257 : f32
      %add3A_701 = vector.broadcast %add3A_700 : f32 to vector<16xf32>
      %add3A_702 = arith.addf %add3A_701, %mul3A_699 : vector<16xf32>
      %mul3A_703 = arith.mulf %exp3A_692, %add3A_702 : vector<16xf32>
      %add3A_704 = arith.constant 0.324412674 : f32
      %add3A_705 = vector.broadcast %add3A_704 : f32 to vector<16xf32>
      %add3A_706 = arith.addf %add3A_705, %mul3A_703 : vector<16xf32>
      %mul3A_707 = arith.mulf %exp3A_692, %add3A_706 : vector<16xf32>
      %add3A_708 = arith.constant -0.499188036 : f32
      %add3A_709 = vector.broadcast %add3A_708 : f32 to vector<16xf32>
      %add3A_710 = arith.addf %add3A_709, %mul3A_707 : vector<16xf32>
      %mul3A_711 = arith.mulf %exp3A_692, %add3A_710 : vector<16xf32>
      %add3A_712 = arith.constant 0.99998188 : f32
      %add3A_713 = vector.broadcast %add3A_712 : f32 to vector<16xf32>
      %add3A_714 = arith.addf %add3A_713, %mul3A_711 : vector<16xf32>
      %mul3A_715 = arith.mulf %exp3A_692, %add3A_714 : vector<16xf32>
      %max3A_716 = arith.constant 0.000000e+00 : f32
      %max3A_717 = vector.broadcast %max3A_716 : f32 to vector<16xf32>
      %max3A_718 = arith.maximumf %add3A_687, %max3A_717 : vector<16xf32>
      %add3A_719 = arith.addf %max3A_718, %mul3A_715 : vector<16xf32>
      %add3A_720 = arith.constant 9.99999974E-5 : f32
      %add3A_721 = vector.broadcast %add3A_720 : f32 to vector<16xf32>
      %add3A_722 = arith.addf %add3A_719, %add3A_721 : vector<16xf32>
      %swap3A_723 = arith.constant 32 : index
      %swap3A_724 = tpu.vector_load %arg24[%swap3A_723] {strides = array<i32>} : memref<80xf32, #tpu.memory_space<vmem>>, vector<16xf32>,
      tpu.vector_store %arg24[%swap3A_723], %add3A_722 {strides = array<i32>} : memref<80xf32, #tpu.memory_space<vmem>>, vector<16xf32>,
      %mul3A_725 = arith.constant 80 : i32
      %mul3A_726 = arith.muli %mul3A_446, %mul3A_725 : i32
      %add3A_727 = arith.constant 48 : i32
      %add3A_728 = arith.addi %mul3A_726, %add3A_727 : i32
      %get3A_729 = arith.index_cast %add3A_728 : i32 to index
      %get3A_730 = tpu.vector_load %arg16[%get3A_729] {strides = array<i32>} : memref<10000xi32, #tpu.memory_space<vmem>>, vector<16xi32>,
      %iota3A_731 = tpu.iota {dimensions = array<i32: 0>} : vector<16xi32>
      %add3A_732 = arith.constant 48 : i32
      %add3A_733 = vector.broadcast %add3A_732 : i32 to vector<16xi32>
      %add3A_734 = arith.addi %iota3A_731, %add3A_733 : vector<16xi32>
      %gather3A_735 = tpu.vector_load_idx %arg12[%get3A_730] : memref<10000xi32, #tpu.memory_space<vmem>>[vector<16xi32>], vector<16xi32>,
      %and3A_736 = arith.constant 16383 : i32
      %and3A_737 = vector.broadcast %and3A_736 : i32 to vector<16xi32>
      %and3A_738 = arith.andi %gather3A_735, %and3A_737 : vector<16xi32>
      %shift_right_arithmetic3A_739 = arith.constant 14 : i32
      %shift_right_arithmetic3A_740 = vector.broadcast %shift_right_arithmetic3A_739 : i32 to vector<16xi32>
      %shift_right_arithmetic3A_741 = arith.shrsi %gather3A_735, %shift_right_arithmetic3A_740 : vector<16xi32>
      %gather3A_742 = tpu.vector_load_idx %arg13[%and3A_738] : memref<10000xf32, #tpu.memory_space<vmem>>[vector<16xi32>], vector<16xf32>,
      %gather3A_743 = tpu.vector_load_idx %arg14[%and3A_738] : memref<10000xf32, #tpu.memory_space<vmem>>[vector<16xi32>], vector<16xf32>,
      %gather3A_744 = tpu.vector_load_idx %arg15[%and3A_738] : memref<10000xf32, #tpu.memory_space<vmem>>[vector<16xi32>], vector<16xf32>,
      %parallel_loop3A_745 = arith.constant 0 : i32
      %parallel_loop3A_746 = arith.constant 64 : i32
      %parallel_loop3A_747 = arith.constant 2 : i32
      %parallel_loop3A_748:2 = scf.for %parallel_loop3A_1358 = %parallel_loop3A_745 to %parallel_loop3A_746 step %parallel_loop3A_747 iter_args(%parallel_loop3A_1359 = %broadcast_in_dim3A_11, %parallel_loop3A_1360 = %broadcast_in_dim3A_11) -> (vector<16xf32>, vector<16xf32>)  : i32 {
        %parallel_loop3A_1361 = vector.broadcast %parallel_loop3A_1358 : i32 to vector<16xi32>
        %parallel_loop3A_1362 = arith.addi %iota3A, %parallel_loop3A_1361 : vector<16xi32>
        %parallel_loop3A_1363 = arith.constant 63 : i32
        %parallel_loop3A_1364 = vector.broadcast %parallel_loop3A_1363 : i32 to vector<16xi32>
        %parallel_loop3A_1365 = arith.andi %parallel_loop3A_1362, %parallel_loop3A_1364 : vector<16xi32>
        %parallel_loop3A_1366 = tpu.vector_load_idx %arg18[%add3A_734, %parallel_loop3A_1365] : memref<80x64xi32, #tpu.memory_space<vmem>>[vector<16xi32>, vector<16xi32>], vector<16xi32>,
        %parallel_loop3A_1367 = tpu.vector_load_idx %arg20[%add3A_734, %parallel_loop3A_1365] : memref<80x96xi32, #tpu.memory_space<vmem>>[vector<16xi32>, vector<16xi32>], vector<16xi32>,
        %parallel_loop3A_1368 = arith.constant 16 : i32
        %parallel_loop3A_1369 = vector.broadcast %parallel_loop3A_1368 : i32 to vector<16xi32>
        %parallel_loop3A_1370 = arith.shli %parallel_loop3A_1366, %parallel_loop3A_1369 : vector<16xi32>
        %parallel_loop3A_1371 = vector.bitcast %parallel_loop3A_1370 : vector<16xi32> to vector<16xf32>
        %parallel_loop3A_1372 = arith.andi %parallel_loop3A_1366, %broadcast_in_dim3A_9 : vector<16xi32>
        %parallel_loop3A_1373 = vector.bitcast %parallel_loop3A_1372 : vector<16xi32> to vector<16xf32>
        %parallel_loop3A_1374 = arith.constant 16 : i32
        %parallel_loop3A_1375 = vector.broadcast %parallel_loop3A_1374 : i32 to vector<16xi32>
        %parallel_loop3A_1376 = arith.shli %parallel_loop3A_1367, %parallel_loop3A_1375 : vector<16xi32>
        %parallel_loop3A_1377 = vector.bitcast %parallel_loop3A_1376 : vector<16xi32> to vector<16xf32>
        %parallel_loop3A_1378 = arith.andi %parallel_loop3A_1367, %broadcast_in_dim3A_9 : vector<16xi32>
        %parallel_loop3A_1379 = vector.bitcast %parallel_loop3A_1378 : vector<16xi32> to vector<16xf32>
        %parallel_loop3A_1380 = arith.mulf %parallel_loop3A_1371, %parallel_loop3A_1377 : vector<16xf32>
        %parallel_loop3A_1381 = arith.mulf %parallel_loop3A_1373, %parallel_loop3A_1379 : vector<16xf32>
        %parallel_loop3A_1382 = arith.addf %parallel_loop3A_1380, %parallel_loop3A_1381 : vector<16xf32>
        %parallel_loop3A_1383 = arith.addf %parallel_loop3A_1359, %parallel_loop3A_1382 : vector<16xf32>
        %parallel_loop3A_1384 = arith.constant 1 : i32
        %parallel_loop3A_1385 = arith.addi %parallel_loop3A_1358, %parallel_loop3A_1384 : i32
        %parallel_loop3A_1386 = vector.broadcast %parallel_loop3A_1385 : i32 to vector<16xi32>
        %parallel_loop3A_1387 = arith.addi %iota3A, %parallel_loop3A_1386 : vector<16xi32>
        %parallel_loop3A_1388 = arith.constant 63 : i32
        %parallel_loop3A_1389 = vector.broadcast %parallel_loop3A_1388 : i32 to vector<16xi32>
        %parallel_loop3A_1390 = arith.andi %parallel_loop3A_1387, %parallel_loop3A_1389 : vector<16xi32>
        %parallel_loop3A_1391 = tpu.vector_load_idx %arg18[%add3A_734, %parallel_loop3A_1390] : memref<80x64xi32, #tpu.memory_space<vmem>>[vector<16xi32>, vector<16xi32>], vector<16xi32>,
        %parallel_loop3A_1392 = tpu.vector_load_idx %arg20[%add3A_734, %parallel_loop3A_1390] : memref<80x96xi32, #tpu.memory_space<vmem>>[vector<16xi32>, vector<16xi32>], vector<16xi32>,
        %parallel_loop3A_1393 = arith.constant 16 : i32
        %parallel_loop3A_1394 = vector.broadcast %parallel_loop3A_1393 : i32 to vector<16xi32>
        %parallel_loop3A_1395 = arith.shli %parallel_loop3A_1391, %parallel_loop3A_1394 : vector<16xi32>
        %parallel_loop3A_1396 = vector.bitcast %parallel_loop3A_1395 : vector<16xi32> to vector<16xf32>
        %parallel_loop3A_1397 = arith.andi %parallel_loop3A_1391, %broadcast_in_dim3A_9 : vector<16xi32>
        %parallel_loop3A_1398 = vector.bitcast %parallel_loop3A_1397 : vector<16xi32> to vector<16xf32>
        %parallel_loop3A_1399 = arith.constant 16 : i32
        %parallel_loop3A_1400 = vector.broadcast %parallel_loop3A_1399 : i32 to vector<16xi32>
        %parallel_loop3A_1401 = arith.shli %parallel_loop3A_1392, %parallel_loop3A_1400 : vector<16xi32>
        %parallel_loop3A_1402 = vector.bitcast %parallel_loop3A_1401 : vector<16xi32> to vector<16xf32>
        %parallel_loop3A_1403 = arith.andi %parallel_loop3A_1392, %broadcast_in_dim3A_9 : vector<16xi32>
        %parallel_loop3A_1404 = vector.bitcast %parallel_loop3A_1403 : vector<16xi32> to vector<16xf32>
        %parallel_loop3A_1405 = arith.mulf %parallel_loop3A_1396, %parallel_loop3A_1402 : vector<16xf32>
        %parallel_loop3A_1406 = arith.mulf %parallel_loop3A_1398, %parallel_loop3A_1404 : vector<16xf32>
        %parallel_loop3A_1407 = arith.addf %parallel_loop3A_1405, %parallel_loop3A_1406 : vector<16xf32>
        %parallel_loop3A_1408 = arith.addf %parallel_loop3A_1360, %parallel_loop3A_1407 : vector<16xf32>
        scf.yield %parallel_loop3A_1383, %parallel_loop3A_1408 : vector<16xf32>, vector<16xf32>
      } {sc.loop_unroll_factor = 4 : i64, sc.parallel_access}
      %add3A_749 = arith.addf %parallel_loop3A_748#0, %parallel_loop3A_748#1 : vector<16xf32>
      %add3A_750 = arith.constant 64 : i32
      %add3A_751 = vector.broadcast %add3A_750 : i32 to vector<16xi32>
      %add3A_752 = arith.addi %shift_right_arithmetic3A_741, %add3A_751 : vector<16xi32>
      %gather3A_753 = tpu.vector_load_idx %arg20[%add3A_734, %add3A_752] : memref<80x96xi32, #tpu.memory_space<vmem>>[vector<16xi32>, vector<16xi32>], vector<16xi32>,
      %bitcast3A_754 = vector.bitcast %gather3A_753 : vector<16xi32> to vector<16xf32>
      %add3A_755 = arith.constant 72 : i32
      %add3A_756 = vector.broadcast %add3A_755 : i32 to vector<16xi32>
      %add3A_757 = arith.addi %shift_right_arithmetic3A_741, %add3A_756 : vector<16xi32>
      %gather3A_758 = tpu.vector_load_idx %arg20[%add3A_734, %add3A_757] : memref<80x96xi32, #tpu.memory_space<vmem>>[vector<16xi32>, vector<16xi32>], vector<16xi32>,
      %bitcast3A_759 = vector.bitcast %gather3A_758 : vector<16xi32> to vector<16xf32>
      %add3A_760 = arith.constant 80 : i32
      %add3A_761 = vector.broadcast %add3A_760 : i32 to vector<16xi32>
      %add3A_762 = arith.addi %shift_right_arithmetic3A_741, %add3A_761 : vector<16xi32>
      %gather3A_763 = tpu.vector_load_idx %arg20[%add3A_734, %add3A_762] : memref<80x96xi32, #tpu.memory_space<vmem>>[vector<16xi32>, vector<16xi32>], vector<16xi32>,
      %bitcast3A_764 = vector.bitcast %gather3A_763 : vector<16xi32> to vector<16xf32>
      %mul3A_765 = arith.mulf %add3A_749, %gather3A_742 : vector<16xf32>
      %mul3A_766 = arith.mulf %mul3A_765, %bitcast3A_754 : vector<16xf32>
      %add3A_767 = arith.addf %mul3A_766, %gather3A_743 : vector<16xf32>
      %add3A_768 = arith.addf %add3A_767, %bitcast3A_759 : vector<16xf32>
      %swap3A_769 = arith.constant 48 : index
      %swap3A_770 = tpu.vector_load %arg22[%swap3A_769] {strides = array<i32>} : memref<80xf32, #tpu.memory_space<vmem>>, vector<16xf32>,
      tpu.vector_store %arg22[%swap3A_769], %add3A_768 {strides = array<i32>} : memref<80xf32, #tpu.memory_space<vmem>>, vector<16xf32>,
      %add3A_771 = arith.addf %gather3A_744, %bitcast3A_764 : vector<16xf32>
      %abs3A_772 = math.absf %add3A_771 : vector<16xf32>
      %neg3A_773 = arith.constant 0.000000e+00 : f32
      %neg3A_774 = vector.broadcast %neg3A_773 : f32 to vector<16xf32>
      %neg3A_775 = arith.subf %neg3A_774, %abs3A_772 : vector<16xf32>
      %exp3A_776 = math.exp %neg3A_775 : vector<16xf32>
      %mul3A_777 = arith.constant -0.0236895699 : f32
      %mul3A_778 = vector.broadcast %mul3A_777 : f32 to vector<16xf32>
      %mul3A_779 = arith.mulf %exp3A_776, %mul3A_778 : vector<16xf32>
      %add3A_780 = arith.constant 0.100288436 : f32
      %add3A_781 = vector.broadcast %add3A_780 : f32 to vector<16xf32>
      %add3A_782 = arith.addf %add3A_781, %mul3A_779 : vector<16xf32>
      %mul3A_783 = arith.mulf %exp3A_776, %add3A_782 : vector<16xf32>
      %add3A_784 = arith.constant -0.208671257 : f32
      %add3A_785 = vector.broadcast %add3A_784 : f32 to vector<16xf32>
      %add3A_786 = arith.addf %add3A_785, %mul3A_783 : vector<16xf32>
      %mul3A_787 = arith.mulf %exp3A_776, %add3A_786 : vector<16xf32>
      %add3A_788 = arith.constant 0.324412674 : f32
      %add3A_789 = vector.broadcast %add3A_788 : f32 to vector<16xf32>
      %add3A_790 = arith.addf %add3A_789, %mul3A_787 : vector<16xf32>
      %mul3A_791 = arith.mulf %exp3A_776, %add3A_790 : vector<16xf32>
      %add3A_792 = arith.constant -0.499188036 : f32
      %add3A_793 = vector.broadcast %add3A_792 : f32 to vector<16xf32>
      %add3A_794 = arith.addf %add3A_793, %mul3A_791 : vector<16xf32>
      %mul3A_795 = arith.mulf %exp3A_776, %add3A_794 : vector<16xf32>
      %add3A_796 = arith.constant 0.99998188 : f32
      %add3A_797 = vector.broadcast %add3A_796 : f32 to vector<16xf32>
      %add3A_798 = arith.addf %add3A_797, %mul3A_795 : vector<16xf32>
      %mul3A_799 = arith.mulf %exp3A_776, %add3A_798 : vector<16xf32>
      %max3A_800 = arith.constant 0.000000e+00 : f32
      %max3A_801 = vector.broadcast %max3A_800 : f32 to vector<16xf32>
      %max3A_802 = arith.maximumf %add3A_771, %max3A_801 : vector<16xf32>
      %add3A_803 = arith.addf %max3A_802, %mul3A_799 : vector<16xf32>
      %add3A_804 = arith.constant 9.99999974E-5 : f32
      %add3A_805 = vector.broadcast %add3A_804 : f32 to vector<16xf32>
      %add3A_806 = arith.addf %add3A_803, %add3A_805 : vector<16xf32>
      %swap3A_807 = arith.constant 48 : index
      %swap3A_808 = tpu.vector_load %arg24[%swap3A_807] {strides = array<i32>} : memref<80xf32, #tpu.memory_space<vmem>>, vector<16xf32>,
      tpu.vector_store %arg24[%swap3A_807], %add3A_806 {strides = array<i32>} : memref<80xf32, #tpu.memory_space<vmem>>, vector<16xf32>,
      %mul3A_809 = arith.constant 80 : i32
      %mul3A_810 = arith.muli %mul3A_446, %mul3A_809 : i32
      %add3A_811 = arith.constant 64 : i32
      %add3A_812 = arith.addi %mul3A_810, %add3A_811 : i32
      %get3A_813 = arith.index_cast %add3A_812 : i32 to index
      %get3A_814 = tpu.vector_load %arg16[%get3A_813] {strides = array<i32>} : memref<10000xi32, #tpu.memory_space<vmem>>, vector<16xi32>,
      %iota3A_815 = tpu.iota {dimensions = array<i32: 0>} : vector<16xi32>
      %add3A_816 = arith.constant 64 : i32
      %add3A_817 = vector.broadcast %add3A_816 : i32 to vector<16xi32>
      %add3A_818 = arith.addi %iota3A_815, %add3A_817 : vector<16xi32>
      %gather3A_819 = tpu.vector_load_idx %arg12[%get3A_814] : memref<10000xi32, #tpu.memory_space<vmem>>[vector<16xi32>], vector<16xi32>,
      %and3A_820 = arith.constant 16383 : i32
      %and3A_821 = vector.broadcast %and3A_820 : i32 to vector<16xi32>
      %and3A_822 = arith.andi %gather3A_819, %and3A_821 : vector<16xi32>
      %shift_right_arithmetic3A_823 = arith.constant 14 : i32
      %shift_right_arithmetic3A_824 = vector.broadcast %shift_right_arithmetic3A_823 : i32 to vector<16xi32>
      %shift_right_arithmetic3A_825 = arith.shrsi %gather3A_819, %shift_right_arithmetic3A_824 : vector<16xi32>
      %gather3A_826 = tpu.vector_load_idx %arg13[%and3A_822] : memref<10000xf32, #tpu.memory_space<vmem>>[vector<16xi32>], vector<16xf32>,
      %gather3A_827 = tpu.vector_load_idx %arg14[%and3A_822] : memref<10000xf32, #tpu.memory_space<vmem>>[vector<16xi32>], vector<16xf32>,
      %gather3A_828 = tpu.vector_load_idx %arg15[%and3A_822] : memref<10000xf32, #tpu.memory_space<vmem>>[vector<16xi32>], vector<16xf32>,
      %parallel_loop3A_829 = arith.constant 0 : i32
      %parallel_loop3A_830 = arith.constant 64 : i32
      %parallel_loop3A_831 = arith.constant 2 : i32
      %parallel_loop3A_832:2 = scf.for %parallel_loop3A_1358 = %parallel_loop3A_829 to %parallel_loop3A_830 step %parallel_loop3A_831 iter_args(%parallel_loop3A_1359 = %broadcast_in_dim3A_11, %parallel_loop3A_1360 = %broadcast_in_dim3A_11) -> (vector<16xf32>, vector<16xf32>)  : i32 {
        %parallel_loop3A_1361 = vector.broadcast %parallel_loop3A_1358 : i32 to vector<16xi32>
        %parallel_loop3A_1362 = arith.addi %iota3A, %parallel_loop3A_1361 : vector<16xi32>
        %parallel_loop3A_1363 = arith.constant 63 : i32
        %parallel_loop3A_1364 = vector.broadcast %parallel_loop3A_1363 : i32 to vector<16xi32>
        %parallel_loop3A_1365 = arith.andi %parallel_loop3A_1362, %parallel_loop3A_1364 : vector<16xi32>
        %parallel_loop3A_1366 = tpu.vector_load_idx %arg18[%add3A_818, %parallel_loop3A_1365] : memref<80x64xi32, #tpu.memory_space<vmem>>[vector<16xi32>, vector<16xi32>], vector<16xi32>,
        %parallel_loop3A_1367 = tpu.vector_load_idx %arg20[%add3A_818, %parallel_loop3A_1365] : memref<80x96xi32, #tpu.memory_space<vmem>>[vector<16xi32>, vector<16xi32>], vector<16xi32>,
        %parallel_loop3A_1368 = arith.constant 16 : i32
        %parallel_loop3A_1369 = vector.broadcast %parallel_loop3A_1368 : i32 to vector<16xi32>
        %parallel_loop3A_1370 = arith.shli %parallel_loop3A_1366, %parallel_loop3A_1369 : vector<16xi32>
        %parallel_loop3A_1371 = vector.bitcast %parallel_loop3A_1370 : vector<16xi32> to vector<16xf32>
        %parallel_loop3A_1372 = arith.andi %parallel_loop3A_1366, %broadcast_in_dim3A_9 : vector<16xi32>
        %parallel_loop3A_1373 = vector.bitcast %parallel_loop3A_1372 : vector<16xi32> to vector<16xf32>
        %parallel_loop3A_1374 = arith.constant 16 : i32
        %parallel_loop3A_1375 = vector.broadcast %parallel_loop3A_1374 : i32 to vector<16xi32>
        %parallel_loop3A_1376 = arith.shli %parallel_loop3A_1367, %parallel_loop3A_1375 : vector<16xi32>
        %parallel_loop3A_1377 = vector.bitcast %parallel_loop3A_1376 : vector<16xi32> to vector<16xf32>
        %parallel_loop3A_1378 = arith.andi %parallel_loop3A_1367, %broadcast_in_dim3A_9 : vector<16xi32>
        %parallel_loop3A_1379 = vector.bitcast %parallel_loop3A_1378 : vector<16xi32> to vector<16xf32>
        %parallel_loop3A_1380 = arith.mulf %parallel_loop3A_1371, %parallel_loop3A_1377 : vector<16xf32>
        %parallel_loop3A_1381 = arith.mulf %parallel_loop3A_1373, %parallel_loop3A_1379 : vector<16xf32>
        %parallel_loop3A_1382 = arith.addf %parallel_loop3A_1380, %parallel_loop3A_1381 : vector<16xf32>
        %parallel_loop3A_1383 = arith.addf %parallel_loop3A_1359, %parallel_loop3A_1382 : vector<16xf32>
        %parallel_loop3A_1384 = arith.constant 1 : i32
        %parallel_loop3A_1385 = arith.addi %parallel_loop3A_1358, %parallel_loop3A_1384 : i32
        %parallel_loop3A_1386 = vector.broadcast %parallel_loop3A_1385 : i32 to vector<16xi32>
        %parallel_loop3A_1387 = arith.addi %iota3A, %parallel_loop3A_1386 : vector<16xi32>
        %parallel_loop3A_1388 = arith.constant 63 : i32
        %parallel_loop3A_1389 = vector.broadcast %parallel_loop3A_1388 : i32 to vector<16xi32>
        %parallel_loop3A_1390 = arith.andi %parallel_loop3A_1387, %parallel_loop3A_1389 : vector<16xi32>
        %parallel_loop3A_1391 = tpu.vector_load_idx %arg18[%add3A_818, %parallel_loop3A_1390] : memref<80x64xi32, #tpu.memory_space<vmem>>[vector<16xi32>, vector<16xi32>], vector<16xi32>,
        %parallel_loop3A_1392 = tpu.vector_load_idx %arg20[%add3A_818, %parallel_loop3A_1390] : memref<80x96xi32, #tpu.memory_space<vmem>>[vector<16xi32>, vector<16xi32>], vector<16xi32>,
        %parallel_loop3A_1393 = arith.constant 16 : i32
        %parallel_loop3A_1394 = vector.broadcast %parallel_loop3A_1393 : i32 to vector<16xi32>
        %parallel_loop3A_1395 = arith.shli %parallel_loop3A_1391, %parallel_loop3A_1394 : vector<16xi32>
        %parallel_loop3A_1396 = vector.bitcast %parallel_loop3A_1395 : vector<16xi32> to vector<16xf32>
        %parallel_loop3A_1397 = arith.andi %parallel_loop3A_1391, %broadcast_in_dim3A_9 : vector<16xi32>
        %parallel_loop3A_1398 = vector.bitcast %parallel_loop3A_1397 : vector<16xi32> to vector<16xf32>
        %parallel_loop3A_1399 = arith.constant 16 : i32
        %parallel_loop3A_1400 = vector.broadcast %parallel_loop3A_1399 : i32 to vector<16xi32>
        %parallel_loop3A_1401 = arith.shli %parallel_loop3A_1392, %parallel_loop3A_1400 : vector<16xi32>
        %parallel_loop3A_1402 = vector.bitcast %parallel_loop3A_1401 : vector<16xi32> to vector<16xf32>
        %parallel_loop3A_1403 = arith.andi %parallel_loop3A_1392, %broadcast_in_dim3A_9 : vector<16xi32>
        %parallel_loop3A_1404 = vector.bitcast %parallel_loop3A_1403 : vector<16xi32> to vector<16xf32>
        %parallel_loop3A_1405 = arith.mulf %parallel_loop3A_1396, %parallel_loop3A_1402 : vector<16xf32>
        %parallel_loop3A_1406 = arith.mulf %parallel_loop3A_1398, %parallel_loop3A_1404 : vector<16xf32>
        %parallel_loop3A_1407 = arith.addf %parallel_loop3A_1405, %parallel_loop3A_1406 : vector<16xf32>
        %parallel_loop3A_1408 = arith.addf %parallel_loop3A_1360, %parallel_loop3A_1407 : vector<16xf32>
        scf.yield %parallel_loop3A_1383, %parallel_loop3A_1408 : vector<16xf32>, vector<16xf32>
      } {sc.loop_unroll_factor = 4 : i64, sc.parallel_access}
      %add3A_833 = arith.addf %parallel_loop3A_832#0, %parallel_loop3A_832#1 : vector<16xf32>
      %add3A_834 = arith.constant 64 : i32
      %add3A_835 = vector.broadcast %add3A_834 : i32 to vector<16xi32>
      %add3A_836 = arith.addi %shift_right_arithmetic3A_825, %add3A_835 : vector<16xi32>
      %gather3A_837 = tpu.vector_load_idx %arg20[%add3A_818, %add3A_836] : memref<80x96xi32, #tpu.memory_space<vmem>>[vector<16xi32>, vector<16xi32>], vector<16xi32>,
      %bitcast3A_838 = vector.bitcast %gather3A_837 : vector<16xi32> to vector<16xf32>
      %add3A_839 = arith.constant 72 : i32
      %add3A_840 = vector.broadcast %add3A_839 : i32 to vector<16xi32>
      %add3A_841 = arith.addi %shift_right_arithmetic3A_825, %add3A_840 : vector<16xi32>
      %gather3A_842 = tpu.vector_load_idx %arg20[%add3A_818, %add3A_841] : memref<80x96xi32, #tpu.memory_space<vmem>>[vector<16xi32>, vector<16xi32>], vector<16xi32>,
      %bitcast3A_843 = vector.bitcast %gather3A_842 : vector<16xi32> to vector<16xf32>
      %add3A_844 = arith.constant 80 : i32
      %add3A_845 = vector.broadcast %add3A_844 : i32 to vector<16xi32>
      %add3A_846 = arith.addi %shift_right_arithmetic3A_825, %add3A_845 : vector<16xi32>
      %gather3A_847 = tpu.vector_load_idx %arg20[%add3A_818, %add3A_846] : memref<80x96xi32, #tpu.memory_space<vmem>>[vector<16xi32>, vector<16xi32>], vector<16xi32>,
      %bitcast3A_848 = vector.bitcast %gather3A_847 : vector<16xi32> to vector<16xf32>
      %mul3A_849 = arith.mulf %add3A_833, %gather3A_826 : vector<16xf32>
      %mul3A_850 = arith.mulf %mul3A_849, %bitcast3A_838 : vector<16xf32>
      %add3A_851 = arith.addf %mul3A_850, %gather3A_827 : vector<16xf32>
      %add3A_852 = arith.addf %add3A_851, %bitcast3A_843 : vector<16xf32>
      %swap3A_853 = arith.constant 64 : index
      %swap3A_854 = tpu.vector_load %arg22[%swap3A_853] {strides = array<i32>} : memref<80xf32, #tpu.memory_space<vmem>>, vector<16xf32>,
      tpu.vector_store %arg22[%swap3A_853], %add3A_852 {strides = array<i32>} : memref<80xf32, #tpu.memory_space<vmem>>, vector<16xf32>,
      %add3A_855 = arith.addf %gather3A_828, %bitcast3A_848 : vector<16xf32>
      %abs3A_856 = math.absf %add3A_855 : vector<16xf32>
      %neg3A_857 = arith.constant 0.000000e+00 : f32
      %neg3A_858 = vector.broadcast %neg3A_857 : f32 to vector<16xf32>
      %neg3A_859 = arith.subf %neg3A_858, %abs3A_856 : vector<16xf32>
      %exp3A_860 = math.exp %neg3A_859 : vector<16xf32>
      %mul3A_861 = arith.constant -0.0236895699 : f32
      %mul3A_862 = vector.broadcast %mul3A_861 : f32 to vector<16xf32>
      %mul3A_863 = arith.mulf %exp3A_860, %mul3A_862 : vector<16xf32>
      %add3A_864 = arith.constant 0.100288436 : f32
      %add3A_865 = vector.broadcast %add3A_864 : f32 to vector<16xf32>
      %add3A_866 = arith.addf %add3A_865, %mul3A_863 : vector<16xf32>
      %mul3A_867 = arith.mulf %exp3A_860, %add3A_866 : vector<16xf32>
      %add3A_868 = arith.constant -0.208671257 : f32
      %add3A_869 = vector.broadcast %add3A_868 : f32 to vector<16xf32>
      %add3A_870 = arith.addf %add3A_869, %mul3A_867 : vector<16xf32>
      %mul3A_871 = arith.mulf %exp3A_860, %add3A_870 : vector<16xf32>
      %add3A_872 = arith.constant 0.324412674 : f32
      %add3A_873 = vector.broadcast %add3A_872 : f32 to vector<16xf32>
      %add3A_874 = arith.addf %add3A_873, %mul3A_871 : vector<16xf32>
      %mul3A_875 = arith.mulf %exp3A_860, %add3A_874 : vector<16xf32>
      %add3A_876 = arith.constant -0.499188036 : f32
      %add3A_877 = vector.broadcast %add3A_876 : f32 to vector<16xf32>
      %add3A_878 = arith.addf %add3A_877, %mul3A_875 : vector<16xf32>
      %mul3A_879 = arith.mulf %exp3A_860, %add3A_878 : vector<16xf32>
      %add3A_880 = arith.constant 0.99998188 : f32
      %add3A_881 = vector.broadcast %add3A_880 : f32 to vector<16xf32>
      %add3A_882 = arith.addf %add3A_881, %mul3A_879 : vector<16xf32>
      %mul3A_883 = arith.mulf %exp3A_860, %add3A_882 : vector<16xf32>
      %max3A_884 = arith.constant 0.000000e+00 : f32
      %max3A_885 = vector.broadcast %max3A_884 : f32 to vector<16xf32>
      %max3A_886 = arith.maximumf %add3A_855, %max3A_885 : vector<16xf32>
      %add3A_887 = arith.addf %max3A_886, %mul3A_883 : vector<16xf32>
      %add3A_888 = arith.constant 9.99999974E-5 : f32
      %add3A_889 = vector.broadcast %add3A_888 : f32 to vector<16xf32>
      %add3A_890 = arith.addf %add3A_887, %add3A_889 : vector<16xf32>
      %swap3A_891 = arith.constant 64 : index
      %swap3A_892 = tpu.vector_load %arg24[%swap3A_891] {strides = array<i32>} : memref<80xf32, #tpu.memory_space<vmem>>, vector<16xf32>,
      tpu.vector_store %arg24[%swap3A_891], %add3A_890 {strides = array<i32>} : memref<80xf32, #tpu.memory_space<vmem>>, vector<16xf32>,
      %mul3A_893 = arith.constant 80 : i32
      %mul3A_894 = arith.muli %mul3A_446, %mul3A_893 : i32
      %add3A_895 = arith.addi %mul3A_2, %mul3A_894 : i32
      %dma_start3A_896 = tpu.memref_slice %arg10[%add3A_895] : memref<320000xf32, #tpu.memory_space<hbm>> -> memref<80xf32, #tpu.memory_space<hbm>>
      %dma_start3A_897 = tpu.memref_slice %arg10[%add3A_895] : memref<320000xf32, #tpu.memory_space<hbm>> -> memref<80xf32, #tpu.memory_space<hbm>>
      tpu.enqueue_dma source(%arg22 : memref<80xf32, #tpu.memory_space<vmem>>) target(%dma_start3A_897 : memref<80xf32, #tpu.memory_space<hbm>>) target_semaphore(%arg28 : memref<!tpu.dma_semaphore, #tpu.memory_space<semaphore_mem>>)
      %dma_start3A_898 = tpu.memref_slice %arg11[%add3A_895] : memref<320000xf32, #tpu.memory_space<hbm>> -> memref<80xf32, #tpu.memory_space<hbm>>
      %dma_start3A_899 = tpu.memref_slice %arg11[%add3A_895] : memref<320000xf32, #tpu.memory_space<hbm>> -> memref<80xf32, #tpu.memory_space<hbm>>
      tpu.enqueue_dma source(%arg24 : memref<80xf32, #tpu.memory_space<vmem>>) target(%dma_start3A_899 : memref<80xf32, #tpu.memory_space<hbm>>) target_semaphore(%arg28 : memref<!tpu.dma_semaphore, #tpu.memory_space<semaphore_mem>>)
      %add3A_900 = arith.constant 2 : i32
      %add3A_901 = arith.addi %mul3A_446, %add3A_900 : i32
      %mul3A_902 = arith.constant 80 : i32
      %mul3A_903 = arith.muli %add3A_901, %mul3A_902 : i32
      %dma_start3A_904 = tpu.memref_slice %arg16[%mul3A_903] : memref<10000xi32, #tpu.memory_space<vmem>> -> memref<80xi32, #tpu.memory_space<vmem>>
      %dma_start3A_905 = arith.constant 0 : i32
      %dma_start3A_906 = arith.constant 0 : i32
      %dma_start3A_907 = tpu.memref_slice %arg4[%dma_start3A_905, %dma_start3A_906] : memref<10000x64xi32, #tpu.memory_space<hbm>> -> memref<10000x64xi32, #tpu.memory_space<hbm>>
      tpu.enqueue_indirect_dma source(%dma_start3A_907 : memref<10000x64xi32, #tpu.memory_space<hbm>>) target(%arg18 : memref<80x64xi32, #tpu.memory_space<vmem>>) offsets(%dma_start3A_904 : memref<80xi32, #tpu.memory_space<vmem>>) semaphore(%arg26 : memref<!tpu.dma_semaphore, #tpu.memory_space<semaphore_mem>>)
      %mul3A_908 = arith.constant 80 : i32
      %mul3A_909 = arith.muli %add3A_901, %mul3A_908 : i32
      %dma_start3A_910 = tpu.memref_slice %arg17[%mul3A_909] : memref<10000xi32, #tpu.memory_space<vmem>> -> memref<80xi32, #tpu.memory_space<vmem>>
      %dma_start3A_911 = arith.constant 0 : i32
      %dma_start3A_912 = arith.constant 0 : i32
      %dma_start3A_913 = tpu.memref_slice %arg5[%dma_start3A_911, %dma_start3A_912] : memref<10000x96xi32, #tpu.memory_space<hbm>> -> memref<10000x96xi32, #tpu.memory_space<hbm>>
      tpu.enqueue_indirect_dma source(%dma_start3A_913 : memref<10000x96xi32, #tpu.memory_space<hbm>>) target(%arg20 : memref<80x96xi32, #tpu.memory_space<vmem>>) offsets(%dma_start3A_910 : memref<80xi32, #tpu.memory_space<vmem>>) semaphore(%arg26 : memref<!tpu.dma_semaphore, #tpu.memory_space<semaphore_mem>>)
      %dma_wait3A_914 = arith.constant 0 : i32
      %dma_wait3A_915 = tpu.memref_slice %arg16[%dma_wait3A_914] : memref<10000xi32, #tpu.memory_space<vmem>> -> memref<80xi32, #tpu.memory_space<vmem>>
      %dma_wait3A_916 = arith.constant 0 : i32
      %dma_wait3A_917 = arith.constant 0 : i32
      %dma_wait3A_918 = tpu.memref_slice %arg4[%dma_wait3A_916, %dma_wait3A_917] : memref<10000x64xi32, #tpu.memory_space<hbm>> -> memref<10000x64xi32, #tpu.memory_space<hbm>>
      tpu.wait_indirect_dma semaphore(%arg27 : memref<!tpu.dma_semaphore, #tpu.memory_space<semaphore_mem>>) src(%dma_wait3A_918 : memref<10000x64xi32, #tpu.memory_space<hbm>>) dst(%arg19 : memref<80x64xi32, #tpu.memory_space<vmem>>)
      %dma_wait3A_919 = arith.constant 0 : i32
      %dma_wait3A_920 = tpu.memref_slice %arg17[%dma_wait3A_919] : memref<10000xi32, #tpu.memory_space<vmem>> -> memref<80xi32, #tpu.memory_space<vmem>>
      %dma_wait3A_921 = arith.constant 0 : i32
      %dma_wait3A_922 = arith.constant 0 : i32
      %dma_wait3A_923 = tpu.memref_slice %arg5[%dma_wait3A_921, %dma_wait3A_922] : memref<10000x96xi32, #tpu.memory_space<hbm>> -> memref<10000x96xi32, #tpu.memory_space<hbm>>
      tpu.wait_indirect_dma semaphore(%arg27 : memref<!tpu.dma_semaphore, #tpu.memory_space<semaphore_mem>>) src(%dma_wait3A_923 : memref<10000x96xi32, #tpu.memory_space<hbm>>) dst(%arg21 : memref<80x96xi32, #tpu.memory_space<vmem>>)
      %gt3A_924 = arith.constant 0 : i32
      %gt3A_925 = arith.cmpi sgt, %scan3A_444, %gt3A_924 : i32
      %convert_element_type3A_926 = arith.extui %gt3A_925 : i1 to i32
      %cond3A_927 = arith.constant 0 : i32
      %cond3A_928 = arith.cmpi ne, %convert_element_type3A_926, %cond3A_927 : i32
      scf.if %cond3A_928 {
        %dma_wait3A_1358 = tpu.memref_slice %arg10[%mul3A_2] : memref<320000xf32, #tpu.memory_space<hbm>> -> memref<80xf32, #tpu.memory_space<hbm>>
        %dma_wait3A_1359 = tpu.memref_slice %arg10[%mul3A_2] : memref<320000xf32, #tpu.memory_space<hbm>> -> memref<80xf32, #tpu.memory_space<hbm>>
        tpu.wait_dma2 semaphore(%arg29 : memref<!tpu.dma_semaphore, #tpu.memory_space<semaphore_mem>>) src(%arg23 : memref<80xf32, #tpu.memory_space<vmem>>) dst(%dma_wait3A_1359 : memref<80xf32, #tpu.memory_space<hbm>>)
        %dma_wait3A_1360 = tpu.memref_slice %arg11[%mul3A_2] : memref<320000xf32, #tpu.memory_space<hbm>> -> memref<80xf32, #tpu.memory_space<hbm>>
        %dma_wait3A_1361 = tpu.memref_slice %arg11[%mul3A_2] : memref<320000xf32, #tpu.memory_space<hbm>> -> memref<80xf32, #tpu.memory_space<hbm>>
        tpu.wait_dma2 semaphore(%arg29 : memref<!tpu.dma_semaphore, #tpu.memory_space<semaphore_mem>>) src(%arg25 : memref<80xf32, #tpu.memory_space<vmem>>) dst(%dma_wait3A_1361 : memref<80xf32, #tpu.memory_space<hbm>>)
      } else {
      }
      %add3A_929 = arith.constant 1 : i32
      %add3A_930 = arith.addi %mul3A_446, %add3A_929 : i32
      %mul3A_931 = arith.constant 80 : i32
      %mul3A_932 = arith.muli %add3A_930, %mul3A_931 : i32
      %add3A_933 = arith.constant 0 : i32
      %add3A_934 = arith.addi %mul3A_932, %add3A_933 : i32
      %get3A_935 = arith.index_cast %add3A_934 : i32 to index
      %get3A_936 = tpu.vector_load %arg16[%get3A_935] {strides = array<i32>} : memref<10000xi32, #tpu.memory_space<vmem>>, vector<16xi32>,
      %iota3A_937 = tpu.iota {dimensions = array<i32: 0>} : vector<16xi32>
      %add3A_938 = arith.constant 0 : i32
      %add3A_939 = vector.broadcast %add3A_938 : i32 to vector<16xi32>
      %add3A_940 = arith.addi %iota3A_937, %add3A_939 : vector<16xi32>
      %gather3A_941 = tpu.vector_load_idx %arg12[%get3A_936] : memref<10000xi32, #tpu.memory_space<vmem>>[vector<16xi32>], vector<16xi32>,
      %and3A_942 = arith.constant 16383 : i32
      %and3A_943 = vector.broadcast %and3A_942 : i32 to vector<16xi32>
      %and3A_944 = arith.andi %gather3A_941, %and3A_943 : vector<16xi32>
      %shift_right_arithmetic3A_945 = arith.constant 14 : i32
      %shift_right_arithmetic3A_946 = vector.broadcast %shift_right_arithmetic3A_945 : i32 to vector<16xi32>
      %shift_right_arithmetic3A_947 = arith.shrsi %gather3A_941, %shift_right_arithmetic3A_946 : vector<16xi32>
      %gather3A_948 = tpu.vector_load_idx %arg13[%and3A_944] : memref<10000xf32, #tpu.memory_space<vmem>>[vector<16xi32>], vector<16xf32>,
      %gather3A_949 = tpu.vector_load_idx %arg14[%and3A_944] : memref<10000xf32, #tpu.memory_space<vmem>>[vector<16xi32>], vector<16xf32>,
      %gather3A_950 = tpu.vector_load_idx %arg15[%and3A_944] : memref<10000xf32, #tpu.memory_space<vmem>>[vector<16xi32>], vector<16xf32>,
      %parallel_loop3A_951 = arith.constant 0 : i32
      %parallel_loop3A_952 = arith.constant 64 : i32
      %parallel_loop3A_953 = arith.constant 2 : i32
      %parallel_loop3A_954:2 = scf.for %parallel_loop3A_1358 = %parallel_loop3A_951 to %parallel_loop3A_952 step %parallel_loop3A_953 iter_args(%parallel_loop3A_1359 = %broadcast_in_dim3A_11, %parallel_loop3A_1360 = %broadcast_in_dim3A_11) -> (vector<16xf32>, vector<16xf32>)  : i32 {
        %parallel_loop3A_1361 = vector.broadcast %parallel_loop3A_1358 : i32 to vector<16xi32>
        %parallel_loop3A_1362 = arith.addi %iota3A, %parallel_loop3A_1361 : vector<16xi32>
        %parallel_loop3A_1363 = arith.constant 63 : i32
        %parallel_loop3A_1364 = vector.broadcast %parallel_loop3A_1363 : i32 to vector<16xi32>
        %parallel_loop3A_1365 = arith.andi %parallel_loop3A_1362, %parallel_loop3A_1364 : vector<16xi32>
        %parallel_loop3A_1366 = tpu.vector_load_idx %arg19[%add3A_940, %parallel_loop3A_1365] : memref<80x64xi32, #tpu.memory_space<vmem>>[vector<16xi32>, vector<16xi32>], vector<16xi32>,
        %parallel_loop3A_1367 = tpu.vector_load_idx %arg21[%add3A_940, %parallel_loop3A_1365] : memref<80x96xi32, #tpu.memory_space<vmem>>[vector<16xi32>, vector<16xi32>], vector<16xi32>,
        %parallel_loop3A_1368 = arith.constant 16 : i32
        %parallel_loop3A_1369 = vector.broadcast %parallel_loop3A_1368 : i32 to vector<16xi32>
        %parallel_loop3A_1370 = arith.shli %parallel_loop3A_1366, %parallel_loop3A_1369 : vector<16xi32>
        %parallel_loop3A_1371 = vector.bitcast %parallel_loop3A_1370 : vector<16xi32> to vector<16xf32>
        %parallel_loop3A_1372 = arith.andi %parallel_loop3A_1366, %broadcast_in_dim3A_9 : vector<16xi32>
        %parallel_loop3A_1373 = vector.bitcast %parallel_loop3A_1372 : vector<16xi32> to vector<16xf32>
        %parallel_loop3A_1374 = arith.constant 16 : i32
        %parallel_loop3A_1375 = vector.broadcast %parallel_loop3A_1374 : i32 to vector<16xi32>
        %parallel_loop3A_1376 = arith.shli %parallel_loop3A_1367, %parallel_loop3A_1375 : vector<16xi32>
        %parallel_loop3A_1377 = vector.bitcast %parallel_loop3A_1376 : vector<16xi32> to vector<16xf32>
        %parallel_loop3A_1378 = arith.andi %parallel_loop3A_1367, %broadcast_in_dim3A_9 : vector<16xi32>
        %parallel_loop3A_1379 = vector.bitcast %parallel_loop3A_1378 : vector<16xi32> to vector<16xf32>
        %parallel_loop3A_1380 = arith.mulf %parallel_loop3A_1371, %parallel_loop3A_1377 : vector<16xf32>
        %parallel_loop3A_1381 = arith.mulf %parallel_loop3A_1373, %parallel_loop3A_1379 : vector<16xf32>
        %parallel_loop3A_1382 = arith.addf %parallel_loop3A_1380, %parallel_loop3A_1381 : vector<16xf32>
        %parallel_loop3A_1383 = arith.addf %parallel_loop3A_1359, %parallel_loop3A_1382 : vector<16xf32>
        %parallel_loop3A_1384 = arith.constant 1 : i32
        %parallel_loop3A_1385 = arith.addi %parallel_loop3A_1358, %parallel_loop3A_1384 : i32
        %parallel_loop3A_1386 = vector.broadcast %parallel_loop3A_1385 : i32 to vector<16xi32>
        %parallel_loop3A_1387 = arith.addi %iota3A, %parallel_loop3A_1386 : vector<16xi32>
        %parallel_loop3A_1388 = arith.constant 63 : i32
        %parallel_loop3A_1389 = vector.broadcast %parallel_loop3A_1388 : i32 to vector<16xi32>
        %parallel_loop3A_1390 = arith.andi %parallel_loop3A_1387, %parallel_loop3A_1389 : vector<16xi32>
        %parallel_loop3A_1391 = tpu.vector_load_idx %arg19[%add3A_940, %parallel_loop3A_1390] : memref<80x64xi32, #tpu.memory_space<vmem>>[vector<16xi32>, vector<16xi32>], vector<16xi32>,
        %parallel_loop3A_1392 = tpu.vector_load_idx %arg21[%add3A_940, %parallel_loop3A_1390] : memref<80x96xi32, #tpu.memory_space<vmem>>[vector<16xi32>, vector<16xi32>], vector<16xi32>,
        %parallel_loop3A_1393 = arith.constant 16 : i32
        %parallel_loop3A_1394 = vector.broadcast %parallel_loop3A_1393 : i32 to vector<16xi32>
        %parallel_loop3A_1395 = arith.shli %parallel_loop3A_1391, %parallel_loop3A_1394 : vector<16xi32>
        %parallel_loop3A_1396 = vector.bitcast %parallel_loop3A_1395 : vector<16xi32> to vector<16xf32>
        %parallel_loop3A_1397 = arith.andi %parallel_loop3A_1391, %broadcast_in_dim3A_9 : vector<16xi32>
        %parallel_loop3A_1398 = vector.bitcast %parallel_loop3A_1397 : vector<16xi32> to vector<16xf32>
        %parallel_loop3A_1399 = arith.constant 16 : i32
        %parallel_loop3A_1400 = vector.broadcast %parallel_loop3A_1399 : i32 to vector<16xi32>
        %parallel_loop3A_1401 = arith.shli %parallel_loop3A_1392, %parallel_loop3A_1400 : vector<16xi32>
        %parallel_loop3A_1402 = vector.bitcast %parallel_loop3A_1401 : vector<16xi32> to vector<16xf32>
        %parallel_loop3A_1403 = arith.andi %parallel_loop3A_1392, %broadcast_in_dim3A_9 : vector<16xi32>
        %parallel_loop3A_1404 = vector.bitcast %parallel_loop3A_1403 : vector<16xi32> to vector<16xf32>
        %parallel_loop3A_1405 = arith.mulf %parallel_loop3A_1396, %parallel_loop3A_1402 : vector<16xf32>
        %parallel_loop3A_1406 = arith.mulf %parallel_loop3A_1398, %parallel_loop3A_1404 : vector<16xf32>
        %parallel_loop3A_1407 = arith.addf %parallel_loop3A_1405, %parallel_loop3A_1406 : vector<16xf32>
        %parallel_loop3A_1408 = arith.addf %parallel_loop3A_1360, %parallel_loop3A_1407 : vector<16xf32>
        scf.yield %parallel_loop3A_1383, %parallel_loop3A_1408 : vector<16xf32>, vector<16xf32>
      } {sc.loop_unroll_factor = 4 : i64, sc.parallel_access}
      %add3A_955 = arith.addf %parallel_loop3A_954#0, %parallel_loop3A_954#1 : vector<16xf32>
      %add3A_956 = arith.constant 64 : i32
      %add3A_957 = vector.broadcast %add3A_956 : i32 to vector<16xi32>
      %add3A_958 = arith.addi %shift_right_arithmetic3A_947, %add3A_957 : vector<16xi32>
      %gather3A_959 = tpu.vector_load_idx %arg21[%add3A_940, %add3A_958] : memref<80x96xi32, #tpu.memory_space<vmem>>[vector<16xi32>, vector<16xi32>], vector<16xi32>,
      %bitcast3A_960 = vector.bitcast %gather3A_959 : vector<16xi32> to vector<16xf32>
      %add3A_961 = arith.constant 72 : i32
      %add3A_962 = vector.broadcast %add3A_961 : i32 to vector<16xi32>
      %add3A_963 = arith.addi %shift_right_arithmetic3A_947, %add3A_962 : vector<16xi32>
      %gather3A_964 = tpu.vector_load_idx %arg21[%add3A_940, %add3A_963] : memref<80x96xi32, #tpu.memory_space<vmem>>[vector<16xi32>, vector<16xi32>], vector<16xi32>,
      %bitcast3A_965 = vector.bitcast %gather3A_964 : vector<16xi32> to vector<16xf32>
      %add3A_966 = arith.constant 80 : i32
      %add3A_967 = vector.broadcast %add3A_966 : i32 to vector<16xi32>
      %add3A_968 = arith.addi %shift_right_arithmetic3A_947, %add3A_967 : vector<16xi32>
      %gather3A_969 = tpu.vector_load_idx %arg21[%add3A_940, %add3A_968] : memref<80x96xi32, #tpu.memory_space<vmem>>[vector<16xi32>, vector<16xi32>], vector<16xi32>,
      %bitcast3A_970 = vector.bitcast %gather3A_969 : vector<16xi32> to vector<16xf32>
      %mul3A_971 = arith.mulf %add3A_955, %gather3A_948 : vector<16xf32>
      %mul3A_972 = arith.mulf %mul3A_971, %bitcast3A_960 : vector<16xf32>
      %add3A_973 = arith.addf %mul3A_972, %gather3A_949 : vector<16xf32>
      %add3A_974 = arith.addf %add3A_973, %bitcast3A_965 : vector<16xf32>
      %swap3A_975 = arith.constant 0 : index
      %swap3A_976 = tpu.vector_load %arg23[%swap3A_975] {strides = array<i32>} : memref<80xf32, #tpu.memory_space<vmem>>, vector<16xf32>,
      tpu.vector_store %arg23[%swap3A_975], %add3A_974 {strides = array<i32>} : memref<80xf32, #tpu.memory_space<vmem>>, vector<16xf32>,
      %add3A_977 = arith.addf %gather3A_950, %bitcast3A_970 : vector<16xf32>
      %abs3A_978 = math.absf %add3A_977 : vector<16xf32>
      %neg3A_979 = arith.constant 0.000000e+00 : f32
      %neg3A_980 = vector.broadcast %neg3A_979 : f32 to vector<16xf32>
      %neg3A_981 = arith.subf %neg3A_980, %abs3A_978 : vector<16xf32>
      %exp3A_982 = math.exp %neg3A_981 : vector<16xf32>
      %mul3A_983 = arith.constant -0.0236895699 : f32
      %mul3A_984 = vector.broadcast %mul3A_983 : f32 to vector<16xf32>
      %mul3A_985 = arith.mulf %exp3A_982, %mul3A_984 : vector<16xf32>
      %add3A_986 = arith.constant 0.100288436 : f32
      %add3A_987 = vector.broadcast %add3A_986 : f32 to vector<16xf32>
      %add3A_988 = arith.addf %add3A_987, %mul3A_985 : vector<16xf32>
      %mul3A_989 = arith.mulf %exp3A_982, %add3A_988 : vector<16xf32>
      %add3A_990 = arith.constant -0.208671257 : f32
      %add3A_991 = vector.broadcast %add3A_990 : f32 to vector<16xf32>
      %add3A_992 = arith.addf %add3A_991, %mul3A_989 : vector<16xf32>
      %mul3A_993 = arith.mulf %exp3A_982, %add3A_992 : vector<16xf32>
      %add3A_994 = arith.constant 0.324412674 : f32
      %add3A_995 = vector.broadcast %add3A_994 : f32 to vector<16xf32>
      %add3A_996 = arith.addf %add3A_995, %mul3A_993 : vector<16xf32>
      %mul3A_997 = arith.mulf %exp3A_982, %add3A_996 : vector<16xf32>
      %add3A_998 = arith.constant -0.499188036 : f32
      %add3A_999 = vector.broadcast %add3A_998 : f32 to vector<16xf32>
      %add3A_1000 = arith.addf %add3A_999, %mul3A_997 : vector<16xf32>
      %mul3A_1001 = arith.mulf %exp3A_982, %add3A_1000 : vector<16xf32>
      %add3A_1002 = arith.constant 0.99998188 : f32
      %add3A_1003 = vector.broadcast %add3A_1002 : f32 to vector<16xf32>
      %add3A_1004 = arith.addf %add3A_1003, %mul3A_1001 : vector<16xf32>
      %mul3A_1005 = arith.mulf %exp3A_982, %add3A_1004 : vector<16xf32>
      %max3A_1006 = arith.constant 0.000000e+00 : f32
      %max3A_1007 = vector.broadcast %max3A_1006 : f32 to vector<16xf32>
      %max3A_1008 = arith.maximumf %add3A_977, %max3A_1007 : vector<16xf32>
      %add3A_1009 = arith.addf %max3A_1008, %mul3A_1005 : vector<16xf32>
      %add3A_1010 = arith.constant 9.99999974E-5 : f32
      %add3A_1011 = vector.broadcast %add3A_1010 : f32 to vector<16xf32>
      %add3A_1012 = arith.addf %add3A_1009, %add3A_1011 : vector<16xf32>
      %swap3A_1013 = arith.constant 0 : index
      %swap3A_1014 = tpu.vector_load %arg25[%swap3A_1013] {strides = array<i32>} : memref<80xf32, #tpu.memory_space<vmem>>, vector<16xf32>,
      tpu.vector_store %arg25[%swap3A_1013], %add3A_1012 {strides = array<i32>} : memref<80xf32, #tpu.memory_space<vmem>>, vector<16xf32>,
      %mul3A_1015 = arith.constant 80 : i32
      %mul3A_1016 = arith.muli %add3A_930, %mul3A_1015 : i32
      %add3A_1017 = arith.constant 16 : i32
      %add3A_1018 = arith.addi %mul3A_1016, %add3A_1017 : i32
      %get3A_1019 = arith.index_cast %add3A_1018 : i32 to index
      %get3A_1020 = tpu.vector_load %arg16[%get3A_1019] {strides = array<i32>} : memref<10000xi32, #tpu.memory_space<vmem>>, vector<16xi32>,
      %iota3A_1021 = tpu.iota {dimensions = array<i32: 0>} : vector<16xi32>
      %add3A_1022 = arith.constant 16 : i32
      %add3A_1023 = vector.broadcast %add3A_1022 : i32 to vector<16xi32>
      %add3A_1024 = arith.addi %iota3A_1021, %add3A_1023 : vector<16xi32>
      %gather3A_1025 = tpu.vector_load_idx %arg12[%get3A_1020] : memref<10000xi32, #tpu.memory_space<vmem>>[vector<16xi32>], vector<16xi32>,
      %and3A_1026 = arith.constant 16383 : i32
      %and3A_1027 = vector.broadcast %and3A_1026 : i32 to vector<16xi32>
      %and3A_1028 = arith.andi %gather3A_1025, %and3A_1027 : vector<16xi32>
      %shift_right_arithmetic3A_1029 = arith.constant 14 : i32
      %shift_right_arithmetic3A_1030 = vector.broadcast %shift_right_arithmetic3A_1029 : i32 to vector<16xi32>
      %shift_right_arithmetic3A_1031 = arith.shrsi %gather3A_1025, %shift_right_arithmetic3A_1030 : vector<16xi32>
      %gather3A_1032 = tpu.vector_load_idx %arg13[%and3A_1028] : memref<10000xf32, #tpu.memory_space<vmem>>[vector<16xi32>], vector<16xf32>,
      %gather3A_1033 = tpu.vector_load_idx %arg14[%and3A_1028] : memref<10000xf32, #tpu.memory_space<vmem>>[vector<16xi32>], vector<16xf32>,
      %gather3A_1034 = tpu.vector_load_idx %arg15[%and3A_1028] : memref<10000xf32, #tpu.memory_space<vmem>>[vector<16xi32>], vector<16xf32>,
      %parallel_loop3A_1035 = arith.constant 0 : i32
      %parallel_loop3A_1036 = arith.constant 64 : i32
      %parallel_loop3A_1037 = arith.constant 2 : i32
      %parallel_loop3A_1038:2 = scf.for %parallel_loop3A_1358 = %parallel_loop3A_1035 to %parallel_loop3A_1036 step %parallel_loop3A_1037 iter_args(%parallel_loop3A_1359 = %broadcast_in_dim3A_11, %parallel_loop3A_1360 = %broadcast_in_dim3A_11) -> (vector<16xf32>, vector<16xf32>)  : i32 {
        %parallel_loop3A_1361 = vector.broadcast %parallel_loop3A_1358 : i32 to vector<16xi32>
        %parallel_loop3A_1362 = arith.addi %iota3A, %parallel_loop3A_1361 : vector<16xi32>
        %parallel_loop3A_1363 = arith.constant 63 : i32
        %parallel_loop3A_1364 = vector.broadcast %parallel_loop3A_1363 : i32 to vector<16xi32>
        %parallel_loop3A_1365 = arith.andi %parallel_loop3A_1362, %parallel_loop3A_1364 : vector<16xi32>
        %parallel_loop3A_1366 = tpu.vector_load_idx %arg19[%add3A_1024, %parallel_loop3A_1365] : memref<80x64xi32, #tpu.memory_space<vmem>>[vector<16xi32>, vector<16xi32>], vector<16xi32>,
        %parallel_loop3A_1367 = tpu.vector_load_idx %arg21[%add3A_1024, %parallel_loop3A_1365] : memref<80x96xi32, #tpu.memory_space<vmem>>[vector<16xi32>, vector<16xi32>], vector<16xi32>,
        %parallel_loop3A_1368 = arith.constant 16 : i32
        %parallel_loop3A_1369 = vector.broadcast %parallel_loop3A_1368 : i32 to vector<16xi32>
        %parallel_loop3A_1370 = arith.shli %parallel_loop3A_1366, %parallel_loop3A_1369 : vector<16xi32>
        %parallel_loop3A_1371 = vector.bitcast %parallel_loop3A_1370 : vector<16xi32> to vector<16xf32>
        %parallel_loop3A_1372 = arith.andi %parallel_loop3A_1366, %broadcast_in_dim3A_9 : vector<16xi32>
        %parallel_loop3A_1373 = vector.bitcast %parallel_loop3A_1372 : vector<16xi32> to vector<16xf32>
        %parallel_loop3A_1374 = arith.constant 16 : i32
        %parallel_loop3A_1375 = vector.broadcast %parallel_loop3A_1374 : i32 to vector<16xi32>
        %parallel_loop3A_1376 = arith.shli %parallel_loop3A_1367, %parallel_loop3A_1375 : vector<16xi32>
        %parallel_loop3A_1377 = vector.bitcast %parallel_loop3A_1376 : vector<16xi32> to vector<16xf32>
        %parallel_loop3A_1378 = arith.andi %parallel_loop3A_1367, %broadcast_in_dim3A_9 : vector<16xi32>
        %parallel_loop3A_1379 = vector.bitcast %parallel_loop3A_1378 : vector<16xi32> to vector<16xf32>
        %parallel_loop3A_1380 = arith.mulf %parallel_loop3A_1371, %parallel_loop3A_1377 : vector<16xf32>
        %parallel_loop3A_1381 = arith.mulf %parallel_loop3A_1373, %parallel_loop3A_1379 : vector<16xf32>
        %parallel_loop3A_1382 = arith.addf %parallel_loop3A_1380, %parallel_loop3A_1381 : vector<16xf32>
        %parallel_loop3A_1383 = arith.addf %parallel_loop3A_1359, %parallel_loop3A_1382 : vector<16xf32>
        %parallel_loop3A_1384 = arith.constant 1 : i32
        %parallel_loop3A_1385 = arith.addi %parallel_loop3A_1358, %parallel_loop3A_1384 : i32
        %parallel_loop3A_1386 = vector.broadcast %parallel_loop3A_1385 : i32 to vector<16xi32>
        %parallel_loop3A_1387 = arith.addi %iota3A, %parallel_loop3A_1386 : vector<16xi32>
        %parallel_loop3A_1388 = arith.constant 63 : i32
        %parallel_loop3A_1389 = vector.broadcast %parallel_loop3A_1388 : i32 to vector<16xi32>
        %parallel_loop3A_1390 = arith.andi %parallel_loop3A_1387, %parallel_loop3A_1389 : vector<16xi32>
        %parallel_loop3A_1391 = tpu.vector_load_idx %arg19[%add3A_1024, %parallel_loop3A_1390] : memref<80x64xi32, #tpu.memory_space<vmem>>[vector<16xi32>, vector<16xi32>], vector<16xi32>,
        %parallel_loop3A_1392 = tpu.vector_load_idx %arg21[%add3A_1024, %parallel_loop3A_1390] : memref<80x96xi32, #tpu.memory_space<vmem>>[vector<16xi32>, vector<16xi32>], vector<16xi32>,
        %parallel_loop3A_1393 = arith.constant 16 : i32
        %parallel_loop3A_1394 = vector.broadcast %parallel_loop3A_1393 : i32 to vector<16xi32>
        %parallel_loop3A_1395 = arith.shli %parallel_loop3A_1391, %parallel_loop3A_1394 : vector<16xi32>
        %parallel_loop3A_1396 = vector.bitcast %parallel_loop3A_1395 : vector<16xi32> to vector<16xf32>
        %parallel_loop3A_1397 = arith.andi %parallel_loop3A_1391, %broadcast_in_dim3A_9 : vector<16xi32>
        %parallel_loop3A_1398 = vector.bitcast %parallel_loop3A_1397 : vector<16xi32> to vector<16xf32>
        %parallel_loop3A_1399 = arith.constant 16 : i32
        %parallel_loop3A_1400 = vector.broadcast %parallel_loop3A_1399 : i32 to vector<16xi32>
        %parallel_loop3A_1401 = arith.shli %parallel_loop3A_1392, %parallel_loop3A_1400 : vector<16xi32>
        %parallel_loop3A_1402 = vector.bitcast %parallel_loop3A_1401 : vector<16xi32> to vector<16xf32>
        %parallel_loop3A_1403 = arith.andi %parallel_loop3A_1392, %broadcast_in_dim3A_9 : vector<16xi32>
        %parallel_loop3A_1404 = vector.bitcast %parallel_loop3A_1403 : vector<16xi32> to vector<16xf32>
        %parallel_loop3A_1405 = arith.mulf %parallel_loop3A_1396, %parallel_loop3A_1402 : vector<16xf32>
        %parallel_loop3A_1406 = arith.mulf %parallel_loop3A_1398, %parallel_loop3A_1404 : vector<16xf32>
        %parallel_loop3A_1407 = arith.addf %parallel_loop3A_1405, %parallel_loop3A_1406 : vector<16xf32>
        %parallel_loop3A_1408 = arith.addf %parallel_loop3A_1360, %parallel_loop3A_1407 : vector<16xf32>
        scf.yield %parallel_loop3A_1383, %parallel_loop3A_1408 : vector<16xf32>, vector<16xf32>
      } {sc.loop_unroll_factor = 4 : i64, sc.parallel_access}
      %add3A_1039 = arith.addf %parallel_loop3A_1038#0, %parallel_loop3A_1038#1 : vector<16xf32>
      %add3A_1040 = arith.constant 64 : i32
      %add3A_1041 = vector.broadcast %add3A_1040 : i32 to vector<16xi32>
      %add3A_1042 = arith.addi %shift_right_arithmetic3A_1031, %add3A_1041 : vector<16xi32>
      %gather3A_1043 = tpu.vector_load_idx %arg21[%add3A_1024, %add3A_1042] : memref<80x96xi32, #tpu.memory_space<vmem>>[vector<16xi32>, vector<16xi32>], vector<16xi32>,
      %bitcast3A_1044 = vector.bitcast %gather3A_1043 : vector<16xi32> to vector<16xf32>
      %add3A_1045 = arith.constant 72 : i32
      %add3A_1046 = vector.broadcast %add3A_1045 : i32 to vector<16xi32>
      %add3A_1047 = arith.addi %shift_right_arithmetic3A_1031, %add3A_1046 : vector<16xi32>
      %gather3A_1048 = tpu.vector_load_idx %arg21[%add3A_1024, %add3A_1047] : memref<80x96xi32, #tpu.memory_space<vmem>>[vector<16xi32>, vector<16xi32>], vector<16xi32>,
      %bitcast3A_1049 = vector.bitcast %gather3A_1048 : vector<16xi32> to vector<16xf32>
      %add3A_1050 = arith.constant 80 : i32
      %add3A_1051 = vector.broadcast %add3A_1050 : i32 to vector<16xi32>
      %add3A_1052 = arith.addi %shift_right_arithmetic3A_1031, %add3A_1051 : vector<16xi32>
      %gather3A_1053 = tpu.vector_load_idx %arg21[%add3A_1024, %add3A_1052] : memref<80x96xi32, #tpu.memory_space<vmem>>[vector<16xi32>, vector<16xi32>], vector<16xi32>,
      %bitcast3A_1054 = vector.bitcast %gather3A_1053 : vector<16xi32> to vector<16xf32>
      %mul3A_1055 = arith.mulf %add3A_1039, %gather3A_1032 : vector<16xf32>
      %mul3A_1056 = arith.mulf %mul3A_1055, %bitcast3A_1044 : vector<16xf32>
      %add3A_1057 = arith.addf %mul3A_1056, %gather3A_1033 : vector<16xf32>
      %add3A_1058 = arith.addf %add3A_1057, %bitcast3A_1049 : vector<16xf32>
      %swap3A_1059 = arith.constant 16 : index
      %swap3A_1060 = tpu.vector_load %arg23[%swap3A_1059] {strides = array<i32>} : memref<80xf32, #tpu.memory_space<vmem>>, vector<16xf32>,
      tpu.vector_store %arg23[%swap3A_1059], %add3A_1058 {strides = array<i32>} : memref<80xf32, #tpu.memory_space<vmem>>, vector<16xf32>,
      %add3A_1061 = arith.addf %gather3A_1034, %bitcast3A_1054 : vector<16xf32>
      %abs3A_1062 = math.absf %add3A_1061 : vector<16xf32>
      %neg3A_1063 = arith.constant 0.000000e+00 : f32
      %neg3A_1064 = vector.broadcast %neg3A_1063 : f32 to vector<16xf32>
      %neg3A_1065 = arith.subf %neg3A_1064, %abs3A_1062 : vector<16xf32>
      %exp3A_1066 = math.exp %neg3A_1065 : vector<16xf32>
      %mul3A_1067 = arith.constant -0.0236895699 : f32
      %mul3A_1068 = vector.broadcast %mul3A_1067 : f32 to vector<16xf32>
      %mul3A_1069 = arith.mulf %exp3A_1066, %mul3A_1068 : vector<16xf32>
      %add3A_1070 = arith.constant 0.100288436 : f32
      %add3A_1071 = vector.broadcast %add3A_1070 : f32 to vector<16xf32>
      %add3A_1072 = arith.addf %add3A_1071, %mul3A_1069 : vector<16xf32>
      %mul3A_1073 = arith.mulf %exp3A_1066, %add3A_1072 : vector<16xf32>
      %add3A_1074 = arith.constant -0.208671257 : f32
      %add3A_1075 = vector.broadcast %add3A_1074 : f32 to vector<16xf32>
      %add3A_1076 = arith.addf %add3A_1075, %mul3A_1073 : vector<16xf32>
      %mul3A_1077 = arith.mulf %exp3A_1066, %add3A_1076 : vector<16xf32>
      %add3A_1078 = arith.constant 0.324412674 : f32
      %add3A_1079 = vector.broadcast %add3A_1078 : f32 to vector<16xf32>
      %add3A_1080 = arith.addf %add3A_1079, %mul3A_1077 : vector<16xf32>
      %mul3A_1081 = arith.mulf %exp3A_1066, %add3A_1080 : vector<16xf32>
      %add3A_1082 = arith.constant -0.499188036 : f32
      %add3A_1083 = vector.broadcast %add3A_1082 : f32 to vector<16xf32>
      %add3A_1084 = arith.addf %add3A_1083, %mul3A_1081 : vector<16xf32>
      %mul3A_1085 = arith.mulf %exp3A_1066, %add3A_1084 : vector<16xf32>
      %add3A_1086 = arith.constant 0.99998188 : f32
      %add3A_1087 = vector.broadcast %add3A_1086 : f32 to vector<16xf32>
      %add3A_1088 = arith.addf %add3A_1087, %mul3A_1085 : vector<16xf32>
      %mul3A_1089 = arith.mulf %exp3A_1066, %add3A_1088 : vector<16xf32>
      %max3A_1090 = arith.constant 0.000000e+00 : f32
      %max3A_1091 = vector.broadcast %max3A_1090 : f32 to vector<16xf32>
      %max3A_1092 = arith.maximumf %add3A_1061, %max3A_1091 : vector<16xf32>
      %add3A_1093 = arith.addf %max3A_1092, %mul3A_1089 : vector<16xf32>
      %add3A_1094 = arith.constant 9.99999974E-5 : f32
      %add3A_1095 = vector.broadcast %add3A_1094 : f32 to vector<16xf32>
      %add3A_1096 = arith.addf %add3A_1093, %add3A_1095 : vector<16xf32>
      %swap3A_1097 = arith.constant 16 : index
      %swap3A_1098 = tpu.vector_load %arg25[%swap3A_1097] {strides = array<i32>} : memref<80xf32, #tpu.memory_space<vmem>>, vector<16xf32>,
      tpu.vector_store %arg25[%swap3A_1097], %add3A_1096 {strides = array<i32>} : memref<80xf32, #tpu.memory_space<vmem>>, vector<16xf32>,
      %mul3A_1099 = arith.constant 80 : i32
      %mul3A_1100 = arith.muli %add3A_930, %mul3A_1099 : i32
      %add3A_1101 = arith.constant 32 : i32
      %add3A_1102 = arith.addi %mul3A_1100, %add3A_1101 : i32
      %get3A_1103 = arith.index_cast %add3A_1102 : i32 to index
      %get3A_1104 = tpu.vector_load %arg16[%get3A_1103] {strides = array<i32>} : memref<10000xi32, #tpu.memory_space<vmem>>, vector<16xi32>,
      %iota3A_1105 = tpu.iota {dimensions = array<i32: 0>} : vector<16xi32>
      %add3A_1106 = arith.constant 32 : i32
      %add3A_1107 = vector.broadcast %add3A_1106 : i32 to vector<16xi32>
      %add3A_1108 = arith.addi %iota3A_1105, %add3A_1107 : vector<16xi32>
      %gather3A_1109 = tpu.vector_load_idx %arg12[%get3A_1104] : memref<10000xi32, #tpu.memory_space<vmem>>[vector<16xi32>], vector<16xi32>,
      %and3A_1110 = arith.constant 16383 : i32
      %and3A_1111 = vector.broadcast %and3A_1110 : i32 to vector<16xi32>
      %and3A_1112 = arith.andi %gather3A_1109, %and3A_1111 : vector<16xi32>
      %shift_right_arithmetic3A_1113 = arith.constant 14 : i32
      %shift_right_arithmetic3A_1114 = vector.broadcast %shift_right_arithmetic3A_1113 : i32 to vector<16xi32>
      %shift_right_arithmetic3A_1115 = arith.shrsi %gather3A_1109, %shift_right_arithmetic3A_1114 : vector<16xi32>
      %gather3A_1116 = tpu.vector_load_idx %arg13[%and3A_1112] : memref<10000xf32, #tpu.memory_space<vmem>>[vector<16xi32>], vector<16xf32>,
      %gather3A_1117 = tpu.vector_load_idx %arg14[%and3A_1112] : memref<10000xf32, #tpu.memory_space<vmem>>[vector<16xi32>], vector<16xf32>,
      %gather3A_1118 = tpu.vector_load_idx %arg15[%and3A_1112] : memref<10000xf32, #tpu.memory_space<vmem>>[vector<16xi32>], vector<16xf32>,
      %parallel_loop3A_1119 = arith.constant 0 : i32
      %parallel_loop3A_1120 = arith.constant 64 : i32
      %parallel_loop3A_1121 = arith.constant 2 : i32
      %parallel_loop3A_1122:2 = scf.for %parallel_loop3A_1358 = %parallel_loop3A_1119 to %parallel_loop3A_1120 step %parallel_loop3A_1121 iter_args(%parallel_loop3A_1359 = %broadcast_in_dim3A_11, %parallel_loop3A_1360 = %broadcast_in_dim3A_11) -> (vector<16xf32>, vector<16xf32>)  : i32 {
        %parallel_loop3A_1361 = vector.broadcast %parallel_loop3A_1358 : i32 to vector<16xi32>
        %parallel_loop3A_1362 = arith.addi %iota3A, %parallel_loop3A_1361 : vector<16xi32>
        %parallel_loop3A_1363 = arith.constant 63 : i32
        %parallel_loop3A_1364 = vector.broadcast %parallel_loop3A_1363 : i32 to vector<16xi32>
        %parallel_loop3A_1365 = arith.andi %parallel_loop3A_1362, %parallel_loop3A_1364 : vector<16xi32>
        %parallel_loop3A_1366 = tpu.vector_load_idx %arg19[%add3A_1108, %parallel_loop3A_1365] : memref<80x64xi32, #tpu.memory_space<vmem>>[vector<16xi32>, vector<16xi32>], vector<16xi32>,
        %parallel_loop3A_1367 = tpu.vector_load_idx %arg21[%add3A_1108, %parallel_loop3A_1365] : memref<80x96xi32, #tpu.memory_space<vmem>>[vector<16xi32>, vector<16xi32>], vector<16xi32>,
        %parallel_loop3A_1368 = arith.constant 16 : i32
        %parallel_loop3A_1369 = vector.broadcast %parallel_loop3A_1368 : i32 to vector<16xi32>
        %parallel_loop3A_1370 = arith.shli %parallel_loop3A_1366, %parallel_loop3A_1369 : vector<16xi32>
        %parallel_loop3A_1371 = vector.bitcast %parallel_loop3A_1370 : vector<16xi32> to vector<16xf32>
        %parallel_loop3A_1372 = arith.andi %parallel_loop3A_1366, %broadcast_in_dim3A_9 : vector<16xi32>
        %parallel_loop3A_1373 = vector.bitcast %parallel_loop3A_1372 : vector<16xi32> to vector<16xf32>
        %parallel_loop3A_1374 = arith.constant 16 : i32
        %parallel_loop3A_1375 = vector.broadcast %parallel_loop3A_1374 : i32 to vector<16xi32>
        %parallel_loop3A_1376 = arith.shli %parallel_loop3A_1367, %parallel_loop3A_1375 : vector<16xi32>
        %parallel_loop3A_1377 = vector.bitcast %parallel_loop3A_1376 : vector<16xi32> to vector<16xf32>
        %parallel_loop3A_1378 = arith.andi %parallel_loop3A_1367, %broadcast_in_dim3A_9 : vector<16xi32>
        %parallel_loop3A_1379 = vector.bitcast %parallel_loop3A_1378 : vector<16xi32> to vector<16xf32>
        %parallel_loop3A_1380 = arith.mulf %parallel_loop3A_1371, %parallel_loop3A_1377 : vector<16xf32>
        %parallel_loop3A_1381 = arith.mulf %parallel_loop3A_1373, %parallel_loop3A_1379 : vector<16xf32>
        %parallel_loop3A_1382 = arith.addf %parallel_loop3A_1380, %parallel_loop3A_1381 : vector<16xf32>
        %parallel_loop3A_1383 = arith.addf %parallel_loop3A_1359, %parallel_loop3A_1382 : vector<16xf32>
        %parallel_loop3A_1384 = arith.constant 1 : i32
        %parallel_loop3A_1385 = arith.addi %parallel_loop3A_1358, %parallel_loop3A_1384 : i32
        %parallel_loop3A_1386 = vector.broadcast %parallel_loop3A_1385 : i32 to vector<16xi32>
        %parallel_loop3A_1387 = arith.addi %iota3A, %parallel_loop3A_1386 : vector<16xi32>
        %parallel_loop3A_1388 = arith.constant 63 : i32
        %parallel_loop3A_1389 = vector.broadcast %parallel_loop3A_1388 : i32 to vector<16xi32>
        %parallel_loop3A_1390 = arith.andi %parallel_loop3A_1387, %parallel_loop3A_1389 : vector<16xi32>
        %parallel_loop3A_1391 = tpu.vector_load_idx %arg19[%add3A_1108, %parallel_loop3A_1390] : memref<80x64xi32, #tpu.memory_space<vmem>>[vector<16xi32>, vector<16xi32>], vector<16xi32>,
        %parallel_loop3A_1392 = tpu.vector_load_idx %arg21[%add3A_1108, %parallel_loop3A_1390] : memref<80x96xi32, #tpu.memory_space<vmem>>[vector<16xi32>, vector<16xi32>], vector<16xi32>,
        %parallel_loop3A_1393 = arith.constant 16 : i32
        %parallel_loop3A_1394 = vector.broadcast %parallel_loop3A_1393 : i32 to vector<16xi32>
        %parallel_loop3A_1395 = arith.shli %parallel_loop3A_1391, %parallel_loop3A_1394 : vector<16xi32>
        %parallel_loop3A_1396 = vector.bitcast %parallel_loop3A_1395 : vector<16xi32> to vector<16xf32>
        %parallel_loop3A_1397 = arith.andi %parallel_loop3A_1391, %broadcast_in_dim3A_9 : vector<16xi32>
        %parallel_loop3A_1398 = vector.bitcast %parallel_loop3A_1397 : vector<16xi32> to vector<16xf32>
        %parallel_loop3A_1399 = arith.constant 16 : i32
        %parallel_loop3A_1400 = vector.broadcast %parallel_loop3A_1399 : i32 to vector<16xi32>
        %parallel_loop3A_1401 = arith.shli %parallel_loop3A_1392, %parallel_loop3A_1400 : vector<16xi32>
        %parallel_loop3A_1402 = vector.bitcast %parallel_loop3A_1401 : vector<16xi32> to vector<16xf32>
        %parallel_loop3A_1403 = arith.andi %parallel_loop3A_1392, %broadcast_in_dim3A_9 : vector<16xi32>
        %parallel_loop3A_1404 = vector.bitcast %parallel_loop3A_1403 : vector<16xi32> to vector<16xf32>
        %parallel_loop3A_1405 = arith.mulf %parallel_loop3A_1396, %parallel_loop3A_1402 : vector<16xf32>
        %parallel_loop3A_1406 = arith.mulf %parallel_loop3A_1398, %parallel_loop3A_1404 : vector<16xf32>
        %parallel_loop3A_1407 = arith.addf %parallel_loop3A_1405, %parallel_loop3A_1406 : vector<16xf32>
        %parallel_loop3A_1408 = arith.addf %parallel_loop3A_1360, %parallel_loop3A_1407 : vector<16xf32>
        scf.yield %parallel_loop3A_1383, %parallel_loop3A_1408 : vector<16xf32>, vector<16xf32>
      } {sc.loop_unroll_factor = 4 : i64, sc.parallel_access}
      %add3A_1123 = arith.addf %parallel_loop3A_1122#0, %parallel_loop3A_1122#1 : vector<16xf32>
      %add3A_1124 = arith.constant 64 : i32
      %add3A_1125 = vector.broadcast %add3A_1124 : i32 to vector<16xi32>
      %add3A_1126 = arith.addi %shift_right_arithmetic3A_1115, %add3A_1125 : vector<16xi32>
      %gather3A_1127 = tpu.vector_load_idx %arg21[%add3A_1108, %add3A_1126] : memref<80x96xi32, #tpu.memory_space<vmem>>[vector<16xi32>, vector<16xi32>], vector<16xi32>,
      %bitcast3A_1128 = vector.bitcast %gather3A_1127 : vector<16xi32> to vector<16xf32>
      %add3A_1129 = arith.constant 72 : i32
      %add3A_1130 = vector.broadcast %add3A_1129 : i32 to vector<16xi32>
      %add3A_1131 = arith.addi %shift_right_arithmetic3A_1115, %add3A_1130 : vector<16xi32>
      %gather3A_1132 = tpu.vector_load_idx %arg21[%add3A_1108, %add3A_1131] : memref<80x96xi32, #tpu.memory_space<vmem>>[vector<16xi32>, vector<16xi32>], vector<16xi32>,
      %bitcast3A_1133 = vector.bitcast %gather3A_1132 : vector<16xi32> to vector<16xf32>
      %add3A_1134 = arith.constant 80 : i32
      %add3A_1135 = vector.broadcast %add3A_1134 : i32 to vector<16xi32>
      %add3A_1136 = arith.addi %shift_right_arithmetic3A_1115, %add3A_1135 : vector<16xi32>
      %gather3A_1137 = tpu.vector_load_idx %arg21[%add3A_1108, %add3A_1136] : memref<80x96xi32, #tpu.memory_space<vmem>>[vector<16xi32>, vector<16xi32>], vector<16xi32>,
      %bitcast3A_1138 = vector.bitcast %gather3A_1137 : vector<16xi32> to vector<16xf32>
      %mul3A_1139 = arith.mulf %add3A_1123, %gather3A_1116 : vector<16xf32>
      %mul3A_1140 = arith.mulf %mul3A_1139, %bitcast3A_1128 : vector<16xf32>
      %add3A_1141 = arith.addf %mul3A_1140, %gather3A_1117 : vector<16xf32>
      %add3A_1142 = arith.addf %add3A_1141, %bitcast3A_1133 : vector<16xf32>
      %swap3A_1143 = arith.constant 32 : index
      %swap3A_1144 = tpu.vector_load %arg23[%swap3A_1143] {strides = array<i32>} : memref<80xf32, #tpu.memory_space<vmem>>, vector<16xf32>,
      tpu.vector_store %arg23[%swap3A_1143], %add3A_1142 {strides = array<i32>} : memref<80xf32, #tpu.memory_space<vmem>>, vector<16xf32>,
      %add3A_1145 = arith.addf %gather3A_1118, %bitcast3A_1138 : vector<16xf32>
      %abs3A_1146 = math.absf %add3A_1145 : vector<16xf32>
      %neg3A_1147 = arith.constant 0.000000e+00 : f32
      %neg3A_1148 = vector.broadcast %neg3A_1147 : f32 to vector<16xf32>
      %neg3A_1149 = arith.subf %neg3A_1148, %abs3A_1146 : vector<16xf32>
      %exp3A_1150 = math.exp %neg3A_1149 : vector<16xf32>
      %mul3A_1151 = arith.constant -0.0236895699 : f32
      %mul3A_1152 = vector.broadcast %mul3A_1151 : f32 to vector<16xf32>
      %mul3A_1153 = arith.mulf %exp3A_1150, %mul3A_1152 : vector<16xf32>
      %add3A_1154 = arith.constant 0.100288436 : f32
      %add3A_1155 = vector.broadcast %add3A_1154 : f32 to vector<16xf32>
      %add3A_1156 = arith.addf %add3A_1155, %mul3A_1153 : vector<16xf32>
      %mul3A_1157 = arith.mulf %exp3A_1150, %add3A_1156 : vector<16xf32>
      %add3A_1158 = arith.constant -0.208671257 : f32
      %add3A_1159 = vector.broadcast %add3A_1158 : f32 to vector<16xf32>
      %add3A_1160 = arith.addf %add3A_1159, %mul3A_1157 : vector<16xf32>
      %mul3A_1161 = arith.mulf %exp3A_1150, %add3A_1160 : vector<16xf32>
      %add3A_1162 = arith.constant 0.324412674 : f32
      %add3A_1163 = vector.broadcast %add3A_1162 : f32 to vector<16xf32>
      %add3A_1164 = arith.addf %add3A_1163, %mul3A_1161 : vector<16xf32>
      %mul3A_1165 = arith.mulf %exp3A_1150, %add3A_1164 : vector<16xf32>
      %add3A_1166 = arith.constant -0.499188036 : f32
      %add3A_1167 = vector.broadcast %add3A_1166 : f32 to vector<16xf32>
      %add3A_1168 = arith.addf %add3A_1167, %mul3A_1165 : vector<16xf32>
      %mul3A_1169 = arith.mulf %exp3A_1150, %add3A_1168 : vector<16xf32>
      %add3A_1170 = arith.constant 0.99998188 : f32
      %add3A_1171 = vector.broadcast %add3A_1170 : f32 to vector<16xf32>
      %add3A_1172 = arith.addf %add3A_1171, %mul3A_1169 : vector<16xf32>
      %mul3A_1173 = arith.mulf %exp3A_1150, %add3A_1172 : vector<16xf32>
      %max3A_1174 = arith.constant 0.000000e+00 : f32
      %max3A_1175 = vector.broadcast %max3A_1174 : f32 to vector<16xf32>
      %max3A_1176 = arith.maximumf %add3A_1145, %max3A_1175 : vector<16xf32>
      %add3A_1177 = arith.addf %max3A_1176, %mul3A_1173 : vector<16xf32>
      %add3A_1178 = arith.constant 9.99999974E-5 : f32
      %add3A_1179 = vector.broadcast %add3A_1178 : f32 to vector<16xf32>
      %add3A_1180 = arith.addf %add3A_1177, %add3A_1179 : vector<16xf32>
      %swap3A_1181 = arith.constant 32 : index
      %swap3A_1182 = tpu.vector_load %arg25[%swap3A_1181] {strides = array<i32>} : memref<80xf32, #tpu.memory_space<vmem>>, vector<16xf32>,
      tpu.vector_store %arg25[%swap3A_1181], %add3A_1180 {strides = array<i32>} : memref<80xf32, #tpu.memory_space<vmem>>, vector<16xf32>,
      %mul3A_1183 = arith.constant 80 : i32
      %mul3A_1184 = arith.muli %add3A_930, %mul3A_1183 : i32
      %add3A_1185 = arith.constant 48 : i32
      %add3A_1186 = arith.addi %mul3A_1184, %add3A_1185 : i32
      %get3A_1187 = arith.index_cast %add3A_1186 : i32 to index
      %get3A_1188 = tpu.vector_load %arg16[%get3A_1187] {strides = array<i32>} : memref<10000xi32, #tpu.memory_space<vmem>>, vector<16xi32>,
      %iota3A_1189 = tpu.iota {dimensions = array<i32: 0>} : vector<16xi32>
      %add3A_1190 = arith.constant 48 : i32
      %add3A_1191 = vector.broadcast %add3A_1190 : i32 to vector<16xi32>
      %add3A_1192 = arith.addi %iota3A_1189, %add3A_1191 : vector<16xi32>
      %gather3A_1193 = tpu.vector_load_idx %arg12[%get3A_1188] : memref<10000xi32, #tpu.memory_space<vmem>>[vector<16xi32>], vector<16xi32>,
      %and3A_1194 = arith.constant 16383 : i32
      %and3A_1195 = vector.broadcast %and3A_1194 : i32 to vector<16xi32>
      %and3A_1196 = arith.andi %gather3A_1193, %and3A_1195 : vector<16xi32>
      %shift_right_arithmetic3A_1197 = arith.constant 14 : i32
      %shift_right_arithmetic3A_1198 = vector.broadcast %shift_right_arithmetic3A_1197 : i32 to vector<16xi32>
      %shift_right_arithmetic3A_1199 = arith.shrsi %gather3A_1193, %shift_right_arithmetic3A_1198 : vector<16xi32>
      %gather3A_1200 = tpu.vector_load_idx %arg13[%and3A_1196] : memref<10000xf32, #tpu.memory_space<vmem>>[vector<16xi32>], vector<16xf32>,
      %gather3A_1201 = tpu.vector_load_idx %arg14[%and3A_1196] : memref<10000xf32, #tpu.memory_space<vmem>>[vector<16xi32>], vector<16xf32>,
      %gather3A_1202 = tpu.vector_load_idx %arg15[%and3A_1196] : memref<10000xf32, #tpu.memory_space<vmem>>[vector<16xi32>], vector<16xf32>,
      %parallel_loop3A_1203 = arith.constant 0 : i32
      %parallel_loop3A_1204 = arith.constant 64 : i32
      %parallel_loop3A_1205 = arith.constant 2 : i32
      %parallel_loop3A_1206:2 = scf.for %parallel_loop3A_1358 = %parallel_loop3A_1203 to %parallel_loop3A_1204 step %parallel_loop3A_1205 iter_args(%parallel_loop3A_1359 = %broadcast_in_dim3A_11, %parallel_loop3A_1360 = %broadcast_in_dim3A_11) -> (vector<16xf32>, vector<16xf32>)  : i32 {
        %parallel_loop3A_1361 = vector.broadcast %parallel_loop3A_1358 : i32 to vector<16xi32>
        %parallel_loop3A_1362 = arith.addi %iota3A, %parallel_loop3A_1361 : vector<16xi32>
        %parallel_loop3A_1363 = arith.constant 63 : i32
        %parallel_loop3A_1364 = vector.broadcast %parallel_loop3A_1363 : i32 to vector<16xi32>
        %parallel_loop3A_1365 = arith.andi %parallel_loop3A_1362, %parallel_loop3A_1364 : vector<16xi32>
        %parallel_loop3A_1366 = tpu.vector_load_idx %arg19[%add3A_1192, %parallel_loop3A_1365] : memref<80x64xi32, #tpu.memory_space<vmem>>[vector<16xi32>, vector<16xi32>], vector<16xi32>,
        %parallel_loop3A_1367 = tpu.vector_load_idx %arg21[%add3A_1192, %parallel_loop3A_1365] : memref<80x96xi32, #tpu.memory_space<vmem>>[vector<16xi32>, vector<16xi32>], vector<16xi32>,
        %parallel_loop3A_1368 = arith.constant 16 : i32
        %parallel_loop3A_1369 = vector.broadcast %parallel_loop3A_1368 : i32 to vector<16xi32>
        %parallel_loop3A_1370 = arith.shli %parallel_loop3A_1366, %parallel_loop3A_1369 : vector<16xi32>
        %parallel_loop3A_1371 = vector.bitcast %parallel_loop3A_1370 : vector<16xi32> to vector<16xf32>
        %parallel_loop3A_1372 = arith.andi %parallel_loop3A_1366, %broadcast_in_dim3A_9 : vector<16xi32>
        %parallel_loop3A_1373 = vector.bitcast %parallel_loop3A_1372 : vector<16xi32> to vector<16xf32>
        %parallel_loop3A_1374 = arith.constant 16 : i32
        %parallel_loop3A_1375 = vector.broadcast %parallel_loop3A_1374 : i32 to vector<16xi32>
        %parallel_loop3A_1376 = arith.shli %parallel_loop3A_1367, %parallel_loop3A_1375 : vector<16xi32>
        %parallel_loop3A_1377 = vector.bitcast %parallel_loop3A_1376 : vector<16xi32> to vector<16xf32>
        %parallel_loop3A_1378 = arith.andi %parallel_loop3A_1367, %broadcast_in_dim3A_9 : vector<16xi32>
        %parallel_loop3A_1379 = vector.bitcast %parallel_loop3A_1378 : vector<16xi32> to vector<16xf32>
        %parallel_loop3A_1380 = arith.mulf %parallel_loop3A_1371, %parallel_loop3A_1377 : vector<16xf32>
        %parallel_loop3A_1381 = arith.mulf %parallel_loop3A_1373, %parallel_loop3A_1379 : vector<16xf32>
        %parallel_loop3A_1382 = arith.addf %parallel_loop3A_1380, %parallel_loop3A_1381 : vector<16xf32>
        %parallel_loop3A_1383 = arith.addf %parallel_loop3A_1359, %parallel_loop3A_1382 : vector<16xf32>
        %parallel_loop3A_1384 = arith.constant 1 : i32
        %parallel_loop3A_1385 = arith.addi %parallel_loop3A_1358, %parallel_loop3A_1384 : i32
        %parallel_loop3A_1386 = vector.broadcast %parallel_loop3A_1385 : i32 to vector<16xi32>
        %parallel_loop3A_1387 = arith.addi %iota3A, %parallel_loop3A_1386 : vector<16xi32>
        %parallel_loop3A_1388 = arith.constant 63 : i32
        %parallel_loop3A_1389 = vector.broadcast %parallel_loop3A_1388 : i32 to vector<16xi32>
        %parallel_loop3A_1390 = arith.andi %parallel_loop3A_1387, %parallel_loop3A_1389 : vector<16xi32>
        %parallel_loop3A_1391 = tpu.vector_load_idx %arg19[%add3A_1192, %parallel_loop3A_1390] : memref<80x64xi32, #tpu.memory_space<vmem>>[vector<16xi32>, vector<16xi32>], vector<16xi32>,
        %parallel_loop3A_1392 = tpu.vector_load_idx %arg21[%add3A_1192, %parallel_loop3A_1390] : memref<80x96xi32, #tpu.memory_space<vmem>>[vector<16xi32>, vector<16xi32>], vector<16xi32>,
        %parallel_loop3A_1393 = arith.constant 16 : i32
        %parallel_loop3A_1394 = vector.broadcast %parallel_loop3A_1393 : i32 to vector<16xi32>
        %parallel_loop3A_1395 = arith.shli %parallel_loop3A_1391, %parallel_loop3A_1394 : vector<16xi32>
        %parallel_loop3A_1396 = vector.bitcast %parallel_loop3A_1395 : vector<16xi32> to vector<16xf32>
        %parallel_loop3A_1397 = arith.andi %parallel_loop3A_1391, %broadcast_in_dim3A_9 : vector<16xi32>
        %parallel_loop3A_1398 = vector.bitcast %parallel_loop3A_1397 : vector<16xi32> to vector<16xf32>
        %parallel_loop3A_1399 = arith.constant 16 : i32
        %parallel_loop3A_1400 = vector.broadcast %parallel_loop3A_1399 : i32 to vector<16xi32>
        %parallel_loop3A_1401 = arith.shli %parallel_loop3A_1392, %parallel_loop3A_1400 : vector<16xi32>
        %parallel_loop3A_1402 = vector.bitcast %parallel_loop3A_1401 : vector<16xi32> to vector<16xf32>
        %parallel_loop3A_1403 = arith.andi %parallel_loop3A_1392, %broadcast_in_dim3A_9 : vector<16xi32>
        %parallel_loop3A_1404 = vector.bitcast %parallel_loop3A_1403 : vector<16xi32> to vector<16xf32>
        %parallel_loop3A_1405 = arith.mulf %parallel_loop3A_1396, %parallel_loop3A_1402 : vector<16xf32>
        %parallel_loop3A_1406 = arith.mulf %parallel_loop3A_1398, %parallel_loop3A_1404 : vector<16xf32>
        %parallel_loop3A_1407 = arith.addf %parallel_loop3A_1405, %parallel_loop3A_1406 : vector<16xf32>
        %parallel_loop3A_1408 = arith.addf %parallel_loop3A_1360, %parallel_loop3A_1407 : vector<16xf32>
        scf.yield %parallel_loop3A_1383, %parallel_loop3A_1408 : vector<16xf32>, vector<16xf32>
      } {sc.loop_unroll_factor = 4 : i64, sc.parallel_access}
      %add3A_1207 = arith.addf %parallel_loop3A_1206#0, %parallel_loop3A_1206#1 : vector<16xf32>
      %add3A_1208 = arith.constant 64 : i32
      %add3A_1209 = vector.broadcast %add3A_1208 : i32 to vector<16xi32>
      %add3A_1210 = arith.addi %shift_right_arithmetic3A_1199, %add3A_1209 : vector<16xi32>
      %gather3A_1211 = tpu.vector_load_idx %arg21[%add3A_1192, %add3A_1210] : memref<80x96xi32, #tpu.memory_space<vmem>>[vector<16xi32>, vector<16xi32>], vector<16xi32>,
      %bitcast3A_1212 = vector.bitcast %gather3A_1211 : vector<16xi32> to vector<16xf32>
      %add3A_1213 = arith.constant 72 : i32
      %add3A_1214 = vector.broadcast %add3A_1213 : i32 to vector<16xi32>
      %add3A_1215 = arith.addi %shift_right_arithmetic3A_1199, %add3A_1214 : vector<16xi32>
      %gather3A_1216 = tpu.vector_load_idx %arg21[%add3A_1192, %add3A_1215] : memref<80x96xi32, #tpu.memory_space<vmem>>[vector<16xi32>, vector<16xi32>], vector<16xi32>,
      %bitcast3A_1217 = vector.bitcast %gather3A_1216 : vector<16xi32> to vector<16xf32>
      %add3A_1218 = arith.constant 80 : i32
      %add3A_1219 = vector.broadcast %add3A_1218 : i32 to vector<16xi32>
      %add3A_1220 = arith.addi %shift_right_arithmetic3A_1199, %add3A_1219 : vector<16xi32>
      %gather3A_1221 = tpu.vector_load_idx %arg21[%add3A_1192, %add3A_1220] : memref<80x96xi32, #tpu.memory_space<vmem>>[vector<16xi32>, vector<16xi32>], vector<16xi32>,
      %bitcast3A_1222 = vector.bitcast %gather3A_1221 : vector<16xi32> to vector<16xf32>
      %mul3A_1223 = arith.mulf %add3A_1207, %gather3A_1200 : vector<16xf32>
      %mul3A_1224 = arith.mulf %mul3A_1223, %bitcast3A_1212 : vector<16xf32>
      %add3A_1225 = arith.addf %mul3A_1224, %gather3A_1201 : vector<16xf32>
      %add3A_1226 = arith.addf %add3A_1225, %bitcast3A_1217 : vector<16xf32>
      %swap3A_1227 = arith.constant 48 : index
      %swap3A_1228 = tpu.vector_load %arg23[%swap3A_1227] {strides = array<i32>} : memref<80xf32, #tpu.memory_space<vmem>>, vector<16xf32>,
      tpu.vector_store %arg23[%swap3A_1227], %add3A_1226 {strides = array<i32>} : memref<80xf32, #tpu.memory_space<vmem>>, vector<16xf32>,
      %add3A_1229 = arith.addf %gather3A_1202, %bitcast3A_1222 : vector<16xf32>
      %abs3A_1230 = math.absf %add3A_1229 : vector<16xf32>
      %neg3A_1231 = arith.constant 0.000000e+00 : f32
      %neg3A_1232 = vector.broadcast %neg3A_1231 : f32 to vector<16xf32>
      %neg3A_1233 = arith.subf %neg3A_1232, %abs3A_1230 : vector<16xf32>
      %exp3A_1234 = math.exp %neg3A_1233 : vector<16xf32>
      %mul3A_1235 = arith.constant -0.0236895699 : f32
      %mul3A_1236 = vector.broadcast %mul3A_1235 : f32 to vector<16xf32>
      %mul3A_1237 = arith.mulf %exp3A_1234, %mul3A_1236 : vector<16xf32>
      %add3A_1238 = arith.constant 0.100288436 : f32
      %add3A_1239 = vector.broadcast %add3A_1238 : f32 to vector<16xf32>
      %add3A_1240 = arith.addf %add3A_1239, %mul3A_1237 : vector<16xf32>
      %mul3A_1241 = arith.mulf %exp3A_1234, %add3A_1240 : vector<16xf32>
      %add3A_1242 = arith.constant -0.208671257 : f32
      %add3A_1243 = vector.broadcast %add3A_1242 : f32 to vector<16xf32>
      %add3A_1244 = arith.addf %add3A_1243, %mul3A_1241 : vector<16xf32>
      %mul3A_1245 = arith.mulf %exp3A_1234, %add3A_1244 : vector<16xf32>
      %add3A_1246 = arith.constant 0.324412674 : f32
      %add3A_1247 = vector.broadcast %add3A_1246 : f32 to vector<16xf32>
      %add3A_1248 = arith.addf %add3A_1247, %mul3A_1245 : vector<16xf32>
      %mul3A_1249 = arith.mulf %exp3A_1234, %add3A_1248 : vector<16xf32>
      %add3A_1250 = arith.constant -0.499188036 : f32
      %add3A_1251 = vector.broadcast %add3A_1250 : f32 to vector<16xf32>
      %add3A_1252 = arith.addf %add3A_1251, %mul3A_1249 : vector<16xf32>
      %mul3A_1253 = arith.mulf %exp3A_1234, %add3A_1252 : vector<16xf32>
      %add3A_1254 = arith.constant 0.99998188 : f32
      %add3A_1255 = vector.broadcast %add3A_1254 : f32 to vector<16xf32>
      %add3A_1256 = arith.addf %add3A_1255, %mul3A_1253 : vector<16xf32>
      %mul3A_1257 = arith.mulf %exp3A_1234, %add3A_1256 : vector<16xf32>
      %max3A_1258 = arith.constant 0.000000e+00 : f32
      %max3A_1259 = vector.broadcast %max3A_1258 : f32 to vector<16xf32>
      %max3A_1260 = arith.maximumf %add3A_1229, %max3A_1259 : vector<16xf32>
      %add3A_1261 = arith.addf %max3A_1260, %mul3A_1257 : vector<16xf32>
      %add3A_1262 = arith.constant 9.99999974E-5 : f32
      %add3A_1263 = vector.broadcast %add3A_1262 : f32 to vector<16xf32>
      %add3A_1264 = arith.addf %add3A_1261, %add3A_1263 : vector<16xf32>
      %swap3A_1265 = arith.constant 48 : index
      %swap3A_1266 = tpu.vector_load %arg25[%swap3A_1265] {strides = array<i32>} : memref<80xf32, #tpu.memory_space<vmem>>, vector<16xf32>,
      tpu.vector_store %arg25[%swap3A_1265], %add3A_1264 {strides = array<i32>} : memref<80xf32, #tpu.memory_space<vmem>>, vector<16xf32>,
      %mul3A_1267 = arith.constant 80 : i32
      %mul3A_1268 = arith.muli %add3A_930, %mul3A_1267 : i32
      %add3A_1269 = arith.constant 64 : i32
      %add3A_1270 = arith.addi %mul3A_1268, %add3A_1269 : i32
      %get3A_1271 = arith.index_cast %add3A_1270 : i32 to index
      %get3A_1272 = tpu.vector_load %arg16[%get3A_1271] {strides = array<i32>} : memref<10000xi32, #tpu.memory_space<vmem>>, vector<16xi32>,
      %iota3A_1273 = tpu.iota {dimensions = array<i32: 0>} : vector<16xi32>
      %add3A_1274 = arith.constant 64 : i32
      %add3A_1275 = vector.broadcast %add3A_1274 : i32 to vector<16xi32>
      %add3A_1276 = arith.addi %iota3A_1273, %add3A_1275 : vector<16xi32>
      %gather3A_1277 = tpu.vector_load_idx %arg12[%get3A_1272] : memref<10000xi32, #tpu.memory_space<vmem>>[vector<16xi32>], vector<16xi32>,
      %and3A_1278 = arith.constant 16383 : i32
      %and3A_1279 = vector.broadcast %and3A_1278 : i32 to vector<16xi32>
      %and3A_1280 = arith.andi %gather3A_1277, %and3A_1279 : vector<16xi32>
      %shift_right_arithmetic3A_1281 = arith.constant 14 : i32
      %shift_right_arithmetic3A_1282 = vector.broadcast %shift_right_arithmetic3A_1281 : i32 to vector<16xi32>
      %shift_right_arithmetic3A_1283 = arith.shrsi %gather3A_1277, %shift_right_arithmetic3A_1282 : vector<16xi32>
      %gather3A_1284 = tpu.vector_load_idx %arg13[%and3A_1280] : memref<10000xf32, #tpu.memory_space<vmem>>[vector<16xi32>], vector<16xf32>,
      %gather3A_1285 = tpu.vector_load_idx %arg14[%and3A_1280] : memref<10000xf32, #tpu.memory_space<vmem>>[vector<16xi32>], vector<16xf32>,
      %gather3A_1286 = tpu.vector_load_idx %arg15[%and3A_1280] : memref<10000xf32, #tpu.memory_space<vmem>>[vector<16xi32>], vector<16xf32>,
      %parallel_loop3A_1287 = arith.constant 0 : i32
      %parallel_loop3A_1288 = arith.constant 64 : i32
      %parallel_loop3A_1289 = arith.constant 2 : i32
      %parallel_loop3A_1290:2 = scf.for %parallel_loop3A_1358 = %parallel_loop3A_1287 to %parallel_loop3A_1288 step %parallel_loop3A_1289 iter_args(%parallel_loop3A_1359 = %broadcast_in_dim3A_11, %parallel_loop3A_1360 = %broadcast_in_dim3A_11) -> (vector<16xf32>, vector<16xf32>)  : i32 {
        %parallel_loop3A_1361 = vector.broadcast %parallel_loop3A_1358 : i32 to vector<16xi32>
        %parallel_loop3A_1362 = arith.addi %iota3A, %parallel_loop3A_1361 : vector<16xi32>
        %parallel_loop3A_1363 = arith.constant 63 : i32
        %parallel_loop3A_1364 = vector.broadcast %parallel_loop3A_1363 : i32 to vector<16xi32>
        %parallel_loop3A_1365 = arith.andi %parallel_loop3A_1362, %parallel_loop3A_1364 : vector<16xi32>
        %parallel_loop3A_1366 = tpu.vector_load_idx %arg19[%add3A_1276, %parallel_loop3A_1365] : memref<80x64xi32, #tpu.memory_space<vmem>>[vector<16xi32>, vector<16xi32>], vector<16xi32>,
        %parallel_loop3A_1367 = tpu.vector_load_idx %arg21[%add3A_1276, %parallel_loop3A_1365] : memref<80x96xi32, #tpu.memory_space<vmem>>[vector<16xi32>, vector<16xi32>], vector<16xi32>,
        %parallel_loop3A_1368 = arith.constant 16 : i32
        %parallel_loop3A_1369 = vector.broadcast %parallel_loop3A_1368 : i32 to vector<16xi32>
        %parallel_loop3A_1370 = arith.shli %parallel_loop3A_1366, %parallel_loop3A_1369 : vector<16xi32>
        %parallel_loop3A_1371 = vector.bitcast %parallel_loop3A_1370 : vector<16xi32> to vector<16xf32>
        %parallel_loop3A_1372 = arith.andi %parallel_loop3A_1366, %broadcast_in_dim3A_9 : vector<16xi32>
        %parallel_loop3A_1373 = vector.bitcast %parallel_loop3A_1372 : vector<16xi32> to vector<16xf32>
        %parallel_loop3A_1374 = arith.constant 16 : i32
        %parallel_loop3A_1375 = vector.broadcast %parallel_loop3A_1374 : i32 to vector<16xi32>
        %parallel_loop3A_1376 = arith.shli %parallel_loop3A_1367, %parallel_loop3A_1375 : vector<16xi32>
        %parallel_loop3A_1377 = vector.bitcast %parallel_loop3A_1376 : vector<16xi32> to vector<16xf32>
        %parallel_loop3A_1378 = arith.andi %parallel_loop3A_1367, %broadcast_in_dim3A_9 : vector<16xi32>
        %parallel_loop3A_1379 = vector.bitcast %parallel_loop3A_1378 : vector<16xi32> to vector<16xf32>
        %parallel_loop3A_1380 = arith.mulf %parallel_loop3A_1371, %parallel_loop3A_1377 : vector<16xf32>
        %parallel_loop3A_1381 = arith.mulf %parallel_loop3A_1373, %parallel_loop3A_1379 : vector<16xf32>
        %parallel_loop3A_1382 = arith.addf %parallel_loop3A_1380, %parallel_loop3A_1381 : vector<16xf32>
        %parallel_loop3A_1383 = arith.addf %parallel_loop3A_1359, %parallel_loop3A_1382 : vector<16xf32>
        %parallel_loop3A_1384 = arith.constant 1 : i32
        %parallel_loop3A_1385 = arith.addi %parallel_loop3A_1358, %parallel_loop3A_1384 : i32
        %parallel_loop3A_1386 = vector.broadcast %parallel_loop3A_1385 : i32 to vector<16xi32>
        %parallel_loop3A_1387 = arith.addi %iota3A, %parallel_loop3A_1386 : vector<16xi32>
        %parallel_loop3A_1388 = arith.constant 63 : i32
        %parallel_loop3A_1389 = vector.broadcast %parallel_loop3A_1388 : i32 to vector<16xi32>
        %parallel_loop3A_1390 = arith.andi %parallel_loop3A_1387, %parallel_loop3A_1389 : vector<16xi32>
        %parallel_loop3A_1391 = tpu.vector_load_idx %arg19[%add3A_1276, %parallel_loop3A_1390] : memref<80x64xi32, #tpu.memory_space<vmem>>[vector<16xi32>, vector<16xi32>], vector<16xi32>,
        %parallel_loop3A_1392 = tpu.vector_load_idx %arg21[%add3A_1276, %parallel_loop3A_1390] : memref<80x96xi32, #tpu.memory_space<vmem>>[vector<16xi32>, vector<16xi32>], vector<16xi32>,
        %parallel_loop3A_1393 = arith.constant 16 : i32
        %parallel_loop3A_1394 = vector.broadcast %parallel_loop3A_1393 : i32 to vector<16xi32>
        %parallel_loop3A_1395 = arith.shli %parallel_loop3A_1391, %parallel_loop3A_1394 : vector<16xi32>
        %parallel_loop3A_1396 = vector.bitcast %parallel_loop3A_1395 : vector<16xi32> to vector<16xf32>
        %parallel_loop3A_1397 = arith.andi %parallel_loop3A_1391, %broadcast_in_dim3A_9 : vector<16xi32>
        %parallel_loop3A_1398 = vector.bitcast %parallel_loop3A_1397 : vector<16xi32> to vector<16xf32>
        %parallel_loop3A_1399 = arith.constant 16 : i32
        %parallel_loop3A_1400 = vector.broadcast %parallel_loop3A_1399 : i32 to vector<16xi32>
        %parallel_loop3A_1401 = arith.shli %parallel_loop3A_1392, %parallel_loop3A_1400 : vector<16xi32>
        %parallel_loop3A_1402 = vector.bitcast %parallel_loop3A_1401 : vector<16xi32> to vector<16xf32>
        %parallel_loop3A_1403 = arith.andi %parallel_loop3A_1392, %broadcast_in_dim3A_9 : vector<16xi32>
        %parallel_loop3A_1404 = vector.bitcast %parallel_loop3A_1403 : vector<16xi32> to vector<16xf32>
        %parallel_loop3A_1405 = arith.mulf %parallel_loop3A_1396, %parallel_loop3A_1402 : vector<16xf32>
        %parallel_loop3A_1406 = arith.mulf %parallel_loop3A_1398, %parallel_loop3A_1404 : vector<16xf32>
        %parallel_loop3A_1407 = arith.addf %parallel_loop3A_1405, %parallel_loop3A_1406 : vector<16xf32>
        %parallel_loop3A_1408 = arith.addf %parallel_loop3A_1360, %parallel_loop3A_1407 : vector<16xf32>
        scf.yield %parallel_loop3A_1383, %parallel_loop3A_1408 : vector<16xf32>, vector<16xf32>
      } {sc.loop_unroll_factor = 4 : i64, sc.parallel_access}
      %add3A_1291 = arith.addf %parallel_loop3A_1290#0, %parallel_loop3A_1290#1 : vector<16xf32>
      %add3A_1292 = arith.constant 64 : i32
      %add3A_1293 = vector.broadcast %add3A_1292 : i32 to vector<16xi32>
      %add3A_1294 = arith.addi %shift_right_arithmetic3A_1283, %add3A_1293 : vector<16xi32>
      %gather3A_1295 = tpu.vector_load_idx %arg21[%add3A_1276, %add3A_1294] : memref<80x96xi32, #tpu.memory_space<vmem>>[vector<16xi32>, vector<16xi32>], vector<16xi32>,
      %bitcast3A_1296 = vector.bitcast %gather3A_1295 : vector<16xi32> to vector<16xf32>
      %add3A_1297 = arith.constant 72 : i32
      %add3A_1298 = vector.broadcast %add3A_1297 : i32 to vector<16xi32>
      %add3A_1299 = arith.addi %shift_right_arithmetic3A_1283, %add3A_1298 : vector<16xi32>
      %gather3A_1300 = tpu.vector_load_idx %arg21[%add3A_1276, %add3A_1299] : memref<80x96xi32, #tpu.memory_space<vmem>>[vector<16xi32>, vector<16xi32>], vector<16xi32>,
      %bitcast3A_1301 = vector.bitcast %gather3A_1300 : vector<16xi32> to vector<16xf32>
      %add3A_1302 = arith.constant 80 : i32
      %add3A_1303 = vector.broadcast %add3A_1302 : i32 to vector<16xi32>
      %add3A_1304 = arith.addi %shift_right_arithmetic3A_1283, %add3A_1303 : vector<16xi32>
      %gather3A_1305 = tpu.vector_load_idx %arg21[%add3A_1276, %add3A_1304] : memref<80x96xi32, #tpu.memory_space<vmem>>[vector<16xi32>, vector<16xi32>], vector<16xi32>,
      %bitcast3A_1306 = vector.bitcast %gather3A_1305 : vector<16xi32> to vector<16xf32>
      %mul3A_1307 = arith.mulf %add3A_1291, %gather3A_1284 : vector<16xf32>
      %mul3A_1308 = arith.mulf %mul3A_1307, %bitcast3A_1296 : vector<16xf32>
      %add3A_1309 = arith.addf %mul3A_1308, %gather3A_1285 : vector<16xf32>
      %add3A_1310 = arith.addf %add3A_1309, %bitcast3A_1301 : vector<16xf32>
      %swap3A_1311 = arith.constant 64 : index
      %swap3A_1312 = tpu.vector_load %arg23[%swap3A_1311] {strides = array<i32>} : memref<80xf32, #tpu.memory_space<vmem>>, vector<16xf32>,
      tpu.vector_store %arg23[%swap3A_1311], %add3A_1310 {strides = array<i32>} : memref<80xf32, #tpu.memory_space<vmem>>, vector<16xf32>,
      %add3A_1313 = arith.addf %gather3A_1286, %bitcast3A_1306 : vector<16xf32>
      %abs3A_1314 = math.absf %add3A_1313 : vector<16xf32>
      %neg3A_1315 = arith.constant 0.000000e+00 : f32
      %neg3A_1316 = vector.broadcast %neg3A_1315 : f32 to vector<16xf32>
      %neg3A_1317 = arith.subf %neg3A_1316, %abs3A_1314 : vector<16xf32>
      %exp3A_1318 = math.exp %neg3A_1317 : vector<16xf32>
      %mul3A_1319 = arith.constant -0.0236895699 : f32
      %mul3A_1320 = vector.broadcast %mul3A_1319 : f32 to vector<16xf32>
      %mul3A_1321 = arith.mulf %exp3A_1318, %mul3A_1320 : vector<16xf32>
      %add3A_1322 = arith.constant 0.100288436 : f32
      %add3A_1323 = vector.broadcast %add3A_1322 : f32 to vector<16xf32>
      %add3A_1324 = arith.addf %add3A_1323, %mul3A_1321 : vector<16xf32>
      %mul3A_1325 = arith.mulf %exp3A_1318, %add3A_1324 : vector<16xf32>
      %add3A_1326 = arith.constant -0.208671257 : f32
      %add3A_1327 = vector.broadcast %add3A_1326 : f32 to vector<16xf32>
      %add3A_1328 = arith.addf %add3A_1327, %mul3A_1325 : vector<16xf32>
      %mul3A_1329 = arith.mulf %exp3A_1318, %add3A_1328 : vector<16xf32>
      %add3A_1330 = arith.constant 0.324412674 : f32
      %add3A_1331 = vector.broadcast %add3A_1330 : f32 to vector<16xf32>
      %add3A_1332 = arith.addf %add3A_1331, %mul3A_1329 : vector<16xf32>
      %mul3A_1333 = arith.mulf %exp3A_1318, %add3A_1332 : vector<16xf32>
      %add3A_1334 = arith.constant -0.499188036 : f32
      %add3A_1335 = vector.broadcast %add3A_1334 : f32 to vector<16xf32>
      %add3A_1336 = arith.addf %add3A_1335, %mul3A_1333 : vector<16xf32>
      %mul3A_1337 = arith.mulf %exp3A_1318, %add3A_1336 : vector<16xf32>
      %add3A_1338 = arith.constant 0.99998188 : f32
      %add3A_1339 = vector.broadcast %add3A_1338 : f32 to vector<16xf32>
      %add3A_1340 = arith.addf %add3A_1339, %mul3A_1337 : vector<16xf32>
      %mul3A_1341 = arith.mulf %exp3A_1318, %add3A_1340 : vector<16xf32>
      %max3A_1342 = arith.constant 0.000000e+00 : f32
      %max3A_1343 = vector.broadcast %max3A_1342 : f32 to vector<16xf32>
      %max3A_1344 = arith.maximumf %add3A_1313, %max3A_1343 : vector<16xf32>
      %add3A_1345 = arith.addf %max3A_1344, %mul3A_1341 : vector<16xf32>
      %add3A_1346 = arith.constant 9.99999974E-5 : f32
      %add3A_1347 = vector.broadcast %add3A_1346 : f32 to vector<16xf32>
      %add3A_1348 = arith.addf %add3A_1345, %add3A_1347 : vector<16xf32>
      %swap3A_1349 = arith.constant 64 : index
      %swap3A_1350 = tpu.vector_load %arg25[%swap3A_1349] {strides = array<i32>} : memref<80xf32, #tpu.memory_space<vmem>>, vector<16xf32>,
      tpu.vector_store %arg25[%swap3A_1349], %add3A_1348 {strides = array<i32>} : memref<80xf32, #tpu.memory_space<vmem>>, vector<16xf32>,
      %mul3A_1351 = arith.constant 80 : i32
      %mul3A_1352 = arith.muli %add3A_930, %mul3A_1351 : i32
      %add3A_1353 = arith.addi %mul3A_2, %mul3A_1352 : i32
      %dma_start3A_1354 = tpu.memref_slice %arg10[%add3A_1353] : memref<320000xf32, #tpu.memory_space<hbm>> -> memref<80xf32, #tpu.memory_space<hbm>>
      %dma_start3A_1355 = tpu.memref_slice %arg10[%add3A_1353] : memref<320000xf32, #tpu.memory_space<hbm>> -> memref<80xf32, #tpu.memory_space<hbm>>
      tpu.enqueue_dma source(%arg23 : memref<80xf32, #tpu.memory_space<vmem>>) target(%dma_start3A_1355 : memref<80xf32, #tpu.memory_space<hbm>>) target_semaphore(%arg29 : memref<!tpu.dma_semaphore, #tpu.memory_space<semaphore_mem>>)
      %dma_start3A_1356 = tpu.memref_slice %arg11[%add3A_1353] : memref<320000xf32, #tpu.memory_space<hbm>> -> memref<80xf32, #tpu.memory_space<hbm>>
      %dma_start3A_1357 = tpu.memref_slice %arg11[%add3A_1353] : memref<320000xf32, #tpu.memory_space<hbm>> -> memref<80xf32, #tpu.memory_space<hbm>>
      tpu.enqueue_dma source(%arg25 : memref<80xf32, #tpu.memory_space<vmem>>) target(%dma_start3A_1357 : memref<80xf32, #tpu.memory_space<hbm>>) target_semaphore(%arg29 : memref<!tpu.dma_semaphore, #tpu.memory_space<semaphore_mem>>)
    }
    %scan3A_26 = arith.constant 62 : i32
    %dma_wait3A_27 = arith.constant 0 : i32
    %dma_wait3A_28 = tpu.memref_slice %arg16[%dma_wait3A_27] : memref<10000xi32, #tpu.memory_space<vmem>> -> memref<80xi32, #tpu.memory_space<vmem>>
    %dma_wait3A_29 = arith.constant 0 : i32
    %dma_wait3A_30 = arith.constant 0 : i32
    %dma_wait3A_31 = tpu.memref_slice %arg4[%dma_wait3A_29, %dma_wait3A_30] : memref<10000x64xi32, #tpu.memory_space<hbm>> -> memref<10000x64xi32, #tpu.memory_space<hbm>>
    tpu.wait_indirect_dma semaphore(%arg26 : memref<!tpu.dma_semaphore, #tpu.memory_space<semaphore_mem>>) src(%dma_wait3A_31 : memref<10000x64xi32, #tpu.memory_space<hbm>>) dst(%arg18 : memref<80x64xi32, #tpu.memory_space<vmem>>)
    %dma_wait3A_32 = arith.constant 0 : i32
    %dma_wait3A_33 = tpu.memref_slice %arg17[%dma_wait3A_32] : memref<10000xi32, #tpu.memory_space<vmem>> -> memref<80xi32, #tpu.memory_space<vmem>>
    %dma_wait3A_34 = arith.constant 0 : i32
    %dma_wait3A_35 = arith.constant 0 : i32
    %dma_wait3A_36 = tpu.memref_slice %arg5[%dma_wait3A_34, %dma_wait3A_35] : memref<10000x96xi32, #tpu.memory_space<hbm>> -> memref<10000x96xi32, #tpu.memory_space<hbm>>
    tpu.wait_indirect_dma semaphore(%arg26 : memref<!tpu.dma_semaphore, #tpu.memory_space<semaphore_mem>>) src(%dma_wait3A_36 : memref<10000x96xi32, #tpu.memory_space<hbm>>) dst(%arg20 : memref<80x96xi32, #tpu.memory_space<vmem>>)
    %dma_wait3A_37 = tpu.memref_slice %arg10[%mul3A_2] : memref<320000xf32, #tpu.memory_space<hbm>> -> memref<80xf32, #tpu.memory_space<hbm>>
    %dma_wait3A_38 = tpu.memref_slice %arg10[%mul3A_2] : memref<320000xf32, #tpu.memory_space<hbm>> -> memref<80xf32, #tpu.memory_space<hbm>>
    tpu.wait_dma2 semaphore(%arg28 : memref<!tpu.dma_semaphore, #tpu.memory_space<semaphore_mem>>) src(%arg22 : memref<80xf32, #tpu.memory_space<vmem>>) dst(%dma_wait3A_38 : memref<80xf32, #tpu.memory_space<hbm>>)
    %dma_wait3A_39 = tpu.memref_slice %arg11[%mul3A_2] : memref<320000xf32, #tpu.memory_space<hbm>> -> memref<80xf32, #tpu.memory_space<hbm>>
    %dma_wait3A_40 = tpu.memref_slice %arg11[%mul3A_2] : memref<320000xf32, #tpu.memory_space<hbm>> -> memref<80xf32, #tpu.memory_space<hbm>>
    tpu.wait_dma2 semaphore(%arg28 : memref<!tpu.dma_semaphore, #tpu.memory_space<semaphore_mem>>) src(%arg24 : memref<80xf32, #tpu.memory_space<vmem>>) dst(%dma_wait3A_40 : memref<80xf32, #tpu.memory_space<hbm>>)
    %get3A = arith.constant 9920 : index
    %get3A_41 = tpu.vector_load %arg16[%get3A] {strides = array<i32>} : memref<10000xi32, #tpu.memory_space<vmem>>, vector<16xi32>,
    %iota3A_42 = tpu.iota {dimensions = array<i32: 0>} : vector<16xi32>
    %add3A_43 = arith.constant 0 : i32
    %add3A_44 = vector.broadcast %add3A_43 : i32 to vector<16xi32>
    %add3A_45 = arith.addi %iota3A_42, %add3A_44 : vector<16xi32>
    %gather3A = tpu.vector_load_idx %arg12[%get3A_41] : memref<10000xi32, #tpu.memory_space<vmem>>[vector<16xi32>], vector<16xi32>,
    %and3A = arith.constant 16383 : i32
    %and3A_46 = vector.broadcast %and3A : i32 to vector<16xi32>
    %and3A_47 = arith.andi %gather3A, %and3A_46 : vector<16xi32>
    %shift_right_arithmetic3A = arith.constant 14 : i32
    %shift_right_arithmetic3A_48 = vector.broadcast %shift_right_arithmetic3A : i32 to vector<16xi32>
    %shift_right_arithmetic3A_49 = arith.shrsi %gather3A, %shift_right_arithmetic3A_48 : vector<16xi32>
    %gather3A_50 = tpu.vector_load_idx %arg13[%and3A_47] : memref<10000xf32, #tpu.memory_space<vmem>>[vector<16xi32>], vector<16xf32>,
    %gather3A_51 = tpu.vector_load_idx %arg14[%and3A_47] : memref<10000xf32, #tpu.memory_space<vmem>>[vector<16xi32>], vector<16xf32>,
    %gather3A_52 = tpu.vector_load_idx %arg15[%and3A_47] : memref<10000xf32, #tpu.memory_space<vmem>>[vector<16xi32>], vector<16xf32>,
    %parallel_loop3A = arith.constant 0 : i32
    %parallel_loop3A_53 = arith.constant 64 : i32
    %parallel_loop3A_54 = arith.constant 2 : i32
    %parallel_loop3A_55:2 = scf.for %parallel_loop3A_444 = %parallel_loop3A to %parallel_loop3A_53 step %parallel_loop3A_54 iter_args(%parallel_loop3A_445 = %broadcast_in_dim3A_11, %parallel_loop3A_446 = %broadcast_in_dim3A_11) -> (vector<16xf32>, vector<16xf32>)  : i32 {
      %parallel_loop3A_447 = vector.broadcast %parallel_loop3A_444 : i32 to vector<16xi32>
      %parallel_loop3A_448 = arith.addi %iota3A, %parallel_loop3A_447 : vector<16xi32>
      %parallel_loop3A_449 = arith.constant 63 : i32
      %parallel_loop3A_450 = vector.broadcast %parallel_loop3A_449 : i32 to vector<16xi32>
      %parallel_loop3A_451 = arith.andi %parallel_loop3A_448, %parallel_loop3A_450 : vector<16xi32>
      %parallel_loop3A_452 = tpu.vector_load_idx %arg18[%add3A_45, %parallel_loop3A_451] : memref<80x64xi32, #tpu.memory_space<vmem>>[vector<16xi32>, vector<16xi32>], vector<16xi32>,
      %parallel_loop3A_453 = tpu.vector_load_idx %arg20[%add3A_45, %parallel_loop3A_451] : memref<80x96xi32, #tpu.memory_space<vmem>>[vector<16xi32>, vector<16xi32>], vector<16xi32>,
      %parallel_loop3A_454 = arith.constant 16 : i32
      %parallel_loop3A_455 = vector.broadcast %parallel_loop3A_454 : i32 to vector<16xi32>
      %parallel_loop3A_456 = arith.shli %parallel_loop3A_452, %parallel_loop3A_455 : vector<16xi32>
      %parallel_loop3A_457 = vector.bitcast %parallel_loop3A_456 : vector<16xi32> to vector<16xf32>
      %parallel_loop3A_458 = arith.andi %parallel_loop3A_452, %broadcast_in_dim3A_9 : vector<16xi32>
      %parallel_loop3A_459 = vector.bitcast %parallel_loop3A_458 : vector<16xi32> to vector<16xf32>
      %parallel_loop3A_460 = arith.constant 16 : i32
      %parallel_loop3A_461 = vector.broadcast %parallel_loop3A_460 : i32 to vector<16xi32>
      %parallel_loop3A_462 = arith.shli %parallel_loop3A_453, %parallel_loop3A_461 : vector<16xi32>
      %parallel_loop3A_463 = vector.bitcast %parallel_loop3A_462 : vector<16xi32> to vector<16xf32>
      %parallel_loop3A_464 = arith.andi %parallel_loop3A_453, %broadcast_in_dim3A_9 : vector<16xi32>
      %parallel_loop3A_465 = vector.bitcast %parallel_loop3A_464 : vector<16xi32> to vector<16xf32>
      %parallel_loop3A_466 = arith.mulf %parallel_loop3A_457, %parallel_loop3A_463 : vector<16xf32>
      %parallel_loop3A_467 = arith.mulf %parallel_loop3A_459, %parallel_loop3A_465 : vector<16xf32>
      %parallel_loop3A_468 = arith.addf %parallel_loop3A_466, %parallel_loop3A_467 : vector<16xf32>
      %parallel_loop3A_469 = arith.addf %parallel_loop3A_445, %parallel_loop3A_468 : vector<16xf32>
      %parallel_loop3A_470 = arith.constant 1 : i32
      %parallel_loop3A_471 = arith.addi %parallel_loop3A_444, %parallel_loop3A_470 : i32
      %parallel_loop3A_472 = vector.broadcast %parallel_loop3A_471 : i32 to vector<16xi32>
      %parallel_loop3A_473 = arith.addi %iota3A, %parallel_loop3A_472 : vector<16xi32>
      %parallel_loop3A_474 = arith.constant 63 : i32
      %parallel_loop3A_475 = vector.broadcast %parallel_loop3A_474 : i32 to vector<16xi32>
      %parallel_loop3A_476 = arith.andi %parallel_loop3A_473, %parallel_loop3A_475 : vector<16xi32>
      %parallel_loop3A_477 = tpu.vector_load_idx %arg18[%add3A_45, %parallel_loop3A_476] : memref<80x64xi32, #tpu.memory_space<vmem>>[vector<16xi32>, vector<16xi32>], vector<16xi32>,
      %parallel_loop3A_478 = tpu.vector_load_idx %arg20[%add3A_45, %parallel_loop3A_476] : memref<80x96xi32, #tpu.memory_space<vmem>>[vector<16xi32>, vector<16xi32>], vector<16xi32>,
      %parallel_loop3A_479 = arith.constant 16 : i32
      %parallel_loop3A_480 = vector.broadcast %parallel_loop3A_479 : i32 to vector<16xi32>
      %parallel_loop3A_481 = arith.shli %parallel_loop3A_477, %parallel_loop3A_480 : vector<16xi32>
      %parallel_loop3A_482 = vector.bitcast %parallel_loop3A_481 : vector<16xi32> to vector<16xf32>
      %parallel_loop3A_483 = arith.andi %parallel_loop3A_477, %broadcast_in_dim3A_9 : vector<16xi32>
      %parallel_loop3A_484 = vector.bitcast %parallel_loop3A_483 : vector<16xi32> to vector<16xf32>
      %parallel_loop3A_485 = arith.constant 16 : i32
      %parallel_loop3A_486 = vector.broadcast %parallel_loop3A_485 : i32 to vector<16xi32>
      %parallel_loop3A_487 = arith.shli %parallel_loop3A_478, %parallel_loop3A_486 : vector<16xi32>
      %parallel_loop3A_488 = vector.bitcast %parallel_loop3A_487 : vector<16xi32> to vector<16xf32>
      %parallel_loop3A_489 = arith.andi %parallel_loop3A_478, %broadcast_in_dim3A_9 : vector<16xi32>
      %parallel_loop3A_490 = vector.bitcast %parallel_loop3A_489 : vector<16xi32> to vector<16xf32>
      %parallel_loop3A_491 = arith.mulf %parallel_loop3A_482, %parallel_loop3A_488 : vector<16xf32>
      %parallel_loop3A_492 = arith.mulf %parallel_loop3A_484, %parallel_loop3A_490 : vector<16xf32>
      %parallel_loop3A_493 = arith.addf %parallel_loop3A_491, %parallel_loop3A_492 : vector<16xf32>
      %parallel_loop3A_494 = arith.addf %parallel_loop3A_446, %parallel_loop3A_493 : vector<16xf32>
      scf.yield %parallel_loop3A_469, %parallel_loop3A_494 : vector<16xf32>, vector<16xf32>
    } {sc.loop_unroll_factor = 4 : i64, sc.parallel_access}
    %add3A_56 = arith.addf %parallel_loop3A_55#0, %parallel_loop3A_55#1 : vector<16xf32>
    %add3A_57 = arith.constant 64 : i32
    %add3A_58 = vector.broadcast %add3A_57 : i32 to vector<16xi32>
    %add3A_59 = arith.addi %shift_right_arithmetic3A_49, %add3A_58 : vector<16xi32>
    %gather3A_60 = tpu.vector_load_idx %arg20[%add3A_45, %add3A_59] : memref<80x96xi32, #tpu.memory_space<vmem>>[vector<16xi32>, vector<16xi32>], vector<16xi32>,
    %bitcast3A = vector.bitcast %gather3A_60 : vector<16xi32> to vector<16xf32>
    %add3A_61 = arith.constant 72 : i32
    %add3A_62 = vector.broadcast %add3A_61 : i32 to vector<16xi32>
    %add3A_63 = arith.addi %shift_right_arithmetic3A_49, %add3A_62 : vector<16xi32>
    %gather3A_64 = tpu.vector_load_idx %arg20[%add3A_45, %add3A_63] : memref<80x96xi32, #tpu.memory_space<vmem>>[vector<16xi32>, vector<16xi32>], vector<16xi32>,
    %bitcast3A_65 = vector.bitcast %gather3A_64 : vector<16xi32> to vector<16xf32>
    %add3A_66 = arith.constant 80 : i32
    %add3A_67 = vector.broadcast %add3A_66 : i32 to vector<16xi32>
    %add3A_68 = arith.addi %shift_right_arithmetic3A_49, %add3A_67 : vector<16xi32>
    %gather3A_69 = tpu.vector_load_idx %arg20[%add3A_45, %add3A_68] : memref<80x96xi32, #tpu.memory_space<vmem>>[vector<16xi32>, vector<16xi32>], vector<16xi32>,
    %bitcast3A_70 = vector.bitcast %gather3A_69 : vector<16xi32> to vector<16xf32>
    %mul3A_71 = arith.mulf %add3A_56, %gather3A_50 : vector<16xf32>
    %mul3A_72 = arith.mulf %mul3A_71, %bitcast3A : vector<16xf32>
    %add3A_73 = arith.addf %mul3A_72, %gather3A_51 : vector<16xf32>
    %add3A_74 = arith.addf %add3A_73, %bitcast3A_65 : vector<16xf32>
    %swap3A = arith.constant 0 : index
    %swap3A_75 = tpu.vector_load %arg22[%swap3A] {strides = array<i32>} : memref<80xf32, #tpu.memory_space<vmem>>, vector<16xf32>,
    tpu.vector_store %arg22[%swap3A], %add3A_74 {strides = array<i32>} : memref<80xf32, #tpu.memory_space<vmem>>, vector<16xf32>,
    %add3A_76 = arith.addf %gather3A_52, %bitcast3A_70 : vector<16xf32>
    %abs3A = math.absf %add3A_76 : vector<16xf32>
    %neg3A = arith.constant 0.000000e+00 : f32
    %neg3A_77 = vector.broadcast %neg3A : f32 to vector<16xf32>
    %neg3A_78 = arith.subf %neg3A_77, %abs3A : vector<16xf32>
    %exp3A = math.exp %neg3A_78 : vector<16xf32>
    %mul3A_79 = arith.constant -0.0236895699 : f32
    %mul3A_80 = vector.broadcast %mul3A_79 : f32 to vector<16xf32>
    %mul3A_81 = arith.mulf %exp3A, %mul3A_80 : vector<16xf32>
    %add3A_82 = arith.constant 0.100288436 : f32
    %add3A_83 = vector.broadcast %add3A_82 : f32 to vector<16xf32>
    %add3A_84 = arith.addf %add3A_83, %mul3A_81 : vector<16xf32>
    %mul3A_85 = arith.mulf %exp3A, %add3A_84 : vector<16xf32>
    %add3A_86 = arith.constant -0.208671257 : f32
    %add3A_87 = vector.broadcast %add3A_86 : f32 to vector<16xf32>
    %add3A_88 = arith.addf %add3A_87, %mul3A_85 : vector<16xf32>
    %mul3A_89 = arith.mulf %exp3A, %add3A_88 : vector<16xf32>
    %add3A_90 = arith.constant 0.324412674 : f32
    %add3A_91 = vector.broadcast %add3A_90 : f32 to vector<16xf32>
    %add3A_92 = arith.addf %add3A_91, %mul3A_89 : vector<16xf32>
    %mul3A_93 = arith.mulf %exp3A, %add3A_92 : vector<16xf32>
    %add3A_94 = arith.constant -0.499188036 : f32
    %add3A_95 = vector.broadcast %add3A_94 : f32 to vector<16xf32>
    %add3A_96 = arith.addf %add3A_95, %mul3A_93 : vector<16xf32>
    %mul3A_97 = arith.mulf %exp3A, %add3A_96 : vector<16xf32>
    %add3A_98 = arith.constant 0.99998188 : f32
    %add3A_99 = vector.broadcast %add3A_98 : f32 to vector<16xf32>
    %add3A_100 = arith.addf %add3A_99, %mul3A_97 : vector<16xf32>
    %mul3A_101 = arith.mulf %exp3A, %add3A_100 : vector<16xf32>
    %max3A = arith.constant 0.000000e+00 : f32
    %max3A_102 = vector.broadcast %max3A : f32 to vector<16xf32>
    %max3A_103 = arith.maximumf %add3A_76, %max3A_102 : vector<16xf32>
    %add3A_104 = arith.addf %max3A_103, %mul3A_101 : vector<16xf32>
    %add3A_105 = arith.constant 9.99999974E-5 : f32
    %add3A_106 = vector.broadcast %add3A_105 : f32 to vector<16xf32>
    %add3A_107 = arith.addf %add3A_104, %add3A_106 : vector<16xf32>
    %swap3A_108 = arith.constant 0 : index
    %swap3A_109 = tpu.vector_load %arg24[%swap3A_108] {strides = array<i32>} : memref<80xf32, #tpu.memory_space<vmem>>, vector<16xf32>,
    tpu.vector_store %arg24[%swap3A_108], %add3A_107 {strides = array<i32>} : memref<80xf32, #tpu.memory_space<vmem>>, vector<16xf32>,
    %get3A_110 = arith.constant 9936 : index
    %get3A_111 = tpu.vector_load %arg16[%get3A_110] {strides = array<i32>} : memref<10000xi32, #tpu.memory_space<vmem>>, vector<16xi32>,
    %iota3A_112 = tpu.iota {dimensions = array<i32: 0>} : vector<16xi32>
    %add3A_113 = arith.constant 16 : i32
    %add3A_114 = vector.broadcast %add3A_113 : i32 to vector<16xi32>
    %add3A_115 = arith.addi %iota3A_112, %add3A_114 : vector<16xi32>
    %gather3A_116 = tpu.vector_load_idx %arg12[%get3A_111] : memref<10000xi32, #tpu.memory_space<vmem>>[vector<16xi32>], vector<16xi32>,
    %and3A_117 = arith.constant 16383 : i32
    %and3A_118 = vector.broadcast %and3A_117 : i32 to vector<16xi32>
    %and3A_119 = arith.andi %gather3A_116, %and3A_118 : vector<16xi32>
    %shift_right_arithmetic3A_120 = arith.constant 14 : i32
    %shift_right_arithmetic3A_121 = vector.broadcast %shift_right_arithmetic3A_120 : i32 to vector<16xi32>
    %shift_right_arithmetic3A_122 = arith.shrsi %gather3A_116, %shift_right_arithmetic3A_121 : vector<16xi32>
    %gather3A_123 = tpu.vector_load_idx %arg13[%and3A_119] : memref<10000xf32, #tpu.memory_space<vmem>>[vector<16xi32>], vector<16xf32>,
    %gather3A_124 = tpu.vector_load_idx %arg14[%and3A_119] : memref<10000xf32, #tpu.memory_space<vmem>>[vector<16xi32>], vector<16xf32>,
    %gather3A_125 = tpu.vector_load_idx %arg15[%and3A_119] : memref<10000xf32, #tpu.memory_space<vmem>>[vector<16xi32>], vector<16xf32>,
    %parallel_loop3A_126 = arith.constant 0 : i32
    %parallel_loop3A_127 = arith.constant 64 : i32
    %parallel_loop3A_128 = arith.constant 2 : i32
    %parallel_loop3A_129:2 = scf.for %parallel_loop3A_444 = %parallel_loop3A_126 to %parallel_loop3A_127 step %parallel_loop3A_128 iter_args(%parallel_loop3A_445 = %broadcast_in_dim3A_11, %parallel_loop3A_446 = %broadcast_in_dim3A_11) -> (vector<16xf32>, vector<16xf32>)  : i32 {
      %parallel_loop3A_447 = vector.broadcast %parallel_loop3A_444 : i32 to vector<16xi32>
      %parallel_loop3A_448 = arith.addi %iota3A, %parallel_loop3A_447 : vector<16xi32>
      %parallel_loop3A_449 = arith.constant 63 : i32
      %parallel_loop3A_450 = vector.broadcast %parallel_loop3A_449 : i32 to vector<16xi32>
      %parallel_loop3A_451 = arith.andi %parallel_loop3A_448, %parallel_loop3A_450 : vector<16xi32>
      %parallel_loop3A_452 = tpu.vector_load_idx %arg18[%add3A_115, %parallel_loop3A_451] : memref<80x64xi32, #tpu.memory_space<vmem>>[vector<16xi32>, vector<16xi32>], vector<16xi32>,
      %parallel_loop3A_453 = tpu.vector_load_idx %arg20[%add3A_115, %parallel_loop3A_451] : memref<80x96xi32, #tpu.memory_space<vmem>>[vector<16xi32>, vector<16xi32>], vector<16xi32>,
      %parallel_loop3A_454 = arith.constant 16 : i32
      %parallel_loop3A_455 = vector.broadcast %parallel_loop3A_454 : i32 to vector<16xi32>
      %parallel_loop3A_456 = arith.shli %parallel_loop3A_452, %parallel_loop3A_455 : vector<16xi32>
      %parallel_loop3A_457 = vector.bitcast %parallel_loop3A_456 : vector<16xi32> to vector<16xf32>
      %parallel_loop3A_458 = arith.andi %parallel_loop3A_452, %broadcast_in_dim3A_9 : vector<16xi32>
      %parallel_loop3A_459 = vector.bitcast %parallel_loop3A_458 : vector<16xi32> to vector<16xf32>
      %parallel_loop3A_460 = arith.constant 16 : i32
      %parallel_loop3A_461 = vector.broadcast %parallel_loop3A_460 : i32 to vector<16xi32>
      %parallel_loop3A_462 = arith.shli %parallel_loop3A_453, %parallel_loop3A_461 : vector<16xi32>
      %parallel_loop3A_463 = vector.bitcast %parallel_loop3A_462 : vector<16xi32> to vector<16xf32>
      %parallel_loop3A_464 = arith.andi %parallel_loop3A_453, %broadcast_in_dim3A_9 : vector<16xi32>
      %parallel_loop3A_465 = vector.bitcast %parallel_loop3A_464 : vector<16xi32> to vector<16xf32>
      %parallel_loop3A_466 = arith.mulf %parallel_loop3A_457, %parallel_loop3A_463 : vector<16xf32>
      %parallel_loop3A_467 = arith.mulf %parallel_loop3A_459, %parallel_loop3A_465 : vector<16xf32>
      %parallel_loop3A_468 = arith.addf %parallel_loop3A_466, %parallel_loop3A_467 : vector<16xf32>
      %parallel_loop3A_469 = arith.addf %parallel_loop3A_445, %parallel_loop3A_468 : vector<16xf32>
      %parallel_loop3A_470 = arith.constant 1 : i32
      %parallel_loop3A_471 = arith.addi %parallel_loop3A_444, %parallel_loop3A_470 : i32
      %parallel_loop3A_472 = vector.broadcast %parallel_loop3A_471 : i32 to vector<16xi32>
      %parallel_loop3A_473 = arith.addi %iota3A, %parallel_loop3A_472 : vector<16xi32>
      %parallel_loop3A_474 = arith.constant 63 : i32
      %parallel_loop3A_475 = vector.broadcast %parallel_loop3A_474 : i32 to vector<16xi32>
      %parallel_loop3A_476 = arith.andi %parallel_loop3A_473, %parallel_loop3A_475 : vector<16xi32>
      %parallel_loop3A_477 = tpu.vector_load_idx %arg18[%add3A_115, %parallel_loop3A_476] : memref<80x64xi32, #tpu.memory_space<vmem>>[vector<16xi32>, vector<16xi32>], vector<16xi32>,
      %parallel_loop3A_478 = tpu.vector_load_idx %arg20[%add3A_115, %parallel_loop3A_476] : memref<80x96xi32, #tpu.memory_space<vmem>>[vector<16xi32>, vector<16xi32>], vector<16xi32>,
      %parallel_loop3A_479 = arith.constant 16 : i32
      %parallel_loop3A_480 = vector.broadcast %parallel_loop3A_479 : i32 to vector<16xi32>
      %parallel_loop3A_481 = arith.shli %parallel_loop3A_477, %parallel_loop3A_480 : vector<16xi32>
      %parallel_loop3A_482 = vector.bitcast %parallel_loop3A_481 : vector<16xi32> to vector<16xf32>
      %parallel_loop3A_483 = arith.andi %parallel_loop3A_477, %broadcast_in_dim3A_9 : vector<16xi32>
      %parallel_loop3A_484 = vector.bitcast %parallel_loop3A_483 : vector<16xi32> to vector<16xf32>
      %parallel_loop3A_485 = arith.constant 16 : i32
      %parallel_loop3A_486 = vector.broadcast %parallel_loop3A_485 : i32 to vector<16xi32>
      %parallel_loop3A_487 = arith.shli %parallel_loop3A_478, %parallel_loop3A_486 : vector<16xi32>
      %parallel_loop3A_488 = vector.bitcast %parallel_loop3A_487 : vector<16xi32> to vector<16xf32>
      %parallel_loop3A_489 = arith.andi %parallel_loop3A_478, %broadcast_in_dim3A_9 : vector<16xi32>
      %parallel_loop3A_490 = vector.bitcast %parallel_loop3A_489 : vector<16xi32> to vector<16xf32>
      %parallel_loop3A_491 = arith.mulf %parallel_loop3A_482, %parallel_loop3A_488 : vector<16xf32>
      %parallel_loop3A_492 = arith.mulf %parallel_loop3A_484, %parallel_loop3A_490 : vector<16xf32>
      %parallel_loop3A_493 = arith.addf %parallel_loop3A_491, %parallel_loop3A_492 : vector<16xf32>
      %parallel_loop3A_494 = arith.addf %parallel_loop3A_446, %parallel_loop3A_493 : vector<16xf32>
      scf.yield %parallel_loop3A_469, %parallel_loop3A_494 : vector<16xf32>, vector<16xf32>
    } {sc.loop_unroll_factor = 4 : i64, sc.parallel_access}
    %add3A_130 = arith.addf %parallel_loop3A_129#0, %parallel_loop3A_129#1 : vector<16xf32>
    %add3A_131 = arith.constant 64 : i32
    %add3A_132 = vector.broadcast %add3A_131 : i32 to vector<16xi32>
    %add3A_133 = arith.addi %shift_right_arithmetic3A_122, %add3A_132 : vector<16xi32>
    %gather3A_134 = tpu.vector_load_idx %arg20[%add3A_115, %add3A_133] : memref<80x96xi32, #tpu.memory_space<vmem>>[vector<16xi32>, vector<16xi32>], vector<16xi32>,
    %bitcast3A_135 = vector.bitcast %gather3A_134 : vector<16xi32> to vector<16xf32>
    %add3A_136 = arith.constant 72 : i32
    %add3A_137 = vector.broadcast %add3A_136 : i32 to vector<16xi32>
    %add3A_138 = arith.addi %shift_right_arithmetic3A_122, %add3A_137 : vector<16xi32>
    %gather3A_139 = tpu.vector_load_idx %arg20[%add3A_115, %add3A_138] : memref<80x96xi32, #tpu.memory_space<vmem>>[vector<16xi32>, vector<16xi32>], vector<16xi32>,
    %bitcast3A_140 = vector.bitcast %gather3A_139 : vector<16xi32> to vector<16xf32>
    %add3A_141 = arith.constant 80 : i32
    %add3A_142 = vector.broadcast %add3A_141 : i32 to vector<16xi32>
    %add3A_143 = arith.addi %shift_right_arithmetic3A_122, %add3A_142 : vector<16xi32>
    %gather3A_144 = tpu.vector_load_idx %arg20[%add3A_115, %add3A_143] : memref<80x96xi32, #tpu.memory_space<vmem>>[vector<16xi32>, vector<16xi32>], vector<16xi32>,
    %bitcast3A_145 = vector.bitcast %gather3A_144 : vector<16xi32> to vector<16xf32>
    %mul3A_146 = arith.mulf %add3A_130, %gather3A_123 : vector<16xf32>
    %mul3A_147 = arith.mulf %mul3A_146, %bitcast3A_135 : vector<16xf32>
    %add3A_148 = arith.addf %mul3A_147, %gather3A_124 : vector<16xf32>
    %add3A_149 = arith.addf %add3A_148, %bitcast3A_140 : vector<16xf32>
    %swap3A_150 = arith.constant 16 : index
    %swap3A_151 = tpu.vector_load %arg22[%swap3A_150] {strides = array<i32>} : memref<80xf32, #tpu.memory_space<vmem>>, vector<16xf32>,
    tpu.vector_store %arg22[%swap3A_150], %add3A_149 {strides = array<i32>} : memref<80xf32, #tpu.memory_space<vmem>>, vector<16xf32>,
    %add3A_152 = arith.addf %gather3A_125, %bitcast3A_145 : vector<16xf32>
    %abs3A_153 = math.absf %add3A_152 : vector<16xf32>
    %neg3A_154 = arith.constant 0.000000e+00 : f32
    %neg3A_155 = vector.broadcast %neg3A_154 : f32 to vector<16xf32>
    %neg3A_156 = arith.subf %neg3A_155, %abs3A_153 : vector<16xf32>
    %exp3A_157 = math.exp %neg3A_156 : vector<16xf32>
    %mul3A_158 = arith.constant -0.0236895699 : f32
    %mul3A_159 = vector.broadcast %mul3A_158 : f32 to vector<16xf32>
    %mul3A_160 = arith.mulf %exp3A_157, %mul3A_159 : vector<16xf32>
    %add3A_161 = arith.constant 0.100288436 : f32
    %add3A_162 = vector.broadcast %add3A_161 : f32 to vector<16xf32>
    %add3A_163 = arith.addf %add3A_162, %mul3A_160 : vector<16xf32>
    %mul3A_164 = arith.mulf %exp3A_157, %add3A_163 : vector<16xf32>
    %add3A_165 = arith.constant -0.208671257 : f32
    %add3A_166 = vector.broadcast %add3A_165 : f32 to vector<16xf32>
    %add3A_167 = arith.addf %add3A_166, %mul3A_164 : vector<16xf32>
    %mul3A_168 = arith.mulf %exp3A_157, %add3A_167 : vector<16xf32>
    %add3A_169 = arith.constant 0.324412674 : f32
    %add3A_170 = vector.broadcast %add3A_169 : f32 to vector<16xf32>
    %add3A_171 = arith.addf %add3A_170, %mul3A_168 : vector<16xf32>
    %mul3A_172 = arith.mulf %exp3A_157, %add3A_171 : vector<16xf32>
    %add3A_173 = arith.constant -0.499188036 : f32
    %add3A_174 = vector.broadcast %add3A_173 : f32 to vector<16xf32>
    %add3A_175 = arith.addf %add3A_174, %mul3A_172 : vector<16xf32>
    %mul3A_176 = arith.mulf %exp3A_157, %add3A_175 : vector<16xf32>
    %add3A_177 = arith.constant 0.99998188 : f32
    %add3A_178 = vector.broadcast %add3A_177 : f32 to vector<16xf32>
    %add3A_179 = arith.addf %add3A_178, %mul3A_176 : vector<16xf32>
    %mul3A_180 = arith.mulf %exp3A_157, %add3A_179 : vector<16xf32>
    %max3A_181 = arith.constant 0.000000e+00 : f32
    %max3A_182 = vector.broadcast %max3A_181 : f32 to vector<16xf32>
    %max3A_183 = arith.maximumf %add3A_152, %max3A_182 : vector<16xf32>
    %add3A_184 = arith.addf %max3A_183, %mul3A_180 : vector<16xf32>
    %add3A_185 = arith.constant 9.99999974E-5 : f32
    %add3A_186 = vector.broadcast %add3A_185 : f32 to vector<16xf32>
    %add3A_187 = arith.addf %add3A_184, %add3A_186 : vector<16xf32>
    %swap3A_188 = arith.constant 16 : index
    %swap3A_189 = tpu.vector_load %arg24[%swap3A_188] {strides = array<i32>} : memref<80xf32, #tpu.memory_space<vmem>>, vector<16xf32>,
    tpu.vector_store %arg24[%swap3A_188], %add3A_187 {strides = array<i32>} : memref<80xf32, #tpu.memory_space<vmem>>, vector<16xf32>,
    %get3A_190 = arith.constant 9952 : index
    %get3A_191 = tpu.vector_load %arg16[%get3A_190] {strides = array<i32>} : memref<10000xi32, #tpu.memory_space<vmem>>, vector<16xi32>,
    %iota3A_192 = tpu.iota {dimensions = array<i32: 0>} : vector<16xi32>
    %add3A_193 = arith.constant 32 : i32
    %add3A_194 = vector.broadcast %add3A_193 : i32 to vector<16xi32>
    %add3A_195 = arith.addi %iota3A_192, %add3A_194 : vector<16xi32>
    %gather3A_196 = tpu.vector_load_idx %arg12[%get3A_191] : memref<10000xi32, #tpu.memory_space<vmem>>[vector<16xi32>], vector<16xi32>,
    %and3A_197 = arith.constant 16383 : i32
    %and3A_198 = vector.broadcast %and3A_197 : i32 to vector<16xi32>
    %and3A_199 = arith.andi %gather3A_196, %and3A_198 : vector<16xi32>
    %shift_right_arithmetic3A_200 = arith.constant 14 : i32
    %shift_right_arithmetic3A_201 = vector.broadcast %shift_right_arithmetic3A_200 : i32 to vector<16xi32>
    %shift_right_arithmetic3A_202 = arith.shrsi %gather3A_196, %shift_right_arithmetic3A_201 : vector<16xi32>
    %gather3A_203 = tpu.vector_load_idx %arg13[%and3A_199] : memref<10000xf32, #tpu.memory_space<vmem>>[vector<16xi32>], vector<16xf32>,
    %gather3A_204 = tpu.vector_load_idx %arg14[%and3A_199] : memref<10000xf32, #tpu.memory_space<vmem>>[vector<16xi32>], vector<16xf32>,
    %gather3A_205 = tpu.vector_load_idx %arg15[%and3A_199] : memref<10000xf32, #tpu.memory_space<vmem>>[vector<16xi32>], vector<16xf32>,
    %parallel_loop3A_206 = arith.constant 0 : i32
    %parallel_loop3A_207 = arith.constant 64 : i32
    %parallel_loop3A_208 = arith.constant 2 : i32
    %parallel_loop3A_209:2 = scf.for %parallel_loop3A_444 = %parallel_loop3A_206 to %parallel_loop3A_207 step %parallel_loop3A_208 iter_args(%parallel_loop3A_445 = %broadcast_in_dim3A_11, %parallel_loop3A_446 = %broadcast_in_dim3A_11) -> (vector<16xf32>, vector<16xf32>)  : i32 {
      %parallel_loop3A_447 = vector.broadcast %parallel_loop3A_444 : i32 to vector<16xi32>
      %parallel_loop3A_448 = arith.addi %iota3A, %parallel_loop3A_447 : vector<16xi32>
      %parallel_loop3A_449 = arith.constant 63 : i32
      %parallel_loop3A_450 = vector.broadcast %parallel_loop3A_449 : i32 to vector<16xi32>
      %parallel_loop3A_451 = arith.andi %parallel_loop3A_448, %parallel_loop3A_450 : vector<16xi32>
      %parallel_loop3A_452 = tpu.vector_load_idx %arg18[%add3A_195, %parallel_loop3A_451] : memref<80x64xi32, #tpu.memory_space<vmem>>[vector<16xi32>, vector<16xi32>], vector<16xi32>,
      %parallel_loop3A_453 = tpu.vector_load_idx %arg20[%add3A_195, %parallel_loop3A_451] : memref<80x96xi32, #tpu.memory_space<vmem>>[vector<16xi32>, vector<16xi32>], vector<16xi32>,
      %parallel_loop3A_454 = arith.constant 16 : i32
      %parallel_loop3A_455 = vector.broadcast %parallel_loop3A_454 : i32 to vector<16xi32>
      %parallel_loop3A_456 = arith.shli %parallel_loop3A_452, %parallel_loop3A_455 : vector<16xi32>
      %parallel_loop3A_457 = vector.bitcast %parallel_loop3A_456 : vector<16xi32> to vector<16xf32>
      %parallel_loop3A_458 = arith.andi %parallel_loop3A_452, %broadcast_in_dim3A_9 : vector<16xi32>
      %parallel_loop3A_459 = vector.bitcast %parallel_loop3A_458 : vector<16xi32> to vector<16xf32>
      %parallel_loop3A_460 = arith.constant 16 : i32
      %parallel_loop3A_461 = vector.broadcast %parallel_loop3A_460 : i32 to vector<16xi32>
      %parallel_loop3A_462 = arith.shli %parallel_loop3A_453, %parallel_loop3A_461 : vector<16xi32>
      %parallel_loop3A_463 = vector.bitcast %parallel_loop3A_462 : vector<16xi32> to vector<16xf32>
      %parallel_loop3A_464 = arith.andi %parallel_loop3A_453, %broadcast_in_dim3A_9 : vector<16xi32>
      %parallel_loop3A_465 = vector.bitcast %parallel_loop3A_464 : vector<16xi32> to vector<16xf32>
      %parallel_loop3A_466 = arith.mulf %parallel_loop3A_457, %parallel_loop3A_463 : vector<16xf32>
      %parallel_loop3A_467 = arith.mulf %parallel_loop3A_459, %parallel_loop3A_465 : vector<16xf32>
      %parallel_loop3A_468 = arith.addf %parallel_loop3A_466, %parallel_loop3A_467 : vector<16xf32>
      %parallel_loop3A_469 = arith.addf %parallel_loop3A_445, %parallel_loop3A_468 : vector<16xf32>
      %parallel_loop3A_470 = arith.constant 1 : i32
      %parallel_loop3A_471 = arith.addi %parallel_loop3A_444, %parallel_loop3A_470 : i32
      %parallel_loop3A_472 = vector.broadcast %parallel_loop3A_471 : i32 to vector<16xi32>
      %parallel_loop3A_473 = arith.addi %iota3A, %parallel_loop3A_472 : vector<16xi32>
      %parallel_loop3A_474 = arith.constant 63 : i32
      %parallel_loop3A_475 = vector.broadcast %parallel_loop3A_474 : i32 to vector<16xi32>
      %parallel_loop3A_476 = arith.andi %parallel_loop3A_473, %parallel_loop3A_475 : vector<16xi32>
      %parallel_loop3A_477 = tpu.vector_load_idx %arg18[%add3A_195, %parallel_loop3A_476] : memref<80x64xi32, #tpu.memory_space<vmem>>[vector<16xi32>, vector<16xi32>], vector<16xi32>,
      %parallel_loop3A_478 = tpu.vector_load_idx %arg20[%add3A_195, %parallel_loop3A_476] : memref<80x96xi32, #tpu.memory_space<vmem>>[vector<16xi32>, vector<16xi32>], vector<16xi32>,
      %parallel_loop3A_479 = arith.constant 16 : i32
      %parallel_loop3A_480 = vector.broadcast %parallel_loop3A_479 : i32 to vector<16xi32>
      %parallel_loop3A_481 = arith.shli %parallel_loop3A_477, %parallel_loop3A_480 : vector<16xi32>
      %parallel_loop3A_482 = vector.bitcast %parallel_loop3A_481 : vector<16xi32> to vector<16xf32>
      %parallel_loop3A_483 = arith.andi %parallel_loop3A_477, %broadcast_in_dim3A_9 : vector<16xi32>
      %parallel_loop3A_484 = vector.bitcast %parallel_loop3A_483 : vector<16xi32> to vector<16xf32>
      %parallel_loop3A_485 = arith.constant 16 : i32
      %parallel_loop3A_486 = vector.broadcast %parallel_loop3A_485 : i32 to vector<16xi32>
      %parallel_loop3A_487 = arith.shli %parallel_loop3A_478, %parallel_loop3A_486 : vector<16xi32>
      %parallel_loop3A_488 = vector.bitcast %parallel_loop3A_487 : vector<16xi32> to vector<16xf32>
      %parallel_loop3A_489 = arith.andi %parallel_loop3A_478, %broadcast_in_dim3A_9 : vector<16xi32>
      %parallel_loop3A_490 = vector.bitcast %parallel_loop3A_489 : vector<16xi32> to vector<16xf32>
      %parallel_loop3A_491 = arith.mulf %parallel_loop3A_482, %parallel_loop3A_488 : vector<16xf32>
      %parallel_loop3A_492 = arith.mulf %parallel_loop3A_484, %parallel_loop3A_490 : vector<16xf32>
      %parallel_loop3A_493 = arith.addf %parallel_loop3A_491, %parallel_loop3A_492 : vector<16xf32>
      %parallel_loop3A_494 = arith.addf %parallel_loop3A_446, %parallel_loop3A_493 : vector<16xf32>
      scf.yield %parallel_loop3A_469, %parallel_loop3A_494 : vector<16xf32>, vector<16xf32>
    } {sc.loop_unroll_factor = 4 : i64, sc.parallel_access}
    %add3A_210 = arith.addf %parallel_loop3A_209#0, %parallel_loop3A_209#1 : vector<16xf32>
    %add3A_211 = arith.constant 64 : i32
    %add3A_212 = vector.broadcast %add3A_211 : i32 to vector<16xi32>
    %add3A_213 = arith.addi %shift_right_arithmetic3A_202, %add3A_212 : vector<16xi32>
    %gather3A_214 = tpu.vector_load_idx %arg20[%add3A_195, %add3A_213] : memref<80x96xi32, #tpu.memory_space<vmem>>[vector<16xi32>, vector<16xi32>], vector<16xi32>,
    %bitcast3A_215 = vector.bitcast %gather3A_214 : vector<16xi32> to vector<16xf32>
    %add3A_216 = arith.constant 72 : i32
    %add3A_217 = vector.broadcast %add3A_216 : i32 to vector<16xi32>
    %add3A_218 = arith.addi %shift_right_arithmetic3A_202, %add3A_217 : vector<16xi32>
    %gather3A_219 = tpu.vector_load_idx %arg20[%add3A_195, %add3A_218] : memref<80x96xi32, #tpu.memory_space<vmem>>[vector<16xi32>, vector<16xi32>], vector<16xi32>,
    %bitcast3A_220 = vector.bitcast %gather3A_219 : vector<16xi32> to vector<16xf32>
    %add3A_221 = arith.constant 80 : i32
    %add3A_222 = vector.broadcast %add3A_221 : i32 to vector<16xi32>
    %add3A_223 = arith.addi %shift_right_arithmetic3A_202, %add3A_222 : vector<16xi32>
    %gather3A_224 = tpu.vector_load_idx %arg20[%add3A_195, %add3A_223] : memref<80x96xi32, #tpu.memory_space<vmem>>[vector<16xi32>, vector<16xi32>], vector<16xi32>,
    %bitcast3A_225 = vector.bitcast %gather3A_224 : vector<16xi32> to vector<16xf32>
    %mul3A_226 = arith.mulf %add3A_210, %gather3A_203 : vector<16xf32>
    %mul3A_227 = arith.mulf %mul3A_226, %bitcast3A_215 : vector<16xf32>
    %add3A_228 = arith.addf %mul3A_227, %gather3A_204 : vector<16xf32>
    %add3A_229 = arith.addf %add3A_228, %bitcast3A_220 : vector<16xf32>
    %swap3A_230 = arith.constant 32 : index
    %swap3A_231 = tpu.vector_load %arg22[%swap3A_230] {strides = array<i32>} : memref<80xf32, #tpu.memory_space<vmem>>, vector<16xf32>,
    tpu.vector_store %arg22[%swap3A_230], %add3A_229 {strides = array<i32>} : memref<80xf32, #tpu.memory_space<vmem>>, vector<16xf32>,
    %add3A_232 = arith.addf %gather3A_205, %bitcast3A_225 : vector<16xf32>
    %abs3A_233 = math.absf %add3A_232 : vector<16xf32>
    %neg3A_234 = arith.constant 0.000000e+00 : f32
    %neg3A_235 = vector.broadcast %neg3A_234 : f32 to vector<16xf32>
    %neg3A_236 = arith.subf %neg3A_235, %abs3A_233 : vector<16xf32>
    %exp3A_237 = math.exp %neg3A_236 : vector<16xf32>
    %mul3A_238 = arith.constant -0.0236895699 : f32
    %mul3A_239 = vector.broadcast %mul3A_238 : f32 to vector<16xf32>
    %mul3A_240 = arith.mulf %exp3A_237, %mul3A_239 : vector<16xf32>
    %add3A_241 = arith.constant 0.100288436 : f32
    %add3A_242 = vector.broadcast %add3A_241 : f32 to vector<16xf32>
    %add3A_243 = arith.addf %add3A_242, %mul3A_240 : vector<16xf32>
    %mul3A_244 = arith.mulf %exp3A_237, %add3A_243 : vector<16xf32>
    %add3A_245 = arith.constant -0.208671257 : f32
    %add3A_246 = vector.broadcast %add3A_245 : f32 to vector<16xf32>
    %add3A_247 = arith.addf %add3A_246, %mul3A_244 : vector<16xf32>
    %mul3A_248 = arith.mulf %exp3A_237, %add3A_247 : vector<16xf32>
    %add3A_249 = arith.constant 0.324412674 : f32
    %add3A_250 = vector.broadcast %add3A_249 : f32 to vector<16xf32>
    %add3A_251 = arith.addf %add3A_250, %mul3A_248 : vector<16xf32>
    %mul3A_252 = arith.mulf %exp3A_237, %add3A_251 : vector<16xf32>
    %add3A_253 = arith.constant -0.499188036 : f32
    %add3A_254 = vector.broadcast %add3A_253 : f32 to vector<16xf32>
    %add3A_255 = arith.addf %add3A_254, %mul3A_252 : vector<16xf32>
    %mul3A_256 = arith.mulf %exp3A_237, %add3A_255 : vector<16xf32>
    %add3A_257 = arith.constant 0.99998188 : f32
    %add3A_258 = vector.broadcast %add3A_257 : f32 to vector<16xf32>
    %add3A_259 = arith.addf %add3A_258, %mul3A_256 : vector<16xf32>
    %mul3A_260 = arith.mulf %exp3A_237, %add3A_259 : vector<16xf32>
    %max3A_261 = arith.constant 0.000000e+00 : f32
    %max3A_262 = vector.broadcast %max3A_261 : f32 to vector<16xf32>
    %max3A_263 = arith.maximumf %add3A_232, %max3A_262 : vector<16xf32>
    %add3A_264 = arith.addf %max3A_263, %mul3A_260 : vector<16xf32>
    %add3A_265 = arith.constant 9.99999974E-5 : f32
    %add3A_266 = vector.broadcast %add3A_265 : f32 to vector<16xf32>
    %add3A_267 = arith.addf %add3A_264, %add3A_266 : vector<16xf32>
    %swap3A_268 = arith.constant 32 : index
    %swap3A_269 = tpu.vector_load %arg24[%swap3A_268] {strides = array<i32>} : memref<80xf32, #tpu.memory_space<vmem>>, vector<16xf32>,
    tpu.vector_store %arg24[%swap3A_268], %add3A_267 {strides = array<i32>} : memref<80xf32, #tpu.memory_space<vmem>>, vector<16xf32>,
    %get3A_270 = arith.constant 9968 : index
    %get3A_271 = tpu.vector_load %arg16[%get3A_270] {strides = array<i32>} : memref<10000xi32, #tpu.memory_space<vmem>>, vector<16xi32>,
    %iota3A_272 = tpu.iota {dimensions = array<i32: 0>} : vector<16xi32>
    %add3A_273 = arith.constant 48 : i32
    %add3A_274 = vector.broadcast %add3A_273 : i32 to vector<16xi32>
    %add3A_275 = arith.addi %iota3A_272, %add3A_274 : vector<16xi32>
    %gather3A_276 = tpu.vector_load_idx %arg12[%get3A_271] : memref<10000xi32, #tpu.memory_space<vmem>>[vector<16xi32>], vector<16xi32>,
    %and3A_277 = arith.constant 16383 : i32
    %and3A_278 = vector.broadcast %and3A_277 : i32 to vector<16xi32>
    %and3A_279 = arith.andi %gather3A_276, %and3A_278 : vector<16xi32>
    %shift_right_arithmetic3A_280 = arith.constant 14 : i32
    %shift_right_arithmetic3A_281 = vector.broadcast %shift_right_arithmetic3A_280 : i32 to vector<16xi32>
    %shift_right_arithmetic3A_282 = arith.shrsi %gather3A_276, %shift_right_arithmetic3A_281 : vector<16xi32>
    %gather3A_283 = tpu.vector_load_idx %arg13[%and3A_279] : memref<10000xf32, #tpu.memory_space<vmem>>[vector<16xi32>], vector<16xf32>,
    %gather3A_284 = tpu.vector_load_idx %arg14[%and3A_279] : memref<10000xf32, #tpu.memory_space<vmem>>[vector<16xi32>], vector<16xf32>,
    %gather3A_285 = tpu.vector_load_idx %arg15[%and3A_279] : memref<10000xf32, #tpu.memory_space<vmem>>[vector<16xi32>], vector<16xf32>,
    %parallel_loop3A_286 = arith.constant 0 : i32
    %parallel_loop3A_287 = arith.constant 64 : i32
    %parallel_loop3A_288 = arith.constant 2 : i32
    %parallel_loop3A_289:2 = scf.for %parallel_loop3A_444 = %parallel_loop3A_286 to %parallel_loop3A_287 step %parallel_loop3A_288 iter_args(%parallel_loop3A_445 = %broadcast_in_dim3A_11, %parallel_loop3A_446 = %broadcast_in_dim3A_11) -> (vector<16xf32>, vector<16xf32>)  : i32 {
      %parallel_loop3A_447 = vector.broadcast %parallel_loop3A_444 : i32 to vector<16xi32>
      %parallel_loop3A_448 = arith.addi %iota3A, %parallel_loop3A_447 : vector<16xi32>
      %parallel_loop3A_449 = arith.constant 63 : i32
      %parallel_loop3A_450 = vector.broadcast %parallel_loop3A_449 : i32 to vector<16xi32>
      %parallel_loop3A_451 = arith.andi %parallel_loop3A_448, %parallel_loop3A_450 : vector<16xi32>
      %parallel_loop3A_452 = tpu.vector_load_idx %arg18[%add3A_275, %parallel_loop3A_451] : memref<80x64xi32, #tpu.memory_space<vmem>>[vector<16xi32>, vector<16xi32>], vector<16xi32>,
      %parallel_loop3A_453 = tpu.vector_load_idx %arg20[%add3A_275, %parallel_loop3A_451] : memref<80x96xi32, #tpu.memory_space<vmem>>[vector<16xi32>, vector<16xi32>], vector<16xi32>,
      %parallel_loop3A_454 = arith.constant 16 : i32
      %parallel_loop3A_455 = vector.broadcast %parallel_loop3A_454 : i32 to vector<16xi32>
      %parallel_loop3A_456 = arith.shli %parallel_loop3A_452, %parallel_loop3A_455 : vector<16xi32>
      %parallel_loop3A_457 = vector.bitcast %parallel_loop3A_456 : vector<16xi32> to vector<16xf32>
      %parallel_loop3A_458 = arith.andi %parallel_loop3A_452, %broadcast_in_dim3A_9 : vector<16xi32>
      %parallel_loop3A_459 = vector.bitcast %parallel_loop3A_458 : vector<16xi32> to vector<16xf32>
      %parallel_loop3A_460 = arith.constant 16 : i32
      %parallel_loop3A_461 = vector.broadcast %parallel_loop3A_460 : i32 to vector<16xi32>
      %parallel_loop3A_462 = arith.shli %parallel_loop3A_453, %parallel_loop3A_461 : vector<16xi32>
      %parallel_loop3A_463 = vector.bitcast %parallel_loop3A_462 : vector<16xi32> to vector<16xf32>
      %parallel_loop3A_464 = arith.andi %parallel_loop3A_453, %broadcast_in_dim3A_9 : vector<16xi32>
      %parallel_loop3A_465 = vector.bitcast %parallel_loop3A_464 : vector<16xi32> to vector<16xf32>
      %parallel_loop3A_466 = arith.mulf %parallel_loop3A_457, %parallel_loop3A_463 : vector<16xf32>
      %parallel_loop3A_467 = arith.mulf %parallel_loop3A_459, %parallel_loop3A_465 : vector<16xf32>
      %parallel_loop3A_468 = arith.addf %parallel_loop3A_466, %parallel_loop3A_467 : vector<16xf32>
      %parallel_loop3A_469 = arith.addf %parallel_loop3A_445, %parallel_loop3A_468 : vector<16xf32>
      %parallel_loop3A_470 = arith.constant 1 : i32
      %parallel_loop3A_471 = arith.addi %parallel_loop3A_444, %parallel_loop3A_470 : i32
      %parallel_loop3A_472 = vector.broadcast %parallel_loop3A_471 : i32 to vector<16xi32>
      %parallel_loop3A_473 = arith.addi %iota3A, %parallel_loop3A_472 : vector<16xi32>
      %parallel_loop3A_474 = arith.constant 63 : i32
      %parallel_loop3A_475 = vector.broadcast %parallel_loop3A_474 : i32 to vector<16xi32>
      %parallel_loop3A_476 = arith.andi %parallel_loop3A_473, %parallel_loop3A_475 : vector<16xi32>
      %parallel_loop3A_477 = tpu.vector_load_idx %arg18[%add3A_275, %parallel_loop3A_476] : memref<80x64xi32, #tpu.memory_space<vmem>>[vector<16xi32>, vector<16xi32>], vector<16xi32>,
      %parallel_loop3A_478 = tpu.vector_load_idx %arg20[%add3A_275, %parallel_loop3A_476] : memref<80x96xi32, #tpu.memory_space<vmem>>[vector<16xi32>, vector<16xi32>], vector<16xi32>,
      %parallel_loop3A_479 = arith.constant 16 : i32
      %parallel_loop3A_480 = vector.broadcast %parallel_loop3A_479 : i32 to vector<16xi32>
      %parallel_loop3A_481 = arith.shli %parallel_loop3A_477, %parallel_loop3A_480 : vector<16xi32>
      %parallel_loop3A_482 = vector.bitcast %parallel_loop3A_481 : vector<16xi32> to vector<16xf32>
      %parallel_loop3A_483 = arith.andi %parallel_loop3A_477, %broadcast_in_dim3A_9 : vector<16xi32>
      %parallel_loop3A_484 = vector.bitcast %parallel_loop3A_483 : vector<16xi32> to vector<16xf32>
      %parallel_loop3A_485 = arith.constant 16 : i32
      %parallel_loop3A_486 = vector.broadcast %parallel_loop3A_485 : i32 to vector<16xi32>
      %parallel_loop3A_487 = arith.shli %parallel_loop3A_478, %parallel_loop3A_486 : vector<16xi32>
      %parallel_loop3A_488 = vector.bitcast %parallel_loop3A_487 : vector<16xi32> to vector<16xf32>
      %parallel_loop3A_489 = arith.andi %parallel_loop3A_478, %broadcast_in_dim3A_9 : vector<16xi32>
      %parallel_loop3A_490 = vector.bitcast %parallel_loop3A_489 : vector<16xi32> to vector<16xf32>
      %parallel_loop3A_491 = arith.mulf %parallel_loop3A_482, %parallel_loop3A_488 : vector<16xf32>
      %parallel_loop3A_492 = arith.mulf %parallel_loop3A_484, %parallel_loop3A_490 : vector<16xf32>
      %parallel_loop3A_493 = arith.addf %parallel_loop3A_491, %parallel_loop3A_492 : vector<16xf32>
      %parallel_loop3A_494 = arith.addf %parallel_loop3A_446, %parallel_loop3A_493 : vector<16xf32>
      scf.yield %parallel_loop3A_469, %parallel_loop3A_494 : vector<16xf32>, vector<16xf32>
    } {sc.loop_unroll_factor = 4 : i64, sc.parallel_access}
    %add3A_290 = arith.addf %parallel_loop3A_289#0, %parallel_loop3A_289#1 : vector<16xf32>
    %add3A_291 = arith.constant 64 : i32
    %add3A_292 = vector.broadcast %add3A_291 : i32 to vector<16xi32>
    %add3A_293 = arith.addi %shift_right_arithmetic3A_282, %add3A_292 : vector<16xi32>
    %gather3A_294 = tpu.vector_load_idx %arg20[%add3A_275, %add3A_293] : memref<80x96xi32, #tpu.memory_space<vmem>>[vector<16xi32>, vector<16xi32>], vector<16xi32>,
    %bitcast3A_295 = vector.bitcast %gather3A_294 : vector<16xi32> to vector<16xf32>
    %add3A_296 = arith.constant 72 : i32
    %add3A_297 = vector.broadcast %add3A_296 : i32 to vector<16xi32>
    %add3A_298 = arith.addi %shift_right_arithmetic3A_282, %add3A_297 : vector<16xi32>
    %gather3A_299 = tpu.vector_load_idx %arg20[%add3A_275, %add3A_298] : memref<80x96xi32, #tpu.memory_space<vmem>>[vector<16xi32>, vector<16xi32>], vector<16xi32>,
    %bitcast3A_300 = vector.bitcast %gather3A_299 : vector<16xi32> to vector<16xf32>
    %add3A_301 = arith.constant 80 : i32
    %add3A_302 = vector.broadcast %add3A_301 : i32 to vector<16xi32>
    %add3A_303 = arith.addi %shift_right_arithmetic3A_282, %add3A_302 : vector<16xi32>
    %gather3A_304 = tpu.vector_load_idx %arg20[%add3A_275, %add3A_303] : memref<80x96xi32, #tpu.memory_space<vmem>>[vector<16xi32>, vector<16xi32>], vector<16xi32>,
    %bitcast3A_305 = vector.bitcast %gather3A_304 : vector<16xi32> to vector<16xf32>
    %mul3A_306 = arith.mulf %add3A_290, %gather3A_283 : vector<16xf32>
    %mul3A_307 = arith.mulf %mul3A_306, %bitcast3A_295 : vector<16xf32>
    %add3A_308 = arith.addf %mul3A_307, %gather3A_284 : vector<16xf32>
    %add3A_309 = arith.addf %add3A_308, %bitcast3A_300 : vector<16xf32>
    %swap3A_310 = arith.constant 48 : index
    %swap3A_311 = tpu.vector_load %arg22[%swap3A_310] {strides = array<i32>} : memref<80xf32, #tpu.memory_space<vmem>>, vector<16xf32>,
    tpu.vector_store %arg22[%swap3A_310], %add3A_309 {strides = array<i32>} : memref<80xf32, #tpu.memory_space<vmem>>, vector<16xf32>,
    %add3A_312 = arith.addf %gather3A_285, %bitcast3A_305 : vector<16xf32>
    %abs3A_313 = math.absf %add3A_312 : vector<16xf32>
    %neg3A_314 = arith.constant 0.000000e+00 : f32
    %neg3A_315 = vector.broadcast %neg3A_314 : f32 to vector<16xf32>
    %neg3A_316 = arith.subf %neg3A_315, %abs3A_313 : vector<16xf32>
    %exp3A_317 = math.exp %neg3A_316 : vector<16xf32>
    %mul3A_318 = arith.constant -0.0236895699 : f32
    %mul3A_319 = vector.broadcast %mul3A_318 : f32 to vector<16xf32>
    %mul3A_320 = arith.mulf %exp3A_317, %mul3A_319 : vector<16xf32>
    %add3A_321 = arith.constant 0.100288436 : f32
    %add3A_322 = vector.broadcast %add3A_321 : f32 to vector<16xf32>
    %add3A_323 = arith.addf %add3A_322, %mul3A_320 : vector<16xf32>
    %mul3A_324 = arith.mulf %exp3A_317, %add3A_323 : vector<16xf32>
    %add3A_325 = arith.constant -0.208671257 : f32
    %add3A_326 = vector.broadcast %add3A_325 : f32 to vector<16xf32>
    %add3A_327 = arith.addf %add3A_326, %mul3A_324 : vector<16xf32>
    %mul3A_328 = arith.mulf %exp3A_317, %add3A_327 : vector<16xf32>
    %add3A_329 = arith.constant 0.324412674 : f32
    %add3A_330 = vector.broadcast %add3A_329 : f32 to vector<16xf32>
    %add3A_331 = arith.addf %add3A_330, %mul3A_328 : vector<16xf32>
    %mul3A_332 = arith.mulf %exp3A_317, %add3A_331 : vector<16xf32>
    %add3A_333 = arith.constant -0.499188036 : f32
    %add3A_334 = vector.broadcast %add3A_333 : f32 to vector<16xf32>
    %add3A_335 = arith.addf %add3A_334, %mul3A_332 : vector<16xf32>
    %mul3A_336 = arith.mulf %exp3A_317, %add3A_335 : vector<16xf32>
    %add3A_337 = arith.constant 0.99998188 : f32
    %add3A_338 = vector.broadcast %add3A_337 : f32 to vector<16xf32>
    %add3A_339 = arith.addf %add3A_338, %mul3A_336 : vector<16xf32>
    %mul3A_340 = arith.mulf %exp3A_317, %add3A_339 : vector<16xf32>
    %max3A_341 = arith.constant 0.000000e+00 : f32
    %max3A_342 = vector.broadcast %max3A_341 : f32 to vector<16xf32>
    %max3A_343 = arith.maximumf %add3A_312, %max3A_342 : vector<16xf32>
    %add3A_344 = arith.addf %max3A_343, %mul3A_340 : vector<16xf32>
    %add3A_345 = arith.constant 9.99999974E-5 : f32
    %add3A_346 = vector.broadcast %add3A_345 : f32 to vector<16xf32>
    %add3A_347 = arith.addf %add3A_344, %add3A_346 : vector<16xf32>
    %swap3A_348 = arith.constant 48 : index
    %swap3A_349 = tpu.vector_load %arg24[%swap3A_348] {strides = array<i32>} : memref<80xf32, #tpu.memory_space<vmem>>, vector<16xf32>,
    tpu.vector_store %arg24[%swap3A_348], %add3A_347 {strides = array<i32>} : memref<80xf32, #tpu.memory_space<vmem>>, vector<16xf32>,
    %get3A_350 = arith.constant 9984 : index
    %get3A_351 = tpu.vector_load %arg16[%get3A_350] {strides = array<i32>} : memref<10000xi32, #tpu.memory_space<vmem>>, vector<16xi32>,
    %iota3A_352 = tpu.iota {dimensions = array<i32: 0>} : vector<16xi32>
    %add3A_353 = arith.constant 64 : i32
    %add3A_354 = vector.broadcast %add3A_353 : i32 to vector<16xi32>
    %add3A_355 = arith.addi %iota3A_352, %add3A_354 : vector<16xi32>
    %gather3A_356 = tpu.vector_load_idx %arg12[%get3A_351] : memref<10000xi32, #tpu.memory_space<vmem>>[vector<16xi32>], vector<16xi32>,
    %and3A_357 = arith.constant 16383 : i32
    %and3A_358 = vector.broadcast %and3A_357 : i32 to vector<16xi32>
    %and3A_359 = arith.andi %gather3A_356, %and3A_358 : vector<16xi32>
    %shift_right_arithmetic3A_360 = arith.constant 14 : i32
    %shift_right_arithmetic3A_361 = vector.broadcast %shift_right_arithmetic3A_360 : i32 to vector<16xi32>
    %shift_right_arithmetic3A_362 = arith.shrsi %gather3A_356, %shift_right_arithmetic3A_361 : vector<16xi32>
    %gather3A_363 = tpu.vector_load_idx %arg13[%and3A_359] : memref<10000xf32, #tpu.memory_space<vmem>>[vector<16xi32>], vector<16xf32>,
    %gather3A_364 = tpu.vector_load_idx %arg14[%and3A_359] : memref<10000xf32, #tpu.memory_space<vmem>>[vector<16xi32>], vector<16xf32>,
    %gather3A_365 = tpu.vector_load_idx %arg15[%and3A_359] : memref<10000xf32, #tpu.memory_space<vmem>>[vector<16xi32>], vector<16xf32>,
    %parallel_loop3A_366 = arith.constant 0 : i32
    %parallel_loop3A_367 = arith.constant 64 : i32
    %parallel_loop3A_368 = arith.constant 2 : i32
    %parallel_loop3A_369:2 = scf.for %parallel_loop3A_444 = %parallel_loop3A_366 to %parallel_loop3A_367 step %parallel_loop3A_368 iter_args(%parallel_loop3A_445 = %broadcast_in_dim3A_11, %parallel_loop3A_446 = %broadcast_in_dim3A_11) -> (vector<16xf32>, vector<16xf32>)  : i32 {
      %parallel_loop3A_447 = vector.broadcast %parallel_loop3A_444 : i32 to vector<16xi32>
      %parallel_loop3A_448 = arith.addi %iota3A, %parallel_loop3A_447 : vector<16xi32>
      %parallel_loop3A_449 = arith.constant 63 : i32
      %parallel_loop3A_450 = vector.broadcast %parallel_loop3A_449 : i32 to vector<16xi32>
      %parallel_loop3A_451 = arith.andi %parallel_loop3A_448, %parallel_loop3A_450 : vector<16xi32>
      %parallel_loop3A_452 = tpu.vector_load_idx %arg18[%add3A_355, %parallel_loop3A_451] : memref<80x64xi32, #tpu.memory_space<vmem>>[vector<16xi32>, vector<16xi32>], vector<16xi32>,
      %parallel_loop3A_453 = tpu.vector_load_idx %arg20[%add3A_355, %parallel_loop3A_451] : memref<80x96xi32, #tpu.memory_space<vmem>>[vector<16xi32>, vector<16xi32>], vector<16xi32>,
      %parallel_loop3A_454 = arith.constant 16 : i32
      %parallel_loop3A_455 = vector.broadcast %parallel_loop3A_454 : i32 to vector<16xi32>
      %parallel_loop3A_456 = arith.shli %parallel_loop3A_452, %parallel_loop3A_455 : vector<16xi32>
      %parallel_loop3A_457 = vector.bitcast %parallel_loop3A_456 : vector<16xi32> to vector<16xf32>
      %parallel_loop3A_458 = arith.andi %parallel_loop3A_452, %broadcast_in_dim3A_9 : vector<16xi32>
      %parallel_loop3A_459 = vector.bitcast %parallel_loop3A_458 : vector<16xi32> to vector<16xf32>
      %parallel_loop3A_460 = arith.constant 16 : i32
      %parallel_loop3A_461 = vector.broadcast %parallel_loop3A_460 : i32 to vector<16xi32>
      %parallel_loop3A_462 = arith.shli %parallel_loop3A_453, %parallel_loop3A_461 : vector<16xi32>
      %parallel_loop3A_463 = vector.bitcast %parallel_loop3A_462 : vector<16xi32> to vector<16xf32>
      %parallel_loop3A_464 = arith.andi %parallel_loop3A_453, %broadcast_in_dim3A_9 : vector<16xi32>
      %parallel_loop3A_465 = vector.bitcast %parallel_loop3A_464 : vector<16xi32> to vector<16xf32>
      %parallel_loop3A_466 = arith.mulf %parallel_loop3A_457, %parallel_loop3A_463 : vector<16xf32>
      %parallel_loop3A_467 = arith.mulf %parallel_loop3A_459, %parallel_loop3A_465 : vector<16xf32>
      %parallel_loop3A_468 = arith.addf %parallel_loop3A_466, %parallel_loop3A_467 : vector<16xf32>
      %parallel_loop3A_469 = arith.addf %parallel_loop3A_445, %parallel_loop3A_468 : vector<16xf32>
      %parallel_loop3A_470 = arith.constant 1 : i32
      %parallel_loop3A_471 = arith.addi %parallel_loop3A_444, %parallel_loop3A_470 : i32
      %parallel_loop3A_472 = vector.broadcast %parallel_loop3A_471 : i32 to vector<16xi32>
      %parallel_loop3A_473 = arith.addi %iota3A, %parallel_loop3A_472 : vector<16xi32>
      %parallel_loop3A_474 = arith.constant 63 : i32
      %parallel_loop3A_475 = vector.broadcast %parallel_loop3A_474 : i32 to vector<16xi32>
      %parallel_loop3A_476 = arith.andi %parallel_loop3A_473, %parallel_loop3A_475 : vector<16xi32>
      %parallel_loop3A_477 = tpu.vector_load_idx %arg18[%add3A_355, %parallel_loop3A_476] : memref<80x64xi32, #tpu.memory_space<vmem>>[vector<16xi32>, vector<16xi32>], vector<16xi32>,
      %parallel_loop3A_478 = tpu.vector_load_idx %arg20[%add3A_355, %parallel_loop3A_476] : memref<80x96xi32, #tpu.memory_space<vmem>>[vector<16xi32>, vector<16xi32>], vector<16xi32>,
      %parallel_loop3A_479 = arith.constant 16 : i32
      %parallel_loop3A_480 = vector.broadcast %parallel_loop3A_479 : i32 to vector<16xi32>
      %parallel_loop3A_481 = arith.shli %parallel_loop3A_477, %parallel_loop3A_480 : vector<16xi32>
      %parallel_loop3A_482 = vector.bitcast %parallel_loop3A_481 : vector<16xi32> to vector<16xf32>
      %parallel_loop3A_483 = arith.andi %parallel_loop3A_477, %broadcast_in_dim3A_9 : vector<16xi32>
      %parallel_loop3A_484 = vector.bitcast %parallel_loop3A_483 : vector<16xi32> to vector<16xf32>
      %parallel_loop3A_485 = arith.constant 16 : i32
      %parallel_loop3A_486 = vector.broadcast %parallel_loop3A_485 : i32 to vector<16xi32>
      %parallel_loop3A_487 = arith.shli %parallel_loop3A_478, %parallel_loop3A_486 : vector<16xi32>
      %parallel_loop3A_488 = vector.bitcast %parallel_loop3A_487 : vector<16xi32> to vector<16xf32>
      %parallel_loop3A_489 = arith.andi %parallel_loop3A_478, %broadcast_in_dim3A_9 : vector<16xi32>
      %parallel_loop3A_490 = vector.bitcast %parallel_loop3A_489 : vector<16xi32> to vector<16xf32>
      %parallel_loop3A_491 = arith.mulf %parallel_loop3A_482, %parallel_loop3A_488 : vector<16xf32>
      %parallel_loop3A_492 = arith.mulf %parallel_loop3A_484, %parallel_loop3A_490 : vector<16xf32>
      %parallel_loop3A_493 = arith.addf %parallel_loop3A_491, %parallel_loop3A_492 : vector<16xf32>
      %parallel_loop3A_494 = arith.addf %parallel_loop3A_446, %parallel_loop3A_493 : vector<16xf32>
      scf.yield %parallel_loop3A_469, %parallel_loop3A_494 : vector<16xf32>, vector<16xf32>
    } {sc.loop_unroll_factor = 4 : i64, sc.parallel_access}
    %add3A_370 = arith.addf %parallel_loop3A_369#0, %parallel_loop3A_369#1 : vector<16xf32>
    %add3A_371 = arith.constant 64 : i32
    %add3A_372 = vector.broadcast %add3A_371 : i32 to vector<16xi32>
    %add3A_373 = arith.addi %shift_right_arithmetic3A_362, %add3A_372 : vector<16xi32>
    %gather3A_374 = tpu.vector_load_idx %arg20[%add3A_355, %add3A_373] : memref<80x96xi32, #tpu.memory_space<vmem>>[vector<16xi32>, vector<16xi32>], vector<16xi32>,
    %bitcast3A_375 = vector.bitcast %gather3A_374 : vector<16xi32> to vector<16xf32>
    %add3A_376 = arith.constant 72 : i32
    %add3A_377 = vector.broadcast %add3A_376 : i32 to vector<16xi32>
    %add3A_378 = arith.addi %shift_right_arithmetic3A_362, %add3A_377 : vector<16xi32>
    %gather3A_379 = tpu.vector_load_idx %arg20[%add3A_355, %add3A_378] : memref<80x96xi32, #tpu.memory_space<vmem>>[vector<16xi32>, vector<16xi32>], vector<16xi32>,
    %bitcast3A_380 = vector.bitcast %gather3A_379 : vector<16xi32> to vector<16xf32>
    %add3A_381 = arith.constant 80 : i32
    %add3A_382 = vector.broadcast %add3A_381 : i32 to vector<16xi32>
    %add3A_383 = arith.addi %shift_right_arithmetic3A_362, %add3A_382 : vector<16xi32>
    %gather3A_384 = tpu.vector_load_idx %arg20[%add3A_355, %add3A_383] : memref<80x96xi32, #tpu.memory_space<vmem>>[vector<16xi32>, vector<16xi32>], vector<16xi32>,
    %bitcast3A_385 = vector.bitcast %gather3A_384 : vector<16xi32> to vector<16xf32>
    %mul3A_386 = arith.mulf %add3A_370, %gather3A_363 : vector<16xf32>
    %mul3A_387 = arith.mulf %mul3A_386, %bitcast3A_375 : vector<16xf32>
    %add3A_388 = arith.addf %mul3A_387, %gather3A_364 : vector<16xf32>
    %add3A_389 = arith.addf %add3A_388, %bitcast3A_380 : vector<16xf32>
    %swap3A_390 = arith.constant 64 : index
    %swap3A_391 = tpu.vector_load %arg22[%swap3A_390] {strides = array<i32>} : memref<80xf32, #tpu.memory_space<vmem>>, vector<16xf32>,
    tpu.vector_store %arg22[%swap3A_390], %add3A_389 {strides = array<i32>} : memref<80xf32, #tpu.memory_space<vmem>>, vector<16xf32>,
    %add3A_392 = arith.addf %gather3A_365, %bitcast3A_385 : vector<16xf32>
    %abs3A_393 = math.absf %add3A_392 : vector<16xf32>
    %neg3A_394 = arith.constant 0.000000e+00 : f32
    %neg3A_395 = vector.broadcast %neg3A_394 : f32 to vector<16xf32>
    %neg3A_396 = arith.subf %neg3A_395, %abs3A_393 : vector<16xf32>
    %exp3A_397 = math.exp %neg3A_396 : vector<16xf32>
    %mul3A_398 = arith.constant -0.0236895699 : f32
    %mul3A_399 = vector.broadcast %mul3A_398 : f32 to vector<16xf32>
    %mul3A_400 = arith.mulf %exp3A_397, %mul3A_399 : vector<16xf32>
    %add3A_401 = arith.constant 0.100288436 : f32
    %add3A_402 = vector.broadcast %add3A_401 : f32 to vector<16xf32>
    %add3A_403 = arith.addf %add3A_402, %mul3A_400 : vector<16xf32>
    %mul3A_404 = arith.mulf %exp3A_397, %add3A_403 : vector<16xf32>
    %add3A_405 = arith.constant -0.208671257 : f32
    %add3A_406 = vector.broadcast %add3A_405 : f32 to vector<16xf32>
    %add3A_407 = arith.addf %add3A_406, %mul3A_404 : vector<16xf32>
    %mul3A_408 = arith.mulf %exp3A_397, %add3A_407 : vector<16xf32>
    %add3A_409 = arith.constant 0.324412674 : f32
    %add3A_410 = vector.broadcast %add3A_409 : f32 to vector<16xf32>
    %add3A_411 = arith.addf %add3A_410, %mul3A_408 : vector<16xf32>
    %mul3A_412 = arith.mulf %exp3A_397, %add3A_411 : vector<16xf32>
    %add3A_413 = arith.constant -0.499188036 : f32
    %add3A_414 = vector.broadcast %add3A_413 : f32 to vector<16xf32>
    %add3A_415 = arith.addf %add3A_414, %mul3A_412 : vector<16xf32>
    %mul3A_416 = arith.mulf %exp3A_397, %add3A_415 : vector<16xf32>
    %add3A_417 = arith.constant 0.99998188 : f32
    %add3A_418 = vector.broadcast %add3A_417 : f32 to vector<16xf32>
    %add3A_419 = arith.addf %add3A_418, %mul3A_416 : vector<16xf32>
    %mul3A_420 = arith.mulf %exp3A_397, %add3A_419 : vector<16xf32>
    %max3A_421 = arith.constant 0.000000e+00 : f32
    %max3A_422 = vector.broadcast %max3A_421 : f32 to vector<16xf32>
    %max3A_423 = arith.maximumf %add3A_392, %max3A_422 : vector<16xf32>
    %add3A_424 = arith.addf %max3A_423, %mul3A_420 : vector<16xf32>
    %add3A_425 = arith.constant 9.99999974E-5 : f32
    %add3A_426 = vector.broadcast %add3A_425 : f32 to vector<16xf32>
    %add3A_427 = arith.addf %add3A_424, %add3A_426 : vector<16xf32>
    %swap3A_428 = arith.constant 64 : index
    %swap3A_429 = tpu.vector_load %arg24[%swap3A_428] {strides = array<i32>} : memref<80xf32, #tpu.memory_space<vmem>>, vector<16xf32>,
    tpu.vector_store %arg24[%swap3A_428], %add3A_427 {strides = array<i32>} : memref<80xf32, #tpu.memory_space<vmem>>, vector<16xf32>,
    %add3A_430 = arith.constant 9920 : i32
    %add3A_431 = arith.addi %mul3A_2, %add3A_430 : i32
    %dma_start3A_432 = tpu.memref_slice %arg10[%add3A_431] : memref<320000xf32, #tpu.memory_space<hbm>> -> memref<80xf32, #tpu.memory_space<hbm>>
    %dma_start3A_433 = tpu.memref_slice %arg10[%add3A_431] : memref<320000xf32, #tpu.memory_space<hbm>> -> memref<80xf32, #tpu.memory_space<hbm>>
    tpu.enqueue_dma source(%arg22 : memref<80xf32, #tpu.memory_space<vmem>>) target(%dma_start3A_433 : memref<80xf32, #tpu.memory_space<hbm>>) target_semaphore(%arg28 : memref<!tpu.dma_semaphore, #tpu.memory_space<semaphore_mem>>)
    %dma_start3A_434 = tpu.memref_slice %arg11[%add3A_431] : memref<320000xf32, #tpu.memory_space<hbm>> -> memref<80xf32, #tpu.memory_space<hbm>>
    %dma_start3A_435 = tpu.memref_slice %arg11[%add3A_431] : memref<320000xf32, #tpu.memory_space<hbm>> -> memref<80xf32, #tpu.memory_space<hbm>>
    tpu.enqueue_dma source(%arg24 : memref<80xf32, #tpu.memory_space<vmem>>) target(%dma_start3A_435 : memref<80xf32, #tpu.memory_space<hbm>>) target_semaphore(%arg28 : memref<!tpu.dma_semaphore, #tpu.memory_space<semaphore_mem>>)
    %dma_wait3A_436 = tpu.memref_slice %arg10[%mul3A_2] : memref<320000xf32, #tpu.memory_space<hbm>> -> memref<80xf32, #tpu.memory_space<hbm>>
    %dma_wait3A_437 = tpu.memref_slice %arg10[%mul3A_2] : memref<320000xf32, #tpu.memory_space<hbm>> -> memref<80xf32, #tpu.memory_space<hbm>>
    tpu.wait_dma2 semaphore(%arg28 : memref<!tpu.dma_semaphore, #tpu.memory_space<semaphore_mem>>) src(%arg22 : memref<80xf32, #tpu.memory_space<vmem>>) dst(%dma_wait3A_437 : memref<80xf32, #tpu.memory_space<hbm>>)
    %dma_wait3A_438 = tpu.memref_slice %arg11[%mul3A_2] : memref<320000xf32, #tpu.memory_space<hbm>> -> memref<80xf32, #tpu.memory_space<hbm>>
    %dma_wait3A_439 = tpu.memref_slice %arg11[%mul3A_2] : memref<320000xf32, #tpu.memory_space<hbm>> -> memref<80xf32, #tpu.memory_space<hbm>>
    tpu.wait_dma2 semaphore(%arg28 : memref<!tpu.dma_semaphore, #tpu.memory_space<semaphore_mem>>) src(%arg24 : memref<80xf32, #tpu.memory_space<vmem>>) dst(%dma_wait3A_439 : memref<80xf32, #tpu.memory_space<hbm>>)
    %dma_wait3A_440 = tpu.memref_slice %arg10[%mul3A_2] : memref<320000xf32, #tpu.memory_space<hbm>> -> memref<80xf32, #tpu.memory_space<hbm>>
    %dma_wait3A_441 = tpu.memref_slice %arg10[%mul3A_2] : memref<320000xf32, #tpu.memory_space<hbm>> -> memref<80xf32, #tpu.memory_space<hbm>>
    tpu.wait_dma2 semaphore(%arg29 : memref<!tpu.dma_semaphore, #tpu.memory_space<semaphore_mem>>) src(%arg23 : memref<80xf32, #tpu.memory_space<vmem>>) dst(%dma_wait3A_441 : memref<80xf32, #tpu.memory_space<hbm>>)
    %dma_wait3A_442 = tpu.memref_slice %arg11[%mul3A_2] : memref<320000xf32, #tpu.memory_space<hbm>> -> memref<80xf32, #tpu.memory_space<hbm>>
    %dma_wait3A_443 = tpu.memref_slice %arg11[%mul3A_2] : memref<320000xf32, #tpu.memory_space<hbm>> -> memref<80xf32, #tpu.memory_space<hbm>>
    tpu.wait_dma2 semaphore(%arg29 : memref<!tpu.dma_semaphore, #tpu.memory_space<semaphore_mem>>) src(%arg25 : memref<80xf32, #tpu.memory_space<vmem>>) dst(%dma_wait3A_443 : memref<80xf32, #tpu.memory_space<hbm>>)
    return
  }
}

module attributes {stable_mosaic.version = 14 : i64} {
  func.func @_prep_body(%arg0: i32, %arg1: memref<1000x128xf32, #tpu.memory_space<vmem>>, %arg2: memref<128x128xf32, #tpu.memory_space<vmem>>, %arg3: memref<1x128xf32, #tpu.memory_space<vmem>>, %arg4: memref<1000x128xf32, #tpu.memory_space<vmem>>, %arg5: memref<1000x64xi32, #tpu.memory_space<vmem>>, %arg6: memref<1000x64xi32, #tpu.memory_space<vmem>>) attributes {dimension_semantics = [#tpu.dimension_semantics<arbitrary>], iteration_bounds = array<i64: 10>, scalar_prefetch = 0 : i64, scratch_operands = 0 : i64, tpu.core_type = #tpu.core_type<tc>, window_params = [{transform_indices = @transform_0, window_bounds = array<i64: 1000, 128>}, {pipeline_mode = #tpu.pipeline_mode<synchronous>, transform_indices = @transform_1, window_bounds = array<i64: 128, 128>}, {pipeline_mode = #tpu.pipeline_mode<synchronous>, transform_indices = @transform_2, window_bounds = array<i64: 1, 128>}, {transform_indices = @transform_3, window_bounds = array<i64: 1000, 128>}, {transform_indices = @transform_4, window_bounds = array<i64: 1000, 64>}, {transform_indices = @transform_5, window_bounds = array<i64: 1000, 64>}]} {
    %get3A = arith.constant 0 : index
    %get3A_0 = arith.constant 0 : index
    %get3A_1 = vector.load %arg1[%get3A, %get3A_0] : memref<1000x128xf32, #tpu.memory_space<vmem>>, vector<1000x128xf32>
    %get3A_2 = arith.constant 0 : index
    %get3A_3 = arith.constant 0 : index
    %get3A_4 = vector.load %arg2[%get3A_2, %get3A_3] : memref<128x128xf32, #tpu.memory_space<vmem>>, vector<128x128xf32>
    %dot_general3A = arith.constant dense<0.000000e+00> : vector<1000x128xf32>
    %dot_general3A_5 = tpu.matmul %get3A_1, %get3A_4, %dot_general3A {dimension_numbers = #tpu.dot_dimension_numbers<[1], [0], [0], [1], [0, 0, 1, 1], [], []>, transpose_lhs_hint = false} : vector<1000x128xf32>, vector<128x128xf32>, vector<1000x128xf32> -> vector<1000x128xf32>
    %get3A_6 = arith.constant 0 : index
    %get3A_7 = arith.constant 0 : index
    %get3A_8 = vector.load %arg3[%get3A_6, %get3A_7] : memref<1x128xf32, #tpu.memory_space<vmem>>, vector<1x128xf32>
    %add3A = vector.broadcast %get3A_8 : vector<1x128xf32> to vector<1000x128xf32>
    %add3A_9 = arith.addf %dot_general3A_5, %add3A : vector<1000x128xf32>
    %ge3A = arith.constant 0.000000e+00 : f32
    %ge3A_10 = vector.broadcast %ge3A : f32 to vector<1000x128xf32>
    %ge3A_11 = arith.cmpf oge, %add3A_9, %ge3A_10 : vector<1000x128xf32>
    %mul3A = arith.constant 0.00999999977 : f32
    %mul3A_12 = vector.broadcast %mul3A : f32 to vector<1000x128xf32>
    %mul3A_13 = arith.mulf %mul3A_12, %add3A_9 : vector<1000x128xf32>
    %select_n3A = arith.select %ge3A_11, %add3A_9, %mul3A_13 : vector<1000x128xi1>, vector<1000x128xf32>
    %bitcast_convert_type3A = tpu.bitcast %select_n3A : vector<1000x128xf32> -> vector<1000x128xi32>
    %add3A_14 = arith.constant 32767 : i32
    %add3A_15 = vector.broadcast %add3A_14 : i32 to vector<1000x128xi32>
    %add3A_16 = arith.addi %bitcast_convert_type3A, %add3A_15 : vector<1000x128xi32>
    %shift_right_logical3A = arith.constant 16 : i32
    %shift_right_logical3A_17 = vector.broadcast %shift_right_logical3A : i32 to vector<1000x128xi32>
    %shift_right_logical3A_18 = arith.shrui %bitcast_convert_type3A, %shift_right_logical3A_17 : vector<1000x128xi32>
    %and3A = arith.constant 1 : i32
    %and3A_19 = vector.broadcast %and3A : i32 to vector<1000x128xi32>
    %and3A_20 = arith.andi %shift_right_logical3A_18, %and3A_19 : vector<1000x128xi32>
    %add3A_21 = arith.addi %add3A_16, %and3A_20 : vector<1000x128xi32>
    %slice3A = vector.extract_strided_slice %add3A_21 {offsets = [0, 0], sizes = [1000, 64], strides = [1, 1]} : vector<1000x128xi32> to vector<1000x64xi32>
    %shift_right_logical3A_22 = arith.constant 16 : i32
    %shift_right_logical3A_23 = vector.broadcast %shift_right_logical3A_22 : i32 to vector<1000x64xi32>
    %shift_right_logical3A_24 = arith.shrui %slice3A, %shift_right_logical3A_23 : vector<1000x64xi32>
    %slice3A_25 = vector.extract_strided_slice %add3A_21 {offsets = [0, 64], sizes = [1000, 64], strides = [1, 1]} : vector<1000x128xi32> to vector<1000x64xi32>
    %and3A_26 = arith.constant -65536 : i32
    %and3A_27 = vector.broadcast %and3A_26 : i32 to vector<1000x64xi32>
    %and3A_28 = arith.andi %slice3A_25, %and3A_27 : vector<1000x64xi32>
    %or3A = arith.ori %and3A_28, %shift_right_logical3A_24 : vector<1000x64xi32>
    %swap3A = arith.constant 0 : index
    %swap3A_29 = arith.constant 0 : index
    %swap3A_30 = vector.load %arg5[%swap3A, %swap3A_29] : memref<1000x64xi32, #tpu.memory_space<vmem>>, vector<1000x64xi32>
    tpu.vector_store %arg5[%swap3A, %swap3A_29], %or3A {strides = array<i32>} : memref<1000x64xi32, #tpu.memory_space<vmem>>, vector<1000x64xi32>,
    %get3A_31 = arith.constant 0 : index
    %get3A_32 = arith.constant 0 : index
    %get3A_33 = vector.load %arg4[%get3A_31, %get3A_32] : memref<1000x128xf32, #tpu.memory_space<vmem>>, vector<1000x128xf32>
    %bitcast_convert_type3A_34 = tpu.bitcast %get3A_33 : vector<1000x128xf32> -> vector<1000x128xi32>
    %add3A_35 = arith.constant 32767 : i32
    %add3A_36 = vector.broadcast %add3A_35 : i32 to vector<1000x128xi32>
    %add3A_37 = arith.addi %bitcast_convert_type3A_34, %add3A_36 : vector<1000x128xi32>
    %shift_right_logical3A_38 = arith.constant 16 : i32
    %shift_right_logical3A_39 = vector.broadcast %shift_right_logical3A_38 : i32 to vector<1000x128xi32>
    %shift_right_logical3A_40 = arith.shrui %bitcast_convert_type3A_34, %shift_right_logical3A_39 : vector<1000x128xi32>
    %and3A_41 = arith.constant 1 : i32
    %and3A_42 = vector.broadcast %and3A_41 : i32 to vector<1000x128xi32>
    %and3A_43 = arith.andi %shift_right_logical3A_40, %and3A_42 : vector<1000x128xi32>
    %add3A_44 = arith.addi %add3A_37, %and3A_43 : vector<1000x128xi32>
    %slice3A_45 = vector.extract_strided_slice %add3A_44 {offsets = [0, 0], sizes = [1000, 64], strides = [1, 1]} : vector<1000x128xi32> to vector<1000x64xi32>
    %shift_right_logical3A_46 = arith.constant 16 : i32
    %shift_right_logical3A_47 = vector.broadcast %shift_right_logical3A_46 : i32 to vector<1000x64xi32>
    %shift_right_logical3A_48 = arith.shrui %slice3A_45, %shift_right_logical3A_47 : vector<1000x64xi32>
    %slice3A_49 = vector.extract_strided_slice %add3A_44 {offsets = [0, 64], sizes = [1000, 64], strides = [1, 1]} : vector<1000x128xi32> to vector<1000x64xi32>
    %and3A_50 = arith.constant -65536 : i32
    %and3A_51 = vector.broadcast %and3A_50 : i32 to vector<1000x64xi32>
    %and3A_52 = arith.andi %slice3A_49, %and3A_51 : vector<1000x64xi32>
    %or3A_53 = arith.ori %and3A_52, %shift_right_logical3A_48 : vector<1000x64xi32>
    %swap3A_54 = arith.constant 0 : index
    %swap3A_55 = arith.constant 0 : index
    %swap3A_56 = vector.load %arg6[%swap3A_54, %swap3A_55] : memref<1000x64xi32, #tpu.memory_space<vmem>>, vector<1000x64xi32>
    tpu.vector_store %arg6[%swap3A_54, %swap3A_55], %or3A_53 {strides = array<i32>} : memref<1000x64xi32, #tpu.memory_space<vmem>>, vector<1000x64xi32>,
    return
  }
  func.func @transform_0(%arg0: i32) -> (i32, i32) {
    %c0_i32 = arith.constant 0 : i32
    %c0_i32_0 = arith.constant 0 : i32
    return %arg0, %c0_i32 : i32, i32
  }
  func.func @transform_1(%arg0: i32) -> (i32, i32) {
    %c0_i32 = arith.constant 0 : i32
    %c0_i32_0 = arith.constant 0 : i32
    %c0_i32_1 = arith.constant 0 : i32
    return %c0_i32, %c0_i32_0 : i32, i32
  }
  func.func @transform_2(%arg0: i32) -> (i32, i32) {
    %c0_i32 = arith.constant 0 : i32
    %c0_i32_0 = arith.constant 0 : i32
    %c0_i32_1 = arith.constant 0 : i32
    return %c0_i32, %c0_i32_0 : i32, i32
  }
  func.func @transform_3(%arg0: i32) -> (i32, i32) {
    %c0_i32 = arith.constant 0 : i32
    %c0_i32_0 = arith.constant 0 : i32
    return %arg0, %c0_i32 : i32, i32
  }
  func.func @transform_4(%arg0: i32) -> (i32, i32) {
    %c0_i32 = arith.constant 0 : i32
    %c0_i32_0 = arith.constant 0 : i32
    return %arg0, %c0_i32 : i32, i32
  }
  func.func @transform_5(%arg0: i32) -> (i32, i32) {
    %c0_i32 = arith.constant 0 : i32
    %c0_i32_0 = arith.constant 0 : i32
    return %arg0, %c0_i32 : i32, i32
  }
}

</mosaic_0001>

<sc_bundles>
// kernel: gather_offload_async_start
scs
__scs_entry_jumppad:
0x0: {  	(pc) =	sbr.rel $0x88, $3  }
0x1: {  	(tag) =	ssettag $0x0;
	lr =	simm.s32 $0x1  }
0x2: {  	[smem:$0x3F93] =	sst lr;
	_ =	strace $0xD0000000  }
0x3: {  	_ = 	snop  }
0x4: {  	_ = 	snop  }
0x5: {  	_ = 	snop  }
0x6: {  	_ = 	snop  }
0x7: {  	_ = 	snop  }
__scs_overlays_trampoline_lowered:
0x8: {  	[smem:$0x3FA2] =	sst s0  }
0x9: {  	[smem:$0x3FA3] =	sst s1  }
0xa: {  	[smem:$0x3FA4] =	sst s2  }
0xb: {  	[smem:$0x3FA5] =	sst s3  }
0xc: {  	[smem:$0x3FA6] =	sst s4  }
0xd: {  	[smem:$0x3FA7] =	sst s5  }
0xe: {  	[smem:$0x3FA8] =	sst s6  }
0xf: {  	[smem:$0x3FA9] =	sst s7  }
0x10: {  	[smem:$0x3FAA] =	sst s8  }
0x11: {  	[smem:$0x3FAB] =	sst s9;
	s0 =	simm.s32 @!p0 $0x0  }
0x12: {  	s1 =	sld [smem:$0x3F91];
	s0 =	simm.s32 @p0 $0x1  }
0x13: {  	[smem:$0x3FAC] =	sst s0;
	s0 =	simm.s32 @!p1 $0x0  }
0x14: {  	s2 =	sld [smem:$0x3F90];
	s0 =	simm.s32 @p1 $0x1  }
0x15: {  	[smem:$0x3FAD] =	sst s0;
	s0 =	simm.s32 @!p2 $0x0  }
0x16: {  	s3 =	sld [smem:$0x3FDB];
	s0 =	simm.s32 @p2 $0x1  }
0x17: {  	s4 =	simm.s32 $0x1BF5;
	[smem:$0x3FAF] =	sst s0  }
0x18: {  	s0 =	sld [smem:$0x3F92];
	_ =	swait.ge [sflag:s4], $0x0  }
0x19: {  	s7 =	sld [smem:$0x3F93]  }
0x1a: {  	s8 =	sadd.s32 $0xFFFFE003, lr  }
0x1b: {  	s9 =	sadd.s32 $0xFFFFFEF7, lr;
	s5 =	simm.s32 $0xFFFFFFFF;
	p2 =	slt.u32 s8, $0xFFFFF086  }
0x1c: {  	p1 =	slt.u32 s9, $0xF7A;
	s5 =	simm.s32 @!p2 $0x0  }
0x1d: {  	s5 =	simm.s32 @p1 $0x1;
	p0 =	seq.s32 s7, s2  }
0x1e: {  	s7 =	smul.u32 @!p0 $0xF7A, s2;
	p2 =	seq.s32 @!p0 s5, $0x0  }
0x1f: {  	s9 =	smul.u32 $0xF7A, s1;
	s8 =	simm.s32 @!p0 $0x1BF5;
	p2 =	por !p2, p0  }
0x20: {  	[sflag:s8] =	ssyncset.s32 @!p0 $0xFFFFF086;
	s6 =	sadd.s32 @!p0 s3, s7;
	s7 =	simm.s32 @!p0 $0x108  }
0x21: {  	s3 =	sadd.s32 s3, s9;
	s6 =	sadd.s32 @!p0 $0x88, s6;
	s7 =	simm.s32 @p2 $0x1082  }
0x22: {  	[simem:s7], [sflag:s8] =	dma.local @!p0 [hbm:s6], $0xF7A  }
0x23: {  	s9 =	sor.u32 $0xD0000000, s2;
	s6 =	simm.s32 $0x108;
	_ =	swait.ge @!p0 [sflag:s8], $0x0  }
0x24: {  	s3 =	sadd.s32 $0x88, s3;
	s6 =	simm.s32 @!p1 $0x1082;
	[sflag:s4] =	ssyncset.s32 $0xFFFFF086  }
0x25: {  	[simem:s6], [sflag:s4] =	dma.local [hbm:s3], $0xF7A  }
0x26: {  	[smem:$0x3F93] =	sst s1;
	(tag) =	ssettag s2;
	_ =	strace s9  }
0x27: {  	s1 =	sld [smem:$0x3FA3]  }
0x28: {  	s2 =	sld [smem:$0x3FA4]  }
0x29: {  	s4 =	sld [smem:$0x3FA6]  }
0x2a: {  	p0 =	seq.s32 s5, $0x0;
	s5 =	sld [smem:$0x3FA7]  }
0x2b: {  	s6 =	sld [smem:$0x3FA8]  }
0x2c: {  	s7 =	sld [smem:$0x3FA9]  }
0x2d: {  	s3 =	simm.s32 $0x108;
	s8 =	sld [smem:$0x3FAA]  }
0x2e: {  	s3 =	simm.s32 @!p0 $0x1082;
	s9 =	sld [smem:$0x3FAB]  }
0x2f: {  	lr =	sadd.s32 s0, s3;
	s0 =	sld [smem:$0x3FA2]  }
0x30: {  	s3 =	sld [smem:$0x3FA5]  }
0x31: {  	[smem:$0x3FAE] =	sst s10  }
0x32: {  	s10 =	sld [smem:$0x3FAC];
	_ =	sdelay $0x3  }
0x33: {  	p0 =	seq.s32 s10, $0x1;
	s10 =	sld [smem:$0x3FAE];
	_ =	sdelay $0x3  }
0x34: {  	[smem:$0x3FAE] =	sst s10  }
0x35: {  	s10 =	sld [smem:$0x3FAD];
	_ =	sdelay $0x3  }
0x36: {  	p1 =	seq.s32 s10, $0x1;
	s10 =	sld [smem:$0x3FAE];
	_ =	sdelay $0x3  }
0x37: {  	[smem:$0x3FAE] =	sst s10  }
0x38: {  	s10 =	sld [smem:$0x3FAF]  }
0x39: {  	_ = 	snop;
	(pc) =	sbr.ind lr, $3  }
0x3a: {  	_ = 	snop  }
0x3b: {  	_ = 	snop  }
0x3c: {  	p2 =	seq.s32 s10, $0x1;
	s10 =	sld [smem:$0x3FAE]  }
0x3d: {  	_ =	shalt  }
0x3e: {  	_ =	shalt  }
0x3f: {  	_ =	shalt  }
0x40: {  	_ =	shalt  }
0x41: {  	_ =	shalt  }
0x42: {  	_ =	shalt  }
0x43: {  	_ =	shalt  }
0x44: {  	_ =	shalt  }
0x45: {  	_ =	shalt  }
0x46: {  	_ =	shalt  }
0x47: {  	_ =	shalt  }
0x48: {  	_ =	shalt  }
0x49: {  	_ =	shalt  }
0x4a: {  	_ =	shalt  }
0x4b: {  	_ =	shalt  }
0x4c: {  	_ =	shalt  }
0x4d: {  	_ =	shalt  }
0x4e: {  	_ =	shalt  }
0x4f: {  	_ =	shalt  }
0x50: {  	_ =	shalt  }
0x51: {  	_ =	shalt  }
0x52: {  	_ =	shalt  }
0x53: {  	_ =	shalt  }
0x54: {  	_ =	shalt  }
0x55: {  	_ =	shalt  }
0x56: {  	_ =	shalt  }
0x57: {  	_ =	shalt  }
0x58: {  	_ =	shalt  }
0x59: {  	_ =	shalt  }
0x5a: {  	_ =	shalt  }
0x5b: {  	_ =	shalt  }
0x5c: {  	_ =	shalt  }
0x5d: {  	_ =	shalt  }
0x5e: {  	_ =	shalt  }
0x5f: {  	_ =	shalt  }
0x60: {  	_ =	shalt  }
0x61: {  	_ =	shalt  }
0x62: {  	_ =	shalt  }
0x63: {  	_ =	shalt  }
0x64: {  	_ =	shalt  }
0x65: {  	_ =	shalt  }
0x66: {  	_ =	shalt  }
0x67: {  	_ =	shalt  }
0x68: {  	_ =	shalt  }
0x69: {  	_ =	shalt  }
0x6a: {  	_ =	shalt  }
0x6b: {  	_ =	shalt  }
0x6c: {  	_ =	shalt  }
0x6d: {  	_ =	shalt  }
0x6e: {  	_ =	shalt  }
0x6f: {  	_ =	shalt  }
0x70: {  	_ =	shalt  }
0x71: {  	_ =	shalt  }
0x72: {  	_ =	shalt  }
0x73: {  	_ =	shalt  }
0x74: {  	_ =	shalt  }
0x75: {  	_ =	shalt  }
0x76: {  	_ =	shalt  }
0x77: {  	_ =	shalt  }
0x78: {  	_ =	shalt  }
0x79: {  	_ =	shalt  }
0x7a: {  	_ =	shalt  }
0x7b: {  	_ =	shalt  }
0x7c: {  	_ =	shalt  }
0x7d: {  	_ =	shalt  }
0x7e: {  	_ =	shalt  }
0x7f: {  	_ =	shalt  }
0x80: {  	_ =	shalt  }
0x81: {  	_ =	shalt  }
0x82: {  	_ =	shalt  }
0x83: {  	_ =	shalt  }
0x84: {  	_ =	shalt  }
0x85: {  	_ =	shalt  }
0x86: {  	_ =	shalt  }
0x87: {  	_ =	shalt  }
.Lfunc_end0:
.L_simem_size_0:
called_computation_lowered:
.L_overlay_start_0:
0x88: {  	s0 =	sld [smem:$0x3FD9]  }
0x89: {  	s1 =	sld [smem:$0x3FFE];
	_ =	sdelay $0x3  }
0x8a: {  	s0 =	sadd.s32 s1, s0  }
0x8b: {  	[smem:$0x3FBA] =	sst s0  }
0x8c: {  	_ = 	snop  }
0x8d: {  	(tm) =	ssettm $0x1  }
0x8e: {  	s15 =	sld [smem:$0x3FFB];
	_ =	sdelay $0x3  }
0x8f: {  	_ =	strace s15  }
0x90: {  	s0 =	sld [smem:$0x3FFC];
	_ =	sdelay $0x3  }
0x91: {  	_ =	strace s0  }
0x92: {  	s0 =	sld [smem:$0x3FFD];
	_ =	sdelay $0x3  }
0x93: {  	_ =	strace s0  }
0x94: {  	_ =	strace $0x8FFFFFFF  }
0x95: {  	s16 =	sld [smem:$0x3FDB];
	_ =	sdelay $0x1  }
0x96: {  	s17 =	simm.s32 $_scs_section_size  }
0x97: {  	s2 =	simm.s32 $_size__tile_overlayer_lowered;
	s3 =	simm.s32 $_tile_overlayer_lowered  }
0x98: {  	s20 =	simm.s32 $0x1BFF;
	s19 =	sshll.u32 s3, $0x1;
	s0 =	sadd.s32 s17, s16  }
0x99: {  	s4 =	simm.s32 $0x0;
	s18 =	sshll.u32 s2, $0x1;
	s2 =	sadd.s32 s19, s0  }
0x9a: {  	[timem:s4], [sflag:s20] =	dma.local [hbm:s2], s18  }
0x9b: {  	_ =	swait.ge [sflag:s20], s18  }
0x9c: {  	s1 =	ssub.s32 $0x0, s18;
	[sflag:s20] =	ssyncset.done $0x0  }
0x9d: {  	[sflag:s20] =	ssyncadd.s32 s1;
	_ =	sdelay $0x1  }
0x9e: {  	s21 =	simm.s32 $0x1B8B  }
0x9f: {  	_ =	swait.ge [sflag:s21], $0x1  }
0xa0: {  	[sflag:s21] =	ssyncset.done $0x0  }
0xa1: {  	s23 =	simm.s32 $0x1B8E;
	s22 =	sld [smem:$0x3FFE];
	[sflag:s21] =	ssyncadd.s32 $0xFFFFFFFF  }
0xa2: {  	s24 =	simm.s32 $execute0_lowered;
	[smem:$0x3FD2] =	sst s23  }
0xa3: {  	s2 =	sshll.u32 s24, $0x1;
	_ =	strace $0x80000046;
	[dreg:$0x1] =	wrdreg $0xFFFFFFFF  }
0xa4: {  	s25 =	simm.s32 $_size_execute0_lowered;
	s0 =	sadd.s32 s0, s2;
	[dreg:$0x0] =	wrdreg $0x0  }
0xa5: {  	s2 =	sshll.u32 s25, $0x1;
	[dreg:$0x2] =	wrdreg s0  }
0xa6: {  	[dreg:$0x3] =	wrdreg s2  }
0xa7: {  	[dreg:$0x4] =	wrdreg $0xC0  }
0xa8: {  	_ =	task [dreg:s4], $0x5FFFF  }
0xa9: {  	[dreg:$0x1] =	wrdreg $0xFFFFFFFF  }
0xaa: {  	[dreg:$0x0] =	wrdreg $0x60  }
0xab: {  	[dreg:$0x2] =	wrdreg s22  }
0xac: {  	[dreg:$0x3] =	wrdreg $0x9  }
0xad: {  	_ =	task.clear_ibuf [dreg:s4], $0x4FFFF;
	_ =	strace $0x90000046  }
0xae: {  	s26 =	simm.s32 $0x9;
	_ =	strace $0x80000048  }
0xaf: {  	_ =	swait.ge [sflag:s26], $0x1  }
0xb0: {  	[sflag:s26] =	ssyncadd.s32 $0xFFFFFFFF  }
0xb1: {  	_ =	strace $0x90000048  }
0xb2: {  	_ =	sfence  }
0xb3: {  	s28 =	sld [smem:$0x0];
	_ =	sdelay $0x1  }
0xb4: {  	s29 =	srdreg.scid  }
0xb5: {  	s30 =	sshll.u32 s29, $0xD;
	s31 =	sshrl.u32 s29, $0x2  }
0xb6: {  	s1 =	sand.u32 $0x1, s29;
	s2 =	sand.u32 $0x4000, s30;
	s0 =	sadd.s32 s31, s28  }
0xb7: {  	s1 =	sor.u32 s2, s1;
	s0 =	sshll.u32 s0, $0x11  }
0xb8: {  	s0 =	sor.u32 s0, s1  }
0xb9: {  	s0 =	sadd.s32 $0x8F2B, s0  }
0xba: {  	[sflag:s0] =	ssyncadd.remote.s32 $0x1  }
0xbb: {  	_ =	sfence.sel $0xFFFF  }
0xbc: {  	[dreg:$0x0] =	wrdreg $0xFFFFFFFF;
	(pc) =	sbr.abs _section_cstart, $3  }
0xbd: {  	[dreg:$0x1] =	wrdreg $0xFFFFFFFF  }
0xbe: {  	_ =	task.clear_ibuf [dreg:s4], $0x2FFFF;
	_ =	strace $0x9FFFFFFF  }
0xbf: {  	(tm) =	ssettm $0x7FFFFFFF  }
tec
execute0_lowered:
.L_overlay_start_1:
0x0: {  	(tag) =	ssettag $0x1  }
0x1: {  	s0 =	stileid.u32  }
0x2: {  	s1 =	smin.u32 s0, $0x9  }
0x3: {  	s1 =	sadd.s32 s0, s1  }
0x4: {  	s2 =	simm.s32 $0x320;
	p0 =	slt.u32 s0, $0x9;
	s1 =	smul.u32 $0x190, s1  }
0x5: {  	s2 =	simm.s32 @!p0 $0x190  }
0x6: {  	s2 =	sadd.s32 s2, s1  }
0x7: {  	s3 =	smin.u32 s2, $0x2710  }
0x8: {  	s7 =	ssub.s32 s3, s1  }
0x9: {  	p0 =	sgt.s32 s7, $0x0  }
0xa: {  	s7 =	simm.s32 @!p0 $0x0  }
0xb: {  	s31 =	sand.u32 $0xFFF0, s7  }
0xc: {  	s2 =	sshrl.u32 s31, $0x4  }
0xd: {  	s2 =	smul.u32 $0xA3E, s2  }
0xe: {  	s9 =	rddreg [dreg:$0x0];
	s6 =	simm.s32 $0x1;
	s11 =	simm.s32 $0x3  }
0xf: {  	s13 =	simm.s32 $0x0;
	s12 =	simm.s32 $0x0;
	s8 =	sshrl.u32 s2, $0x10  }
0x10: {  	s4 =	sadd.s32 $0x16A00, s9;
	s5 =	sadd.s32 $0x2800, s9;
	s10 =	smul.u32 $0x190, s8  }
.Ltmp0:
0x11: {  	s9 =	sadd.s32 $0x65200, s9;
	s2 =	rddreg [dreg:$0x1];
	(pc) =	sbr.rel .LBB2_1-.Ltmp0, $4  }
0x12: {  	_ =	strace $0x80000047;
	p0 =	sne.s32 s7, s10;
	s10 =	simm.s32 $0x1  }
0x13: {  	[sflag:s6] =	ssyncpa.u1 $0x0;
	s7 =	simm.s32 $0x2;
	s10 =	simm.s32 @!p0 $0x0  }
0x14: {  	[sflag:s7] =	ssyncpa.u1 $0x0;
	p0 =	por $0x0, $0x0;
	s8 =	sadd.s32 s8, s10  }
0x15: {  	vm0 =	vmmov $0xff;
	vm1 =	vcmask $0x3F20;
	[sflag:s11] =	ssyncpa.u1 $0x0;
	s11 =	smov.u32 s1;
	s10 =	sadd.s32 $0x1, s8  }
.LBB2_6:
0x16: {  	[hbm:s17] =	stream.linear.scatter [tilespmem:s14], [sflag:$0x3], $0x400, $0x38;
	[tilespmem:$0x19320] =	vst v63  }
.LBB2_7:
0x17: {  	s13 =	sadd.s32 $0x190, s11  }
0x18: {  	s15 =	smov.u32 s1;
	p2 =	slt.s32 s13, s3  }
0x19: {  	s15 =	smov.u32 @p2 s13;
	p2 =	sne.s32 s12, s10  }
.Ltmp1:
0x1a: {  	p1 =	slt.u32 s12, $0x2;
	(pc) =	sbr.rel @!p2 .LBB2_8-.Ltmp1, $4  }
0x1b: {  	s14 =	simm.s32 @!p1 $0x3  }
0x1c: {  	s16 =	sadd.s32 $0x1, s12;
	_ =	swait.ge @!p1 [sflag:s14], $0xC800  }
0x1d: {  	p0 =	por !p0, !p0;
	s13 =	smov.u32 s11;
	[sflag:s14] =	ssyncset.done @!p1 $0x0  }
0x1e: {  	s12 =	smov.u32 s16;
	s11 =	smov.u32 s15;
	[sflag:s14] =	ssyncadd.s32 @!p1 $0xFFFF3800  }
.LBB2_1:
0x1f: {  	p1 =	sge.u32 s12, s8  }
0x20: {  	s14 =	sxor.u32 @!p1 $0xFFFFFFFF, s12  }
0x21: {  	s14 =	sand.u32 @!p1 $0x1, s14  }
0x22: {  	s14 =	smul.u32 @!p1 $0x640, s14  }
0x23: {  	s31 =	sadd.s32 $0xFFFFFFFF, s12;
	s15 =	sshrl.u32 @!p1 s11, $0x3  }
0x24: {  	s16 =	sand.u32 @!p1 $0x7, s11;
	s15 =	sadd.s32 @!p1 s5, s15;
	s14 =	sshrl.u32 @!p1 s14, $0x2  }
0x25: {  	[tilespmem:s14], [sflag:$0x2] =	stream.linear.gather @!p1 [hbm4b:s15+s16], $0x190, $0x38;
	[tilespmem:$0x19320] =	vst v63  }
0x26: {  	p1 =	sge.u32 s31, s8  }
.Ltmp2:
0x27: {  	_ = 	snop;
	(pc) =	sbr.rel @p1 .LBB2_7-.Ltmp2, $1  }
0x28: {  	_ =	sdelay $0x3  }
0x29: {  	s14 =	simm.s32 $0x1  }
0x2a: {  	s14 =	simm.s32 @!p0 $0x0  }
0x2b: {  	s15 =	smul.u32 $0x640, s14  }
0x2c: {  	_ =	swait.ge [sflag:s7], $0x190  }
0x2d: {  	[sflag:s7] =	ssyncset.done $0x0;
	s16 =	sshrl.u32 s15, $0x2  }
0x2e: {  	[sflag:s7] =	ssyncadd.s32 $0xFFFFFE70;
	s15 =	sadd.s32 $0x0, s16  }
0x2f: {  	v0 =	vld.msk [tilespmem:s15+$0x0 ss:$0x1], $0xffff;
	_ =	sdelay $0x4  }
0x30: {  	vm2 =	vgt.s32 v0, $0x0  }
0x31: {  	v0 =	vnsel vm2, $0x0, v0  }
0x32: {  	v0 =	vmin.u32 v0, $0x4E1F  }
0x33: {  	v0 =	vshll.u32 v0, $0x4  }
0x34: {  	s14 =	smul.u32 $0x32000, s14;
	_ =	sdelay $0x1  }
0x35: {  	s14 =	sshrl.u32 s14, $0x2  }
0x36: {  	s14 =	sor.u32 $0x320, s14  }
0x37: {  	[tilespmem:s14], [sflag:$0x1] =	stream.indirect_vreg.gather [hbm:s4], $0x80, v0, vm0, $0x38;
	[tilespmem:$0x19320] =	vst v63  }
0x38: {  	s17 =	sadd.s32 $0x10, s16;
	s15 =	sadd.s32 $0x400, s14  }
0x39: {  	[tilespmem:s15], [sflag:$0x1] =	stream.indirect_vreg.gather [hbm:s4], $0x80, v0, vm1, $0x38;
	[tilespmem:$0x19320] =	vst v63  }
0x3a: {  	s18 =	simm.s32 $0x80;
	v0 =	vld.msk [tilespmem:s17+$0x0 ss:$0x1], $0xffff;
	s17 =	smov.u32 s14  }
.LBB2_3:
0x3b: {  	p1 =	sne.s32 s18, $0x600;
	_ =	sdelay $0x4  }
0x3c: {  	vm2 =	vgt.s32 v0, $0x0  }
0x3d: {  	v0 =	vnsel vm2, $0x0, v0  }
0x3e: {  	v0 =	vmin.u32 v0, $0x4E1F  }
0x3f: {  	v0 =	vshll.u32 v0, $0x4;
	_ =	sdelay $0x3  }
.Ltmp3:
0x40: {  	s19 =	sshra.s32 s18, $0x2;
	s17 =	sadd.s32 $0x800, s17;
	(pc) =	sbr.rel @p1 .LBB2_3-.Ltmp3, $4  }
0x41: {  	[tilespmem:s17], [sflag:$0x1] =	stream.indirect_vreg.gather [hbm:s4], $0x80, v0, vm0, $0x38;
	[tilespmem:$0x19320] =	vst v63  }
0x42: {  	s19 =	sadd.s32 s19, s16;
	s20 =	sadd.s32 $0x400, s17  }
0x43: {  	[tilespmem:s20], [sflag:$0x1] =	stream.indirect_vreg.gather [hbm:s4], $0x80, v0, vm1, $0x38;
	[tilespmem:$0x19320] =	vst v63  }
0x44: {  	s18 =	sadd.s32 $0x40, s18;
	v0 =	vld.msk [tilespmem:s19+$0x0 ss:$0x1], $0xffff  }
0x45: {  	_ =	sdelay $0x3  }
0x46: {  	vm2 =	vgt.s32 v0, $0x0  }
0x47: {  	v0 =	vnsel vm2, $0x0, v0  }
0x48: {  	v0 =	vmin.u32 v0, $0x4E1F  }
0x49: {  	v0 =	vshll.u32 v0, $0x4;
	_ =	sdelay $0x3  }
0x4a: {  	s16 =	sadd.s32 $0x800, s17  }
0x4b: {  	[tilespmem:s16], [sflag:$0x1] =	stream.indirect_vreg.gather [hbm:s4], $0x80, v0, vm0, $0x38;
	[tilespmem:$0x19320] =	vst v63  }
0x4c: {  	s16 =	sadd.s32 $0x400, s16  }
0x4d: {  	[tilespmem:s16], [sflag:$0x1] =	stream.indirect_vreg.gather [hbm:s4], $0x80, v0, vm1, $0x38;
	[tilespmem:$0x19320] =	vst v63  }
0x4e: {  	s13 =	sshll.u32 s13, $0x4;
	_ =	swait.ge [sflag:s6], $0xC800  }
0x4f: {  	s13 =	sadd.s32 s13, s9;
	[sflag:s6] =	ssyncset.done $0x0  }
0x50: {  	s17 =	sadd.s32 $0x0, s13;
	s16 =	simm.s32 $0x80;
	[sflag:s6] =	ssyncadd.s32 $0xFFFF3800  }
.LBB2_5:
0x51: {  	[hbm:s17] =	stream.linear.scatter [tilespmem:s14], [sflag:$0x3], $0x400, $0x38;
	[tilespmem:$0x19320] =	vst v63  }
0x52: {  	s17 =	smov.u32 s16;
	s14 =	smov.u32 s15;
	p1 =	sne.s32 s16, $0x1880  }
.Ltmp4:
0x53: {  	s16 =	sadd.s32 $0x80, s16;
	(pc) =	sbr.rel @p1 .LBB2_5-.Ltmp4, $2  }
0x54: {  	_ =	sdelay $0x2  }
0x55: {  	s15 =	sadd.s32 $0x400, s15;
	s17 =	sadd.s32 s17, s13  }
.Ltmp5:
0x56: {  	_ = 	snop;
	(pc) =	sbr.rel .LBB2_6-.Ltmp5, $1  }
0x57: {  	_ =	sdelay $0x3  }
.LBB2_8:
0x58: {  	_ =	sfence.sel $0x180000  }
0x59: {  	s1 =	simm.s32 $0x2;
	[bflag:$0x0] =	sbarrier.arrive $0xFFFF  }
0x5a: {  	s30 =	simm.s32 $0x3;
	[sflag:s1] =	ssyncpa.u1 $0x1  }
0x5b: {  	s31 =	simm.s32 $0x1;
	[sflag:s30] =	ssyncpa.u1 $0x1  }
0x5c: {  	[sflag:s31] =	ssyncpa.u1 $0x1  }
0x5d: {  	p0 =	sne.s32 s0, $0x0;
	_ =	strace $0x90000047  }
0x5e: {  	s0 =	sadd.s32 @!p0 $0x100000, s2;
	[bflag:$0x2] =	sbarrier.arrive $0xFFFF  }
0x5f: {  	[sflag:s0] =	ssyncadd.tile.s32 @!p0 $0x1;
	_ =	shalt  }
.Lfunc_end2:
_tile_overlayer_lowered:
.L_overlay_start_2:
0x60: {  	(tag) =	ssettag $0x2  }
0x61: {  	s0 =	rddreg [dreg:$0x0];
	s2 =	stileid.u32  }
0x62: {  	s1 =	rddreg [dreg:$0x1];
	p0 =	sne.s32 s2, $0x0  }
0x63: {  	s3 =	rddreg [dreg:$0x2];
	[bflag:$0x3] =	sbarrier.arrive $0xFFFF;
	s2 =	simm.s32 @!p0 $0x1C01  }
0x64: {  	[timem:s3], [sflag:s2] =	dma.local @!p0 [hbm:s0], s1  }
0x65: {  	s0 =	simm.s32 @!p0 $0x1  }
0x66: {  	_ =	swait.ge @!p0 [sflag:s0], s1  }
0x67: {  	s1 =	ssub.s32 @!p0 $0x0, s1;
	[sflag:s0] =	ssyncset.done @!p0 $0x0  }
0x68: {  	[sflag:s0] =	ssyncadd.s32 @!p0 s1  }
0x69: {  	[bflag:$0x3] =	sbarrier.arrive $0xFFFF  }
0x6a: {  	_ =	shalt  }

// kernel: kernel.4.cloned.1.call-start
scs
__scs_entry_jumppad:
0x0: {  	(pc) =	sbr.rel $0x88, $3  }
0x1: {  	(tag) =	ssettag $0x0;
	lr =	simm.s32 $0x1  }
0x2: {  	[smem:$0x3F93] =	sst lr;
	_ =	strace $0xD0000000  }
0x3: {  	_ = 	snop  }
0x4: {  	_ = 	snop  }
0x5: {  	_ = 	snop  }
0x6: {  	_ = 	snop  }
0x7: {  	_ = 	snop  }
__scs_overlays_trampoline_lowered:
0x8: {  	[smem:$0x3FA2] =	sst s0  }
0x9: {  	[smem:$0x3FA3] =	sst s1  }
0xa: {  	[smem:$0x3FA4] =	sst s2  }
0xb: {  	[smem:$0x3FA5] =	sst s3  }
0xc: {  	[smem:$0x3FA6] =	sst s4  }
0xd: {  	[smem:$0x3FA7] =	sst s5  }
0xe: {  	[smem:$0x3FA8] =	sst s6  }
0xf: {  	[smem:$0x3FA9] =	sst s7  }
0x10: {  	[smem:$0x3FAA] =	sst s8  }
0x11: {  	[smem:$0x3FAB] =	sst s9;
	s0 =	simm.s32 @!p0 $0x0  }
0x12: {  	s1 =	sld [smem:$0x3F91];
	s0 =	simm.s32 @p0 $0x1  }
0x13: {  	[smem:$0x3FAC] =	sst s0;
	s0 =	simm.s32 @!p1 $0x0  }
0x14: {  	s2 =	sld [smem:$0x3F90];
	s0 =	simm.s32 @p1 $0x1  }
0x15: {  	[smem:$0x3FAD] =	sst s0;
	s0 =	simm.s32 @!p2 $0x0  }
0x16: {  	s3 =	sld [smem:$0x3FDB];
	s0 =	simm.s32 @p2 $0x1  }
0x17: {  	s4 =	simm.s32 $0x1BF5;
	[smem:$0x3FAF] =	sst s0  }
0x18: {  	s0 =	sld [smem:$0x3F92];
	_ =	swait.ge [sflag:s4], $0x0  }
0x19: {  	s7 =	sld [smem:$0x3F93]  }
0x1a: {  	s8 =	sadd.s32 $0xFFFFE003, lr  }
0x1b: {  	s9 =	sadd.s32 $0xFFFFFEF7, lr;
	s5 =	simm.s32 $0xFFFFFFFF;
	p2 =	slt.u32 s8, $0xFFFFF086  }
0x1c: {  	p1 =	slt.u32 s9, $0xF7A;
	s5 =	simm.s32 @!p2 $0x0  }
0x1d: {  	s5 =	simm.s32 @p1 $0x1;
	p0 =	seq.s32 s7, s2  }
0x1e: {  	s7 =	smul.u32 @!p0 $0xF7A, s2;
	p2 =	seq.s32 @!p0 s5, $0x0  }
0x1f: {  	s9 =	smul.u32 $0xF7A, s1;
	s8 =	simm.s32 @!p0 $0x1BF5;
	p2 =	por !p2, p0  }
0x20: {  	[sflag:s8] =	ssyncset.s32 @!p0 $0xFFFFF086;
	s6 =	sadd.s32 @!p0 s3, s7;
	s7 =	simm.s32 @!p0 $0x108  }
0x21: {  	s3 =	sadd.s32 s3, s9;
	s6 =	sadd.s32 @!p0 $0x88, s6;
	s7 =	simm.s32 @p2 $0x1082  }
0x22: {  	[simem:s7], [sflag:s8] =	dma.local @!p0 [hbm:s6], $0xF7A  }
0x23: {  	s9 =	sor.u32 $0xD0000000, s2;
	s6 =	simm.s32 $0x108;
	_ =	swait.ge @!p0 [sflag:s8], $0x0  }
0x24: {  	s3 =	sadd.s32 $0x88, s3;
	s6 =	simm.s32 @!p1 $0x1082;
	[sflag:s4] =	ssyncset.s32 $0xFFFFF086  }
0x25: {  	[simem:s6], [sflag:s4] =	dma.local [hbm:s3], $0xF7A  }
0x26: {  	[smem:$0x3F93] =	sst s1;
	(tag) =	ssettag s2;
	_ =	strace s9  }
0x27: {  	s1 =	sld [smem:$0x3FA3]  }
0x28: {  	s2 =	sld [smem:$0x3FA4]  }
0x29: {  	s4 =	sld [smem:$0x3FA6]  }
0x2a: {  	p0 =	seq.s32 s5, $0x0;
	s5 =	sld [smem:$0x3FA7]  }
0x2b: {  	s6 =	sld [smem:$0x3FA8]  }
0x2c: {  	s7 =	sld [smem:$0x3FA9]  }
0x2d: {  	s3 =	simm.s32 $0x108;
	s8 =	sld [smem:$0x3FAA]  }
0x2e: {  	s3 =	simm.s32 @!p0 $0x1082;
	s9 =	sld [smem:$0x3FAB]  }
0x2f: {  	lr =	sadd.s32 s0, s3;
	s0 =	sld [smem:$0x3FA2]  }
0x30: {  	s3 =	sld [smem:$0x3FA5]  }
0x31: {  	[smem:$0x3FAE] =	sst s10  }
0x32: {  	s10 =	sld [smem:$0x3FAC];
	_ =	sdelay $0x3  }
0x33: {  	p0 =	seq.s32 s10, $0x1;
	s10 =	sld [smem:$0x3FAE];
	_ =	sdelay $0x3  }
0x34: {  	[smem:$0x3FAE] =	sst s10  }
0x35: {  	s10 =	sld [smem:$0x3FAD];
	_ =	sdelay $0x3  }
0x36: {  	p1 =	seq.s32 s10, $0x1;
	s10 =	sld [smem:$0x3FAE];
	_ =	sdelay $0x3  }
0x37: {  	[smem:$0x3FAE] =	sst s10  }
0x38: {  	s10 =	sld [smem:$0x3FAF]  }
0x39: {  	_ = 	snop;
	(pc) =	sbr.ind lr, $3  }
0x3a: {  	_ = 	snop  }
0x3b: {  	_ = 	snop  }
0x3c: {  	p2 =	seq.s32 s10, $0x1;
	s10 =	sld [smem:$0x3FAE]  }
0x3d: {  	_ =	shalt  }
0x3e: {  	_ =	shalt  }
0x3f: {  	_ =	shalt  }
0x40: {  	_ =	shalt  }
0x41: {  	_ =	shalt  }
0x42: {  	_ =	shalt  }
0x43: {  	_ =	shalt  }
0x44: {  	_ =	shalt  }
0x45: {  	_ =	shalt  }
0x46: {  	_ =	shalt  }
0x47: {  	_ =	shalt  }
0x48: {  	_ =	shalt  }
0x49: {  	_ =	shalt  }
0x4a: {  	_ =	shalt  }
0x4b: {  	_ =	shalt  }
0x4c: {  	_ =	shalt  }
0x4d: {  	_ =	shalt  }
0x4e: {  	_ =	shalt  }
0x4f: {  	_ =	shalt  }
0x50: {  	_ =	shalt  }
0x51: {  	_ =	shalt  }
0x52: {  	_ =	shalt  }
0x53: {  	_ =	shalt  }
0x54: {  	_ =	shalt  }
0x55: {  	_ =	shalt  }
0x56: {  	_ =	shalt  }
0x57: {  	_ =	shalt  }
0x58: {  	_ =	shalt  }
0x59: {  	_ =	shalt  }
0x5a: {  	_ =	shalt  }
0x5b: {  	_ =	shalt  }
0x5c: {  	_ =	shalt  }
0x5d: {  	_ =	shalt  }
0x5e: {  	_ =	shalt  }
0x5f: {  	_ =	shalt  }
0x60: {  	_ =	shalt  }
0x61: {  	_ =	shalt  }
0x62: {  	_ =	shalt  }
0x63: {  	_ =	shalt  }
0x64: {  	_ =	shalt  }
0x65: {  	_ =	shalt  }
0x66: {  	_ =	shalt  }
0x67: {  	_ =	shalt  }
0x68: {  	_ =	shalt  }
0x69: {  	_ =	shalt  }
0x6a: {  	_ =	shalt  }
0x6b: {  	_ =	shalt  }
0x6c: {  	_ =	shalt  }
0x6d: {  	_ =	shalt  }
0x6e: {  	_ =	shalt  }
0x6f: {  	_ =	shalt  }
0x70: {  	_ =	shalt  }
0x71: {  	_ =	shalt  }
0x72: {  	_ =	shalt  }
0x73: {  	_ =	shalt  }
0x74: {  	_ =	shalt  }
0x75: {  	_ =	shalt  }
0x76: {  	_ =	shalt  }
0x77: {  	_ =	shalt  }
0x78: {  	_ =	shalt  }
0x79: {  	_ =	shalt  }
0x7a: {  	_ =	shalt  }
0x7b: {  	_ =	shalt  }
0x7c: {  	_ =	shalt  }
0x7d: {  	_ =	shalt  }
0x7e: {  	_ =	shalt  }
0x7f: {  	_ =	shalt  }
0x80: {  	_ =	shalt  }
0x81: {  	_ =	shalt  }
0x82: {  	_ =	shalt  }
0x83: {  	_ =	shalt  }
0x84: {  	_ =	shalt  }
0x85: {  	_ =	shalt  }
0x86: {  	_ =	shalt  }
0x87: {  	_ =	shalt  }
.Lfunc_end0:
.L_simem_size_0:
called_computation.1_lowered:
.L_overlay_start_0:
0x88: {  	s2 =	sld [smem:$0x3FD9]  }
0x89: {  	s3 =	sld [smem:$0x3FFE];
	_ =	sdelay $0x1  }
0x8a: {  	s1 =	srdreg.scid  }
0x8b: {  	s0 =	sand.u32 $0x1, s1  }
0x8c: {  	s17 =	sshll.u32 s0, $0xA;
	s2 =	sadd.s32 s3, s2  }
0x8d: {  	s2 =	sadd.s32 s2, s17  }
0x8e: {  	[smem:$0x3FBA] =	sst s2  }
0x8f: {  	_ = 	snop  }
0x90: {  	s2 =	sld [smem:$0x3FC5]  }
0x91: {  	s18 =	sld [smem:$0x3FC4]  }
0x92: {  	s4 =	sld [smem:$0x3FC3]  }
0x93: {  	s5 =	sld [smem:$0x3FD0];
	(tm) =	ssettm $0x1  }
0x94: {  	s6 =	sld [smem:$0x3FFB];
	_ =	sdelay $0x3  }
0x95: {  	_ =	strace s6  }
0x96: {  	s6 =	sld [smem:$0x3FFC];
	_ =	sdelay $0x3  }
0x97: {  	_ =	strace s6  }
0x98: {  	s6 =	sld [smem:$0x3FFD];
	_ =	sdelay $0x3  }
0x99: {  	_ =	strace s6  }
0x9a: {  	_ =	strace $0x8FFFFFFF  }
0x9b: {  	s19 =	sld [smem:$0x3FDB];
	_ =	sdelay $0x1  }
0x9c: {  	s7 =	simm.s32 $_scs_section_size  }
0x9d: {  	s8 =	simm.s32 $_size__tile_overlayer_lowered;
	s9 =	simm.s32 $_tile_overlayer_lowered  }
0x9e: {  	s22 =	simm.s32 $0x1BFF;
	s21 =	sshll.u32 s9, $0x1;
	s6 =	sadd.s32 s7, s19  }
0x9f: {  	s10 =	simm.s32 $0x0;
	s20 =	sshll.u32 s8, $0x1;
	s8 =	sadd.s32 s21, s6  }
0xa0: {  	[timem:s10], [sflag:s22] =	dma.local [hbm:s8], s20  }
0xa1: {  	_ =	swait.ge [sflag:s22], s20  }
0xa2: {  	s7 =	ssub.s32 $0x0, s20;
	[sflag:s22] =	ssyncset.done $0x0  }
0xa3: {  	[sflag:s22] =	ssyncadd.s32 s7;
	_ =	sdelay $0x1  }
0xa4: {  	s23 =	simm.s32 $0x1B8B  }
0xa5: {  	_ =	swait.ge [sflag:s23], $0x1  }
0xa6: {  	[sflag:s23] =	ssyncset.done $0x0  }
0xa7: {  	s25 =	simm.s32 $0x1B8E;
	s24 =	sld [smem:$0x3FFE];
	[sflag:s23] =	ssyncadd.s32 $0xFFFFFFFF  }
0xa8: {  	s26 =	simm.s32 $execute0_lowered;
	[smem:$0x3FD2] =	sst s25  }
0xa9: {  	s8 =	sshll.u32 s26, $0x1;
	_ =	strace $0x80000049;
	[dreg:$0x1] =	wrdreg $0xFFFFFFFF  }
0xaa: {  	s28 =	simm.s32 $_size_execute0_lowered;
	s6 =	sadd.s32 s6, s8;
	[dreg:$0x0] =	wrdreg $0x0  }
0xab: {  	s8 =	sshll.u32 s28, $0x1;
	[dreg:$0x2] =	wrdreg s6  }
0xac: {  	[dreg:$0x3] =	wrdreg s8  }
0xad: {  	[dreg:$0x4] =	wrdreg $0xC0  }
0xae: {  	_ =	task [dreg:s10], $0x5FFFF  }
0xaf: {  	[dreg:$0x1] =	wrdreg $0xFFFFFFFF  }
0xb0: {  	[dreg:$0x0] =	wrdreg $0x60  }
0xb1: {  	[dreg:$0x2] =	wrdreg s24  }
0xb2: {  	[dreg:$0x3] =	wrdreg s5  }
0xb3: {  	[dreg:$0x4] =	wrdreg s2  }
0xb4: {  	[dreg:$0x5] =	wrdreg s18  }
0xb5: {  	[dreg:$0x6] =	wrdreg s4  }
0xb6: {  	[dreg:$0x7] =	wrdreg $0x9  }
0xb7: {  	_ =	task.clear_ibuf [dreg:s10], $0x8FFFF;
	_ =	strace $0x90000049  }
0xb8: {  	s29 =	simm.s32 $0x9;
	_ =	strace $0x8000004B  }
0xb9: {  	_ =	swait.ge [sflag:s29], $0x1  }
0xba: {  	[sflag:s29] =	ssyncadd.s32 $0xFFFFFFFF  }
0xbb: {  	_ =	strace $0x9000004B  }
0xbc: {  	_ =	sfence  }
0xbd: {  	s30 =	sld [smem:$0x0];
	_ =	sdelay $0x2  }
0xbe: {  	s31 =	sshll.u32 s1, $0xD;
	s1 =	sshrl.u32 s1, $0x2  }
0xbf: {  	s3 =	sand.u32 $0x4000, s31;
	s1 =	sadd.s32 s1, s30  }
0xc0: {  	s0 =	sor.u32 s3, s0;
	s1 =	sshll.u32 s1, $0x11  }
0xc1: {  	s0 =	sor.u32 s1, s0  }
0xc2: {  	s0 =	sadd.s32 $0x8F2B, s0  }
0xc3: {  	[sflag:s0] =	ssyncadd.remote.s32 $0x1  }
0xc4: {  	_ =	sfence.sel $0xFFFF  }
0xc5: {  	[dreg:$0x0] =	wrdreg $0xFFFFFFFF;
	(pc) =	sbr.abs _section_cstart, $3  }
0xc6: {  	[dreg:$0x1] =	wrdreg $0xFFFFFFFF  }
0xc7: {  	_ =	task.clear_ibuf [dreg:s10], $0x2FFFF;
	_ =	strace $0x9FFFFFFF  }
0xc8: {  	(tm) =	ssettm $0x7FFFFFFF  }
0xc9: {  	_ =	shalt  }
tec
execute0_lowered:
.L_overlay_start_1:
0x0: {  	(tag) =	ssettag $0x1  }
0x1: {  	v0 =	vimm.s32 $0xC3824100  }
0x2: {  	vm0 =	vcmask $0xF00;
	vm10 =	vcmask $0x1310;
	vm9 =	vcmask $0x1714  }
0x3: {  	vm8 =	vcmask $0x1B18;
	vm7 =	vcmask $0x1F1C;
	vm6 =	vcmask $0x2320  }
0x4: {  	vm5 =	vcmask $0x2724;
	v1 =	vimm.s32 $0xC26100;
	vm4 =	vcmask $0x2B28  }
0x5: {  	vm2 =	vcmask $0x2F2C;
	vm15 =	vcmask $0xB00;
	vm3 =	vcmask $0x3330  }
0x6: {  	vm11 =	vcmask $0xF0C;
	vm1 =	vcmask $0x3734;
	vm14 =	vcmask $0x300  }
0x7: {  	vm13 =	vcmask $0x704;
	v4 =	vimm.s32 $0xBA7;
	vm12 =	vcmask $0xB08  }
0x8: {  	v12 =	vimm.s32 $0xBC7;
	v13 =	vimm.s32 $0x11A7;
	v14 =	vimm.s32 $0xFC7  }
0x9: {  	v15 =	vimm.s32 $0x17A7;
	v16 =	vimm.s32 $0x13C7;
	v17 =	vimm.s32 $0x1DA7  }
0xa: {  	v0 =	vunpack.c.0.s8.s32 v0;
	v1 =	vunpack.c.0.s8.s32 v1;
	v4 =	vsel vm14, $0x600, v4  }
0xb: {  	v12 =	vsel vm14, $0x800, v12;
	v13 =	vsel vm14, $0xC00, v13;
	v14 =	vsel vm14, $0xC00, v14  }
0xc: {  	v15 =	vsel vm14, $0x1200, v15;
	v16 =	vsel vm14, $0x1000, v16;
	v17 =	vsel vm14, $0x1800, v17  }
0xd: {  	v4 =	vsel vm13, $0x661, v4;
	v12 =	vsel vm13, $0x841, v12;
	v13 =	vsel vm13, $0xC61, v13  }
0xe: {  	v14 =	vsel vm13, $0xC41, v14;
	v15 =	vsel vm13, $0x1261, v15;
	v16 =	vsel vm13, $0x1041, v16  }
0xf: {  	v17 =	vsel vm13, $0x1861, v17;
	v0 =	vand.u32 $0xFF, v0;
	v1 =	vand.u32 $0xFF, v1  }
0x10: {  	v4 =	vsel vm12, $0x6C2, v4;
	v12 =	vsel vm12, $0x882, v12;
	v13 =	vsel vm12, $0xCC2, v13  }
0x11: {  	v14 =	vsel vm12, $0xC82, v14;
	v15 =	vsel vm12, $0x12C2, v15;
	v16 =	vsel vm12, $0x1082, v16  }
0x12: {  	v17 =	vsel vm12, $0x18C2, v17;
	v0 =	vnsel vm0, $0x3C7, v0;
	v1 =	vnsel vm15, $0x5A7, v1  }
0x13: {  	vm0 =	vcmask $0x3B38;
	v4 =	vsel vm11, $0x723, v4;
	v12 =	vsel vm11, $0x8C3, v12  }
0x14: {  	v13 =	vsel vm11, $0xD23, v13;
	v14 =	vsel vm11, $0xCC3, v14;
	v15 =	vsel vm11, $0x1323, v15  }
0x15: {  	v16 =	vsel vm11, $0x10C3, v16;
	v17 =	vsel vm11, $0x1923, v17;
	v0 =	vsel vm10, $0x104, v0  }
0x16: {  	v1 =	vsel vm11, $0x123, v1;
	v4 =	vsel vm10, $0x784, v4;
	v12 =	vsel vm10, $0x904, v12  }
0x17: {  	v13 =	vsel vm10, $0xD84, v13;
	v14 =	vsel vm10, $0xD04, v14;
	v15 =	vsel vm10, $0x1384, v15  }
0x18: {  	v16 =	vsel vm10, $0x1104, v16;
	v17 =	vsel vm10, $0x1984, v17;
	v0 =	vsel vm9, $0x145, v0  }
0x19: {  	v3 =	vsel vm10, $0x184, v1;
	v4 =	vsel vm9, $0x7E5, v4;
	v12 =	vsel vm9, $0x945, v12  }
0x1a: {  	v13 =	vsel vm9, $0xDE5, v13;
	v14 =	vsel vm9, $0xD45, v14;
	v15 =	vsel vm9, $0x13E5, v15  }
0x1b: {  	v16 =	vsel vm9, $0x1145, v16;
	v17 =	vsel vm9, $0x19E5, v17;
	v0 =	vsel vm8, $0x186, v0  }
0x1c: {  	v4 =	vsel vm8, $0x846, v4;
	v12 =	vsel vm8, $0x986, v12;
	v13 =	vsel vm8, $0xE46, v13  }
0x1d: {  	v14 =	vsel vm8, $0xD86, v14;
	v15 =	vsel vm8, $0x1446, v15;
	v16 =	vsel vm8, $0x1186, v16  }
0x1e: {  	v17 =	vsel vm8, $0x1A46, v17;
	v0 =	vsel vm7, $0x1C7, v0;
	v4 =	vsel vm7, $0x8A7, v4  }
0x1f: {  	v12 =	vsel vm7, $0x9C7, v12;
	v13 =	vsel vm7, $0xEA7, v13;
	v14 =	vsel vm7, $0xDC7, v14  }
0x20: {  	v15 =	vsel vm7, $0x14A7, v15;
	v16 =	vsel vm7, $0x11C7, v16;
	v17 =	vsel vm7, $0x1AA7, v17  }
0x21: {  	v0 =	vsel vm6, $0x200, v0;
	v4 =	vsel vm6, $0x900, v4;
	v12 =	vsel vm6, $0xA00, v12  }
0x22: {  	v13 =	vsel vm6, $0xF00, v13;
	v14 =	vsel vm6, $0xE00, v14;
	v15 =	vsel vm6, $0x1500, v15  }
0x23: {  	v16 =	vsel vm6, $0x1200, v16;
	v17 =	vsel vm6, $0x1B00, v17;
	v0 =	vsel vm5, $0x241, v0  }
0x24: {  	v6 =	vsel vm5, $0x961, v4;
	v12 =	vsel vm5, $0xA41, v12;
	v13 =	vsel vm5, $0xF61, v13  }
0x25: {  	v14 =	vsel vm5, $0xE41, v14;
	v15 =	vsel vm5, $0x1561, v15;
	v16 =	vsel vm5, $0x1241, v16  }
0x26: {  	v17 =	vsel vm5, $0x1B61, v17;
	v0 =	vsel vm4, $0x282, v0;
	v6 =	vsel vm4, $0x9C2, v6  }
0x27: {  	v12 =	vsel vm4, $0xA82, v12;
	v13 =	vsel vm4, $0xFC2, v13;
	v14 =	vsel vm4, $0xE82, v14  }
0x28: {  	v15 =	vsel vm4, $0x15C2, v15;
	v16 =	vsel vm4, $0x1282, v16;
	v17 =	vsel vm4, $0x1BC2, v17  }
0x29: {  	v0 =	vsel vm2, $0x2C3, v0;
	v8 =	vsel vm2, $0xA23, v6;
	v12 =	vsel vm2, $0xAC3, v12  }
0x2a: {  	v13 =	vsel vm2, $0x1023, v13;
	v14 =	vsel vm2, $0xEC3, v14;
	v15 =	vsel vm2, $0x1623, v15  }
0x2b: {  	v16 =	vsel vm2, $0x12C3, v16;
	v17 =	vsel vm2, $0x1C23, v17;
	v0 =	vsel vm3, $0x304, v0  }
0x2c: {  	v10 =	vsel vm3, $0xA84, v8;
	v12 =	vsel vm3, $0xB04, v12;
	v13 =	vsel vm3, $0x1084, v13  }
0x2d: {  	v14 =	vsel vm3, $0xF04, v14;
	v15 =	vsel vm3, $0x1684, v15;
	v2 =	vsel vm1, $0x345, v0  }
0x2e: {  	s1 =	rddreg [dreg:$0x0];
	v1 =	vsel vm0, $0x386, v2;
	v2 =	vsel vm9, $0x1E5, v3;
	v3 =	vimm.s32 $0x7C7  }
0x2f: {  	s0 =	rddreg [dreg:$0x1];
	s2 =	srdreg.scid;
	v16 =	vsel vm3, $0x1304, v16;
	v17 =	vsel vm3, $0x1C84, v17;
	v3 =	vsel vm14, $0x400, v3  }
0x30: {  	s4 =	stileid.u32;
	s6 =	simm.s32 $0x0;
	s17 =	simm.s32 $0x2710;
	v0 =	vlaneseq.u32;
	v12 =	vsel vm1, $0xB45, v12;
	v3 =	vsel vm13, $0x441, v3  }
0x31: {  	s18 =	simm.s32 $0x4E20;
	s19 =	simm.s32 $0x7530;
	s28 =	simm.s32 $0x13060;
	v13 =	vsel vm1, $0x10E5, v13;
	v14 =	vsel vm1, $0xF45, v14;
	v3 =	vsel vm12, $0x482, v3  }
0x32: {  	s29 =	simm.s32 $0x14E60;
	s30 =	simm.s32 $0x14F00;
	s2 =	sand.u32 $0x1, s2;
	v15 =	vsel vm1, $0x16E5, v15;
	v16 =	vsel vm1, $0x1345, v16;
	v3 =	vsel vm11, $0x4C3, v3  }
0x33: {  	s31 =	simm.s32 $0x2;
	[smem:$0x7FF] =	sst s6;
	s3 =	sshll.u32 s2, $0x4;
	v17 =	vsel vm1, $0x1CE5, v17;
	v2 =	vsel vm8, $0x246, v2;
	v3 =	vsel vm10, $0x504, v3  }
0x34: {  	s8 =	sadd.s32 $0x16A00, s1;
	s5 =	sadd.s32 $0x64C00, s1;
	s3 =	sor.u32 s4, s3;
	v4 =	vmul.u32 $0x40, v0;
	v2 =	vsel vm7, $0x2A7, v2;
	v3 =	vsel vm9, $0x545, v3  }
0x35: {  	s10 =	sadd.s32 $0x34000, s1;
	s11 =	sadd.s32 $0x3DE00, s1;
	s7 =	smul.u32 $0x2710, s3;
	v12 =	vsel vm0, $0xB86, v12;
	v2 =	vsel vm6, $0x300, v2;
	v3 =	vsel vm8, $0x586, v3  }
0x36: {  	_ =	strace $0x8000004A;
	s2 =	ssub.s32 $0x2, s2;
	[dreg:$0x6] =	wrdreg s5;
	v13 =	vsel vm0, $0x1146, v13;
	v2 =	vsel vm5, $0x361, v2;
	v3 =	vsel vm7, $0x5C7, v3  }
0x37: {  	s5 =	simm.s32 $0x0;
	s21 =	sshrl.u32 s2, $0x1;
	s3 =	sshrl.u32 s7, $0x3;
	v14 =	vsel vm0, $0xF86, v14;
	v2 =	vsel vm4, $0x3C2, v2;
	v3 =	vsel vm6, $0x600, v3  }
0x38: {  	s4 =	simm.s32 $0x14EB0;
	s22 =	ssub.s32 s2, s21;
	s20 =	sadd.s32 s3, s1;
	v15 =	vsel vm0, $0x1746, v15;
	v2 =	vsel vm2, $0x423, v2;
	v5 =	vsel vm5, $0x641, v3  }
0x39: {  	s23 =	sadd.s32 $0x4D8, s3;
	s1 =	smax.u32 s22, $0x1;
	s22 =	simm.s32 $0x1;
	v16 =	vsel vm0, $0x1386, v16;
	v2 =	vsel vm3, $0x484, v2;
	v5 =	vsel vm4, $0x682, v5  }
0x3a: {  	s24 =	sadd.s32 $0xCC00, s20;
	s25 =	sadd.s32 $0x2E00, s20;
	[dreg:$0xb] =	wrdreg s1;
	v2 =	vsel vm1, $0x4E5, v2;
	v3 =	vmul.u32 $0x60, v0;
	v7 =	vsel vm2, $0x6C3, v5  }
0x3b: {  	s26 =	sadd.s32 s10, s23;
	s2 =	sadd.s32 s11, s23;
	[dreg:$0x7] =	wrdreg s24;
	v17 =	vsel vm0, $0x1D46, v17;
	v2 =	vsel vm0, $0x546, v2;
	v7 =	vsel vm3, $0x704, v7  }
0x3c: {  	s23 =	simm.s32 $0x50;
	s1 =	simm.s32 $0x3;
	[dreg:$0x8] =	wrdreg s25;
	v61 =	vadd.s32 $0x40, v3;
	v62 =	vadd.s32 $0x48, v3;
	v9 =	vsel vm1, $0x745, v7  }
0x3d: {  	[dreg:$0x9] =	wrdreg s26;
	s24 =	simm.s32 $0xEA60;
	s25 =	simm.s32 $0x11260;
	v63 =	vadd.s32 $0x50, v3;
	[tilespmem:$0x1FFE0] =	vst v62;
	v8 =	vsel vm0, $0x786, v9;
	v9 =	vsel vm1, $0xAE5, v10  }
0x3e: {  	[dreg:$0xa] =	wrdreg s2;
	s26 =	simm.s32 $0xFE60;
	s2 =	simm.s32 $0x14F50;
	v11 =	vadd.s32 $0x600, v3;
	[tilespmem:$0x1FFF0] =	vst v61;
	v10 =	vor.u32 $0x400, v4;
	v9 =	vsel vm0, $0xB46, v9  }
.LBB2_1:
0x3f: {  	s3 =	rddreg [dreg:$0x6]  }
0x40: {  	[tilespmem:s6], [sflag:$0x1] =	stream.linear.gather [hbm4b:s3+s6], $0x2710, $0x38;
	[tilespmem:$0x14FA0] =	vst v63  }
0x41: {  	s14 =	rddreg [dreg:$0x2]  }
0x42: {  	[tilespmem:s17], [sflag:$0x1] =	stream.linear.gather [hbm4b:s14+s6], $0x2710, $0x38;
	[tilespmem:$0x14FA0] =	vst v63  }
0x43: {  	s15 =	rddreg [dreg:$0x3]  }
0x44: {  	[tilespmem:s18], [sflag:$0x1] =	stream.linear.gather [hbm4b:s15+s6], $0x2710, $0x38;
	[tilespmem:$0x14FA0] =	vst v63  }
0x45: {  	s16 =	rddreg [dreg:$0x4]  }
0x46: {  	[tilespmem:s19], [sflag:$0x1] =	stream.linear.gather [hbm4b:s16+s6], $0x2710, $0x38;
	[tilespmem:$0x14FA0] =	vst v63  }
0x47: {  	s20 =	rddreg [dreg:$0x7];
	s9 =	simm.s32 $0x9C40  }
0x48: {  	[tilespmem:s9], [sflag:$0x1] =	stream.linear.gather [hbm4b:s20+s6], $0x2710, $0x38;
	[tilespmem:$0x14FA0] =	vst v63  }
0x49: {  	s21 =	rddreg [dreg:$0x8];
	s12 =	simm.s32 $0xC350  }
0x4a: {  	[tilespmem:s12], [sflag:$0x1] =	stream.linear.gather [hbm4b:s21+s6], $0x2710, $0x38;
	[tilespmem:$0x14FA0] =	vst v63  }
0x4b: {  	_ =	swait.ge [sflag:s22], $0x2710  }
0x4c: {  	[sflag:s22] =	ssyncset.done $0x0  }
0x4d: {  	[sflag:s22] =	ssyncadd.s32 $0xFFFFD8F0  }
0x4e: {  	_ =	swait.ge [sflag:s22], $0x2710  }
0x4f: {  	[sflag:s22] =	ssyncset.done $0x0  }
0x50: {  	[sflag:s22] =	ssyncadd.s32 $0xFFFFD8F0  }
0x51: {  	_ =	swait.ge [sflag:s22], $0x2710  }
0x52: {  	[sflag:s22] =	ssyncset.done $0x0  }
0x53: {  	[sflag:s22] =	ssyncadd.s32 $0xFFFFD8F0  }
0x54: {  	_ =	swait.ge [sflag:s22], $0x2710  }
0x55: {  	[sflag:s22] =	ssyncset.done $0x0  }
0x56: {  	[sflag:s22] =	ssyncadd.s32 $0xFFFFD8F0  }
0x57: {  	_ =	swait.ge [sflag:s22], $0x2710  }
0x58: {  	[sflag:s22] =	ssyncset.done $0x0  }
0x59: {  	[sflag:s22] =	ssyncadd.s32 $0xFFFFD8F0  }
0x5a: {  	_ =	swait.ge [sflag:s22], $0x2710  }
0x5b: {  	[sflag:s22] =	ssyncset.done $0x0  }
0x5c: {  	[sflag:s22] =	ssyncadd.s32 $0xFFFFD8F0  }
0x5d: {  	[tilespmem:s24], [sflag:$0x1] =	stream.indirect.gather [hbm4b:s0+s23], $0x40, s9, s23, $0xb8;
	[tilespmem:$0x14FA0] =	vst v63  }
0x5e: {  	s20 =	simm.s32 $0x0  }
0x5f: {  	[tilespmem:s25], [sflag:$0x1] =	stream.indirect.gather [hbm4b:s8+s23], $0x60, s12, s23, $0xb8;
	[tilespmem:$0x14FA0] =	vst v63  }
.LBB2_2:
0x60: {  	s9 =	smul.u32 $0xA0, s20;
	_ =	sdelay $0x1  }
0x61: {  	s12 =	sadd.s32 $0x9C90, s9  }
0x62: {  	[tilespmem:s26], [sflag:$0x2] =	stream.indirect.gather [hbm4b:s0+s23], $0x40, s12, s23, $0xb8;
	[tilespmem:$0x14FA0] =	vst v63  }
0x63: {  	s15 =	sadd.s32 $0xC3A0, s9  }
0x64: {  	[tilespmem:s28], [sflag:$0x2] =	stream.indirect.gather [hbm4b:s8+s23], $0x60, s15, s23, $0xb8;
	[tilespmem:$0x14FA0] =	vst v63  }
0x65: {  	_ =	swait.ge [sflag:s22], $0x1400  }
0x66: {  	[sflag:s22] =	ssyncset.done $0x0  }
0x67: {  	[sflag:s22] =	ssyncadd.s32 $0xFFFFEC00  }
0x68: {  	_ =	swait.ge [sflag:s22], $0x1E00  }
0x69: {  	p0 =	seq.s32 s20, $0x0;
	[sflag:s22] =	ssyncset.done $0x0  }
0x6a: {  	s16 =	simm.s32 $0x1;
	s12 =	simm.s32 @!p0 $0x3;
	[sflag:s22] =	ssyncadd.s32 $0xFFFFE200  }
0x6b: {  	v19 =	vadd.s32 s16, v0;
	_ =	swait.ge @!p0 [sflag:s12], $0x50  }
0x6c: {  	s3 =	simm.s32 $0x5;
	v19 =	vand.u32 $0x3F, v19;
	[sflag:s12] =	ssyncset.done @!p0 $0x0  }
0x6d: {  	s13 =	simm.s32 $0x3;
	v21 =	vadd.s32 s3, v0;
	v20 =	vadd.s32 v3, v19;
	[sflag:s12] =	ssyncadd.s32 @!p0 $0xFFFFFFB0  }
0x6e: {  	v22 =	vadd.s32 s13, v0;
	v21 =	vand.u32 $0x3F, v21;
	v19 =	vor.u32 v4, v19;
	_ =	swait.ge @!p0 [sflag:s12], $0x50  }
0x6f: {  	s21 =	simm.s32 $0x0;
	v22 =	vand.u32 $0x3F, v22;
	v23 =	vadd.s32 v3, v21;
	[sflag:s12] =	ssyncset.done @!p0 $0x0  }
0x70: {  	v25 =	vadd.s32 s21, v0;
	v24 =	vadd.s32 v3, v22;
	[sflag:s12] =	ssyncadd.s32 @!p0 $0xFFFFFFB0  }
0x71: {  	v25 =	vand.u32 $0x38, v25;
	v27 =	vor.u32 v4, v21;
	v18 =	vld [tilespmem:s9+$0x9C40]  }
0x72: {  	v30 =	vor.u32 v1, v25;
	v20 =	vld.idx.msk [tilespmem:v20+s25+$0x0], $0xffff  }
0x73: {  	s16 =	simm.s32 $0x2;
	v22 =	vor.u32 v4, v22;
	v19 =	vld.idx.msk [tilespmem:v19+s24+$0x0], $0xffff  }
0x74: {  	s14 =	simm.s32 $0x4;
	v32 =	vadd.s32 s16, v0;
	v25 =	vadd.s32 v2, v25;
	v23 =	vld.idx.msk [tilespmem:v23+s25+$0x0], $0xffff  }
0x75: {  	v21 =	vadd.s32 s14, v0;
	v32 =	vand.u32 $0x3F, v32;
	s15 =	simm.s32 $0x7;
	v24 =	vld.idx.msk [tilespmem:v24+s25+$0x0], $0xffff  }
0x76: {  	v29 =	vand.u32 $0x3F, v21;
	v21 =	vimm.f32 $0.0e+00;
	v28 =	vadd.s32 s15, v0;
	v27 =	vld.idx.msk [tilespmem:v27+s24+$0x0], $0xffff  }
0x77: {  	v31 =	vadd.s32 v3, v29;
	v29 =	vor.u32 v4, v29;
	v28 =	vand.u32 $0x3F, v28;
	v30 =	vld.idx.msk [tilespmem:v30+s24+$0x0], $0xffff  }
0x78: {  	v39 =	vor.u32 v4, v32;
	v55 =	vadd.s32 v3, v32;
	v34 =	vor.u32 v4, v28;
	v22 =	vld.idx.msk [tilespmem:v22+s24+$0x0], $0xffff  }
0x79: {  	v28 =	vadd.s32 v3, v28;
	v40 =	vld.idx.msk [tilespmem:v25+s25+$0x0], $0xffff;
	v35 =	vshll.u32 v20, $0x10;
	v20 =	vand.u32 $0xFFFF0000, v20  }
0x7a: {  	v37 =	vshll.u32 v19, $0x10;
	v19 =	vand.u32 $0xFFFF0000, v19;
	v54 =	vand.u32 $0xFFFF0000, v24;
	v18 =	vld.idx.msk [tilespmem:v18+s21+$0x0], $0xffff;
	s21 =	simm.s32 $0x6  }
0x7b: {  	v38 =	vand.u32 $0xFFFF0000, v23;
	v25 =	vshll.u32 v27, $0x10;
	v33 =	vadd.s32 s21, v0  }
0x7c: {  	v41 =	vld.idx.msk [tilespmem:v29+s24+$0x0], $0xffff;
	v27 =	vand.u32 $0xFFFF0000, v27;
	v29 =	vand.u32 $0xFFFF0000, v30;
	v33 =	vand.u32 $0x3F, v33  }
0x7d: {  	v53 =	vld.idx.msk [tilespmem:v31+s25+$0x0], $0xffff;
	v35 =	vmul.f32 v35, v37;
	v19 =	vmul.f32 v20, v19;
	v31 =	vadd.s32 v3, v33  }
0x7e: {  	v34 =	vld.idx.msk [tilespmem:v34+s24+$0x0], $0xffff;
	v30 =	vshll.u32 v30, $0x10;
	v57 =	vshll.u32 v40, $0x10;
	v36 =	vor.u32 v4, v33  }
0x7f: {  	v20 =	vshll.u32 v23, $0x10;
	v23 =	vld.idx.msk [tilespmem:v28+s25+$0x0], $0xffff;
	v28 =	vand.u32 $0xFFFF0000, v22;
	v19 =	vadd.f32 v19, v35  }
0x80: {  	v22 =	vshll.u32 v22, $0x10;
	v27 =	vmul.f32 v38, v27;
	v26 =	vand.u32 $0x3FFF, v18  }
0x81: {  	v30 =	vmul.f32 v57, v30;
	v35 =	vld.idx.msk [tilespmem:v55+s25+$0x0], $0xffff;
	v43 =	vadd.f32 v19, v21;
	v19 =	vshll.u32 v24, $0x10  }
0x82: {  	v59 =	vand.u32 $0xFFFF0000, v40;
	v33 =	vmul.f32 v54, v28;
	v22 =	vmul.f32 v19, v22;
	v42 =	vld.idx.msk [tilespmem:v31+s25+$0x0], $0xffff  }
0x83: {  	v56 =	vshll.u32 v53, $0x10;
	v45 =	vmul.f32 v59, v29;
	v44 =	vmul.f32 v20, v25;
	v31 =	vld.idx.msk [tilespmem:v36+s24+$0x0], $0xffff  }
0x84: {  	v60 =	vshll.u32 v41, $0x10;
	v25 =	vand.u32 $0xFFFF0000, v34;
	v29 =	vadd.f32 v33, v22;
	v33 =	vld.idx.msk [tilespmem:v39+s24+$0x0], $0xffff  }
0x85: {  	v30 =	vadd.f32 v45, v30;
	v27 =	vadd.f32 v27, v44;
	v24 =	vshll.u32 v34, $0x10;
	v20 =	vld.idx.msk [tilespmem:v26+s17+$0x0], $0xffff  }
0x86: {  	v34 =	vand.u32 $0xFFFF0000, v41;
	v58 =	vshll.u32 v23, $0x10;
	v28 =	vand.u32 $0xFFFF0000, v53;
	v19 =	vld.idx.msk [tilespmem:v26+s18+$0x0], $0xffff  }
0x87: {  	v22 =	vld.idx.msk [tilespmem:v26+s19+$0x0], $0xffff;
	v26 =	vmul.f32 v58, v24;
	v24 =	vadd.f32 v29, v43;
	v29 =	vmul.f32 v56, v60  }
0x88: {  	s12 =	simm.s32 $0x8;
	s21 =	sadd.s32 $0x50, s9;
	v32 =	vshll.u32 v42, $0x10;
	v36 =	vand.u32 $0xFFFF0000, v42;
	v37 =	vand.u32 $0xFFFF0000, v31  }
.LBB2_3:
0x89: {  	s13 =	sadd.s32 $0x1, s12  }
0x8a: {  	s14 =	sadd.s32 $0x3, s12;
	s15 =	sadd.s32 $0x7, s12;
	v38 =	vshll.u32 v33, $0x10;
	v31 =	vshll.u32 v31, $0x10;
	v36 =	vmul.f32 v36, v37;
	s16 =	smov.u32 s12  }
0x8b: {  	p1 =	slt.u32 s12, $0x38;
	s12 =	sadd.s32 $0x8, s12;
	v40 =	vshll.u32 v35, $0x10;
	v37 =	vadd.s32 s13, v0;
	v39 =	vadd.s32 s14, v0;
	s13 =	sadd.s32 $0x4, s16  }
0x8c: {  	v35 =	vand.u32 $0xFFFF0000, v35;
	v41 =	vadd.s32 s15, v0;
	v37 =	vand.u32 $0x3F, v37  }
0x8d: {  	s14 =	sadd.s32 $0x5, s16;
	v38 =	vmul.f32 v40, v38;
	v42 =	vor.u32 v4, v37;
	v37 =	vadd.s32 v3, v37  }
0x8e: {  	v33 =	vand.u32 $0xFFFF0000, v33;
	s15 =	sadd.s32 $0x2, s16;
	v39 =	vand.u32 $0x3F, v39;
	v40 =	vadd.s32 s14, v0  }
0x8f: {  	v31 =	vmul.f32 v32, v31;
	v43 =	vor.u32 v4, v39;
	v40 =	vand.u32 $0x3F, v40  }
0x90: {  	v33 =	vmul.f32 v35, v33;
	v32 =	vor.u32 v4, v40;
	v40 =	vadd.s32 v3, v40  }
0x91: {  	v23 =	vand.u32 $0xFFFF0000, v23;
	v35 =	vadd.s32 s15, v0;
	v39 =	vadd.s32 v3, v39  }
0x92: {  	v28 =	vmul.f32 v28, v34;
	v44 =	vadd.s32 s16, v0;
	v45 =	vadd.s32 s13, v0;
	v37 =	vld.idx.msk [tilespmem:v37+s25+$0x0], $0xffff  }
0x93: {  	v23 =	vmul.f32 v23, v25;
	v34 =	vand.u32 $0x38, v44;
	v44 =	vand.u32 $0x3F, v45  }
0x94: {  	v25 =	vor.u32 v1, v34;
	v34 =	vadd.s32 v2, v34;
	v33 =	vadd.f32 v33, v38;
	v42 =	vld.idx.msk [tilespmem:v42+s24+$0x0], $0xffff  }
0x95: {  	s13 =	sadd.s32 $0x6, s16;
	v41 =	vand.u32 $0x3F, v41;
	v28 =	vadd.f32 v28, v29;
	v38 =	vadd.s32 v3, v44;
	v40 =	vld.idx.msk [tilespmem:v40+s25+$0x0], $0xffff  }
0x96: {  	v45 =	vor.u32 v4, v41;
	v41 =	vadd.s32 v3, v41;
	v29 =	vld.idx.msk [tilespmem:v39+s25+$0x0], $0xffff;
	v39 =	vadd.s32 s13, v0  }
0x97: {  	v21 =	vadd.f32 v30, v21;
	v35 =	vand.u32 $0x3F, v35;
	v43 =	vld.idx.msk [tilespmem:v43+s24+$0x0], $0xffff;
	v39 =	vand.u32 $0x3F, v39  }
0x98: {  	v23 =	vadd.f32 v23, v26;
	v30 =	vshll.u32 v37, $0x10;
	v32 =	vld.idx.msk [tilespmem:v32+s24+$0x0], $0xffff;
	v46 =	vor.u32 v4, v39  }
0x99: {  	v24 =	vadd.f32 v27, v24;
	v26 =	vld.idx.msk [tilespmem:v25+s24+$0x0], $0xffff;
	v25 =	vand.u32 $0xFFFF0000, v37;
	v37 =	vor.u32 v4, v44  }
0x9a: {  	v31 =	vadd.f32 v36, v31;
	v27 =	vshll.u32 v42, $0x10;
	v42 =	vand.u32 $0xFFFF0000, v42  }
0x9b: {  	v24 =	vadd.f32 v23, v24;
	v36 =	vadd.s32 v3, v39;
	v27 =	vmul.f32 v30, v27;
	v30 =	vld.idx.msk [tilespmem:v38+s25+$0x0], $0xffff  }
0x9c: {  	v21 =	vadd.f32 v33, v21;
	v39 =	vand.u32 $0xFFFF0000, v40;
	v38 =	vand.u32 $0xFFFF0000, v29;
	v44 =	vld.idx.msk [tilespmem:v45+s24+$0x0], $0xffff  }
0x9d: {  	v33 =	vor.u32 v4, v35;
	v25 =	vmul.f32 v25, v42;
	v40 =	vshll.u32 v40, $0x10;
	v23 =	vld.idx.msk [tilespmem:v41+s25+$0x0], $0xffff  }
0x9e: {  	v21 =	vadd.f32 v28, v21;
	v42 =	vand.u32 $0xFFFF0000, v43;
	v41 =	vshll.u32 v43, $0x10;
	v34 =	vld.idx.msk [tilespmem:v34+s25+$0x0], $0xffff  }
0x9f: {  	v38 =	vmul.f32 v38, v42;
	v28 =	vshll.u32 v32, $0x10;
	v32 =	vand.u32 $0xFFFF0000, v32;
	v42 =	vld.idx.msk [tilespmem:v37+s24+$0x0], $0xffff  }
0xa0: {  	v25 =	vadd.f32 v25, v27;
	v27 =	vadd.s32 v3, v35;
	v39 =	vmul.f32 v39, v32;
	v36 =	vld.idx.msk [tilespmem:v36+s25+$0x0], $0xffff  }
0xa1: {  	v21 =	vadd.f32 v31, v21;
	v32 =	vand.u32 $0xFFFF0000, v26;
	v37 =	vshll.u32 v30, $0x10  }
0xa2: {  	v24 =	vadd.f32 v25, v24;
	v25 =	vshll.u32 v29, $0x10;
	v40 =	vmul.f32 v40, v28;
	v31 =	vld.idx.msk [tilespmem:v46+s24+$0x0], $0xffff  }
0xa3: {  	v29 =	vmul.f32 v25, v41;
	v41 =	vshll.u32 v44, $0x10;
	v25 =	vand.u32 $0xFFFF0000, v44  }
0xa4: {  	v26 =	vshll.u32 v26, $0x10;
	v44 =	vshll.u32 v23, $0x10;
	v43 =	vshll.u32 v34, $0x10;
	v33 =	vld.idx.msk [tilespmem:v33+s24+$0x0], $0xffff  }
.Ltmp0:
0xa5: {  	v28 =	vand.u32 $0xFFFF0000, v30;
	v34 =	vand.u32 $0xFFFF0000, v34;
	v35 =	vld.idx.msk [tilespmem:v27+s25+$0x0], $0xffff;
	v27 =	vshll.u32 v42, $0x10;
	(pc) =	sbr.rel @p1 .LBB2_3-.Ltmp0, $4  }
0xa6: {  	v29 =	vadd.f32 v38, v29;
	v30 =	vmul.f32 v43, v26;
	v34 =	vmul.f32 v34, v32  }
0xa7: {  	v26 =	vmul.f32 v44, v41;
	v32 =	vshll.u32 v36, $0x10;
	v36 =	vand.u32 $0xFFFF0000, v36  }
0xa8: {  	v24 =	vadd.f32 v29, v24;
	v29 =	vmul.f32 v37, v27;
	v37 =	vand.u32 $0xFFFF0000, v31  }
0xa9: {  	v30 =	vadd.f32 v34, v30;
	v34 =	vand.u32 $0xFFFF0000, v42;
	v27 =	vadd.f32 v39, v40  }
0xaa: {  	v18 =	vshra.s32 v18, $0xE  }
0xab: {  	v38 =	vadd.s32 v63, v18;
	_ =	sdelay $0x4  }
0xac: {  	v38 =	vld.idx.msk [tilespmem:v38+s25+$0x0], $0xffff;
	_ =	sdelay $0x4  }
0xad: {  	v22 =	vadd.f32 v38, v22;
	_ =	sdelay $0x1  }
0xae: {  	v38 =	vand.u32 $0x7FFFFFFF, v22  }
0xaf: {  	v38 =	vsub.f32 $0.0e+00, v38;
	_ =	sdelay $0x1  }
0xb0: {  	v38 =	vmul.f32 $1.442695020e+00, v38;
	_ =	sdelay $0x1  }
0xb1: {  	(erf) = vpow2.f32 v38;
	_ =	sdelay $0x8  }
0xb2: {  	v38 =	vpop (erf)  }
0xb3: {  	v39 =	vmul.f32 $-2.368956990e-02, v38;
	_ =	sdelay $0x1  }
0xb4: {  	v39 =	vadd.f32 $1.002884360e-01, v39  }
0xb5: {  	v40 =	vshll.u32 v33, $0x10;
	v36 =	vmul.f32 v36, v37;
	v44 =	vshll.u32 v35, $0x10  }
0xb6: {  	v45 =	vand.u32 $0xFFFF0000, v35;
	v46 =	vand.u32 $0xFFFF0000, v33;
	v39 =	vmul.f32 v39, v38  }
0xb7: {  	v31 =	vshll.u32 v31, $0x10;
	v37 =	vmul.f32 v44, v40;
	v33 =	vmul.f32 v45, v46  }
0xb8: {  	v23 =	vand.u32 $0xFFFF0000, v23;
	v28 =	vmul.f32 v28, v34;
	v47 =	vadd.f32 $-2.086712570e-01, v39  }
0xb9: {  	v23 =	vmul.f32 v23, v25;
	v21 =	vadd.f32 v30, v21;
	v25 =	vadd.f32 v33, v37  }
0xba: {  	v30 =	vmul.f32 v32, v31;
	v28 =	vadd.f32 v28, v29;
	v29 =	vmul.f32 v47, v38  }
0xbb: {  	v24 =	vadd.f32 v27, v24;
	v21 =	vadd.f32 v25, v21;
	v25 =	vadd.s32 v61, v18  }
0xbc: {  	v23 =	vadd.f32 v23, v26;
	v26 =	vadd.f32 $3.244126740e-01, v29  }
0xbd: {  	v27 =	vadd.f32 v36, v30;
	v21 =	vadd.f32 v28, v21  }
0xbe: {  	v26 =	vmul.f32 v26, v38  }
0xbf: {  	v23 =	vadd.f32 v23, v24;
	v18 =	vadd.s32 v62, v18;
	v21 =	vadd.f32 v27, v21  }
0xc0: {  	v24 =	vld.idx.msk [tilespmem:v25+s25+$0x0], $0xffff;
	v25 =	vadd.f32 $-4.991880360e-01, v26  }
0xc1: {  	v21 =	vadd.f32 v23, v21  }
0xc2: {  	v23 =	vmul.f32 v25, v38  }
0xc3: {  	v20 =	vmul.f32 v21, v20  }
0xc4: {  	v18 =	vld.idx.msk [tilespmem:v18+s25+$0x0], $0xffff;
	v21 =	vadd.f32 $9.999818800e-01, v23  }
0xc5: {  	s3 =	simm.s32 $0x4;
	v20 =	vmul.f32 v24, v20  }
0xc6: {  	s13 =	simm.s32 $0x3;
	v27 =	vadd.s32 s3, v0;
	v21 =	vmul.f32 v21, v38  }
0xc7: {  	s16 =	simm.s32 $0x0;
	v19 =	vadd.f32 v20, v19;
	v20 =	vmax.f32 v22, $0.0e+00;
	v22 =	vadd.s32 s13, v0  }
0xc8: {  	v22 =	vand.u32 $0x3F, v22;
	v26 =	vadd.s32 s16, v0;
	v20 =	vadd.f32 v21, v20  }
0xc9: {  	v18 =	vadd.f32 v18, v19;
	v26 =	vand.u32 $0x38, v26;
	v25 =	vadd.s32 v11, v22  }
0xca: {  	v27 =	vand.u32 $0x3F, v27;
	v29 =	vor.u32 v8, v26;
	v19 =	vadd.f32 $9.999999740e-05, v20  }
0xcb: {  	s15 =	simm.s32 $0x5;
	v31 =	vadd.s32 v11, v27;
	[tilespmem:$0x14E60] =	vst v18  }
0xcc: {  	v26 =	vadd.s32 v9, v26;
	v20 =	vadd.s32 s15, v0;
	[tilespmem:$0x14F00] =	vst v19  }
0xcd: {  	v27 =	vor.u32 v10, v27;
	v23 =	vand.u32 $0x3F, v20;
	v18 =	vld [tilespmem:s9+$0x9C50]  }
0xce: {  	s12 =	simm.s32 $0x1;
	v24 =	vadd.s32 v11, v23;
	v25 =	vld.idx.msk [tilespmem:v25+s25+$0x0], $0xffff  }
0xcf: {  	v19 =	vadd.s32 s12, v0;
	v23 =	vor.u32 v10, v23;
	v29 =	vld.idx.msk [tilespmem:v29+s24+$0x0], $0xffff  }
0xd0: {  	v19 =	vand.u32 $0x3F, v19;
	v31 =	vld.idx.msk [tilespmem:v31+s25+$0x0], $0xffff  }
0xd1: {  	s14 =	simm.s32 $0x7;
	v26 =	vld.idx.msk [tilespmem:v26+s25+$0x0], $0xffff;
	v21 =	vadd.s32 v11, v19  }
0xd2: {  	v28 =	vadd.s32 s14, v0;
	v41 =	vld.idx.msk [tilespmem:v27+s24+$0x0], $0xffff;
	v19 =	vor.u32 v10, v19  }
0xd3: {  	v28 =	vand.u32 $0x3F, v28;
	s15 =	simm.s32 $0x2;
	v24 =	vld.idx.msk [tilespmem:v24+s25+$0x0], $0xffff  }
0xd4: {  	v50 =	vor.u32 v10, v28;
	v48 =	vadd.s32 s15, v0;
	v52 =	vld.idx.msk [tilespmem:v23+s24+$0x0], $0xffff  }
0xd5: {  	v28 =	vadd.s32 v11, v28;
	v22 =	vor.u32 v10, v22;
	v32 =	vand.u32 $0x3F, v48  }
0xd6: {  	v20 =	vimm.f32 $0.0e+00;
	v56 =	vor.u32 v10, v32;
	v57 =	vadd.s32 v11, v32;
	v21 =	vld.idx.msk [tilespmem:v21+s25+$0x0], $0xffff  }
0xd7: {  	v54 =	vand.u32 $0xFFFF0000, v25;
	v58 =	vshll.u32 v31, $0x10;
	v61 =	vshll.u32 v29, $0x10;
	v19 =	vld.idx.msk [tilespmem:v19+s24+$0x0], $0xffff  }
0xd8: {  	v62 =	vshll.u32 v26, $0x10;
	v26 =	vand.u32 $0xFFFF0000, v26;
	v44 =	vshll.u32 v41, $0x10;
	v18 =	vld.idx.msk [tilespmem:v18+s16+$0x0], $0xffff;
	s16 =	simm.s32 $0x6  }
0xd9: {  	v49 =	vadd.s32 s16, v0;
	v55 =	vand.u32 $0xFFFF0000, v24;
	v27 =	vand.u32 $0xFFFF0000, v52  }
0xda: {  	v22 =	vld.idx.msk [tilespmem:v22+s24+$0x0], $0xffff;
	v45 =	vmul.f32 v62, v61;
	v33 =	vand.u32 $0x3F, v49;
	v39 =	vmul.f32 v55, v27  }
0xdb: {  	v51 =	vshll.u32 v21, $0x10;
	v53 =	vor.u32 v10, v33;
	v33 =	vadd.s32 v11, v33  }
0xdc: {  	v21 =	vand.u32 $0xFFFF0000, v21;
	v23 =	vshll.u32 v19, $0x10;
	v19 =	vand.u32 $0xFFFF0000, v19  }
0xdd: {  	v34 =	vld.idx.msk [tilespmem:v50+s24+$0x0], $0xffff;
	v27 =	vand.u32 $0xFFFF0000, v29;
	v35 =	vmul.f32 v51, v23;
	v19 =	vmul.f32 v21, v19  }
0xde: {  	v29 =	vand.u32 $0xFFFF0000, v31;
	v31 =	vmul.f32 v58, v44;
	v23 =	vld.idx.msk [tilespmem:v28+s25+$0x0], $0xffff;
	v30 =	vand.u32 $0x3FFF, v18  }
0xdf: {  	v32 =	vld.idx.msk [tilespmem:v56+s24+$0x0], $0xffff;
	v21 =	vshll.u32 v24, $0x10;
	v24 =	vand.u32 $0xFFFF0000, v22;
	v19 =	vadd.f32 v19, v35  }
0xe0: {  	v26 =	vmul.f32 v26, v27;
	v22 =	vshll.u32 v22, $0x10;
	v28 =	vmul.f32 v54, v24;
	v59 =	vld.idx.msk [tilespmem:v33+s25+$0x0], $0xffff  }
0xe1: {  	v24 =	vshll.u32 v52, $0x10;
	v60 =	vadd.f32 v19, v20;
	v19 =	vshll.u32 v25, $0x10;
	v33 =	vld.idx.msk [tilespmem:v53+s24+$0x0], $0xffff  }
0xe2: {  	v36 =	vld.idx.msk [tilespmem:v57+s25+$0x0], $0xffff;
	v42 =	vmul.f32 v21, v24;
	v22 =	vmul.f32 v19, v22  }
0xe3: {  	v24 =	vand.u32 $0xFFFF0000, v34;
	v25 =	vshll.u32 v34, $0x10;
	v43 =	vshll.u32 v23, $0x10;
	v21 =	vld.idx.msk [tilespmem:v30+s17+$0x0], $0xffff  }
0xe4: {  	v35 =	vand.u32 $0xFFFF0000, v41;
	v19 =	vld.idx.msk [tilespmem:v30+s18+$0x0], $0xffff;
	v27 =	vmul.f32 v43, v25;
	v28 =	vadd.f32 v28, v22  }
0xe5: {  	v22 =	vld.idx.msk [tilespmem:v30+s19+$0x0], $0xffff;
	v30 =	vadd.f32 v26, v45;
	v34 =	vshll.u32 v59, $0x10;
	v37 =	vand.u32 $0xFFFF0000, v59  }
0xe6: {  	s12 =	simm.s32 $0x8;
	v25 =	vadd.f32 v28, v60;
	v38 =	vand.u32 $0xFFFF0000, v33;
	v28 =	vadd.f32 v39, v42  }
.LBB2_5:
0xe7: {  	s13 =	sadd.s32 $0x1, s12  }
0xe8: {  	s14 =	sadd.s32 $0x3, s12;
	s15 =	sadd.s32 $0x7, s12;
	v26 =	vshll.u32 v32, $0x10;
	v33 =	vshll.u32 v33, $0x10;
	v37 =	vmul.f32 v37, v38;
	s16 =	smov.u32 s12  }
0xe9: {  	p1 =	slt.u32 s12, $0x38;
	s12 =	sadd.s32 $0x8, s12;
	v40 =	vshll.u32 v36, $0x10;
	v38 =	vadd.s32 s13, v0;
	v39 =	vadd.s32 s14, v0;
	s13 =	sadd.s32 $0x4, s16  }
0xea: {  	v36 =	vand.u32 $0xFFFF0000, v36;
	v41 =	vadd.s32 s15, v0;
	v38 =	vand.u32 $0x3F, v38  }
0xeb: {  	s14 =	sadd.s32 $0x5, s16;
	v26 =	vmul.f32 v40, v26;
	v42 =	vor.u32 v10, v38;
	v38 =	vadd.s32 v11, v38  }
0xec: {  	v32 =	vand.u32 $0xFFFF0000, v32;
	s15 =	sadd.s32 $0x2, s16;
	v39 =	vand.u32 $0x3F, v39;
	v40 =	vadd.s32 s14, v0  }
0xed: {  	v33 =	vmul.f32 v34, v33;
	v43 =	vor.u32 v10, v39;
	v40 =	vand.u32 $0x3F, v40  }
0xee: {  	v32 =	vmul.f32 v36, v32;
	v34 =	vor.u32 v10, v40;
	v40 =	vadd.s32 v11, v40  }
0xef: {  	v23 =	vand.u32 $0xFFFF0000, v23;
	v36 =	vadd.s32 s15, v0;
	v39 =	vadd.s32 v11, v39  }
0xf0: {  	v29 =	vmul.f32 v29, v35;
	v44 =	vadd.s32 s16, v0;
	v45 =	vadd.s32 s13, v0;
	v38 =	vld.idx.msk [tilespmem:v38+s25+$0x0], $0xffff  }
0xf1: {  	v23 =	vmul.f32 v23, v24;
	v35 =	vand.u32 $0x38, v44;
	v44 =	vand.u32 $0x3F, v45  }
0xf2: {  	v24 =	vor.u32 v8, v35;
	v35 =	vadd.s32 v9, v35;
	v26 =	vadd.f32 v32, v26;
	v42 =	vld.idx.msk [tilespmem:v42+s24+$0x0], $0xffff  }
0xf3: {  	s13 =	sadd.s32 $0x6, s16;
	v41 =	vand.u32 $0x3F, v41;
	v29 =	vadd.f32 v29, v31;
	v32 =	vadd.s32 v11, v44;
	v40 =	vld.idx.msk [tilespmem:v40+s25+$0x0], $0xffff  }
0xf4: {  	v45 =	vor.u32 v10, v41;
	v41 =	vadd.s32 v11, v41;
	v31 =	vld.idx.msk [tilespmem:v39+s25+$0x0], $0xffff;
	v39 =	vadd.s32 s13, v0  }
0xf5: {  	v20 =	vadd.f32 v30, v20;
	v36 =	vand.u32 $0x3F, v36;
	v43 =	vld.idx.msk [tilespmem:v43+s24+$0x0], $0xffff;
	v39 =	vand.u32 $0x3F, v39  }
0xf6: {  	v23 =	vadd.f32 v23, v27;
	v30 =	vshll.u32 v38, $0x10;
	v34 =	vld.idx.msk [tilespmem:v34+s24+$0x0], $0xffff;
	v46 =	vor.u32 v10, v39  }
0xf7: {  	v25 =	vadd.f32 v28, v25;
	v27 =	vld.idx.msk [tilespmem:v24+s24+$0x0], $0xffff;
	v24 =	vand.u32 $0xFFFF0000, v38;
	v38 =	vor.u32 v10, v44  }
0xf8: {  	v33 =	vadd.f32 v37, v33;
	v28 =	vshll.u32 v42, $0x10;
	v42 =	vand.u32 $0xFFFF0000, v42  }
0xf9: {  	v25 =	vadd.f32 v23, v25;
	v28 =	vmul.f32 v30, v28;
	v30 =	vld.idx.msk [tilespmem:v32+s25+$0x0], $0xffff;
	v32 =	vadd.s32 v11, v39  }
0xfa: {  	v20 =	vadd.f32 v26, v20;
	v37 =	vand.u32 $0xFFFF0000, v31;
	v39 =	vand.u32 $0xFFFF0000, v40;
	v44 =	vld.idx.msk [tilespmem:v45+s24+$0x0], $0xffff  }
0xfb: {  	v26 =	vor.u32 v10, v36;
	v24 =	vmul.f32 v24, v42;
	v40 =	vshll.u32 v40, $0x10;
	v23 =	vld.idx.msk [tilespmem:v41+s25+$0x0], $0xffff  }
0xfc: {  	v20 =	vadd.f32 v29, v20;
	v42 =	vand.u32 $0xFFFF0000, v43;
	v41 =	vshll.u32 v43, $0x10;
	v35 =	vld.idx.msk [tilespmem:v35+s25+$0x0], $0xffff  }
0xfd: {  	v37 =	vmul.f32 v37, v42;
	v29 =	vshll.u32 v34, $0x10;
	v34 =	vand.u32 $0xFFFF0000, v34;
	v42 =	vld.idx.msk [tilespmem:v38+s24+$0x0], $0xffff  }
0xfe: {  	v24 =	vadd.f32 v24, v28;
	v28 =	vadd.s32 v11, v36;
	v39 =	vmul.f32 v39, v34;
	v38 =	vld.idx.msk [tilespmem:v32+s25+$0x0], $0xffff  }
0xff: {  	v20 =	vadd.f32 v33, v20;
	v34 =	vand.u32 $0xFFFF0000, v27;
	v43 =	vshll.u32 v30, $0x10  }
0x100: {  	v25 =	vadd.f32 v24, v25;
	v24 =	vshll.u32 v31, $0x10;
	v40 =	vmul.f32 v40, v29;
	v33 =	vld.idx.msk [tilespmem:v46+s24+$0x0], $0xffff  }
0x101: {  	v31 =	vmul.f32 v24, v41;
	v41 =	vshll.u32 v44, $0x10;
	v24 =	vand.u32 $0xFFFF0000, v44  }
0x102: {  	v27 =	vshll.u32 v27, $0x10;
	v44 =	vshll.u32 v35, $0x10;
	v32 =	vld.idx.msk [tilespmem:v26+s24+$0x0], $0xffff;
	v26 =	vshll.u32 v23, $0x10  }
.Ltmp1:
0x103: {  	v29 =	vand.u32 $0xFFFF0000, v30;
	v35 =	vand.u32 $0xFFFF0000, v35;
	v36 =	vld.idx.msk [tilespmem:v28+s25+$0x0], $0xffff;
	v28 =	vshll.u32 v42, $0x10;
	(pc) =	sbr.rel @p1 .LBB2_5-.Ltmp1, $4  }
0x104: {  	v31 =	vadd.f32 v37, v31;
	v30 =	vmul.f32 v44, v27;
	v35 =	vmul.f32 v35, v34  }
0x105: {  	v34 =	vshll.u32 v38, $0x10;
	v37 =	vand.u32 $0xFFFF0000, v38;
	v27 =	vmul.f32 v26, v41  }
0x106: {  	v25 =	vadd.f32 v31, v25;
	v31 =	vmul.f32 v43, v28;
	v38 =	vand.u32 $0xFFFF0000, v33  }
0x107: {  	v30 =	vadd.f32 v35, v30;
	v35 =	vand.u32 $0xFFFF0000, v42;
	v28 =	vadd.f32 v39, v40  }
0x108: {  	v18 =	vshra.s32 v18, $0xE;
	v5 =	vadd.s32 $0x650, v3  }
0x109: {  	v39 =	vadd.s32 v5, v18;
	_ =	sdelay $0x4  }
0x10a: {  	v39 =	vld.idx.msk [tilespmem:v39+s25+$0x0], $0xffff;
	_ =	sdelay $0x4  }
0x10b: {  	v22 =	vadd.f32 v39, v22;
	_ =	sdelay $0x1  }
0x10c: {  	v39 =	vand.u32 $0x7FFFFFFF, v22  }
0x10d: {  	v39 =	vsub.f32 $0.0e+00, v39;
	_ =	sdelay $0x1  }
0x10e: {  	v39 =	vmul.f32 $1.442695020e+00, v39;
	_ =	sdelay $0x1  }
0x10f: {  	(erf) = vpow2.f32 v39;
	_ =	sdelay $0x7  }
0x110: {  	v41 =	vshll.u32 v32, $0x10  }
0x111: {  	v33 =	vshll.u32 v33, $0x10;
	v37 =	vmul.f32 v37, v38;
	v47 =	vshll.u32 v36, $0x10;
	v39 =	vpop (erf)  }
0x112: {  	v48 =	vand.u32 $0xFFFF0000, v36;
	v49 =	vand.u32 $0xFFFF0000, v32;
	v40 =	vmul.f32 $-2.368956990e-02, v39  }
0x113: {  	v23 =	vand.u32 $0xFFFF0000, v23;
	v38 =	vmul.f32 v47, v41;
	v32 =	vmul.f32 v48, v49  }
0x114: {  	v29 =	vmul.f32 v29, v35;
	v33 =	vmul.f32 v34, v33;
	v40 =	vadd.f32 $1.002884360e-01, v40  }
0x115: {  	v23 =	vmul.f32 v23, v24;
	v20 =	vadd.f32 v30, v20;
	v32 =	vadd.f32 v32, v38  }
0x116: {  	[tilespmem:$0x1FFB0] =	vst v5;
	v5 =	vadd.s32 $0x640, v3;
	v29 =	vadd.f32 v29, v31;
	v40 =	vmul.f32 v40, v39  }
0x117: {  	v23 =	vadd.f32 v23, v27;
	v27 =	vadd.s32 v5, v18;
	v20 =	vadd.f32 v32, v20  }
0x118: {  	v28 =	vadd.f32 v28, v25;
	v50 =	vadd.f32 $-2.086712570e-01, v40  }
0x119: {  	v31 =	vadd.f32 v37, v33;
	v20 =	vadd.f32 v29, v20  }
0x11a: {  	[tilespmem:$0x1FFC0] =	vst v5;
	v5 =	vadd.s32 $0x648, v3;
	v30 =	vmul.f32 v50, v39  }
0x11b: {  	v18 =	vadd.s32 v5, v18;
	v23 =	vadd.f32 v23, v28;
	v20 =	vadd.f32 v31, v20  }
0x11c: {  	v27 =	vld.idx.msk [tilespmem:v27+s25+$0x0], $0xffff;
	v30 =	vadd.f32 $3.244126740e-01, v30  }
0x11d: {  	v20 =	vadd.f32 v23, v20  }
0x11e: {  	v29 =	vmul.f32 v30, v39  }
0x11f: {  	v20 =	vmul.f32 v20, v21  }
0x120: {  	v18 =	vld.idx.msk [tilespmem:v18+s25+$0x0], $0xffff;
	v28 =	vadd.f32 $-4.991880360e-01, v29  }
0x121: {  	v20 =	vmul.f32 v27, v20  }
0x122: {  	v23 =	vmul.f32 v28, v39  }
0x123: {  	v19 =	vadd.f32 v20, v19  }
0x124: {  	v21 =	vadd.f32 $9.999818800e-01, v23  }
0x125: {  	s16 =	simm.s32 $0x2;
	v18 =	vadd.f32 v18, v19  }
0x126: {  	v27 =	vadd.s32 s16, v0;
	v21 =	vmul.f32 v21, v39  }
0x127: {  	v27 =	vand.u32 $0x3F, v27;
	v20 =	vmax.f32 v22, $0.0e+00;
	[tilespmem:$0x14E70] =	vst v18;
	v18 =	vor.u32 $0x800, v4  }
0x128: {  	v31 =	vor.u32 v18, v27;
	v20 =	vadd.f32 v21, v20  }
0x129: {  	s15 =	simm.s32 $0x5;
	s13 =	simm.s32 $0x0  }
0x12a: {  	v29 =	vadd.s32 s13, v0;
	v23 =	vadd.s32 s15, v0;
	s15 =	simm.s32 $0x4;
	v19 =	vadd.f32 $9.999999740e-05, v20  }
0x12b: {  	s12 =	simm.s32 $0x1;
	[tilespmem:$0x1FFD0] =	vst v5;
	v29 =	vand.u32 $0x38, v29;
	v55 =	vadd.s32 s15, v0  }
0x12c: {  	v52 =	vor.u32 v12, v29;
	v36 =	vand.u32 $0x3F, v55;
	[tilespmem:$0x14F10] =	vst v19;
	v19 =	vadd.s32 s12, v0  }
0x12d: {  	v21 =	vand.u32 $0x3F, v19;
	v57 =	vld.idx.msk [tilespmem:v31+s24+$0x0], $0xffff;
	v31 =	vor.u32 v18, v36  }
0x12e: {  	v19 =	vadd.s32 $0xC00, v3;
	v22 =	vor.u32 v18, v21  }
0x12f: {  	s3 =	simm.s32 $0x3;
	v23 =	vand.u32 $0x3F, v23;
	v21 =	vadd.s32 v19, v21  }
0x130: {  	s14 =	simm.s32 $0x7;
	v30 =	vadd.s32 s3, v0;
	v20 =	vld [tilespmem:s9+$0x9C60];
	v28 =	vadd.s32 v19, v23  }
0x131: {  	v51 =	vadd.s32 s14, v0;
	v30 =	vand.u32 $0x3F, v30;
	v33 =	vld.idx.msk [tilespmem:v52+s24+$0x0], $0xffff;
	v23 =	vor.u32 v18, v23  }
0x132: {  	v32 =	vand.u32 $0x3F, v51;
	v53 =	vadd.s32 v19, v30;
	v47 =	vld.idx.msk [tilespmem:v31+s24+$0x0], $0xffff  }
0x133: {  	v54 =	vadd.s32 v19, v32;
	v22 =	vld.idx.msk [tilespmem:v22+s24+$0x0], $0xffff  }
0x134: {  	v32 =	vor.u32 v18, v32;
	v21 =	vld.idx.msk [tilespmem:v21+s25+$0x0], $0xffff  }
0x135: {  	v30 =	vor.u32 v18, v30;
	v28 =	vld.idx.msk [tilespmem:v28+s25+$0x0], $0xffff  }
0x136: {  	v36 =	vadd.s32 v19, v36;
	v56 =	vld.idx.msk [tilespmem:v23+s24+$0x0], $0xffff  }
0x137: {  	s16 =	simm.s32 $0x6;
	v42 =	vld.idx.msk [tilespmem:v53+s25+$0x0], $0xffff  }
0x138: {  	v58 =	vadd.s32 s16, v0;
	v27 =	vadd.s32 v19, v27;
	v35 =	vld.idx.msk [tilespmem:v54+s25+$0x0], $0xffff  }
0x139: {  	v39 =	vand.u32 $0x3F, v58;
	v46 =	vld.idx.msk [tilespmem:v32+s24+$0x0], $0xffff  }
0x13a: {  	v29 =	vadd.s32 v13, v29;
	v59 =	vor.u32 v18, v39;
	v30 =	vld.idx.msk [tilespmem:v30+s24+$0x0], $0xffff  }
0x13b: {  	v39 =	vadd.s32 v19, v39;
	v31 =	vand.u32 $0xFFFF0000, v33;
	v52 =	vand.u32 $0xFFFF0000, v57;
	v36 =	vld.idx.msk [tilespmem:v36+s25+$0x0], $0xffff  }
0x13c: {  	v40 =	vshll.u32 v33, $0x10;
	v38 =	vshll.u32 v57, $0x10;
	v23 =	vimm.f32 $0.0e+00;
	v20 =	vld.idx.msk [tilespmem:v20+s13+$0x0], $0xffff  }
0x13d: {  	v27 =	vld.idx.msk [tilespmem:v27+s25+$0x0], $0xffff;
	v33 =	vshll.u32 v47, $0x10;
	v32 =	vand.u32 $0xFFFF0000, v47;
	v60 =	vshll.u32 v21, $0x10  }
0x13e: {  	v61 =	vshll.u32 v28, $0x10;
	v43 =	vshll.u32 v22, $0x10;
	v62 =	vshll.u32 v56, $0x10  }
0x13f: {  	v50 =	vand.u32 $0xFFFF0000, v56;
	v22 =	vand.u32 $0xFFFF0000, v22;
	v21 =	vand.u32 $0xFFFF0000, v21  }
0x140: {  	v34 =	vand.u32 $0xFFFF0000, v42;
	v37 =	vand.u32 $0xFFFF0000, v35;
	v53 =	vshll.u32 v35, $0x10  }
0x141: {  	v44 =	vld.idx.msk [tilespmem:v29+s25+$0x0], $0xffff;
	v54 =	vshll.u32 v46, $0x10;
	v48 =	vshll.u32 v30, $0x10;
	v49 =	vand.u32 $0x3FFF, v20  }
0x142: {  	v41 =	vld.idx.msk [tilespmem:v59+s24+$0x0], $0xffff;
	v47 =	vand.u32 $0xFFFF0000, v46;
	v55 =	vand.u32 $0xFFFF0000, v27;
	v35 =	vand.u32 $0xFFFF0000, v36  }
0x143: {  	v45 =	vmul.f32 v60, v43;
	v21 =	vmul.f32 v21, v22;
	v43 =	vshll.u32 v42, $0x10;
	v42 =	vld.idx.msk [tilespmem:v39+s25+$0x0], $0xffff  }
0x144: {  	v27 =	vshll.u32 v27, $0x10;
	v51 =	vmul.f32 v61, v62;
	v22 =	vand.u32 $0xFFFF0000, v28  }
0x145: {  	v39 =	vshll.u32 v36, $0x10;
	v36 =	vmul.f32 v55, v52;
	v21 =	vadd.f32 v21, v45  }
0x146: {  	v46 =	vand.u32 $0xFFFF0000, v44;
	v38 =	vmul.f32 v27, v38;
	v28 =	vmul.f32 v22, v50;
	v22 =	vld.idx.msk [tilespmem:v49+s17+$0x0], $0xffff  }
0x147: {  	v50 =	vshll.u32 v41, $0x10;
	v45 =	vand.u32 $0xFFFF0000, v30;
	v29 =	vadd.f32 v21, v23;
	v21 =	vld.idx.msk [tilespmem:v49+s18+$0x0], $0xffff  }
0x148: {  	s12 =	simm.s32 $0x8;
	v30 =	vadd.f32 v28, v51;
	v51 =	vshll.u32 v42, $0x10;
	v28 =	vld.idx.msk [tilespmem:v49+s19+$0x0], $0xffff;
	v49 =	vmul.f32 v53, v54  }
.LBB2_7:
0x149: {  	s13 =	sadd.s32 $0x1, s12  }
0x14a: {  	s14 =	sadd.s32 $0x3, s12;
	s15 =	sadd.s32 $0x7, s12;
	v27 =	vshll.u32 v44, $0x10;
	v41 =	vand.u32 $0xFFFF0000, v41;
	s16 =	smov.u32 s12  }
0x14b: {  	p1 =	slt.u32 s12, $0x38;
	s12 =	sadd.s32 $0x8, s12;
	v43 =	vmul.f32 v43, v48;
	v44 =	vadd.s32 s13, v0;
	v52 =	vadd.s32 s14, v0;
	s13 =	sadd.s32 $0x4, s16  }
0x14c: {  	v48 =	vmul.f32 v51, v50;
	v44 =	vand.u32 $0x3F, v44  }
0x14d: {  	v42 =	vand.u32 $0xFFFF0000, v42;
	s14 =	sadd.s32 $0x2, s16;
	s3 =	sadd.s32 $0x5, s16;
	v50 =	vor.u32 v18, v44;
	v44 =	vadd.s32 v19, v44  }
0x14e: {  	v34 =	vmul.f32 v34, v45;
	v51 =	vadd.s32 s14, v0;
	v53 =	vadd.s32 s3, v0  }
0x14f: {  	v37 =	vmul.f32 v37, v47;
	v45 =	vand.u32 $0x3F, v51;
	v51 =	vand.u32 $0x3F, v53  }
0x150: {  	v27 =	vmul.f32 v27, v40;
	v47 =	vor.u32 v18, v51;
	v51 =	vadd.s32 v19, v51  }
0x151: {  	v41 =	vmul.f32 v42, v41;
	v53 =	vadd.s32 s15, v0;
	v40 =	vadd.s32 v19, v45  }
0x152: {  	v37 =	vadd.f32 v37, v49;
	v42 =	vor.u32 v18, v45;
	v45 =	vand.u32 $0x3F, v53  }
0x153: {  	v31 =	vmul.f32 v46, v31;
	v49 =	vadd.s32 s16, v0;
	v52 =	vand.u32 $0x3F, v52;
	v50 =	vld.idx.msk [tilespmem:v50+s24+$0x0], $0xffff  }
0x154: {  	v34 =	vadd.f32 v34, v43;
	v46 =	vand.u32 $0x38, v49;
	v49 =	vadd.s32 v19, v45;
	v44 =	vld.idx.msk [tilespmem:v44+s25+$0x0], $0xffff  }
0x155: {  	v33 =	vmul.f32 v39, v33;
	v43 =	vor.u32 v12, v46;
	v46 =	vadd.s32 v13, v46;
	v51 =	vld.idx.msk [tilespmem:v51+s25+$0x0], $0xffff  }
0x156: {  	v39 =	vadd.s32 v19, v52;
	v27 =	vadd.f32 v31, v27;
	v53 =	vadd.s32 s13, v0;
	v47 =	vld.idx.msk [tilespmem:v47+s24+$0x0], $0xffff  }
0x157: {  	s3 =	sadd.s32 $0x6, s16;
	v31 =	vor.u32 v18, v52;
	v45 =	vor.u32 v18, v45;
	v54 =	vld.idx.msk [tilespmem:v42+s24+$0x0], $0xffff;
	v42 =	vand.u32 $0x3F, v53  }
0x158: {  	v32 =	vmul.f32 v35, v32;
	v53 =	vadd.s32 s3, v0;
	v52 =	vor.u32 v18, v42  }
0x159: {  	v23 =	vadd.f32 v27, v23;
	v27 =	vadd.f32 v36, v38;
	v35 =	vand.u32 $0x3F, v53;
	v49 =	vld.idx.msk [tilespmem:v49+s25+$0x0], $0xffff  }
0x15a: {  	v42 =	vadd.s32 v19, v42;
	v38 =	vshll.u32 v44, $0x10;
	v36 =	vld.idx.msk [tilespmem:v43+s24+$0x0], $0xffff;
	v43 =	vor.u32 v18, v35  }
0x15b: {  	v29 =	vadd.f32 v34, v29;
	v34 =	vadd.f32 v41, v48;
	v35 =	vadd.s32 v19, v35;
	v39 =	vld.idx.msk [tilespmem:v39+s25+$0x0], $0xffff  }
0x15c: {  	v23 =	vadd.f32 v27, v23;
	v27 =	vadd.f32 v32, v33;
	v53 =	vld.idx.msk [tilespmem:v31+s24+$0x0], $0xffff;
	v31 =	vshll.u32 v51, $0x10  }
0x15d: {  	v29 =	vadd.f32 v30, v29;
	v32 =	vshll.u32 v50, $0x10;
	v33 =	vshll.u32 v47, $0x10;
	v55 =	vld.idx.msk [tilespmem:v45+s24+$0x0], $0xffff  }
0x15e: {  	v23 =	vadd.f32 v27, v23;
	v30 =	vmul.f32 v38, v32;
	v38 =	vand.u32 $0xFFFF0000, v47;
	v32 =	vld.idx.msk [tilespmem:v52+s24+$0x0], $0xffff  }
0x15f: {  	v27 =	vand.u32 $0xFFFF0000, v50;
	v45 =	vand.u32 $0xFFFF0000, v44;
	v56 =	vmul.f32 v31, v33;
	v52 =	vld.idx.msk [tilespmem:v42+s25+$0x0], $0xffff  }
0x160: {  	v29 =	vadd.f32 v37, v29;
	v23 =	vadd.f32 v34, v23;
	v31 =	vand.u32 $0xFFFF0000, v36;
	v41 =	vld.idx.msk [tilespmem:v43+s24+$0x0], $0xffff  }
0x161: {  	v27 =	vmul.f32 v45, v27;
	v37 =	vand.u32 $0xFFFF0000, v49;
	v34 =	vand.u32 $0xFFFF0000, v39;
	v44 =	vld.idx.msk [tilespmem:v46+s25+$0x0], $0xffff  }
0x162: {  	v58 =	vand.u32 $0xFFFF0000, v54;
	v49 =	vshll.u32 v49, $0x10;
	v57 =	vld.idx.msk [tilespmem:v40+s25+$0x0], $0xffff  }
0x163: {  	v43 =	vshll.u32 v39, $0x10;
	v39 =	vand.u32 $0xFFFF0000, v51;
	v59 =	vshll.u32 v55, $0x10  }
0x164: {  	v27 =	vadd.f32 v27, v30;
	v40 =	vshll.u32 v36, $0x10;
	v33 =	vshll.u32 v32, $0x10;
	v42 =	vld.idx.msk [tilespmem:v35+s25+$0x0], $0xffff  }
0x165: {  	v48 =	vshll.u32 v53, $0x10;
	v30 =	vmul.f32 v39, v38;
	v32 =	vand.u32 $0xFFFF0000, v32  }
.Ltmp2:
0x166: {  	v45 =	vand.u32 $0xFFFF0000, v53;
	v29 =	vadd.f32 v27, v29;
	v50 =	vshll.u32 v41, $0x10;
	(pc) =	sbr.rel @p1 .LBB2_7-.Ltmp2, $4  }
0x167: {  	v27 =	vshll.u32 v54, $0x10;
	v47 =	vand.u32 $0xFFFF0000, v55;
	v39 =	vshll.u32 v52, $0x10  }
0x168: {  	v30 =	vadd.f32 v30, v56;
	v35 =	vand.u32 $0xFFFF0000, v52;
	v36 =	vand.u32 $0xFFFF0000, v57  }
0x169: {  	v46 =	vand.u32 $0xFFFF0000, v44;
	v38 =	vshll.u32 v57, $0x10;
	v36 =	vmul.f32 v36, v58  }
0x16a: {  	v49 =	vmul.f32 v49, v59;
	v38 =	vmul.f32 v38, v27;
	v51 =	vshll.u32 v42, $0x10  }
0x16b: {  	v20 =	vshra.s32 v20, $0xE;
	v5 =	vadd.s32 $0xC50, v3  }
0x16c: {  	v52 =	vadd.s32 v5, v20;
	_ =	sdelay $0x4  }
0x16d: {  	v52 =	vld.idx.msk [tilespmem:v52+s25+$0x0], $0xffff;
	_ =	sdelay $0x4  }
0x16e: {  	v52 =	vadd.f32 v52, v28;
	_ =	sdelay $0x1  }
0x16f: {  	v28 =	vand.u32 $0x7FFFFFFF, v52  }
0x170: {  	v28 =	vsub.f32 $0.0e+00, v28;
	_ =	sdelay $0x1  }
0x171: {  	v28 =	vmul.f32 $1.442695020e+00, v28;
	_ =	sdelay $0x1  }
0x172: {  	(erf) = vpow2.f32 v28;
	_ =	sdelay $0x8  }
0x173: {  	v43 =	vmul.f32 v43, v48;
	v53 =	vpop (erf)  }
0x174: {  	v27 =	vmovc v63;
	v44 =	vshll.u32 v44, $0x10;
	v63 =	vmul.f32 v51, v50;
	v28 =	vmul.f32 $-2.368956990e-02, v53  }
0x175: {  	v31 =	vmul.f32 v46, v31;
	v40 =	vmul.f32 v44, v40  }
0x176: {  	v37 =	vmul.f32 v37, v47;
	v34 =	vmul.f32 v34, v45;
	v28 =	vadd.f32 $1.002884360e-01, v28  }
0x177: {  	v41 =	vand.u32 $0xFFFF0000, v41;
	v42 =	vand.u32 $0xFFFF0000, v42;
	v31 =	vadd.f32 v31, v40  }
0x178: {  	v33 =	vmul.f32 v39, v33;
	v34 =	vadd.f32 v34, v43;
	v28 =	vmul.f32 v28, v53  }
0x179: {  	v32 =	vmul.f32 v35, v32;
	v23 =	vadd.f32 v31, v23;
	v31 =	vadd.f32 v36, v38  }
0x17a: {  	v41 =	vmul.f32 v42, v41;
	v37 =	vadd.f32 v37, v49;
	v47 =	vadd.f32 $-2.086712570e-01, v28  }
0x17b: {  	v29 =	vadd.f32 v34, v29;
	v23 =	vadd.f32 v31, v23;
	v28 =	vadd.s32 $0xC40, v3  }
0x17c: {  	v31 =	vadd.f32 v32, v33;
	v50 =	vadd.s32 v28, v20;
	v49 =	vmul.f32 v47, v53  }
0x17d: {  	v51 =	vadd.f32 v41, v63;
	v30 =	vadd.f32 v30, v29  }
0x17e: {  	v23 =	vadd.f32 v31, v23;
	v34 =	vadd.f32 $3.244126740e-01, v49  }
0x17f: {  	v29 =	vadd.s32 $0xC48, v3;
	v30 =	vadd.f32 v37, v30  }
0x180: {  	v23 =	vadd.f32 v51, v23;
	v20 =	vadd.s32 v29, v20;
	v31 =	vmul.f32 v34, v53  }
0x181: {  	v32 =	vld.idx.msk [tilespmem:v50+s25+$0x0], $0xffff  }
0x182: {  	v23 =	vadd.f32 v30, v23;
	v31 =	vadd.f32 $-4.991880360e-01, v31;
	_ =	sdelay $0x1  }
0x183: {  	v22 =	vmul.f32 v23, v22;
	v30 =	vmul.f32 v31, v53  }
0x184: {  	v20 =	vld.idx.msk [tilespmem:v20+s25+$0x0], $0xffff  }
0x185: {  	s12 =	simm.s32 $0x0;
	s13 =	simm.s32 $0x3;
	v22 =	vmul.f32 v32, v22;
	v23 =	vadd.f32 $9.999818800e-01, v30  }
0x186: {  	v55 =	vadd.s32 s12, v0;
	v56 =	vadd.s32 s13, v0  }
0x187: {  	v34 =	vand.u32 $0x38, v55;
	v21 =	vadd.f32 v22, v21;
	v23 =	vmul.f32 v23, v53  }
0x188: {  	s15 =	simm.s32 $0x5;
	v35 =	vand.u32 $0x3F, v56;
	v59 =	vor.u32 v14, v34;
	v22 =	vmax.f32 v52, $0.0e+00  }
0x189: {  	s16 =	simm.s32 $0x2;
	v31 =	vadd.s32 s15, v0;
	s15 =	simm.s32 $0x4;
	v20 =	vadd.f32 v20, v21;
	v22 =	vadd.f32 v23, v22  }
0x18a: {  	v34 =	vadd.s32 v15, v34;
	v62 =	vadd.s32 s15, v0;
	v53 =	vadd.s32 s16, v0  }
0x18b: {  	s16 =	simm.s32 $0x6;
	v32 =	vand.u32 $0x3F, v53;
	[tilespmem:$0x14E80] =	vst v20;
	v20 =	vor.u32 $0xC00, v4;
	v21 =	vadd.f32 $9.999999740e-05, v22  }
0x18c: {  	s3 =	simm.s32 $0x1;
	v41 =	vand.u32 $0x3F, v62;
	v56 =	vadd.s32 s16, v0;
	v57 =	vor.u32 v20, v32  }
0x18d: {  	v44 =	vand.u32 $0x3F, v56;
	v63 =	vor.u32 v20, v41;
	[tilespmem:$0x14F20] =	vst v21;
	v21 =	vadd.s32 s3, v0  }
0x18e: {  	[tilespmem:$0x1FFA0] =	vst v5;
	v45 =	vor.u32 v20, v44;
	v22 =	vld [tilespmem:s9+$0x9C70];
	v23 =	vand.u32 $0x3F, v21  }
0x18f: {  	v21 =	vadd.s32 $0x1200, v3;
	v38 =	vld.idx.msk [tilespmem:v59+s24+$0x0], $0xffff;
	v30 =	vor.u32 v20, v23  }
0x190: {  	v31 =	vand.u32 $0x3F, v31;
	v49 =	vld.idx.msk [tilespmem:v34+s25+$0x0], $0xffff;
	v23 =	vadd.s32 v21, v23  }
0x191: {  	s14 =	simm.s32 $0x7;
	v54 =	vadd.s32 v21, v31;
	v43 =	vld.idx.msk [tilespmem:v57+s24+$0x0], $0xffff  }
0x192: {  	v58 =	vadd.s32 s14, v0;
	v31 =	vor.u32 v20, v31;
	v63 =	vld.idx.msk [tilespmem:v63+s24+$0x0], $0xffff  }
0x193: {  	v37 =	vand.u32 $0x3F, v58;
	v60 =	vadd.s32 v21, v35;
	v46 =	vld.idx.msk [tilespmem:v45+s24+$0x0], $0xffff  }
0x194: {  	v61 =	vadd.s32 v21, v37;
	v30 =	vld.idx.msk [tilespmem:v30+s24+$0x0], $0xffff  }
0x195: {  	v35 =	vor.u32 v20, v35;
	v23 =	vld.idx.msk [tilespmem:v23+s25+$0x0], $0xffff  }
0x196: {  	v33 =	vld.idx.msk [tilespmem:v54+s25+$0x0], $0xffff  }
0x197: {  	v37 =	vor.u32 v20, v37;
	v42 =	vld.idx.msk [tilespmem:v31+s24+$0x0], $0xffff  }
0x198: {  	v47 =	vld.idx.msk [tilespmem:v60+s25+$0x0], $0xffff  }
0x199: {  	v32 =	vadd.s32 v21, v32;
	v41 =	vadd.s32 v21, v41;
	v40 =	vld.idx.msk [tilespmem:v61+s25+$0x0], $0xffff  }
0x19a: {  	v44 =	vadd.s32 v21, v44;
	v36 =	vand.u32 $0xFFFF0000, v38;
	v45 =	vshll.u32 v38, $0x10;
	v35 =	vld.idx.msk [tilespmem:v35+s24+$0x0], $0xffff  }
0x19b: {  	v51 =	vand.u32 $0xFFFF0000, v49;
	v31 =	vimm.f32 $0.0e+00;
	v38 =	vshll.u32 v63, $0x10;
	v22 =	vld.idx.msk [tilespmem:v22+s12+$0x0], $0xffff  }
0x19c: {  	v60 =	vld.idx.msk [tilespmem:v37+s24+$0x0], $0xffff;
	v37 =	vand.u32 $0xFFFF0000, v63;
	v57 =	vshll.u32 v23, $0x10;
	v58 =	vshll.u32 v33, $0x10  }
0x19d: {  	v59 =	vshll.u32 v30, $0x10;
	v61 =	vshll.u32 v42, $0x10;
	v55 =	vand.u32 $0xFFFF0000, v42  }
0x19e: {  	v30 =	vand.u32 $0xFFFF0000, v30;
	v23 =	vand.u32 $0xFFFF0000, v23;
	v39 =	vand.u32 $0xFFFF0000, v47  }
0x19f: {  	v32 =	vld.idx.msk [tilespmem:v32+s25+$0x0], $0xffff;
	v42 =	vand.u32 $0xFFFF0000, v40;
	v48 =	vshll.u32 v47, $0x10;
	v33 =	vand.u32 $0xFFFF0000, v33  }
0x1a0: {  	v53 =	vshll.u32 v35, $0x10;
	v50 =	vand.u32 $0xFFFF0000, v35;
	v54 =	vand.u32 $0x3FFF, v22  }
0x1a1: {  	v52 =	vand.u32 $0xFFFF0000, v60;
	v62 =	vmul.f32 v57, v59;
	v23 =	vmul.f32 v23, v30;
	v30 =	vld.idx.msk [tilespmem:v41+s25+$0x0], $0xffff  }
0x1a2: {  	v47 =	vld.idx.msk [tilespmem:v44+s25+$0x0], $0xffff;
	v56 =	vmul.f32 v58, v61;
	v41 =	vand.u32 $0xFFFF0000, v43;
	v57 =	vshll.u32 v40, $0x10  }
0x1a3: {  	v58 =	vshll.u32 v60, $0x10;
	v59 =	vmul.f32 v33, v55;
	v23 =	vadd.f32 v23, v62  }
0x1a4: {  	v55 =	vshll.u32 v46, $0x10;
	v43 =	vshll.u32 v43, $0x10;
	v60 =	vand.u32 $0xFFFF0000, v32  }
0x1a5: {  	v41 =	vmul.f32 v60, v41;
	v35 =	vadd.f32 v59, v56;
	v34 =	vadd.f32 v23, v31;
	v33 =	vld.idx.msk [tilespmem:v54+s17+$0x0], $0xffff  }
0x1a6: {  	v44 =	vshll.u32 v30, $0x10;
	v40 =	vand.u32 $0xFFFF0000, v30;
	v30 =	vshll.u32 v32, $0x10;
	v23 =	vld.idx.msk [tilespmem:v54+s18+$0x0], $0xffff  }
0x1a7: {  	s12 =	simm.s32 $0x8;
	v56 =	vshll.u32 v47, $0x10;
	v32 =	vld.idx.msk [tilespmem:v54+s19+$0x0], $0xffff;
	v43 =	vmul.f32 v30, v43;
	v54 =	vmul.f32 v57, v58  }
.LBB2_9:
0x1a8: {  	s3 =	sadd.s32 $0x1, s12  }
0x1a9: {  	s13 =	sadd.s32 $0x3, s12;
	s14 =	sadd.s32 $0x7, s12;
	v30 =	vshll.u32 v49, $0x10;
	v46 =	vand.u32 $0xFFFF0000, v46;
	s15 =	smov.u32 s12  }
0x1aa: {  	p1 =	slt.u32 s12, $0x38;
	s12 =	sadd.s32 $0x8, s12;
	v48 =	vmul.f32 v48, v53;
	v49 =	vadd.s32 s3, v0;
	v57 =	vadd.s32 s13, v0;
	s3 =	sadd.s32 $0x4, s15  }
0x1ab: {  	v53 =	vmul.f32 v56, v55;
	v49 =	vand.u32 $0x3F, v49  }
0x1ac: {  	v47 =	vand.u32 $0xFFFF0000, v47;
	s13 =	sadd.s32 $0x2, s15;
	s16 =	sadd.s32 $0x5, s15;
	v55 =	vor.u32 v20, v49;
	v49 =	vadd.s32 v21, v49  }
0x1ad: {  	v39 =	vmul.f32 v39, v50;
	v56 =	vadd.s32 s13, v0;
	v58 =	vadd.s32 s16, v0  }
0x1ae: {  	v42 =	vmul.f32 v42, v52;
	v50 =	vand.u32 $0x3F, v56;
	v56 =	vand.u32 $0x3F, v58  }
0x1af: {  	v30 =	vmul.f32 v30, v45;
	v52 =	vor.u32 v20, v56;
	v56 =	vadd.s32 v21, v56  }
0x1b0: {  	v46 =	vmul.f32 v47, v46;
	v58 =	vadd.s32 s14, v0;
	v45 =	vadd.s32 v21, v50  }
0x1b1: {  	v42 =	vadd.f32 v42, v54;
	v47 =	vor.u32 v20, v50;
	v50 =	vand.u32 $0x3F, v58  }
0x1b2: {  	v36 =	vmul.f32 v51, v36;
	v54 =	vadd.s32 s15, v0;
	v57 =	vand.u32 $0x3F, v57;
	v55 =	vld.idx.msk [tilespmem:v55+s24+$0x0], $0xffff  }
0x1b3: {  	v39 =	vadd.f32 v39, v48;
	v51 =	vand.u32 $0x38, v54;
	v54 =	vadd.s32 v21, v50;
	v49 =	vld.idx.msk [tilespmem:v49+s25+$0x0], $0xffff  }
0x1b4: {  	v38 =	vmul.f32 v44, v38;
	v48 =	vor.u32 v14, v51;
	v51 =	vadd.s32 v15, v51;
	v56 =	vld.idx.msk [tilespmem:v56+s25+$0x0], $0xffff  }
0x1b5: {  	v44 =	vadd.s32 v21, v57;
	v30 =	vadd.f32 v36, v30;
	v58 =	vadd.s32 s3, v0;
	v52 =	vld.idx.msk [tilespmem:v52+s24+$0x0], $0xffff  }
0x1b6: {  	v36 =	vor.u32 v20, v57;
	s3 =	sadd.s32 $0x6, s15;
	v50 =	vor.u32 v20, v50;
	v59 =	vld.idx.msk [tilespmem:v47+s24+$0x0], $0xffff;
	v47 =	vand.u32 $0x3F, v58  }
0x1b7: {  	v37 =	vmul.f32 v40, v37;
	v58 =	vadd.s32 s3, v0;
	v57 =	vor.u32 v20, v47  }
0x1b8: {  	v30 =	vadd.f32 v30, v31;
	v31 =	vadd.f32 v41, v43;
	v40 =	vand.u32 $0x3F, v58;
	v54 =	vld.idx.msk [tilespmem:v54+s25+$0x0], $0xffff  }
0x1b9: {  	v47 =	vadd.s32 v21, v47;
	v43 =	vshll.u32 v49, $0x10;
	v41 =	vld.idx.msk [tilespmem:v48+s24+$0x0], $0xffff;
	v48 =	vor.u32 v20, v40  }
0x1ba: {  	v34 =	vadd.f32 v39, v34;
	v39 =	vadd.f32 v46, v53;
	v40 =	vadd.s32 v21, v40;
	v44 =	vld.idx.msk [tilespmem:v44+s25+$0x0], $0xffff  }
0x1bb: {  	v30 =	vadd.f32 v31, v30;
	v31 =	vadd.f32 v37, v38;
	v58 =	vld.idx.msk [tilespmem:v36+s24+$0x0], $0xffff;
	v36 =	vshll.u32 v56, $0x10  }
0x1bc: {  	v34 =	vadd.f32 v35, v34;
	v37 =	vshll.u32 v55, $0x10;
	v38 =	vshll.u32 v52, $0x10;
	v60 =	vld.idx.msk [tilespmem:v50+s24+$0x0], $0xffff  }
0x1bd: {  	v30 =	vadd.f32 v31, v30;
	v35 =	vmul.f32 v43, v37;
	v43 =	vand.u32 $0xFFFF0000, v52;
	v37 =	vld.idx.msk [tilespmem:v57+s24+$0x0], $0xffff  }
0x1be: {  	v52 =	vand.u32 $0xFFFF0000, v49;
	v50 =	vand.u32 $0xFFFF0000, v55;
	v61 =	vmul.f32 v36, v38;
	v57 =	vld.idx.msk [tilespmem:v47+s25+$0x0], $0xffff  }
0x1bf: {  	v31 =	vadd.f32 v39, v30;
	v30 =	vadd.f32 v42, v34;
	v36 =	vand.u32 $0xFFFF0000, v41;
	v46 =	vld.idx.msk [tilespmem:v48+s24+$0x0], $0xffff  }
0x1c0: {  	v34 =	vmul.f32 v52, v50;
	v42 =	vand.u32 $0xFFFF0000, v54;
	v39 =	vand.u32 $0xFFFF0000, v44;
	v49 =	vld.idx.msk [tilespmem:v51+s25+$0x0], $0xffff  }
0x1c1: {  	v63 =	vand.u32 $0xFFFF0000, v59;
	v54 =	vshll.u32 v54, $0x10;
	v62 =	vld.idx.msk [tilespmem:v45+s25+$0x0], $0xffff  }
0x1c2: {  	v48 =	vshll.u32 v44, $0x10;
	v44 =	vand.u32 $0xFFFF0000, v56;
	v5 =	vshll.u32 v60, $0x10  }
0x1c3: {  	v34 =	vadd.f32 v34, v35;
	v45 =	vshll.u32 v41, $0x10;
	v38 =	vshll.u32 v37, $0x10;
	v47 =	vld.idx.msk [tilespmem:v40+s25+$0x0], $0xffff  }
0x1c4: {  	v53 =	vshll.u32 v58, $0x10;
	v35 =	vmul.f32 v44, v43;
	v37 =	vand.u32 $0xFFFF0000, v37  }
.Ltmp3:
0x1c5: {  	v50 =	vand.u32 $0xFFFF0000, v58;
	v34 =	vadd.f32 v34, v30;
	v55 =	vshll.u32 v46, $0x10;
	(pc) =	sbr.rel @p1 .LBB2_9-.Ltmp3, $4  }
0x1c6: {  	v30 =	vshll.u32 v59, $0x10;
	v52 =	vand.u32 $0xFFFF0000, v60;
	v44 =	vshll.u32 v57, $0x10  }
0x1c7: {  	v35 =	vadd.f32 v35, v61;
	v40 =	vand.u32 $0xFFFF0000, v57;
	v41 =	vand.u32 $0xFFFF0000, v62  }
0x1c8: {  	v51 =	vand.u32 $0xFFFF0000, v49;
	v43 =	vshll.u32 v62, $0x10;
	v41 =	vmul.f32 v41, v63  }
0x1c9: {  	v54 =	vmul.f32 v54, v5;
	v43 =	vmul.f32 v43, v30;
	v56 =	vshll.u32 v47, $0x10  }
0x1ca: {  	v5 =	vshra.s32 v22, $0xE;
	v30 =	vadd.s32 $0x1250, v3  }
0x1cb: {  	v22 =	vadd.s32 v30, v5;
	_ =	sdelay $0x4  }
0x1cc: {  	v22 =	vld.idx.msk [tilespmem:v22+s25+$0x0], $0xffff;
	_ =	sdelay $0x4  }
0x1cd: {  	v22 =	vadd.f32 v22, v32;
	_ =	sdelay $0x1  }
0x1ce: {  	v32 =	vand.u32 $0x7FFFFFFF, v22  }
0x1cf: {  	v32 =	vsub.f32 $0.0e+00, v32;
	_ =	sdelay $0x1  }
0x1d0: {  	v32 =	vmul.f32 $1.442695020e+00, v32;
	_ =	sdelay $0x1  }
0x1d1: {  	(erf) = vpow2.f32 v32;
	_ =	sdelay $0x8  }
0x1d2: {  	v57 =	vpop (erf)  }
0x1d3: {  	v49 =	vshll.u32 v49, $0x10;
	v48 =	vmul.f32 v48, v53;
	v58 =	vmul.f32 $-2.368956990e-02, v57  }
0x1d4: {  	v59 =	vmul.f32 v56, v55;
	v42 =	vmul.f32 v42, v52;
	v46 =	vand.u32 $0xFFFF0000, v46  }
0x1d5: {  	v36 =	vmul.f32 v51, v36;
	v45 =	vmul.f32 v49, v45;
	v32 =	vadd.f32 $1.002884360e-01, v58  }
0x1d6: {  	v47 =	vand.u32 $0xFFFF0000, v47;
	v39 =	vmul.f32 v39, v50;
	v38 =	vmul.f32 v44, v38  }
0x1d7: {  	v60 =	vadd.f32 v41, v43;
	v36 =	vadd.f32 v36, v45;
	v32 =	vmul.f32 v32, v57  }
0x1d8: {  	v37 =	vmul.f32 v40, v37;
	v42 =	vadd.f32 v42, v54;
	v39 =	vadd.f32 v39, v48  }
0x1d9: {  	v46 =	vmul.f32 v47, v46;
	v36 =	vadd.f32 v36, v31;
	v32 =	vadd.f32 $-2.086712570e-01, v32  }
0x1da: {  	v37 =	vadd.f32 v37, v38;
	v34 =	vadd.f32 v39, v34;
	v31 =	vadd.s32 $0x1240, v3  }
0x1db: {  	v61 =	vadd.s32 v31, v5;
	v36 =	vadd.f32 v60, v36;
	v32 =	vmul.f32 v32, v57  }
0x1dc: {  	v62 =	vadd.f32 v46, v59;
	v34 =	vadd.f32 v35, v34  }
0x1dd: {  	v41 =	vadd.f32 v37, v36;
	v63 =	vadd.f32 $3.244126740e-01, v32  }
0x1de: {  	v34 =	vadd.f32 v42, v34;
	v32 =	vadd.s32 $0x1248, v3  }
0x1df: {  	v35 =	vadd.f32 v62, v41;
	v5 =	vadd.s32 v32, v5;
	v43 =	vmul.f32 v63, v57  }
0x1e0: {  	v44 =	vld.idx.msk [tilespmem:v61+s25+$0x0], $0xffff  }
0x1e1: {  	v34 =	vadd.f32 v34, v35;
	v36 =	vadd.f32 $-4.991880360e-01, v43;
	_ =	sdelay $0x1  }
0x1e2: {  	v33 =	vmul.f32 v34, v33;
	v45 =	vmul.f32 v36, v57  }
0x1e3: {  	v5 =	vld.idx.msk [tilespmem:v5+s25+$0x0], $0xffff  }
0x1e4: {  	s15 =	simm.s32 $0x5;
	v33 =	vmul.f32 v44, v33;
	v46 =	vadd.f32 $9.999818800e-01, v45  }
0x1e5: {  	s12 =	simm.s32 $0x0;
	v49 =	vadd.s32 s15, v0  }
0x1e6: {  	v55 =	vadd.s32 s12, v0;
	v23 =	vadd.f32 v33, v23;
	v34 =	vmul.f32 v46, v57  }
0x1e7: {  	s3 =	simm.s32 $0x1;
	v51 =	vand.u32 $0x3F, v49;
	v39 =	vand.u32 $0x38, v55;
	v22 =	vmax.f32 v22, $0.0e+00  }
0x1e8: {  	v5 =	vadd.f32 v5, v23;
	v23 =	vadd.s32 s3, v0;
	v22 =	vadd.f32 v34, v22  }
0x1e9: {  	s14 =	simm.s32 $0x7;
	v58 =	vor.u32 v16, v39;
	v47 =	vand.u32 $0x3F, v23;
	v23 =	vor.u32 $0x1800, v3  }
0x1ea: {  	v57 =	vadd.s32 s14, v0;
	v50 =	vadd.s32 v23, v47;
	v22 =	vadd.f32 $9.999999740e-05, v22  }
0x1eb: {  	v59 =	vand.u32 $0x3F, v57;
	[tilespmem:$0x14E90] =	vst v5;
	v53 =	vadd.s32 v23, v51  }
0x1ec: {  	v61 =	vadd.s32 v23, v59;
	[tilespmem:$0x14F30] =	vst v22  }
0x1ed: {  	s16 =	simm.s32 $0x2;
	v39 =	vadd.s32 v17, v39;
	v22 =	vor.u32 $0x1000, v4;
	v5 =	vld [tilespmem:s9+$0x9C80]  }
0x1ee: {  	v52 =	vadd.s32 s16, v0;
	v48 =	vor.u32 v22, v47;
	v49 =	vld.idx.msk [tilespmem:v58+s24+$0x0], $0xffff  }
0x1ef: {  	v35 =	vand.u32 $0x3F, v52;
	v54 =	vor.u32 v22, v51;
	v36 =	vld.idx.msk [tilespmem:v50+s25+$0x0], $0xffff  }
0x1f0: {  	s15 =	simm.s32 $0x4;
	v56 =	vor.u32 v22, v35;
	v37 =	vld.idx.msk [tilespmem:v53+s25+$0x0], $0xffff  }
0x1f1: {  	v62 =	vadd.s32 s15, v0;
	v44 =	vld.idx.msk [tilespmem:v61+s25+$0x0], $0xffff  }
0x1f2: {  	v45 =	vand.u32 $0x3F, v62;
	v63 =	vor.u32 v22, v59;
	v53 =	vld.idx.msk [tilespmem:v39+s25+$0x0], $0xffff  }
0x1f3: {  	s16 =	simm.s32 $0x6;
	v40 =	vor.u32 v22, v45;
	v45 =	vadd.s32 v23, v45;
	v42 =	vld.idx.msk [tilespmem:v48+s24+$0x0], $0xffff  }
0x1f4: {  	v59 =	vadd.s32 s16, v0;
	v38 =	vld.idx.msk [tilespmem:v54+s24+$0x0], $0xffff  }
0x1f5: {  	s13 =	simm.s32 $0x3;
	v35 =	vadd.s32 v23, v35;
	v47 =	vld.idx.msk [tilespmem:v56+s24+$0x0], $0xffff;
	v48 =	vand.u32 $0x3F, v59  }
0x1f6: {  	v43 =	vor.u32 v22, v48;
	v33 =	vld.idx.msk [tilespmem:v5+s12+$0x0], $0xffff;
	v5 =	vadd.s32 s13, v0  }
0x1f7: {  	v55 =	vld.idx.msk [tilespmem:v63+s24+$0x0], $0xffff;
	v48 =	vadd.s32 v23, v48;
	v5 =	vand.u32 $0x3F, v5  }
0x1f8: {  	v45 =	vld.idx.msk [tilespmem:v45+s25+$0x0], $0xffff;
	v60 =	vadd.s32 v23, v5  }
0x1f9: {  	v34 =	vimm.f32 $0.0e+00;
	v56 =	vld.idx.msk [tilespmem:v40+s24+$0x0], $0xffff;
	v40 =	vand.u32 $0xFFFF0000, v49;
	v5 =	vor.u32 v22, v5  }
0x1fa: {  	v35 =	vld.idx.msk [tilespmem:v35+s25+$0x0], $0xffff;
	v49 =	vshll.u32 v49, $0x10;
	v61 =	vshll.u32 v37, $0x10;
	v46 =	vand.u32 $0xFFFF0000, v44  }
0x1fb: {  	v37 =	vand.u32 $0xFFFF0000, v37;
	v63 =	vshll.u32 v38, $0x10;
	v38 =	vand.u32 $0xFFFF0000, v38;
	v50 =	vld.idx.msk [tilespmem:v43+s24+$0x0], $0xffff  }
0x1fc: {  	v62 =	vshll.u32 v42, $0x10;
	v42 =	vand.u32 $0xFFFF0000, v42;
	v51 =	vld.idx.msk [tilespmem:v48+s25+$0x0], $0xffff;
	v39 =	vmul.f32 v37, v38  }
0x1fd: {  	v48 =	vshll.u32 v45, $0x10;
	v58 =	vand.u32 $0x3FFF, v33;
	v41 =	vld.idx.msk [tilespmem:v60+s25+$0x0], $0xffff;
	v60 =	vshll.u32 v36, $0x10  }
0x1fe: {  	v5 =	vld.idx.msk [tilespmem:v5+s24+$0x0], $0xffff;
	v36 =	vand.u32 $0xFFFF0000, v36;
	v54 =	vmul.f32 v60, v62;
	v60 =	vmul.f32 v61, v63  }
0x1ff: {  	v36 =	vmul.f32 v36, v42;
	v61 =	vand.u32 $0xFFFF0000, v47;
	v62 =	vshll.u32 v44, $0x10  }
0x200: {  	v63 =	vshll.u32 v55, $0x10;
	v42 =	vshll.u32 v56, $0x10;
	v59 =	vshll.u32 v50, $0x10  }
0x201: {  	v44 =	vand.u32 $0xFFFF0000, v45;
	v36 =	vadd.f32 v36, v54;
	v39 =	vadd.f32 v39, v60  }
0x202: {  	v60 =	vshll.u32 v35, $0x10;
	v43 =	vand.u32 $0xFFFF0000, v41;
	v52 =	vshll.u32 v41, $0x10  }
0x203: {  	v37 =	vld.idx.msk [tilespmem:v58+s17+$0x0], $0xffff;
	v57 =	vshll.u32 v5, $0x10;
	v41 =	vand.u32 $0xFFFF0000, v56;
	v38 =	vadd.f32 v36, v34  }
0x204: {  	v54 =	vand.u32 $0xFFFF0000, v5;
	v5 =	vshll.u32 v47, $0x10;
	v56 =	vand.u32 $0xFFFF0000, v55;
	v36 =	vld.idx.msk [tilespmem:v58+s18+$0x0], $0xffff  }
0x205: {  	v47 =	vand.u32 $0xFFFF0000, v35;
	v55 =	vand.u32 $0xFFFF0000, v53;
	v35 =	vld.idx.msk [tilespmem:v58+s19+$0x0], $0xffff;
	v58 =	vmul.f32 v62, v63  }
0x206: {  	s12 =	simm.s32 $0x8;
	v45 =	vmul.f32 v47, v61;
	v47 =	vmul.f32 v60, v5;
	v60 =	vshll.u32 v51, $0x10  }
.LBB2_11:
0x207: {  	s3 =	sadd.s32 $0x1, s12  }
0x208: {  	s13 =	sadd.s32 $0x3, s12;
	s14 =	sadd.s32 $0x7, s12;
	v5 =	vshll.u32 v53, $0x10;
	v50 =	vand.u32 $0xFFFF0000, v50;
	s15 =	smov.u32 s12  }
0x209: {  	p1 =	slt.u32 s12, $0x38;
	s12 =	sadd.s32 $0x8, s12;
	v52 =	vmul.f32 v52, v57;
	v53 =	vadd.s32 s3, v0;
	v61 =	vadd.s32 s13, v0;
	s3 =	sadd.s32 $0x4, s15  }
0x20a: {  	v57 =	vmul.f32 v60, v59;
	v53 =	vand.u32 $0x3F, v53  }
0x20b: {  	v51 =	vand.u32 $0xFFFF0000, v51;
	s13 =	sadd.s32 $0x2, s15;
	s16 =	sadd.s32 $0x5, s15;
	v59 =	vor.u32 v22, v53;
	v53 =	vadd.s32 v23, v53  }
0x20c: {  	v43 =	vmul.f32 v43, v54;
	v60 =	vadd.s32 s13, v0;
	v62 =	vadd.s32 s16, v0  }
0x20d: {  	v46 =	vmul.f32 v46, v56;
	v54 =	vand.u32 $0x3F, v60;
	v60 =	vand.u32 $0x3F, v62  }
0x20e: {  	v5 =	vmul.f32 v5, v49;
	v56 =	vor.u32 v22, v60;
	v60 =	vadd.s32 v23, v60  }
0x20f: {  	v50 =	vmul.f32 v51, v50;
	v62 =	vadd.s32 s14, v0;
	v49 =	vadd.s32 v23, v54  }
0x210: {  	v46 =	vadd.f32 v46, v58;
	v51 =	vor.u32 v22, v54;
	v54 =	vand.u32 $0x3F, v62  }
0x211: {  	v40 =	vmul.f32 v55, v40;
	v58 =	vadd.s32 s15, v0;
	v61 =	vand.u32 $0x3F, v61;
	v59 =	vld.idx.msk [tilespmem:v59+s24+$0x0], $0xffff  }
0x212: {  	v43 =	vadd.f32 v43, v52;
	v55 =	vand.u32 $0x38, v58;
	v58 =	vadd.s32 v23, v54;
	v53 =	vld.idx.msk [tilespmem:v53+s25+$0x0], $0xffff  }
0x213: {  	v42 =	vmul.f32 v48, v42;
	v52 =	vor.u32 v16, v55;
	v55 =	vadd.s32 v17, v55;
	v60 =	vld.idx.msk [tilespmem:v60+s25+$0x0], $0xffff  }
0x214: {  	v48 =	vadd.s32 v23, v61;
	v5 =	vadd.f32 v40, v5;
	v62 =	vadd.s32 s3, v0;
	v56 =	vld.idx.msk [tilespmem:v56+s24+$0x0], $0xffff  }
0x215: {  	v40 =	vor.u32 v22, v61;
	s3 =	sadd.s32 $0x6, s15;
	v54 =	vor.u32 v22, v54;
	v63 =	vld.idx.msk [tilespmem:v51+s24+$0x0], $0xffff;
	v51 =	vand.u32 $0x3F, v62  }
0x216: {  	v41 =	vmul.f32 v44, v41;
	v62 =	vadd.s32 s3, v0;
	v61 =	vor.u32 v22, v51  }
0x217: {  	v5 =	vadd.f32 v5, v34;
	v34 =	vadd.f32 v45, v47;
	v44 =	vand.u32 $0x3F, v62;
	v58 =	vld.idx.msk [tilespmem:v58+s25+$0x0], $0xffff  }
0x218: {  	v51 =	vadd.s32 v23, v51;
	v47 =	vshll.u32 v53, $0x10;
	v45 =	vld.idx.msk [tilespmem:v52+s24+$0x0], $0xffff;
	v52 =	vor.u32 v22, v44  }
0x219: {  	v38 =	vadd.f32 v43, v38;
	v43 =	vadd.f32 v50, v57;
	v44 =	vadd.s32 v23, v44;
	v48 =	vld.idx.msk [tilespmem:v48+s25+$0x0], $0xffff  }
0x21a: {  	v5 =	vadd.f32 v34, v5;
	v34 =	vadd.f32 v41, v42;
	v62 =	vld.idx.msk [tilespmem:v40+s24+$0x0], $0xffff;
	v40 =	vshll.u32 v60, $0x10  }
0x21b: {  	v38 =	vadd.f32 v39, v38;
	v41 =	vshll.u32 v59, $0x10;
	v42 =	vshll.u32 v56, $0x10;
	v6 =	vld.idx.msk [tilespmem:v54+s24+$0x0], $0xffff  }
0x21c: {  	v5 =	vadd.f32 v34, v5;
	v39 =	vmul.f32 v47, v41;
	v47 =	vand.u32 $0xFFFF0000, v56;
	v41 =	vld.idx.msk [tilespmem:v61+s24+$0x0], $0xffff  }
0x21d: {  	v56 =	vand.u32 $0xFFFF0000, v53;
	v54 =	vand.u32 $0xFFFF0000, v59;
	v7 =	vmul.f32 v40, v42;
	v61 =	vld.idx.msk [tilespmem:v51+s25+$0x0], $0xffff  }
0x21e: {  	v34 =	vadd.f32 v43, v5;
	v5 =	vadd.f32 v46, v38;
	v40 =	vand.u32 $0xFFFF0000, v45;
	v50 =	vld.idx.msk [tilespmem:v52+s24+$0x0], $0xffff  }
0x21f: {  	v38 =	vmul.f32 v56, v54;
	v46 =	vand.u32 $0xFFFF0000, v58;
	v43 =	vand.u32 $0xFFFF0000, v48;
	v53 =	vld.idx.msk [tilespmem:v55+s25+$0x0], $0xffff  }
0x220: {  	v25 =	vand.u32 $0xFFFF0000, v63;
	v58 =	vshll.u32 v58, $0x10;
	v24 =	vld.idx.msk [tilespmem:v49+s25+$0x0], $0xffff  }
0x221: {  	v52 =	vshll.u32 v48, $0x10;
	v48 =	vand.u32 $0xFFFF0000, v60;
	v26 =	vshll.u32 v6, $0x10  }
0x222: {  	v38 =	vadd.f32 v38, v39;
	v49 =	vshll.u32 v45, $0x10;
	v42 =	vshll.u32 v41, $0x10;
	v51 =	vld.idx.msk [tilespmem:v44+s25+$0x0], $0xffff  }
0x223: {  	v57 =	vshll.u32 v62, $0x10;
	v39 =	vmul.f32 v48, v47;
	v41 =	vand.u32 $0xFFFF0000, v41  }
.Ltmp4:
0x224: {  	v54 =	vand.u32 $0xFFFF0000, v62;
	v38 =	vadd.f32 v38, v5;
	v59 =	vshll.u32 v50, $0x10;
	(pc) =	sbr.rel @p1 .LBB2_11-.Ltmp4, $4  }
0x225: {  	v5 =	vshll.u32 v63, $0x10;
	v56 =	vand.u32 $0xFFFF0000, v6;
	v48 =	vshll.u32 v61, $0x10  }
0x226: {  	v39 =	vadd.f32 v39, v7;
	v44 =	vand.u32 $0xFFFF0000, v61;
	v6 =	vand.u32 $0xFFFF0000, v24  }
0x227: {  	v55 =	vand.u32 $0xFFFF0000, v53;
	v7 =	vshll.u32 v24, $0x10;
	v45 =	vmul.f32 v6, v25  }
0x228: {  	v58 =	vmul.f32 v58, v26;
	v47 =	vmul.f32 v7, v5;
	v60 =	vshll.u32 v51, $0x10  }
0x229: {  	v5 =	vshra.s32 v33, $0xE;
	v33 =	vadd.s32 $0x1850, v3  }
0x22a: {  	v6 =	vadd.s32 v33, v5;
	_ =	sdelay $0x4  }
0x22b: {  	v6 =	vld.idx.msk [tilespmem:v6+s25+$0x0], $0xffff;
	_ =	sdelay $0x4  }
0x22c: {  	v6 =	vadd.f32 v6, v35;
	_ =	sdelay $0x1  }
0x22d: {  	v7 =	vand.u32 $0x7FFFFFFF, v6  }
0x22e: {  	v7 =	vsub.f32 $0.0e+00, v7;
	_ =	sdelay $0x1  }
0x22f: {  	v7 =	vmul.f32 $1.442695020e+00, v7;
	_ =	sdelay $0x1  }
0x230: {  	(erf) = vpow2.f32 v7;
	_ =	sdelay $0x8  }
0x231: {  	v7 =	vpop (erf)  }
0x232: {  	v24 =	vmul.f32 $-2.368956990e-02, v7  }
0x233: {  	v25 =	vmul.f32 v52, v57;
	v26 =	vmul.f32 v60, v59  }
0x234: {  	v62 =	vshll.u32 v53, $0x10;
	v46 =	vmul.f32 v46, v56;
	v24 =	vadd.f32 $1.002884360e-01, v24  }
0x235: {  	v50 =	vand.u32 $0xFFFF0000, v50;
	v40 =	vmul.f32 v55, v40;
	v35 =	vmul.f32 v62, v49  }
0x236: {  	v63 =	vand.u32 $0xFFFF0000, v51;
	v43 =	vmul.f32 v43, v54;
	v24 =	vmul.f32 v24, v7  }
0x237: {  	v48 =	vmul.f32 v48, v42;
	v46 =	vadd.f32 v46, v58;
	v35 =	vadd.f32 v40, v35  }
0x238: {  	v41 =	vmul.f32 v44, v41;
	v25 =	vadd.f32 v43, v25;
	v24 =	vadd.f32 $-2.086712570e-01, v24  }
0x239: {  	v49 =	vmul.f32 v63, v50;
	v50 =	vadd.f32 v45, v47;
	v35 =	vadd.f32 v35, v34  }
0x23a: {  	v25 =	vadd.f32 v25, v38;
	v34 =	vadd.s32 $0x1840, v3;
	v24 =	vmul.f32 v24, v7  }
0x23b: {  	v51 =	vadd.f32 v41, v48;
	v52 =	vadd.s32 v34, v5;
	v35 =	vadd.f32 v50, v35  }
0x23c: {  	v25 =	vadd.f32 v39, v25;
	v24 =	vadd.f32 $3.244126740e-01, v24  }
0x23d: {  	v26 =	vadd.f32 v49, v26;
	v38 =	vadd.f32 v51, v35  }
0x23e: {  	v35 =	vadd.s32 $0x1848, v3;
	v24 =	vmul.f32 v24, v7  }
0x23f: {  	v25 =	vadd.f32 v46, v25;
	v5 =	vadd.s32 v35, v5;
	v26 =	vadd.f32 v26, v38  }
0x240: {  	v53 =	vld.idx.msk [tilespmem:v52+s25+$0x0], $0xffff;
	v24 =	vadd.f32 $-4.991880360e-01, v24  }
0x241: {  	v25 =	vadd.f32 v25, v26  }
0x242: {  	v24 =	vmul.f32 v24, v7  }
0x243: {  	v25 =	vmul.f32 v25, v37  }
0x244: {  	v5 =	vld.idx.msk [tilespmem:v5+s25+$0x0], $0xffff;
	v24 =	vadd.f32 $9.999818800e-01, v24  }
0x245: {  	v25 =	vmul.f32 v53, v25  }
0x246: {  	v7 =	vmul.f32 v24, v7  }
0x247: {  	v6 =	vmax.f32 v6, $0.0e+00;
	v24 =	vadd.f32 v25, v36  }
0x248: {  	v6 =	vadd.f32 v7, v6  }
0x249: {  	v5 =	vadd.f32 v5, v24  }
0x24a: {  	s3 =	sadd.s32 s7, s9;
	v6 =	vadd.f32 $9.999999740e-05, v6  }
0x24b: {  	s3 =	sshrl.u32 s3, $0x3;
	[tilespmem:$0x14EA0] =	vst v5  }
0x24c: {  	s12 =	sadd.s32 s10, s3;
	[tilespmem:$0x14F40] =	vst v6  }
0x24d: {  	[hbm4b:s12+s6] =	stream.linear.scatter [tilespmem:s29], [sflag:$0x3], $0x50, $0x38;
	[tilespmem:$0x14FA0] =	vst v63  }
0x24e: {  	s3 =	sadd.s32 s11, s3  }
0x24f: {  	[hbm4b:s3+s6] =	stream.linear.scatter [tilespmem:s30], [sflag:$0x3], $0x50, $0x38;
	[tilespmem:$0x14FA0] =	vst v63  }
0x250: {  	s12 =	sadd.s32 $0x9CE0, s9  }
0x251: {  	[tilespmem:s24], [sflag:$0x1] =	stream.indirect.gather [hbm4b:s0+s23], $0x40, s12, s23, $0xb8;
	[tilespmem:$0x14FA0] =	vst v63  }
0x252: {  	s13 =	sadd.s32 $0xC3F0, s9  }
0x253: {  	[tilespmem:s25], [sflag:$0x1] =	stream.indirect.gather [hbm4b:s8+s23], $0x60, s13, s23, $0xb8;
	[tilespmem:$0x14FA0] =	vst v63  }
0x254: {  	_ =	swait.ge [sflag:s31], $0x1400  }
0x255: {  	[sflag:s31] =	ssyncset.done $0x0  }
0x256: {  	[sflag:s31] =	ssyncadd.s32 $0xFFFFEC00  }
0x257: {  	_ =	swait.ge [sflag:s31], $0x1E00  }
0x258: {  	[sflag:s31] =	ssyncset.done $0x0  }
0x259: {  	s3 =	simm.s32 @!p0 $0x4;
	[sflag:s31] =	ssyncadd.s32 $0xFFFFE200  }
0x25a: {  	_ =	swait.ge @!p0 [sflag:s3], $0x50  }
0x25b: {  	[sflag:s3] =	ssyncset.done @!p0 $0x0  }
0x25c: {  	[sflag:s3] =	ssyncadd.s32 @!p0 $0xFFFFFFB0  }
0x25d: {  	s16 =	simm.s32 $0x5;
	_ =	swait.ge @!p0 [sflag:s3], $0x50  }
0x25e: {  	v7 =	vadd.s32 s16, v0;
	s13 =	simm.s32 $0x3;
	[sflag:s3] =	ssyncset.done @!p0 $0x0  }
0x25f: {  	v7 =	vand.u32 $0x3F, v7;
	v24 =	vadd.s32 s13, v0;
	[sflag:s3] =	ssyncadd.s32 @!p0 $0xFFFFFFB0  }
0x260: {  	v25 =	vadd.s32 v3, v7;
	v24 =	vand.u32 $0x3F, v24;
	v5 =	vld [tilespmem:s21+$0x9C40]  }
0x261: {  	s14 =	simm.s32 $0x1;
	s13 =	simm.s32 $0x4;
	v26 =	vadd.s32 v3, v24  }
0x262: {  	v6 =	vadd.s32 s14, v0;
	s14 =	simm.s32 $0x7;
	v55 =	vadd.s32 s13, v0;
	v24 =	vor.u32 v4, v24  }
0x263: {  	v56 =	vadd.s32 s14, v0;
	v38 =	vand.u32 $0x3F, v55  }
0x264: {  	s15 =	simm.s32 $0x0;
	v41 =	vand.u32 $0x3F, v56;
	v58 =	vadd.s32 v3, v38  }
0x265: {  	v54 =	vadd.s32 s15, v0;
	s16 =	simm.s32 $0x6;
	v61 =	vor.u32 v4, v41;
	v25 =	vld.idx.msk [tilespmem:v25+s28+$0x0], $0xffff  }
0x266: {  	v37 =	vand.u32 $0x38, v54;
	v60 =	vadd.s32 s16, v0;
	v41 =	vadd.s32 v3, v41;
	v26 =	vld.idx.msk [tilespmem:v26+s28+$0x0], $0xffff  }
0x267: {  	v57 =	vor.u32 v1, v37;
	v37 =	vadd.s32 v2, v37;
	v45 =	vand.u32 $0x3F, v60;
	v24 =	vld.idx.msk [tilespmem:v24+s26+$0x0], $0xffff  }
0x268: {  	v63 =	vor.u32 v4, v45;
	v36 =	vld.idx.msk [tilespmem:v5+s15+$0x0], $0xffff;
	v5 =	vand.u32 $0x3F, v6  }
0x269: {  	v50 =	vld.idx.msk [tilespmem:v58+s28+$0x0], $0xffff;
	v6 =	vadd.s32 v3, v5  }
0x26a: {  	v46 =	vld.idx.msk [tilespmem:v61+s26+$0x0], $0xffff;
	v5 =	vor.u32 v4, v5  }
0x26b: {  	v41 =	vld.idx.msk [tilespmem:v41+s28+$0x0], $0xffff  }
0x26c: {  	v37 =	vld.idx.msk [tilespmem:v37+s28+$0x0], $0xffff  }
0x26d: {  	v7 =	vor.u32 v4, v7;
	v49 =	vld.idx.msk [tilespmem:v63+s26+$0x0], $0xffff  }
0x26e: {  	v39 =	vimm.f32 $0.0e+00;
	v38 =	vor.u32 v4, v38;
	v6 =	vld.idx.msk [tilespmem:v6+s28+$0x0], $0xffff  }
0x26f: {  	v58 =	vadd.s32 v3, v45;
	v60 =	vand.u32 $0xFFFF0000, v25;
	v25 =	vshll.u32 v25, $0x10;
	v5 =	vld.idx.msk [tilespmem:v5+s26+$0x0], $0xffff  }
0x270: {  	v61 =	vand.u32 $0xFFFF0000, v24;
	v24 =	vshll.u32 v24, $0x10;
	v53 =	vshll.u32 v50, $0x10;
	s15 =	simm.s32 $0x2  }
0x271: {  	v43 =	vand.u32 $0xFFFF0000, v46;
	v63 =	vshll.u32 v37, $0x10;
	v59 =	vadd.s32 s15, v0  }
0x272: {  	v7 =	vld.idx.msk [tilespmem:v7+s26+$0x0], $0xffff;
	v51 =	vshll.u32 v41, $0x10;
	v55 =	vand.u32 $0xFFFF0000, v49;
	v44 =	vand.u32 $0x3F, v59  }
0x273: {  	v52 =	vld.idx.msk [tilespmem:v38+s26+$0x0], $0xffff;
	v59 =	vand.u32 $0xFFFF0000, v26;
	v26 =	vshll.u32 v26, $0x10;
	v62 =	vshll.u32 v6, $0x10  }
0x274: {  	v42 =	vld.idx.msk [tilespmem:v57+s26+$0x0], $0xffff;
	v6 =	vand.u32 $0xFFFF0000, v6;
	v57 =	vshll.u32 v5, $0x10;
	v5 =	vand.u32 $0xFFFF0000, v5  }
0x275: {  	v40 =	vand.u32 $0x3FFF, v36;
	v47 =	vmul.f32 v62, v57;
	v5 =	vmul.f32 v6, v5  }
0x276: {  	v45 =	vmul.f32 v59, v61;
	v24 =	vmul.f32 v26, v24;
	v6 =	vor.u32 v4, v44  }
0x277: {  	v26 =	vshll.u32 v46, $0x10;
	v5 =	vadd.f32 v5, v47;
	v47 =	vadd.s32 v3, v44  }
0x278: {  	v54 =	vld.idx.msk [tilespmem:v58+s28+$0x0], $0xffff;
	v61 =	vshll.u32 v52, $0x10;
	v62 =	vshll.u32 v7, $0x10;
	v7 =	vand.u32 $0xFFFF0000, v7  }
0x279: {  	v7 =	vmul.f32 v60, v7;
	v44 =	vand.u32 $0xFFFF0000, v42;
	v42 =	vshll.u32 v42, $0x10  }
0x27a: {  	v38 =	vld.idx.msk [tilespmem:v40+s17+$0x0], $0xffff;
	v25 =	vmul.f32 v25, v62;
	v60 =	vand.u32 $0xFFFF0000, v37;
	v62 =	vmul.f32 v63, v42  }
0x27b: {  	v46 =	vand.u32 $0xFFFF0000, v50;
	v63 =	vmul.f32 v60, v44;
	v44 =	vmul.f32 v51, v26;
	v51 =	vld.idx.msk [tilespmem:v6+s26+$0x0], $0xffff  }
0x27c: {  	v48 =	vmul.f32 v53, v61;
	v24 =	vadd.f32 v45, v24;
	v5 =	vadd.f32 v5, v39;
	v53 =	vld.idx.msk [tilespmem:v47+s28+$0x0], $0xffff  }
0x27d: {  	v50 =	vshll.u32 v54, $0x10;
	v54 =	vand.u32 $0xFFFF0000, v54;
	v37 =	vld.idx.msk [tilespmem:v40+s18+$0x0], $0xffff;
	v45 =	vadd.f32 v7, v25  }
0x27e: {  	s12 =	simm.s32 $0x8;
	v52 =	vand.u32 $0xFFFF0000, v52;
	v40 =	vld.idx.msk [tilespmem:v40+s19+$0x0], $0xffff;
	v42 =	vadd.f32 v24, v5;
	v47 =	vadd.f32 v63, v62  }
.LBB2_13:
0x27f: {  	s3 =	sadd.s32 $0x1, s12  }
0x280: {  	s13 =	sadd.s32 $0x3, s12;
	s14 =	sadd.s32 $0x7, s12;
	v5 =	vshll.u32 v51, $0x10;
	v6 =	vshll.u32 v49, $0x10;
	v7 =	vmul.f32 v54, v55;
	s15 =	smov.u32 s12  }
0x281: {  	p0 =	slt.u32 s12, $0x38;
	s12 =	sadd.s32 $0x8, s12;
	v26 =	vshll.u32 v53, $0x10;
	v24 =	vadd.s32 s3, v0;
	v25 =	vadd.s32 s13, v0;
	s3 =	sadd.s32 $0x4, s15  }
0x282: {  	v53 =	vand.u32 $0xFFFF0000, v53;
	v49 =	vadd.s32 s14, v0;
	v24 =	vand.u32 $0x3F, v24  }
0x283: {  	s13 =	sadd.s32 $0x5, s15;
	v5 =	vmul.f32 v26, v5;
	v54 =	vor.u32 v4, v24;
	v24 =	vadd.s32 v3, v24  }
0x284: {  	v51 =	vand.u32 $0xFFFF0000, v51;
	s14 =	sadd.s32 $0x2, s15;
	v25 =	vand.u32 $0x3F, v25;
	v26 =	vadd.s32 s13, v0  }
0x285: {  	v6 =	vmul.f32 v50, v6;
	v55 =	vor.u32 v4, v25;
	v26 =	vand.u32 $0x3F, v26  }
0x286: {  	v51 =	vmul.f32 v53, v51;
	v50 =	vor.u32 v4, v26;
	v26 =	vadd.s32 v3, v26  }
0x287: {  	v41 =	vand.u32 $0xFFFF0000, v41;
	v53 =	vadd.s32 s14, v0;
	v25 =	vadd.s32 v3, v25  }
0x288: {  	v46 =	vmul.f32 v46, v52;
	v56 =	vadd.s32 s15, v0;
	v57 =	vadd.s32 s3, v0;
	v24 =	vld.idx.msk [tilespmem:v24+s28+$0x0], $0xffff  }
0x289: {  	v41 =	vmul.f32 v41, v43;
	v52 =	vand.u32 $0x38, v56;
	v56 =	vand.u32 $0x3F, v57  }
0x28a: {  	v43 =	vor.u32 v1, v52;
	v52 =	vadd.s32 v2, v52;
	v5 =	vadd.f32 v51, v5;
	v54 =	vld.idx.msk [tilespmem:v54+s26+$0x0], $0xffff  }
0x28b: {  	s3 =	sadd.s32 $0x6, s15;
	v49 =	vand.u32 $0x3F, v49;
	v46 =	vadd.f32 v46, v48;
	v51 =	vadd.s32 v3, v56;
	v26 =	vld.idx.msk [tilespmem:v26+s28+$0x0], $0xffff  }
0x28c: {  	v48 =	vadd.s32 s3, v0;
	v57 =	vor.u32 v4, v49;
	v49 =	vadd.s32 v3, v49;
	v25 =	vld.idx.msk [tilespmem:v25+s28+$0x0], $0xffff  }
0x28d: {  	v39 =	vadd.f32 v47, v39;
	v53 =	vand.u32 $0x3F, v53;
	v48 =	vand.u32 $0x3F, v48;
	v55 =	vld.idx.msk [tilespmem:v55+s26+$0x0], $0xffff  }
0x28e: {  	v41 =	vadd.f32 v41, v44;
	v58 =	vor.u32 v4, v48;
	v47 =	vshll.u32 v24, $0x10;
	v50 =	vld.idx.msk [tilespmem:v50+s26+$0x0], $0xffff  }
0x28f: {  	v42 =	vadd.f32 v45, v42;
	v24 =	vand.u32 $0xFFFF0000, v24;
	v44 =	vld.idx.msk [tilespmem:v43+s26+$0x0], $0xffff;
	v43 =	vor.u32 v4, v56  }
0x290: {  	v6 =	vadd.f32 v7, v6;
	v45 =	vshll.u32 v54, $0x10;
	v54 =	vand.u32 $0xFFFF0000, v54  }
0x291: {  	v42 =	vadd.f32 v41, v42;
	v7 =	vmul.f32 v47, v45;
	v47 =	vadd.s32 v3, v48;
	v45 =	vld.idx.msk [tilespmem:v51+s28+$0x0], $0xffff  }
0x292: {  	v5 =	vadd.f32 v5, v39;
	v48 =	vand.u32 $0xFFFF0000, v25;
	v51 =	vand.u32 $0xFFFF0000, v26;
	v56 =	vld.idx.msk [tilespmem:v57+s26+$0x0], $0xffff  }
0x293: {  	v24 =	vmul.f32 v24, v54;
	v54 =	vor.u32 v4, v53;
	v26 =	vshll.u32 v26, $0x10;
	v41 =	vld.idx.msk [tilespmem:v49+s28+$0x0], $0xffff  }
0x294: {  	v5 =	vadd.f32 v46, v5;
	v57 =	vshll.u32 v55, $0x10;
	v39 =	vand.u32 $0xFFFF0000, v55;
	v52 =	vld.idx.msk [tilespmem:v52+s28+$0x0], $0xffff  }
0x295: {  	v48 =	vmul.f32 v48, v39;
	v39 =	vand.u32 $0xFFFF0000, v50;
	v59 =	vld.idx.msk [tilespmem:v43+s26+$0x0], $0xffff;
	v43 =	vshll.u32 v50, $0x10  }
0x296: {  	v7 =	vadd.f32 v24, v7;
	v24 =	vadd.s32 v3, v53;
	v60 =	vmul.f32 v51, v39;
	v47 =	vld.idx.msk [tilespmem:v47+s28+$0x0], $0xffff  }
0x297: {  	v39 =	vadd.f32 v6, v5;
	v50 =	vand.u32 $0xFFFF0000, v44;
	v55 =	vshll.u32 v45, $0x10  }
0x298: {  	v5 =	vadd.f32 v7, v42;
	v6 =	vshll.u32 v25, $0x10;
	v7 =	vmul.f32 v26, v43;
	v49 =	vld.idx.msk [tilespmem:v58+s26+$0x0], $0xffff  }
0x299: {  	v6 =	vmul.f32 v6, v57;
	v25 =	vshll.u32 v56, $0x10;
	v43 =	vand.u32 $0xFFFF0000, v56  }
0x29a: {  	v26 =	vshll.u32 v44, $0x10;
	v44 =	vshll.u32 v41, $0x10;
	v42 =	vshll.u32 v52, $0x10;
	v51 =	vld.idx.msk [tilespmem:v54+s26+$0x0], $0xffff  }
.Ltmp5:
0x29b: {  	v46 =	vand.u32 $0xFFFF0000, v45;
	v52 =	vand.u32 $0xFFFF0000, v52;
	v53 =	vld.idx.msk [tilespmem:v24+s28+$0x0], $0xffff;
	v24 =	vshll.u32 v59, $0x10;
	(pc) =	sbr.rel @p0 .LBB2_13-.Ltmp5, $4  }
0x29c: {  	v6 =	vadd.f32 v48, v6;
	v26 =	vmul.f32 v42, v26;
	v45 =	vmul.f32 v52, v50  }
0x29d: {  	v44 =	vmul.f32 v44, v25;
	v50 =	vshll.u32 v47, $0x10;
	v54 =	vand.u32 $0xFFFF0000, v47  }
0x29e: {  	v42 =	vadd.f32 v6, v5;
	v48 =	vmul.f32 v55, v24;
	v55 =	vand.u32 $0xFFFF0000, v49  }
0x29f: {  	v52 =	vand.u32 $0xFFFF0000, v59;
	v47 =	vadd.f32 v45, v26;
	v45 =	vadd.f32 v60, v7  }
0x2a0: {  	v5 =	vshra.s32 v36, $0xE  }
0x2a1: {  	v6 =	vadd.s32 v27, v5;
	_ =	sdelay $0x4  }
0x2a2: {  	v6 =	vld.idx.msk [tilespmem:v6+s28+$0x0], $0xffff;
	_ =	sdelay $0x4  }
0x2a3: {  	v6 =	vadd.f32 v6, v40;
	_ =	sdelay $0x1  }
0x2a4: {  	v7 =	vand.u32 $0x7FFFFFFF, v6  }
0x2a5: {  	v7 =	vsub.f32 $0.0e+00, v7;
	_ =	sdelay $0x1  }
0x2a6: {  	v7 =	vmul.f32 $1.442695020e+00, v7;
	_ =	sdelay $0x1  }
0x2a7: {  	(erf) = vpow2.f32 v7;
	_ =	sdelay $0x8  }
0x2a8: {  	v7 =	vpop (erf)  }
0x2a9: {  	v24 =	vmul.f32 $-2.368956990e-02, v7;
	_ =	sdelay $0x1  }
0x2aa: {  	v25 =	vshll.u32 v51, $0x10;
	v24 =	vadd.f32 $1.002884360e-01, v24  }
0x2ab: {  	v57 =	vshll.u32 v53, $0x10;
	v58 =	vand.u32 $0xFFFF0000, v53;
	v61 =	vand.u32 $0xFFFF0000, v41  }
0x2ac: {  	v59 =	vand.u32 $0xFFFF0000, v51;
	v40 =	vmul.f32 v61, v43;
	v61 =	vld [tilespmem:$0x1FFF0];
	v24 =	vmul.f32 v24, v7  }
0x2ad: {  	v25 =	vmul.f32 v57, v25;
	v60 =	vmul.f32 v58, v59  }
0x2ae: {  	v26 =	vmul.f32 v54, v55;
	v62 =	vmul.f32 v46, v52;
	v24 =	vadd.f32 $-2.086712570e-01, v24  }
0x2af: {  	v49 =	vshll.u32 v49, $0x10;
	v46 =	vadd.f32 v47, v39;
	v25 =	vadd.f32 v60, v25  }
0x2b0: {  	v47 =	vmul.f32 v50, v49;
	v41 =	vadd.f32 v62, v48;
	v62 =	vld [tilespmem:$0x1FFE0];
	v24 =	vmul.f32 v24, v7  }
0x2b1: {  	v42 =	vadd.f32 v45, v42;
	v25 =	vadd.f32 v25, v46;
	v49 =	vadd.s32 v61, v5  }
0x2b2: {  	v26 =	vadd.f32 v26, v47;
	v24 =	vadd.f32 $3.244126740e-01, v24  }
0x2b3: {  	v25 =	vadd.f32 v41, v25;
	v40 =	vadd.f32 v40, v44  }
0x2b4: {  	v24 =	vmul.f32 v24, v7  }
0x2b5: {  	v25 =	vadd.f32 v26, v25;
	v50 =	vadd.f32 v40, v42;
	v5 =	vadd.s32 v62, v5  }
0x2b6: {  	v51 =	vld.idx.msk [tilespmem:v49+s28+$0x0], $0xffff;
	v24 =	vadd.f32 $-4.991880360e-01, v24  }
0x2b7: {  	v25 =	vadd.f32 v50, v25  }
0x2b8: {  	v24 =	vmul.f32 v24, v7  }
0x2b9: {  	v25 =	vmul.f32 v25, v38  }
0x2ba: {  	v5 =	vld.idx.msk [tilespmem:v5+s28+$0x0], $0xffff;
	v24 =	vadd.f32 $9.999818800e-01, v24  }
0x2bb: {  	s15 =	simm.s32 $0x5;
	v25 =	vmul.f32 v51, v25  }
0x2bc: {  	v53 =	vadd.s32 s15, v0;
	v7 =	vmul.f32 v24, v7  }
0x2bd: {  	v6 =	vmax.f32 v6, $0.0e+00;
	v52 =	vadd.f32 v25, v37;
	v24 =	vand.u32 $0x3F, v53  }
0x2be: {  	v55 =	vadd.s32 v11, v24;
	v6 =	vadd.f32 v7, v6  }
0x2bf: {  	s13 =	simm.s32 $0x4;
	v5 =	vadd.f32 v5, v52  }
0x2c0: {  	s14 =	simm.s32 $0x7;
	v58 =	vadd.s32 s13, v0;
	v6 =	vadd.f32 $9.999999740e-05, v6  }
0x2c1: {  	v59 =	vadd.s32 s14, v0;
	v39 =	vand.u32 $0x3F, v58;
	[tilespmem:$0x14EB0] =	vst v5  }
0x2c2: {  	s3 =	simm.s32 $0x1;
	v40 =	vand.u32 $0x3F, v59;
	v52 =	vadd.s32 v11, v39;
	[tilespmem:$0x14F50] =	vst v6  }
0x2c3: {  	v6 =	vadd.s32 s3, v0;
	v25 =	vld.idx.msk [tilespmem:v55+s28+$0x0], $0xffff;
	v55 =	vor.u32 v10, v40  }
0x2c4: {  	v5 =	vld [tilespmem:s9+$0x9CA0];
	v6 =	vand.u32 $0x3F, v6;
	v40 =	vadd.s32 v11, v40  }
0x2c5: {  	s16 =	simm.s32 $0x0;
	v7 =	vadd.s32 v11, v6  }
0x2c6: {  	v57 =	vadd.s32 s16, v0;
	v6 =	vor.u32 v10, v6  }
0x2c7: {  	v38 =	vand.u32 $0x38, v57;
	v51 =	vld.idx.msk [tilespmem:v52+s28+$0x0], $0xffff  }
0x2c8: {  	v60 =	vor.u32 v8, v38;
	v46 =	vld.idx.msk [tilespmem:v55+s26+$0x0], $0xffff  }
0x2c9: {  	s12 =	simm.s32 $0x3;
	v24 =	vor.u32 v10, v24;
	v41 =	vld.idx.msk [tilespmem:v40+s28+$0x0], $0xffff  }
0x2ca: {  	v54 =	vadd.s32 s12, v0;
	s15 =	simm.s32 $0x2;
	v7 =	vld.idx.msk [tilespmem:v7+s28+$0x0], $0xffff  }
0x2cb: {  	v38 =	vadd.s32 v9, v38;
	v37 =	vimm.f32 $0.0e+00;
	v53 =	vadd.s32 s15, v0;
	v6 =	vld.idx.msk [tilespmem:v6+s26+$0x0], $0xffff  }
0x2cc: {  	v39 =	vor.u32 v10, v39;
	v44 =	vand.u32 $0x3F, v53;
	v36 =	vld.idx.msk [tilespmem:v5+s16+$0x0], $0xffff;
	v5 =	vand.u32 $0x3F, v54  }
0x2cd: {  	v50 =	vld.idx.msk [tilespmem:v60+s26+$0x0], $0xffff;
	v57 =	vand.u32 $0xFFFF0000, v25;
	v25 =	vshll.u32 v25, $0x10;
	s16 =	simm.s32 $0x6;
	v56 =	vadd.s32 v11, v5  }
0x2ce: {  	v24 =	vld.idx.msk [tilespmem:v24+s26+$0x0], $0xffff;
	v53 =	vshll.u32 v51, $0x10;
	v5 =	vor.u32 v10, v5;
	v54 =	vadd.s32 s16, v0  }
0x2cf: {  	v45 =	vand.u32 $0x3F, v54;
	v43 =	vand.u32 $0xFFFF0000, v46;
	v55 =	vshll.u32 v41, $0x10  }
0x2d0: {  	v58 =	vshll.u32 v7, $0x10;
	v48 =	vor.u32 v10, v45;
	v60 =	vadd.s32 v11, v45  }
0x2d1: {  	v38 =	vld.idx.msk [tilespmem:v38+s28+$0x0], $0xffff;
	v7 =	vand.u32 $0xFFFF0000, v7;
	v59 =	vshll.u32 v6, $0x10;
	v6 =	vand.u32 $0xFFFF0000, v6  }
0x2d2: {  	v45 =	vshll.u32 v50, $0x10;
	v47 =	vmul.f32 v58, v59;
	v6 =	vmul.f32 v7, v6;
	v26 =	vld.idx.msk [tilespmem:v56+s28+$0x0], $0xffff  }
0x2d3: {  	v7 =	vor.u32 v10, v44;
	v59 =	vshll.u32 v24, $0x10;
	v24 =	vand.u32 $0xFFFF0000, v24;
	v5 =	vld.idx.msk [tilespmem:v5+s26+$0x0], $0xffff  }
0x2d4: {  	v52 =	vld.idx.msk [tilespmem:v39+s26+$0x0], $0xffff;
	v42 =	vand.u32 $0x3FFF, v36;
	v24 =	vmul.f32 v57, v24;
	v6 =	vadd.f32 v6, v47  }
0x2d5: {  	v25 =	vmul.f32 v25, v59;
	v47 =	vadd.s32 v11, v44;
	v44 =	vand.u32 $0xFFFF0000, v50;
	v54 =	vld.idx.msk [tilespmem:v60+s28+$0x0], $0xffff  }
0x2d6: {  	v6 =	vadd.f32 v6, v37;
	v49 =	vld.idx.msk [tilespmem:v48+s26+$0x0], $0xffff;
	v48 =	vshll.u32 v38, $0x10;
	v60 =	vand.u32 $0xFFFF0000, v38  }
0x2d7: {  	v45 =	vmul.f32 v48, v45;
	v57 =	vmul.f32 v60, v44;
	v56 =	vand.u32 $0xFFFF0000, v26  }
0x2d8: {  	v58 =	vand.u32 $0xFFFF0000, v5;
	v5 =	vshll.u32 v5, $0x10;
	v26 =	vshll.u32 v26, $0x10  }
0x2d9: {  	v39 =	vld.idx.msk [tilespmem:v42+s17+$0x0], $0xffff;
	v40 =	vmul.f32 v56, v58;
	v5 =	vmul.f32 v26, v5;
	v26 =	vshll.u32 v46, $0x10  }
0x2da: {  	v56 =	vshll.u32 v52, $0x10;
	v46 =	vand.u32 $0xFFFF0000, v51;
	v51 =	vld.idx.msk [tilespmem:v7+s26+$0x0], $0xffff;
	v52 =	vand.u32 $0xFFFF0000, v52  }
0x2db: {  	v50 =	vshll.u32 v54, $0x10;
	v48 =	vmul.f32 v53, v56;
	v53 =	vld.idx.msk [tilespmem:v47+s28+$0x0], $0xffff;
	v5 =	vadd.f32 v40, v5  }
0x2dc: {  	v38 =	vld.idx.msk [tilespmem:v42+s18+$0x0], $0xffff;
	v54 =	vand.u32 $0xFFFF0000, v54;
	v44 =	vmul.f32 v55, v26;
	v47 =	vadd.f32 v57, v45  }
0x2dd: {  	v63 =	vmovc v27;
	s12 =	simm.s32 $0x8;
	v55 =	vand.u32 $0xFFFF0000, v49;
	v45 =	vadd.f32 v24, v25;
	v40 =	vld.idx.msk [tilespmem:v42+s19+$0x0], $0xffff;
	v42 =	vadd.f32 v5, v6  }
.LBB2_15:
0x2de: {  	s3 =	sadd.s32 $0x1, s12  }
0x2df: {  	s13 =	sadd.s32 $0x3, s12;
	s14 =	sadd.s32 $0x7, s12;
	v5 =	vshll.u32 v51, $0x10;
	v6 =	vshll.u32 v49, $0x10;
	v7 =	vmul.f32 v54, v55;
	s15 =	smov.u32 s12  }
0x2e0: {  	p0 =	slt.u32 s12, $0x38;
	s12 =	sadd.s32 $0x8, s12;
	v26 =	vshll.u32 v53, $0x10;
	v24 =	vadd.s32 s3, v0;
	v25 =	vadd.s32 s13, v0;
	s3 =	sadd.s32 $0x4, s15  }
0x2e1: {  	v53 =	vand.u32 $0xFFFF0000, v53;
	v49 =	vadd.s32 s14, v0;
	v24 =	vand.u32 $0x3F, v24  }
0x2e2: {  	s13 =	sadd.s32 $0x5, s15;
	v5 =	vmul.f32 v26, v5;
	v54 =	vor.u32 v10, v24;
	v24 =	vadd.s32 v11, v24  }
0x2e3: {  	v51 =	vand.u32 $0xFFFF0000, v51;
	s14 =	sadd.s32 $0x2, s15;
	v25 =	vand.u32 $0x3F, v25;
	v26 =	vadd.s32 s13, v0  }
0x2e4: {  	v6 =	vmul.f32 v50, v6;
	v55 =	vor.u32 v10, v25;
	v26 =	vand.u32 $0x3F, v26  }
0x2e5: {  	v51 =	vmul.f32 v53, v51;
	v50 =	vor.u32 v10, v26;
	v26 =	vadd.s32 v11, v26  }
0x2e6: {  	v41 =	vand.u32 $0xFFFF0000, v41;
	v53 =	vadd.s32 s14, v0;
	v25 =	vadd.s32 v11, v25  }
0x2e7: {  	v46 =	vmul.f32 v46, v52;
	v56 =	vadd.s32 s15, v0;
	v57 =	vadd.s32 s3, v0;
	v24 =	vld.idx.msk [tilespmem:v24+s28+$0x0], $0xffff  }
0x2e8: {  	v41 =	vmul.f32 v41, v43;
	v52 =	vand.u32 $0x38, v56;
	v56 =	vand.u32 $0x3F, v57  }
0x2e9: {  	v43 =	vor.u32 v8, v52;
	v52 =	vadd.s32 v9, v52;
	v5 =	vadd.f32 v51, v5;
	v54 =	vld.idx.msk [tilespmem:v54+s26+$0x0], $0xffff  }
0x2ea: {  	s3 =	sadd.s32 $0x6, s15;
	v49 =	vand.u32 $0x3F, v49;
	v46 =	vadd.f32 v46, v48;
	v51 =	vadd.s32 v11, v56;
	v26 =	vld.idx.msk [tilespmem:v26+s28+$0x0], $0xffff  }
0x2eb: {  	v48 =	vadd.s32 s3, v0;
	v57 =	vor.u32 v10, v49;
	v49 =	vadd.s32 v11, v49;
	v25 =	vld.idx.msk [tilespmem:v25+s28+$0x0], $0xffff  }
0x2ec: {  	v37 =	vadd.f32 v47, v37;
	v53 =	vand.u32 $0x3F, v53;
	v48 =	vand.u32 $0x3F, v48;
	v55 =	vld.idx.msk [tilespmem:v55+s26+$0x0], $0xffff  }
0x2ed: {  	v41 =	vadd.f32 v41, v44;
	v58 =	vor.u32 v10, v48;
	v47 =	vshll.u32 v24, $0x10;
	v50 =	vld.idx.msk [tilespmem:v50+s26+$0x0], $0xffff  }
0x2ee: {  	v42 =	vadd.f32 v45, v42;
	v24 =	vand.u32 $0xFFFF0000, v24;
	v44 =	vld.idx.msk [tilespmem:v43+s26+$0x0], $0xffff;
	v43 =	vor.u32 v10, v56  }
0x2ef: {  	v6 =	vadd.f32 v7, v6;
	v45 =	vshll.u32 v54, $0x10;
	v54 =	vand.u32 $0xFFFF0000, v54  }
0x2f0: {  	v42 =	vadd.f32 v41, v42;
	v7 =	vmul.f32 v47, v45;
	v47 =	vadd.s32 v11, v48;
	v45 =	vld.idx.msk [tilespmem:v51+s28+$0x0], $0xffff  }
0x2f1: {  	v5 =	vadd.f32 v5, v37;
	v48 =	vand.u32 $0xFFFF0000, v25;
	v51 =	vand.u32 $0xFFFF0000, v26;
	v56 =	vld.idx.msk [tilespmem:v57+s26+$0x0], $0xffff  }
0x2f2: {  	v24 =	vmul.f32 v24, v54;
	v54 =	vor.u32 v10, v53;
	v26 =	vshll.u32 v26, $0x10;
	v41 =	vld.idx.msk [tilespmem:v49+s28+$0x0], $0xffff  }
0x2f3: {  	v5 =	vadd.f32 v46, v5;
	v57 =	vshll.u32 v55, $0x10;
	v37 =	vand.u32 $0xFFFF0000, v55;
	v52 =	vld.idx.msk [tilespmem:v52+s28+$0x0], $0xffff  }
0x2f4: {  	v48 =	vmul.f32 v48, v37;
	v37 =	vand.u32 $0xFFFF0000, v50;
	v59 =	vld.idx.msk [tilespmem:v43+s26+$0x0], $0xffff;
	v43 =	vshll.u32 v50, $0x10  }
0x2f5: {  	v7 =	vadd.f32 v24, v7;
	v24 =	vadd.s32 v11, v53;
	v60 =	vmul.f32 v51, v37;
	v47 =	vld.idx.msk [tilespmem:v47+s28+$0x0], $0xffff  }
0x2f6: {  	v37 =	vadd.f32 v6, v5;
	v50 =	vand.u32 $0xFFFF0000, v44;
	v55 =	vshll.u32 v45, $0x10  }
0x2f7: {  	v5 =	vadd.f32 v7, v42;
	v6 =	vshll.u32 v25, $0x10;
	v7 =	vmul.f32 v26, v43;
	v49 =	vld.idx.msk [tilespmem:v58+s26+$0x0], $0xffff  }
0x2f8: {  	v6 =	vmul.f32 v6, v57;
	v25 =	vshll.u32 v56, $0x10;
	v43 =	vand.u32 $0xFFFF0000, v56  }
0x2f9: {  	v26 =	vshll.u32 v44, $0x10;
	v44 =	vshll.u32 v41, $0x10;
	v42 =	vshll.u32 v52, $0x10;
	v51 =	vld.idx.msk [tilespmem:v54+s26+$0x0], $0xffff  }
.Ltmp6:
0x2fa: {  	v46 =	vand.u32 $0xFFFF0000, v45;
	v52 =	vand.u32 $0xFFFF0000, v52;
	v53 =	vld.idx.msk [tilespmem:v24+s28+$0x0], $0xffff;
	v24 =	vshll.u32 v59, $0x10;
	(pc) =	sbr.rel @p0 .LBB2_15-.Ltmp6, $4  }
0x2fb: {  	v6 =	vadd.f32 v48, v6;
	v26 =	vmul.f32 v42, v26;
	v45 =	vmul.f32 v52, v50  }
0x2fc: {  	v44 =	vmul.f32 v44, v25;
	v50 =	vshll.u32 v47, $0x10;
	v54 =	vand.u32 $0xFFFF0000, v47  }
0x2fd: {  	v42 =	vadd.f32 v6, v5;
	v48 =	vmul.f32 v55, v24;
	v55 =	vand.u32 $0xFFFF0000, v49  }
0x2fe: {  	v52 =	vand.u32 $0xFFFF0000, v59;
	v47 =	vadd.f32 v45, v26;
	v45 =	vadd.f32 v60, v7  }
0x2ff: {  	v6 =	vld [tilespmem:$0x1FFB0];
	_ =	sdelay $0x3  }
0x300: {  	v5 =	vshra.s32 v36, $0xE  }
0x301: {  	v6 =	vadd.s32 v6, v5;
	_ =	sdelay $0x4  }
0x302: {  	v6 =	vld.idx.msk [tilespmem:v6+s28+$0x0], $0xffff;
	_ =	sdelay $0x4  }
0x303: {  	v6 =	vadd.f32 v6, v40;
	_ =	sdelay $0x1  }
0x304: {  	v7 =	vand.u32 $0x7FFFFFFF, v6  }
0x305: {  	v7 =	vsub.f32 $0.0e+00, v7;
	_ =	sdelay $0x1  }
0x306: {  	v7 =	vmul.f32 $1.442695020e+00, v7;
	_ =	sdelay $0x1  }
0x307: {  	(erf) = vpow2.f32 v7;
	_ =	sdelay $0x7  }
0x308: {  	v25 =	vshll.u32 v51, $0x10;
	v57 =	vshll.u32 v53, $0x10  }
0x309: {  	v58 =	vand.u32 $0xFFFF0000, v53;
	v59 =	vand.u32 $0xFFFF0000, v51;
	v25 =	vmul.f32 v57, v25;
	v7 =	vpop (erf)  }
0x30a: {  	v60 =	vmul.f32 v58, v59;
	v24 =	vmul.f32 $-2.368956990e-02, v7  }
0x30b: {  	v49 =	vshll.u32 v49, $0x10;
	v53 =	vadd.f32 v47, v37  }
0x30c: {  	v52 =	vmul.f32 v46, v52;
	v25 =	vadd.f32 v60, v25;
	v24 =	vadd.f32 $1.002884360e-01, v24  }
0x30d: {  	v26 =	vmul.f32 v54, v55;
	v51 =	vand.u32 $0xFFFF0000, v41;
	v54 =	vmul.f32 v50, v49  }
0x30e: {  	v27 =	vld [tilespmem:$0x1FFC0];
	v41 =	vadd.f32 v52, v48;
	v25 =	vadd.f32 v25, v53;
	v24 =	vmul.f32 v24, v7  }
0x30f: {  	v26 =	vadd.f32 v26, v54  }
0x310: {  	v25 =	vadd.f32 v41, v25;
	v24 =	vadd.f32 $-2.086712570e-01, v24;
	_ =	sdelay $0x1  }
0x311: {  	v25 =	vadd.f32 v26, v25;
	v26 =	vld [tilespmem:$0x1FFD0];
	v24 =	vmul.f32 v24, v7  }
0x312: {  	v55 =	vadd.s32 v27, v5;
	v40 =	vmul.f32 v51, v43  }
0x313: {  	v24 =	vadd.f32 $3.244126740e-01, v24  }
0x314: {  	v42 =	vadd.f32 v45, v42;
	v40 =	vadd.f32 v40, v44  }
0x315: {  	v24 =	vmul.f32 v24, v7  }
0x316: {  	v5 =	vadd.s32 v26, v5;
	v56 =	vadd.f32 v40, v42  }
0x317: {  	v26 =	vld.idx.msk [tilespmem:v55+s28+$0x0], $0xffff;
	v24 =	vadd.f32 $-4.991880360e-01, v24  }
0x318: {  	v25 =	vadd.f32 v56, v25  }
0x319: {  	v24 =	vmul.f32 v24, v7  }
0x31a: {  	v25 =	vmul.f32 v25, v39  }
0x31b: {  	v5 =	vld.idx.msk [tilespmem:v5+s28+$0x0], $0xffff;
	v24 =	vadd.f32 $9.999818800e-01, v24  }
0x31c: {  	v25 =	vmul.f32 v26, v25  }
0x31d: {  	v7 =	vmul.f32 v24, v7  }
0x31e: {  	v6 =	vmax.f32 v6, $0.0e+00;
	v24 =	vadd.f32 v25, v38  }
0x31f: {  	v6 =	vadd.f32 v7, v6  }
0x320: {  	v5 =	vadd.f32 v5, v24  }
0x321: {  	s13 =	simm.s32 $0x4;
	v6 =	vadd.f32 $9.999999740e-05, v6  }
0x322: {  	s3 =	simm.s32 $0x1;
	v58 =	vadd.s32 s13, v0;
	[tilespmem:$0x14EC0] =	vst v5  }
0x323: {  	v39 =	vand.u32 $0x3F, v58;
	[tilespmem:$0x14F60] =	vst v6;
	v6 =	vadd.s32 s3, v0  }
0x324: {  	v52 =	vadd.s32 v19, v39;
	v5 =	vld [tilespmem:s9+$0x9CB0];
	v6 =	vand.u32 $0x3F, v6  }
0x325: {  	s14 =	simm.s32 $0x7;
	v7 =	vadd.s32 v19, v6  }
0x326: {  	v59 =	vadd.s32 s14, v0;
	v6 =	vor.u32 v18, v6  }
0x327: {  	s16 =	simm.s32 $0x0;
	v40 =	vand.u32 $0x3F, v59  }
0x328: {  	v57 =	vadd.s32 s16, v0;
	v55 =	vor.u32 v18, v40  }
0x329: {  	s15 =	simm.s32 $0x5;
	v40 =	vadd.s32 v19, v40;
	v38 =	vand.u32 $0x38, v57;
	v51 =	vld.idx.msk [tilespmem:v52+s28+$0x0], $0xffff  }
0x32a: {  	s12 =	simm.s32 $0x3;
	v60 =	vor.u32 v12, v38;
	v24 =	vadd.s32 s15, v0;
	v7 =	vld.idx.msk [tilespmem:v7+s28+$0x0], $0xffff  }
0x32b: {  	v25 =	vadd.s32 s12, v0;
	v38 =	vadd.s32 v13, v38;
	v24 =	vand.u32 $0x3F, v24;
	v6 =	vld.idx.msk [tilespmem:v6+s26+$0x0], $0xffff  }
0x32c: {  	v36 =	vld.idx.msk [tilespmem:v5+s16+$0x0], $0xffff;
	v5 =	vand.u32 $0x3F, v25;
	v25 =	vadd.s32 v19, v24  }
0x32d: {  	v37 =	vimm.f32 $0.0e+00;
	v46 =	vld.idx.msk [tilespmem:v55+s26+$0x0], $0xffff;
	v24 =	vor.u32 v18, v24;
	s16 =	simm.s32 $0x6  }
0x32e: {  	v39 =	vor.u32 v18, v39;
	s15 =	simm.s32 $0x2;
	v41 =	vld.idx.msk [tilespmem:v40+s28+$0x0], $0xffff;
	v26 =	vadd.s32 v19, v5;
	v54 =	vadd.s32 s16, v0  }
0x32f: {  	v53 =	vadd.s32 s15, v0;
	v50 =	vld.idx.msk [tilespmem:v60+s26+$0x0], $0xffff;
	v5 =	vor.u32 v18, v5;
	v45 =	vand.u32 $0x3F, v54  }
0x330: {  	v38 =	vld.idx.msk [tilespmem:v38+s28+$0x0], $0xffff;
	v58 =	vshll.u32 v7, $0x10;
	v48 =	vor.u32 v18, v45;
	v60 =	vadd.s32 v19, v45  }
0x331: {  	v7 =	vand.u32 $0xFFFF0000, v7;
	v59 =	vshll.u32 v6, $0x10;
	v6 =	vand.u32 $0xFFFF0000, v6;
	v25 =	vld.idx.msk [tilespmem:v25+s28+$0x0], $0xffff  }
0x332: {  	v44 =	vand.u32 $0x3F, v53;
	v47 =	vmul.f32 v58, v59;
	v6 =	vmul.f32 v7, v6;
	v24 =	vld.idx.msk [tilespmem:v24+s26+$0x0], $0xffff  }
0x333: {  	v53 =	vshll.u32 v51, $0x10;
	v43 =	vand.u32 $0xFFFF0000, v46;
	v55 =	vshll.u32 v41, $0x10;
	v26 =	vld.idx.msk [tilespmem:v26+s28+$0x0], $0xffff  }
0x334: {  	v45 =	vshll.u32 v50, $0x10;
	v7 =	vor.u32 v18, v44;
	v5 =	vld.idx.msk [tilespmem:v5+s26+$0x0], $0xffff;
	v6 =	vadd.f32 v6, v47  }
0x335: {  	v42 =	vand.u32 $0x3FFF, v36;
	v47 =	vadd.s32 v19, v44;
	v44 =	vand.u32 $0xFFFF0000, v50;
	v54 =	vld.idx.msk [tilespmem:v60+s28+$0x0], $0xffff  }
0x336: {  	v6 =	vadd.f32 v6, v37;
	v49 =	vld.idx.msk [tilespmem:v48+s26+$0x0], $0xffff;
	v48 =	vshll.u32 v38, $0x10;
	v60 =	vand.u32 $0xFFFF0000, v38  }
0x337: {  	v52 =	vld.idx.msk [tilespmem:v39+s26+$0x0], $0xffff;
	v45 =	vmul.f32 v48, v45;
	v57 =	vand.u32 $0xFFFF0000, v25;
	v25 =	vshll.u32 v25, $0x10  }
0x338: {  	v59 =	vshll.u32 v24, $0x10;
	v24 =	vand.u32 $0xFFFF0000, v24;
	v56 =	vand.u32 $0xFFFF0000, v26  }
0x339: {  	v58 =	vand.u32 $0xFFFF0000, v5;
	v5 =	vshll.u32 v5, $0x10;
	v24 =	vmul.f32 v57, v24  }
0x33a: {  	v26 =	vshll.u32 v26, $0x10;
	v25 =	vmul.f32 v25, v59;
	v57 =	vmul.f32 v60, v44  }
0x33b: {  	v39 =	vld.idx.msk [tilespmem:v42+s17+$0x0], $0xffff;
	v40 =	vmul.f32 v56, v58;
	v5 =	vmul.f32 v26, v5;
	v26 =	vshll.u32 v46, $0x10  }
0x33c: {  	v56 =	vshll.u32 v52, $0x10;
	v46 =	vand.u32 $0xFFFF0000, v51;
	v51 =	vld.idx.msk [tilespmem:v7+s26+$0x0], $0xffff;
	v52 =	vand.u32 $0xFFFF0000, v52  }
0x33d: {  	v50 =	vshll.u32 v54, $0x10;
	v48 =	vmul.f32 v53, v56;
	v53 =	vld.idx.msk [tilespmem:v47+s28+$0x0], $0xffff;
	v5 =	vadd.f32 v40, v5  }
0x33e: {  	v38 =	vld.idx.msk [tilespmem:v42+s18+$0x0], $0xffff;
	v54 =	vand.u32 $0xFFFF0000, v54;
	v44 =	vmul.f32 v55, v26;
	v47 =	vadd.f32 v57, v45  }
0x33f: {  	s12 =	simm.s32 $0x8;
	v55 =	vand.u32 $0xFFFF0000, v49;
	v45 =	vadd.f32 v24, v25;
	v40 =	vld.idx.msk [tilespmem:v42+s19+$0x0], $0xffff;
	v42 =	vadd.f32 v5, v6  }
.LBB2_17:
0x340: {  	s3 =	sadd.s32 $0x1, s12  }
0x341: {  	s13 =	sadd.s32 $0x3, s12;
	s14 =	sadd.s32 $0x7, s12;
	v5 =	vshll.u32 v51, $0x10;
	v6 =	vshll.u32 v49, $0x10;
	v7 =	vmul.f32 v54, v55;
	s15 =	smov.u32 s12  }
0x342: {  	p0 =	slt.u32 s12, $0x38;
	s12 =	sadd.s32 $0x8, s12;
	v26 =	vshll.u32 v53, $0x10;
	v24 =	vadd.s32 s3, v0;
	v25 =	vadd.s32 s13, v0;
	s3 =	sadd.s32 $0x4, s15  }
0x343: {  	v53 =	vand.u32 $0xFFFF0000, v53;
	v49 =	vadd.s32 s14, v0;
	v24 =	vand.u32 $0x3F, v24  }
0x344: {  	s13 =	sadd.s32 $0x5, s15;
	v5 =	vmul.f32 v26, v5;
	v54 =	vor.u32 v18, v24;
	v24 =	vadd.s32 v19, v24  }
0x345: {  	v51 =	vand.u32 $0xFFFF0000, v51;
	s14 =	sadd.s32 $0x2, s15;
	v25 =	vand.u32 $0x3F, v25;
	v26 =	vadd.s32 s13, v0  }
0x346: {  	v6 =	vmul.f32 v50, v6;
	v55 =	vor.u32 v18, v25;
	v26 =	vand.u32 $0x3F, v26  }
0x347: {  	v51 =	vmul.f32 v53, v51;
	v50 =	vor.u32 v18, v26;
	v26 =	vadd.s32 v19, v26  }
0x348: {  	v41 =	vand.u32 $0xFFFF0000, v41;
	v53 =	vadd.s32 s14, v0;
	v25 =	vadd.s32 v19, v25  }
0x349: {  	v46 =	vmul.f32 v46, v52;
	v56 =	vadd.s32 s15, v0;
	v57 =	vadd.s32 s3, v0;
	v24 =	vld.idx.msk [tilespmem:v24+s28+$0x0], $0xffff  }
0x34a: {  	v41 =	vmul.f32 v41, v43;
	v52 =	vand.u32 $0x38, v56;
	v56 =	vand.u32 $0x3F, v57  }
0x34b: {  	v43 =	vor.u32 v12, v52;
	v52 =	vadd.s32 v13, v52;
	v5 =	vadd.f32 v51, v5;
	v54 =	vld.idx.msk [tilespmem:v54+s26+$0x0], $0xffff  }
0x34c: {  	s3 =	sadd.s32 $0x6, s15;
	v49 =	vand.u32 $0x3F, v49;
	v46 =	vadd.f32 v46, v48;
	v51 =	vadd.s32 v19, v56;
	v26 =	vld.idx.msk [tilespmem:v26+s28+$0x0], $0xffff  }
0x34d: {  	v48 =	vadd.s32 s3, v0;
	v57 =	vor.u32 v18, v49;
	v49 =	vadd.s32 v19, v49;
	v25 =	vld.idx.msk [tilespmem:v25+s28+$0x0], $0xffff  }
0x34e: {  	v37 =	vadd.f32 v47, v37;
	v53 =	vand.u32 $0x3F, v53;
	v48 =	vand.u32 $0x3F, v48;
	v55 =	vld.idx.msk [tilespmem:v55+s26+$0x0], $0xffff  }
0x34f: {  	v41 =	vadd.f32 v41, v44;
	v58 =	vor.u32 v18, v48;
	v47 =	vshll.u32 v24, $0x10;
	v50 =	vld.idx.msk [tilespmem:v50+s26+$0x0], $0xffff  }
0x350: {  	v42 =	vadd.f32 v45, v42;
	v24 =	vand.u32 $0xFFFF0000, v24;
	v44 =	vld.idx.msk [tilespmem:v43+s26+$0x0], $0xffff;
	v43 =	vor.u32 v18, v56  }
0x351: {  	v6 =	vadd.f32 v7, v6;
	v45 =	vshll.u32 v54, $0x10;
	v54 =	vand.u32 $0xFFFF0000, v54  }
0x352: {  	v42 =	vadd.f32 v41, v42;
	v7 =	vmul.f32 v47, v45;
	v47 =	vadd.s32 v19, v48;
	v45 =	vld.idx.msk [tilespmem:v51+s28+$0x0], $0xffff  }
0x353: {  	v5 =	vadd.f32 v5, v37;
	v48 =	vand.u32 $0xFFFF0000, v25;
	v51 =	vand.u32 $0xFFFF0000, v26;
	v56 =	vld.idx.msk [tilespmem:v57+s26+$0x0], $0xffff  }
0x354: {  	v24 =	vmul.f32 v24, v54;
	v54 =	vor.u32 v18, v53;
	v26 =	vshll.u32 v26, $0x10;
	v41 =	vld.idx.msk [tilespmem:v49+s28+$0x0], $0xffff  }
0x355: {  	v5 =	vadd.f32 v46, v5;
	v57 =	vshll.u32 v55, $0x10;
	v37 =	vand.u32 $0xFFFF0000, v55;
	v52 =	vld.idx.msk [tilespmem:v52+s28+$0x0], $0xffff  }
0x356: {  	v48 =	vmul.f32 v48, v37;
	v37 =	vand.u32 $0xFFFF0000, v50;
	v59 =	vld.idx.msk [tilespmem:v43+s26+$0x0], $0xffff;
	v43 =	vshll.u32 v50, $0x10  }
0x357: {  	v7 =	vadd.f32 v24, v7;
	v24 =	vadd.s32 v19, v53;
	v60 =	vmul.f32 v51, v37;
	v47 =	vld.idx.msk [tilespmem:v47+s28+$0x0], $0xffff  }
0x358: {  	v37 =	vadd.f32 v6, v5;
	v50 =	vand.u32 $0xFFFF0000, v44;
	v55 =	vshll.u32 v45, $0x10  }
0x359: {  	v5 =	vadd.f32 v7, v42;
	v6 =	vshll.u32 v25, $0x10;
	v7 =	vmul.f32 v26, v43;
	v49 =	vld.idx.msk [tilespmem:v58+s26+$0x0], $0xffff  }
0x35a: {  	v6 =	vmul.f32 v6, v57;
	v25 =	vshll.u32 v56, $0x10;
	v43 =	vand.u32 $0xFFFF0000, v56  }
0x35b: {  	v26 =	vshll.u32 v44, $0x10;
	v44 =	vshll.u32 v41, $0x10;
	v42 =	vshll.u32 v52, $0x10;
	v51 =	vld.idx.msk [tilespmem:v54+s26+$0x0], $0xffff  }
.Ltmp7:
0x35c: {  	v46 =	vand.u32 $0xFFFF0000, v45;
	v52 =	vand.u32 $0xFFFF0000, v52;
	v53 =	vld.idx.msk [tilespmem:v24+s28+$0x0], $0xffff;
	v24 =	vshll.u32 v59, $0x10;
	(pc) =	sbr.rel @p0 .LBB2_17-.Ltmp7, $4  }
0x35d: {  	v6 =	vadd.f32 v48, v6;
	v26 =	vmul.f32 v42, v26;
	v45 =	vmul.f32 v52, v50  }
0x35e: {  	v44 =	vmul.f32 v44, v25;
	v50 =	vshll.u32 v47, $0x10;
	v54 =	vand.u32 $0xFFFF0000, v47  }
0x35f: {  	v42 =	vadd.f32 v6, v5;
	v48 =	vmul.f32 v55, v24;
	v55 =	vand.u32 $0xFFFF0000, v49  }
0x360: {  	v52 =	vand.u32 $0xFFFF0000, v59;
	v47 =	vadd.f32 v45, v26;
	v45 =	vadd.f32 v60, v7  }
0x361: {  	v6 =	vld [tilespmem:$0x1FFA0];
	_ =	sdelay $0x3  }
0x362: {  	v5 =	vshra.s32 v36, $0xE  }
0x363: {  	v6 =	vadd.s32 v6, v5;
	_ =	sdelay $0x4  }
0x364: {  	v6 =	vld.idx.msk [tilespmem:v6+s28+$0x0], $0xffff;
	_ =	sdelay $0x4  }
0x365: {  	v6 =	vadd.f32 v6, v40;
	_ =	sdelay $0x1  }
0x366: {  	v7 =	vand.u32 $0x7FFFFFFF, v6  }
0x367: {  	v7 =	vsub.f32 $0.0e+00, v7;
	_ =	sdelay $0x1  }
0x368: {  	v7 =	vmul.f32 $1.442695020e+00, v7;
	_ =	sdelay $0x1  }
0x369: {  	(erf) = vpow2.f32 v7;
	_ =	sdelay $0x8  }
0x36a: {  	v7 =	vpop (erf)  }
0x36b: {  	v24 =	vmul.f32 $-2.368956990e-02, v7;
	_ =	sdelay $0x1  }
0x36c: {  	v24 =	vadd.f32 $1.002884360e-01, v24  }
0x36d: {  	v25 =	vshll.u32 v51, $0x10;
	v26 =	vmul.f32 v54, v55;
	v57 =	vshll.u32 v53, $0x10  }
0x36e: {  	v58 =	vand.u32 $0xFFFF0000, v53;
	v59 =	vand.u32 $0xFFFF0000, v51;
	v24 =	vmul.f32 v24, v7  }
0x36f: {  	v49 =	vshll.u32 v49, $0x10;
	v25 =	vmul.f32 v57, v25;
	v60 =	vmul.f32 v58, v59  }
0x370: {  	v51 =	vand.u32 $0xFFFF0000, v41;
	v52 =	vmul.f32 v46, v52;
	v24 =	vadd.f32 $-2.086712570e-01, v24  }
0x371: {  	v53 =	vadd.f32 v47, v37;
	v54 =	vmul.f32 v50, v49;
	v25 =	vadd.f32 v60, v25  }
0x372: {  	v55 =	vadd.s32 v28, v5;
	v42 =	vadd.f32 v45, v42;
	v24 =	vmul.f32 v24, v7  }
0x373: {  	v41 =	vadd.f32 v52, v48;
	v25 =	vadd.f32 v25, v53;
	v40 =	vmul.f32 v51, v43  }
0x374: {  	v26 =	vadd.f32 v26, v54;
	v24 =	vadd.f32 $3.244126740e-01, v24  }
0x375: {  	v25 =	vadd.f32 v41, v25;
	v40 =	vadd.f32 v40, v44  }
0x376: {  	v24 =	vmul.f32 v24, v7  }
0x377: {  	v5 =	vadd.s32 v29, v5;
	v25 =	vadd.f32 v26, v25;
	v56 =	vadd.f32 v40, v42  }
0x378: {  	v26 =	vld.idx.msk [tilespmem:v55+s28+$0x0], $0xffff;
	v24 =	vadd.f32 $-4.991880360e-01, v24  }
0x379: {  	v25 =	vadd.f32 v56, v25  }
0x37a: {  	v24 =	vmul.f32 v24, v7  }
0x37b: {  	v25 =	vmul.f32 v25, v39  }
0x37c: {  	v5 =	vld.idx.msk [tilespmem:v5+s28+$0x0], $0xffff;
	v24 =	vadd.f32 $9.999818800e-01, v24  }
0x37d: {  	v25 =	vmul.f32 v26, v25  }
0x37e: {  	v7 =	vmul.f32 v24, v7  }
0x37f: {  	v6 =	vmax.f32 v6, $0.0e+00;
	v24 =	vadd.f32 v25, v38  }
0x380: {  	v6 =	vadd.f32 v7, v6  }
0x381: {  	v5 =	vadd.f32 v5, v24  }
0x382: {  	s13 =	simm.s32 $0x4;
	v6 =	vadd.f32 $9.999999740e-05, v6  }
0x383: {  	s3 =	simm.s32 $0x1;
	v58 =	vadd.s32 s13, v0;
	[tilespmem:$0x14ED0] =	vst v5  }
0x384: {  	v39 =	vand.u32 $0x3F, v58;
	[tilespmem:$0x14F70] =	vst v6;
	v6 =	vadd.s32 s3, v0  }
0x385: {  	v52 =	vadd.s32 v21, v39;
	v5 =	vld [tilespmem:s9+$0x9CC0];
	v6 =	vand.u32 $0x3F, v6  }
0x386: {  	s14 =	simm.s32 $0x7;
	v7 =	vadd.s32 v21, v6  }
0x387: {  	v59 =	vadd.s32 s14, v0;
	v6 =	vor.u32 v20, v6  }
0x388: {  	s16 =	simm.s32 $0x0;
	v40 =	vand.u32 $0x3F, v59  }
0x389: {  	v57 =	vadd.s32 s16, v0;
	v55 =	vor.u32 v20, v40  }
0x38a: {  	s15 =	simm.s32 $0x5;
	v40 =	vadd.s32 v21, v40;
	v38 =	vand.u32 $0x38, v57;
	v51 =	vld.idx.msk [tilespmem:v52+s28+$0x0], $0xffff  }
0x38b: {  	s12 =	simm.s32 $0x3;
	v60 =	vor.u32 v14, v38;
	v24 =	vadd.s32 s15, v0;
	v7 =	vld.idx.msk [tilespmem:v7+s28+$0x0], $0xffff  }
0x38c: {  	v25 =	vadd.s32 s12, v0;
	v38 =	vadd.s32 v15, v38;
	v24 =	vand.u32 $0x3F, v24;
	v6 =	vld.idx.msk [tilespmem:v6+s26+$0x0], $0xffff  }
0x38d: {  	v36 =	vld.idx.msk [tilespmem:v5+s16+$0x0], $0xffff;
	v5 =	vand.u32 $0x3F, v25;
	v25 =	vadd.s32 v21, v24  }
0x38e: {  	v37 =	vimm.f32 $0.0e+00;
	v46 =	vld.idx.msk [tilespmem:v55+s26+$0x0], $0xffff;
	v24 =	vor.u32 v20, v24;
	s16 =	simm.s32 $0x6  }
0x38f: {  	v39 =	vor.u32 v20, v39;
	s15 =	simm.s32 $0x2;
	v41 =	vld.idx.msk [tilespmem:v40+s28+$0x0], $0xffff;
	v26 =	vadd.s32 v21, v5;
	v54 =	vadd.s32 s16, v0  }
0x390: {  	v53 =	vadd.s32 s15, v0;
	v50 =	vld.idx.msk [tilespmem:v60+s26+$0x0], $0xffff;
	v5 =	vor.u32 v20, v5;
	v45 =	vand.u32 $0x3F, v54  }
0x391: {  	v38 =	vld.idx.msk [tilespmem:v38+s28+$0x0], $0xffff;
	v58 =	vshll.u32 v7, $0x10;
	v48 =	vor.u32 v20, v45;
	v60 =	vadd.s32 v21, v45  }
0x392: {  	v7 =	vand.u32 $0xFFFF0000, v7;
	v59 =	vshll.u32 v6, $0x10;
	v6 =	vand.u32 $0xFFFF0000, v6;
	v25 =	vld.idx.msk [tilespmem:v25+s28+$0x0], $0xffff  }
0x393: {  	v44 =	vand.u32 $0x3F, v53;
	v47 =	vmul.f32 v58, v59;
	v6 =	vmul.f32 v7, v6;
	v24 =	vld.idx.msk [tilespmem:v24+s26+$0x0], $0xffff  }
0x394: {  	v53 =	vshll.u32 v51, $0x10;
	v43 =	vand.u32 $0xFFFF0000, v46;
	v55 =	vshll.u32 v41, $0x10;
	v26 =	vld.idx.msk [tilespmem:v26+s28+$0x0], $0xffff  }
0x395: {  	v45 =	vshll.u32 v50, $0x10;
	v7 =	vor.u32 v20, v44;
	v5 =	vld.idx.msk [tilespmem:v5+s26+$0x0], $0xffff;
	v6 =	vadd.f32 v6, v47  }
0x396: {  	v42 =	vand.u32 $0x3FFF, v36;
	v47 =	vadd.s32 v21, v44;
	v44 =	vand.u32 $0xFFFF0000, v50;
	v54 =	vld.idx.msk [tilespmem:v60+s28+$0x0], $0xffff  }
0x397: {  	v6 =	vadd.f32 v6, v37;
	v49 =	vld.idx.msk [tilespmem:v48+s26+$0x0], $0xffff;
	v48 =	vshll.u32 v38, $0x10;
	v60 =	vand.u32 $0xFFFF0000, v38  }
0x398: {  	v52 =	vld.idx.msk [tilespmem:v39+s26+$0x0], $0xffff;
	v45 =	vmul.f32 v48, v45;
	v57 =	vand.u32 $0xFFFF0000, v25;
	v25 =	vshll.u32 v25, $0x10  }
0x399: {  	v59 =	vshll.u32 v24, $0x10;
	v24 =	vand.u32 $0xFFFF0000, v24;
	v56 =	vand.u32 $0xFFFF0000, v26  }
0x39a: {  	v58 =	vand.u32 $0xFFFF0000, v5;
	v5 =	vshll.u32 v5, $0x10;
	v24 =	vmul.f32 v57, v24  }
0x39b: {  	v26 =	vshll.u32 v26, $0x10;
	v25 =	vmul.f32 v25, v59;
	v57 =	vmul.f32 v60, v44  }
0x39c: {  	v39 =	vld.idx.msk [tilespmem:v42+s17+$0x0], $0xffff;
	v40 =	vmul.f32 v56, v58;
	v5 =	vmul.f32 v26, v5;
	v26 =	vshll.u32 v46, $0x10  }
0x39d: {  	v56 =	vshll.u32 v52, $0x10;
	v46 =	vand.u32 $0xFFFF0000, v51;
	v51 =	vld.idx.msk [tilespmem:v7+s26+$0x0], $0xffff;
	v52 =	vand.u32 $0xFFFF0000, v52  }
0x39e: {  	v50 =	vshll.u32 v54, $0x10;
	v48 =	vmul.f32 v53, v56;
	v53 =	vld.idx.msk [tilespmem:v47+s28+$0x0], $0xffff;
	v5 =	vadd.f32 v40, v5  }
0x39f: {  	v38 =	vld.idx.msk [tilespmem:v42+s18+$0x0], $0xffff;
	v54 =	vand.u32 $0xFFFF0000, v54;
	v44 =	vmul.f32 v55, v26;
	v47 =	vadd.f32 v57, v45  }
0x3a0: {  	s12 =	simm.s32 $0x8;
	v55 =	vand.u32 $0xFFFF0000, v49;
	v45 =	vadd.f32 v24, v25;
	v40 =	vld.idx.msk [tilespmem:v42+s19+$0x0], $0xffff;
	v42 =	vadd.f32 v5, v6  }
.LBB2_19:
0x3a1: {  	s3 =	sadd.s32 $0x1, s12  }
0x3a2: {  	s13 =	sadd.s32 $0x3, s12;
	s14 =	sadd.s32 $0x7, s12;
	v5 =	vshll.u32 v51, $0x10;
	v6 =	vshll.u32 v49, $0x10;
	v7 =	vmul.f32 v54, v55;
	s15 =	smov.u32 s12  }
0x3a3: {  	p0 =	slt.u32 s12, $0x38;
	s12 =	sadd.s32 $0x8, s12;
	v26 =	vshll.u32 v53, $0x10;
	v24 =	vadd.s32 s3, v0;
	v25 =	vadd.s32 s13, v0;
	s3 =	sadd.s32 $0x4, s15  }
0x3a4: {  	v53 =	vand.u32 $0xFFFF0000, v53;
	v49 =	vadd.s32 s14, v0;
	v24 =	vand.u32 $0x3F, v24  }
0x3a5: {  	s13 =	sadd.s32 $0x5, s15;
	v5 =	vmul.f32 v26, v5;
	v54 =	vor.u32 v20, v24;
	v24 =	vadd.s32 v21, v24  }
0x3a6: {  	v51 =	vand.u32 $0xFFFF0000, v51;
	s14 =	sadd.s32 $0x2, s15;
	v25 =	vand.u32 $0x3F, v25;
	v26 =	vadd.s32 s13, v0  }
0x3a7: {  	v6 =	vmul.f32 v50, v6;
	v55 =	vor.u32 v20, v25;
	v26 =	vand.u32 $0x3F, v26  }
0x3a8: {  	v51 =	vmul.f32 v53, v51;
	v50 =	vor.u32 v20, v26;
	v26 =	vadd.s32 v21, v26  }
0x3a9: {  	v41 =	vand.u32 $0xFFFF0000, v41;
	v53 =	vadd.s32 s14, v0;
	v25 =	vadd.s32 v21, v25  }
0x3aa: {  	v46 =	vmul.f32 v46, v52;
	v56 =	vadd.s32 s15, v0;
	v57 =	vadd.s32 s3, v0;
	v24 =	vld.idx.msk [tilespmem:v24+s28+$0x0], $0xffff  }
0x3ab: {  	v41 =	vmul.f32 v41, v43;
	v52 =	vand.u32 $0x38, v56;
	v56 =	vand.u32 $0x3F, v57  }
0x3ac: {  	v43 =	vor.u32 v14, v52;
	v52 =	vadd.s32 v15, v52;
	v5 =	vadd.f32 v51, v5;
	v54 =	vld.idx.msk [tilespmem:v54+s26+$0x0], $0xffff  }
0x3ad: {  	s3 =	sadd.s32 $0x6, s15;
	v49 =	vand.u32 $0x3F, v49;
	v46 =	vadd.f32 v46, v48;
	v51 =	vadd.s32 v21, v56;
	v26 =	vld.idx.msk [tilespmem:v26+s28+$0x0], $0xffff  }
0x3ae: {  	v48 =	vadd.s32 s3, v0;
	v57 =	vor.u32 v20, v49;
	v49 =	vadd.s32 v21, v49;
	v25 =	vld.idx.msk [tilespmem:v25+s28+$0x0], $0xffff  }
0x3af: {  	v37 =	vadd.f32 v47, v37;
	v53 =	vand.u32 $0x3F, v53;
	v48 =	vand.u32 $0x3F, v48;
	v55 =	vld.idx.msk [tilespmem:v55+s26+$0x0], $0xffff  }
0x3b0: {  	v41 =	vadd.f32 v41, v44;
	v58 =	vor.u32 v20, v48;
	v47 =	vshll.u32 v24, $0x10;
	v50 =	vld.idx.msk [tilespmem:v50+s26+$0x0], $0xffff  }
0x3b1: {  	v42 =	vadd.f32 v45, v42;
	v24 =	vand.u32 $0xFFFF0000, v24;
	v44 =	vld.idx.msk [tilespmem:v43+s26+$0x0], $0xffff;
	v43 =	vor.u32 v20, v56  }
0x3b2: {  	v6 =	vadd.f32 v7, v6;
	v45 =	vshll.u32 v54, $0x10;
	v54 =	vand.u32 $0xFFFF0000, v54  }
0x3b3: {  	v42 =	vadd.f32 v41, v42;
	v7 =	vmul.f32 v47, v45;
	v47 =	vadd.s32 v21, v48;
	v45 =	vld.idx.msk [tilespmem:v51+s28+$0x0], $0xffff  }
0x3b4: {  	v5 =	vadd.f32 v5, v37;
	v48 =	vand.u32 $0xFFFF0000, v25;
	v51 =	vand.u32 $0xFFFF0000, v26;
	v56 =	vld.idx.msk [tilespmem:v57+s26+$0x0], $0xffff  }
0x3b5: {  	v24 =	vmul.f32 v24, v54;
	v54 =	vor.u32 v20, v53;
	v26 =	vshll.u32 v26, $0x10;
	v41 =	vld.idx.msk [tilespmem:v49+s28+$0x0], $0xffff  }
0x3b6: {  	v5 =	vadd.f32 v46, v5;
	v57 =	vshll.u32 v55, $0x10;
	v37 =	vand.u32 $0xFFFF0000, v55;
	v52 =	vld.idx.msk [tilespmem:v52+s28+$0x0], $0xffff  }
0x3b7: {  	v48 =	vmul.f32 v48, v37;
	v37 =	vand.u32 $0xFFFF0000, v50;
	v59 =	vld.idx.msk [tilespmem:v43+s26+$0x0], $0xffff;
	v43 =	vshll.u32 v50, $0x10  }
0x3b8: {  	v7 =	vadd.f32 v24, v7;
	v24 =	vadd.s32 v21, v53;
	v60 =	vmul.f32 v51, v37;
	v47 =	vld.idx.msk [tilespmem:v47+s28+$0x0], $0xffff  }
0x3b9: {  	v37 =	vadd.f32 v6, v5;
	v50 =	vand.u32 $0xFFFF0000, v44;
	v55 =	vshll.u32 v45, $0x10  }
0x3ba: {  	v5 =	vadd.f32 v7, v42;
	v6 =	vshll.u32 v25, $0x10;
	v7 =	vmul.f32 v26, v43;
	v49 =	vld.idx.msk [tilespmem:v58+s26+$0x0], $0xffff  }
0x3bb: {  	v6 =	vmul.f32 v6, v57;
	v25 =	vshll.u32 v56, $0x10;
	v43 =	vand.u32 $0xFFFF0000, v56  }
0x3bc: {  	v26 =	vshll.u32 v44, $0x10;
	v44 =	vshll.u32 v41, $0x10;
	v42 =	vshll.u32 v52, $0x10;
	v51 =	vld.idx.msk [tilespmem:v54+s26+$0x0], $0xffff  }
.Ltmp8:
0x3bd: {  	v46 =	vand.u32 $0xFFFF0000, v45;
	v52 =	vand.u32 $0xFFFF0000, v52;
	v53 =	vld.idx.msk [tilespmem:v24+s28+$0x0], $0xffff;
	v24 =	vshll.u32 v59, $0x10;
	(pc) =	sbr.rel @p0 .LBB2_19-.Ltmp8, $4  }
0x3be: {  	v6 =	vadd.f32 v48, v6;
	v26 =	vmul.f32 v42, v26;
	v45 =	vmul.f32 v52, v50  }
0x3bf: {  	v44 =	vmul.f32 v44, v25;
	v50 =	vshll.u32 v47, $0x10;
	v54 =	vand.u32 $0xFFFF0000, v47  }
0x3c0: {  	v42 =	vadd.f32 v6, v5;
	v48 =	vmul.f32 v55, v24;
	v55 =	vand.u32 $0xFFFF0000, v49  }
0x3c1: {  	v52 =	vand.u32 $0xFFFF0000, v59;
	v47 =	vadd.f32 v45, v26;
	v45 =	vadd.f32 v60, v7  }
0x3c2: {  	v5 =	vshra.s32 v36, $0xE  }
0x3c3: {  	v6 =	vadd.s32 v30, v5;
	_ =	sdelay $0x4  }
0x3c4: {  	v6 =	vld.idx.msk [tilespmem:v6+s28+$0x0], $0xffff;
	_ =	sdelay $0x4  }
0x3c5: {  	v6 =	vadd.f32 v6, v40;
	_ =	sdelay $0x1  }
0x3c6: {  	v7 =	vand.u32 $0x7FFFFFFF, v6  }
0x3c7: {  	v7 =	vsub.f32 $0.0e+00, v7;
	_ =	sdelay $0x1  }
0x3c8: {  	v7 =	vmul.f32 $1.442695020e+00, v7;
	_ =	sdelay $0x1  }
0x3c9: {  	(erf) = vpow2.f32 v7;
	_ =	sdelay $0x8  }
0x3ca: {  	v7 =	vpop (erf)  }
0x3cb: {  	v24 =	vmul.f32 $-2.368956990e-02, v7;
	_ =	sdelay $0x1  }
0x3cc: {  	v24 =	vadd.f32 $1.002884360e-01, v24  }
0x3cd: {  	v25 =	vshll.u32 v51, $0x10;
	v26 =	vmul.f32 v54, v55;
	v57 =	vshll.u32 v53, $0x10  }
0x3ce: {  	v58 =	vand.u32 $0xFFFF0000, v53;
	v59 =	vand.u32 $0xFFFF0000, v51;
	v24 =	vmul.f32 v24, v7  }
0x3cf: {  	v49 =	vshll.u32 v49, $0x10;
	v25 =	vmul.f32 v57, v25;
	v60 =	vmul.f32 v58, v59  }
0x3d0: {  	v51 =	vand.u32 $0xFFFF0000, v41;
	v52 =	vmul.f32 v46, v52;
	v24 =	vadd.f32 $-2.086712570e-01, v24  }
0x3d1: {  	v53 =	vadd.f32 v47, v37;
	v54 =	vmul.f32 v50, v49;
	v25 =	vadd.f32 v60, v25  }
0x3d2: {  	v55 =	vadd.s32 v31, v5;
	v42 =	vadd.f32 v45, v42;
	v24 =	vmul.f32 v24, v7  }
0x3d3: {  	v41 =	vadd.f32 v52, v48;
	v25 =	vadd.f32 v25, v53;
	v40 =	vmul.f32 v51, v43  }
0x3d4: {  	v26 =	vadd.f32 v26, v54;
	v24 =	vadd.f32 $3.244126740e-01, v24  }
0x3d5: {  	v25 =	vadd.f32 v41, v25;
	v40 =	vadd.f32 v40, v44  }
0x3d6: {  	v24 =	vmul.f32 v24, v7  }
0x3d7: {  	v5 =	vadd.s32 v32, v5;
	v25 =	vadd.f32 v26, v25;
	v56 =	vadd.f32 v40, v42  }
0x3d8: {  	v26 =	vld.idx.msk [tilespmem:v55+s28+$0x0], $0xffff;
	v24 =	vadd.f32 $-4.991880360e-01, v24  }
0x3d9: {  	v25 =	vadd.f32 v56, v25  }
0x3da: {  	v24 =	vmul.f32 v24, v7  }
0x3db: {  	v25 =	vmul.f32 v25, v39  }
0x3dc: {  	v5 =	vld.idx.msk [tilespmem:v5+s28+$0x0], $0xffff;
	v24 =	vadd.f32 $9.999818800e-01, v24  }
0x3dd: {  	v25 =	vmul.f32 v26, v25  }
0x3de: {  	v7 =	vmul.f32 v24, v7  }
0x3df: {  	v6 =	vmax.f32 v6, $0.0e+00;
	v24 =	vadd.f32 v25, v38  }
0x3e0: {  	s12 =	simm.s32 $0x0;
	v6 =	vadd.f32 v7, v6  }
0x3e1: {  	s13 =	simm.s32 $0x4;
	v57 =	vadd.s32 s12, v0;
	v5 =	vadd.f32 v5, v24  }
0x3e2: {  	s14 =	simm.s32 $0x7;
	v58 =	vadd.s32 s13, v0;
	v38 =	vand.u32 $0x38, v57;
	v6 =	vadd.f32 $9.999999740e-05, v6  }
0x3e3: {  	v59 =	vadd.s32 s14, v0;
	v39 =	vand.u32 $0x3F, v58;
	v60 =	vor.u32 v16, v38;
	[tilespmem:$0x14EE0] =	vst v5  }
0x3e4: {  	s3 =	simm.s32 $0x1;
	v40 =	vand.u32 $0x3F, v59;
	v52 =	vadd.s32 v23, v39;
	[tilespmem:$0x14F80] =	vst v6  }
0x3e5: {  	v55 =	vor.u32 v22, v40;
	v6 =	vadd.s32 s3, v0;
	v5 =	vld [tilespmem:s9+$0x9CD0]  }
0x3e6: {  	v40 =	vadd.s32 v23, v40;
	v6 =	vand.u32 $0x3F, v6  }
0x3e7: {  	s16 =	simm.s32 $0x3;
	v7 =	vadd.s32 v23, v6  }
0x3e8: {  	v25 =	vadd.s32 s16, v0;
	s16 =	simm.s32 $0x6;
	v50 =	vld.idx.msk [tilespmem:v60+s26+$0x0], $0xffff  }
0x3e9: {  	v54 =	vadd.s32 s16, v0;
	v51 =	vld.idx.msk [tilespmem:v52+s28+$0x0], $0xffff;
	v6 =	vor.u32 v22, v6  }
0x3ea: {  	s15 =	simm.s32 $0x5;
	v38 =	vadd.s32 v17, v38;
	v45 =	vand.u32 $0x3F, v54;
	v46 =	vld.idx.msk [tilespmem:v55+s26+$0x0], $0xffff  }
0x3eb: {  	v24 =	vadd.s32 s15, v0;
	v48 =	vor.u32 v22, v45;
	v41 =	vld.idx.msk [tilespmem:v40+s28+$0x0], $0xffff  }
0x3ec: {  	v24 =	vand.u32 $0x3F, v24;
	v60 =	vadd.s32 v23, v45;
	v7 =	vld.idx.msk [tilespmem:v7+s28+$0x0], $0xffff  }
0x3ed: {  	v36 =	vld.idx.msk [tilespmem:v5+s12+$0x0], $0xffff;
	v5 =	vand.u32 $0x3F, v25;
	v25 =	vadd.s32 v23, v24  }
0x3ee: {  	v6 =	vld.idx.msk [tilespmem:v6+s26+$0x0], $0xffff;
	v24 =	vor.u32 v22, v24  }
0x3ef: {  	s15 =	simm.s32 $0x2;
	v38 =	vld.idx.msk [tilespmem:v38+s28+$0x0], $0xffff;
	v26 =	vadd.s32 v23, v5  }
0x3f0: {  	v53 =	vadd.s32 s15, v0;
	v49 =	vld.idx.msk [tilespmem:v48+s26+$0x0], $0xffff;
	v5 =	vor.u32 v22, v5  }
0x3f1: {  	v37 =	vimm.f32 $0.0e+00;
	v39 =	vor.u32 v22, v39;
	v44 =	vand.u32 $0x3F, v53;
	v54 =	vld.idx.msk [tilespmem:v60+s28+$0x0], $0xffff  }
0x3f2: {  	v53 =	vshll.u32 v51, $0x10;
	v43 =	vand.u32 $0xFFFF0000, v46;
	v58 =	vshll.u32 v7, $0x10;
	v25 =	vld.idx.msk [tilespmem:v25+s28+$0x0], $0xffff  }
0x3f3: {  	v7 =	vand.u32 $0xFFFF0000, v7;
	v59 =	vshll.u32 v6, $0x10;
	v6 =	vand.u32 $0xFFFF0000, v6;
	v24 =	vld.idx.msk [tilespmem:v24+s26+$0x0], $0xffff  }
0x3f4: {  	v45 =	vshll.u32 v50, $0x10;
	v47 =	vmul.f32 v58, v59;
	v6 =	vmul.f32 v7, v6;
	v26 =	vld.idx.msk [tilespmem:v26+s28+$0x0], $0xffff  }
0x3f5: {  	v48 =	vshll.u32 v38, $0x10;
	v55 =	vshll.u32 v41, $0x10;
	v60 =	vand.u32 $0xFFFF0000, v38;
	v5 =	vld.idx.msk [tilespmem:v5+s26+$0x0], $0xffff  }
0x3f6: {  	v45 =	vmul.f32 v48, v45;
	v7 =	vor.u32 v22, v44;
	v6 =	vadd.f32 v6, v47  }
0x3f7: {  	v42 =	vand.u32 $0x3FFF, v36;
	v47 =	vadd.s32 v23, v44;
	v44 =	vand.u32 $0xFFFF0000, v50  }
0x3f8: {  	v52 =	vld.idx.msk [tilespmem:v39+s26+$0x0], $0xffff;
	v50 =	vshll.u32 v54, $0x10;
	v54 =	vand.u32 $0xFFFF0000, v54;
	v6 =	vadd.f32 v6, v37  }
0x3f9: {  	v57 =	vand.u32 $0xFFFF0000, v25;
	v59 =	vshll.u32 v24, $0x10;
	v24 =	vand.u32 $0xFFFF0000, v24  }
0x3fa: {  	v56 =	vand.u32 $0xFFFF0000, v26;
	v58 =	vand.u32 $0xFFFF0000, v5;
	v5 =	vshll.u32 v5, $0x10  }
0x3fb: {  	v24 =	vmul.f32 v57, v24;
	v26 =	vshll.u32 v26, $0x10;
	v57 =	vmul.f32 v60, v44  }
0x3fc: {  	v25 =	vshll.u32 v25, $0x10;
	v39 =	vld.idx.msk [tilespmem:v42+s17+$0x0], $0xffff;
	v40 =	vmul.f32 v56, v58;
	v5 =	vmul.f32 v26, v5  }
0x3fd: {  	v26 =	vshll.u32 v46, $0x10;
	v56 =	vshll.u32 v52, $0x10;
	v46 =	vand.u32 $0xFFFF0000, v51;
	v51 =	vld.idx.msk [tilespmem:v7+s26+$0x0], $0xffff  }
0x3fe: {  	v25 =	vmul.f32 v25, v59;
	v48 =	vmul.f32 v53, v56;
	v53 =	vld.idx.msk [tilespmem:v47+s28+$0x0], $0xffff;
	v5 =	vadd.f32 v40, v5  }
0x3ff: {  	v38 =	vld.idx.msk [tilespmem:v42+s18+$0x0], $0xffff;
	v52 =	vand.u32 $0xFFFF0000, v52;
	v44 =	vmul.f32 v55, v26;
	v47 =	vadd.f32 v57, v45  }
0x400: {  	s9 =	simm.s32 $0x8;
	v55 =	vand.u32 $0xFFFF0000, v49;
	v45 =	vadd.f32 v24, v25;
	v40 =	vld.idx.msk [tilespmem:v42+s19+$0x0], $0xffff;
	v42 =	vadd.f32 v5, v6  }
.LBB2_21:
0x401: {  	s3 =	sadd.s32 $0x1, s9  }
0x402: {  	s12 =	sadd.s32 $0x3, s9;
	s13 =	sadd.s32 $0x7, s9;
	v5 =	vshll.u32 v51, $0x10;
	v6 =	vshll.u32 v49, $0x10;
	v7 =	vmul.f32 v54, v55;
	s14 =	smov.u32 s9  }
0x403: {  	p0 =	slt.u32 s9, $0x38;
	s9 =	sadd.s32 $0x8, s9;
	v26 =	vshll.u32 v53, $0x10;
	v24 =	vadd.s32 s3, v0;
	v25 =	vadd.s32 s12, v0;
	s3 =	sadd.s32 $0x4, s14  }
0x404: {  	v53 =	vand.u32 $0xFFFF0000, v53;
	v49 =	vadd.s32 s13, v0;
	v24 =	vand.u32 $0x3F, v24  }
0x405: {  	s12 =	sadd.s32 $0x5, s14;
	v5 =	vmul.f32 v26, v5;
	v54 =	vor.u32 v22, v24;
	v24 =	vadd.s32 v23, v24  }
0x406: {  	v51 =	vand.u32 $0xFFFF0000, v51;
	s13 =	sadd.s32 $0x2, s14;
	v25 =	vand.u32 $0x3F, v25;
	v26 =	vadd.s32 s12, v0  }
0x407: {  	v6 =	vmul.f32 v50, v6;
	v55 =	vor.u32 v22, v25;
	v26 =	vand.u32 $0x3F, v26  }
0x408: {  	v51 =	vmul.f32 v53, v51;
	v50 =	vor.u32 v22, v26;
	v26 =	vadd.s32 v23, v26  }
0x409: {  	v41 =	vand.u32 $0xFFFF0000, v41;
	v53 =	vadd.s32 s13, v0;
	v25 =	vadd.s32 v23, v25  }
0x40a: {  	v46 =	vmul.f32 v46, v52;
	v56 =	vadd.s32 s14, v0;
	v57 =	vadd.s32 s3, v0;
	v24 =	vld.idx.msk [tilespmem:v24+s28+$0x0], $0xffff  }
0x40b: {  	v41 =	vmul.f32 v41, v43;
	v52 =	vand.u32 $0x38, v56;
	v56 =	vand.u32 $0x3F, v57  }
0x40c: {  	v43 =	vor.u32 v16, v52;
	v52 =	vadd.s32 v17, v52;
	v5 =	vadd.f32 v51, v5;
	v54 =	vld.idx.msk [tilespmem:v54+s26+$0x0], $0xffff  }
0x40d: {  	s3 =	sadd.s32 $0x6, s14;
	v49 =	vand.u32 $0x3F, v49;
	v46 =	vadd.f32 v46, v48;
	v51 =	vadd.s32 v23, v56;
	v26 =	vld.idx.msk [tilespmem:v26+s28+$0x0], $0xffff  }
0x40e: {  	v48 =	vadd.s32 s3, v0;
	v57 =	vor.u32 v22, v49;
	v49 =	vadd.s32 v23, v49;
	v25 =	vld.idx.msk [tilespmem:v25+s28+$0x0], $0xffff  }
0x40f: {  	v37 =	vadd.f32 v47, v37;
	v53 =	vand.u32 $0x3F, v53;
	v48 =	vand.u32 $0x3F, v48;
	v55 =	vld.idx.msk [tilespmem:v55+s26+$0x0], $0xffff  }
0x410: {  	v41 =	vadd.f32 v41, v44;
	v58 =	vor.u32 v22, v48;
	v47 =	vshll.u32 v24, $0x10;
	v50 =	vld.idx.msk [tilespmem:v50+s26+$0x0], $0xffff  }
0x411: {  	v42 =	vadd.f32 v45, v42;
	v24 =	vand.u32 $0xFFFF0000, v24;
	v44 =	vld.idx.msk [tilespmem:v43+s26+$0x0], $0xffff;
	v43 =	vor.u32 v22, v56  }
0x412: {  	v6 =	vadd.f32 v7, v6;
	v45 =	vshll.u32 v54, $0x10;
	v54 =	vand.u32 $0xFFFF0000, v54  }
0x413: {  	v42 =	vadd.f32 v41, v42;
	v7 =	vmul.f32 v47, v45;
	v47 =	vadd.s32 v23, v48;
	v45 =	vld.idx.msk [tilespmem:v51+s28+$0x0], $0xffff  }
0x414: {  	v5 =	vadd.f32 v5, v37;
	v48 =	vand.u32 $0xFFFF0000, v25;
	v51 =	vand.u32 $0xFFFF0000, v26;
	v56 =	vld.idx.msk [tilespmem:v57+s26+$0x0], $0xffff  }
0x415: {  	v24 =	vmul.f32 v24, v54;
	v54 =	vor.u32 v22, v53;
	v26 =	vshll.u32 v26, $0x10;
	v41 =	vld.idx.msk [tilespmem:v49+s28+$0x0], $0xffff  }
0x416: {  	v5 =	vadd.f32 v46, v5;
	v57 =	vshll.u32 v55, $0x10;
	v37 =	vand.u32 $0xFFFF0000, v55;
	v52 =	vld.idx.msk [tilespmem:v52+s28+$0x0], $0xffff  }
0x417: {  	v48 =	vmul.f32 v48, v37;
	v37 =	vand.u32 $0xFFFF0000, v50;
	v59 =	vld.idx.msk [tilespmem:v43+s26+$0x0], $0xffff;
	v43 =	vshll.u32 v50, $0x10  }
0x418: {  	v7 =	vadd.f32 v24, v7;
	v24 =	vadd.s32 v23, v53;
	v60 =	vmul.f32 v51, v37;
	v47 =	vld.idx.msk [tilespmem:v47+s28+$0x0], $0xffff  }
0x419: {  	v37 =	vadd.f32 v6, v5;
	v50 =	vand.u32 $0xFFFF0000, v44;
	v55 =	vshll.u32 v45, $0x10  }
0x41a: {  	v5 =	vadd.f32 v7, v42;
	v6 =	vshll.u32 v25, $0x10;
	v7 =	vmul.f32 v26, v43;
	v49 =	vld.idx.msk [tilespmem:v58+s26+$0x0], $0xffff  }
0x41b: {  	v6 =	vmul.f32 v6, v57;
	v25 =	vshll.u32 v56, $0x10;
	v43 =	vand.u32 $0xFFFF0000, v56  }
0x41c: {  	v26 =	vshll.u32 v44, $0x10;
	v44 =	vshll.u32 v41, $0x10;
	v42 =	vshll.u32 v52, $0x10;
	v51 =	vld.idx.msk [tilespmem:v54+s26+$0x0], $0xffff  }
.Ltmp9:
0x41d: {  	v46 =	vand.u32 $0xFFFF0000, v45;
	v52 =	vand.u32 $0xFFFF0000, v52;
	v53 =	vld.idx.msk [tilespmem:v24+s28+$0x0], $0xffff;
	v24 =	vshll.u32 v59, $0x10;
	(pc) =	sbr.rel @p0 .LBB2_21-.Ltmp9, $4  }
0x41e: {  	v6 =	vadd.f32 v48, v6;
	v26 =	vmul.f32 v42, v26;
	v45 =	vmul.f32 v52, v50  }
0x41f: {  	v44 =	vmul.f32 v44, v25;
	v50 =	vshll.u32 v47, $0x10;
	v54 =	vand.u32 $0xFFFF0000, v47  }
0x420: {  	v42 =	vadd.f32 v6, v5;
	v48 =	vmul.f32 v55, v24;
	v55 =	vand.u32 $0xFFFF0000, v49  }
0x421: {  	v52 =	vand.u32 $0xFFFF0000, v59;
	v47 =	vadd.f32 v45, v26;
	v45 =	vadd.f32 v60, v7  }
0x422: {  	v5 =	vshra.s32 v36, $0xE  }
0x423: {  	v6 =	vadd.s32 v33, v5;
	_ =	sdelay $0x4  }
0x424: {  	v6 =	vld.idx.msk [tilespmem:v6+s28+$0x0], $0xffff;
	_ =	sdelay $0x4  }
0x425: {  	v6 =	vadd.f32 v6, v40;
	_ =	sdelay $0x1  }
0x426: {  	v7 =	vand.u32 $0x7FFFFFFF, v6  }
0x427: {  	v7 =	vsub.f32 $0.0e+00, v7;
	_ =	sdelay $0x1  }
0x428: {  	v7 =	vmul.f32 $1.442695020e+00, v7;
	_ =	sdelay $0x1  }
0x429: {  	(erf) = vpow2.f32 v7;
	_ =	sdelay $0x8  }
0x42a: {  	v7 =	vpop (erf)  }
0x42b: {  	v24 =	vmul.f32 $-2.368956990e-02, v7;
	_ =	sdelay $0x1  }
0x42c: {  	v24 =	vadd.f32 $1.002884360e-01, v24  }
0x42d: {  	v25 =	vshll.u32 v51, $0x10;
	v26 =	vmul.f32 v54, v55;
	v58 =	vshll.u32 v53, $0x10  }
0x42e: {  	v59 =	vand.u32 $0xFFFF0000, v53;
	v60 =	vand.u32 $0xFFFF0000, v51;
	v24 =	vmul.f32 v24, v7  }
0x42f: {  	v55 =	vshll.u32 v49, $0x10;
	v25 =	vmul.f32 v58, v25;
	v54 =	vmul.f32 v59, v60  }
0x430: {  	v41 =	vand.u32 $0xFFFF0000, v41;
	v46 =	vmul.f32 v46, v52;
	v24 =	vadd.f32 $-2.086712570e-01, v24  }
0x431: {  	v41 =	vmul.f32 v41, v43;
	v56 =	vadd.f32 v47, v37;
	v25 =	vadd.f32 v54, v25  }
0x432: {  	v57 =	vmul.f32 v50, v55;
	v42 =	vadd.f32 v45, v42;
	v24 =	vmul.f32 v24, v7  }
0x433: {  	v59 =	vadd.s32 v34, v5;
	v58 =	vadd.f32 v46, v48;
	v25 =	vadd.f32 v25, v56  }
0x434: {  	v41 =	vadd.f32 v41, v44;
	v24 =	vadd.f32 $3.244126740e-01, v24  }
0x435: {  	v26 =	vadd.f32 v26, v57;
	v25 =	vadd.f32 v58, v25  }
0x436: {  	v24 =	vmul.f32 v24, v7  }
0x437: {  	v5 =	vadd.s32 v35, v5;
	v60 =	vadd.f32 v41, v42;
	v25 =	vadd.f32 v26, v25  }
0x438: {  	v26 =	vld.idx.msk [tilespmem:v59+s28+$0x0], $0xffff;
	v24 =	vadd.f32 $-4.991880360e-01, v24  }
0x439: {  	v25 =	vadd.f32 v60, v25  }
0x43a: {  	v24 =	vmul.f32 v24, v7  }
0x43b: {  	v25 =	vmul.f32 v25, v39  }
0x43c: {  	v5 =	vld.idx.msk [tilespmem:v5+s28+$0x0], $0xffff;
	v24 =	vadd.f32 $9.999818800e-01, v24  }
0x43d: {  	v25 =	vmul.f32 v26, v25  }
0x43e: {  	v7 =	vmul.f32 v24, v7  }
0x43f: {  	v6 =	vmax.f32 v6, $0.0e+00;
	v24 =	vadd.f32 v25, v38  }
0x440: {  	v6 =	vadd.f32 v7, v6  }
0x441: {  	s20 =	sadd.s32 $0x1, s20;
	v5 =	vadd.f32 v5, v24  }
0x442: {  	s3 =	sadd.s32 s7, s21;
	p0 =	sne.s32 s20, $0x3E;
	v6 =	vadd.f32 $9.999999740e-05, v6  }
.Ltmp10:
0x443: {  	s3 =	sshrl.u32 s3, $0x3;
	[tilespmem:$0x14EF0] =	vst v5;
	(pc) =	sbr.rel @p0 .LBB2_2-.Ltmp10, $4  }
0x444: {  	s9 =	sadd.s32 s10, s3;
	[tilespmem:$0x14F90] =	vst v6  }
0x445: {  	[hbm4b:s9+s6] =	stream.linear.scatter [tilespmem:s4], [sflag:$0x4], $0x50, $0x38;
	[tilespmem:$0x14FA0] =	vst v63  }
0x446: {  	s3 =	sadd.s32 s11, s3  }
0x447: {  	[hbm4b:s3+s6] =	stream.linear.scatter [tilespmem:s2], [sflag:$0x4], $0x50, $0x38;
	[tilespmem:$0x14FA0] =	vst v63  }
0x448: {  	_ =	swait.ge [sflag:s22], $0x1400  }
0x449: {  	[sflag:s22] =	ssyncset.done $0x0  }
0x44a: {  	[sflag:s22] =	ssyncadd.s32 $0xFFFFEC00  }
0x44b: {  	_ =	swait.ge [sflag:s22], $0x1E00  }
0x44c: {  	[sflag:s22] =	ssyncset.done $0x0  }
0x44d: {  	[sflag:s22] =	ssyncadd.s32 $0xFFFFE200  }
0x44e: {  	_ =	swait.ge [sflag:s1], $0x50  }
0x44f: {  	[sflag:s1] =	ssyncset.done $0x0  }
0x450: {  	[sflag:s1] =	ssyncadd.s32 $0xFFFFFFB0  }
0x451: {  	_ =	swait.ge [sflag:s1], $0x50  }
0x452: {  	s14 =	simm.s32 $0x5;
	[sflag:s1] =	ssyncset.done $0x0  }
0x453: {  	s12 =	simm.s32 $0x3;
	v7 =	vadd.s32 s14, v0;
	[sflag:s1] =	ssyncadd.s32 $0xFFFFFFB0  }
0x454: {  	v24 =	vadd.s32 s12, v0;
	v7 =	vand.u32 $0x3F, v7;
	v5 =	vld [tilespmem:$0xC300]  }
0x455: {  	v24 =	vand.u32 $0x3F, v24;
	v25 =	vadd.s32 v3, v7  }
0x456: {  	v26 =	vadd.s32 v3, v24  }
0x457: {  	s15 =	simm.s32 $0x4  }
0x458: {  	s16 =	simm.s32 $0x7;
	v38 =	vadd.s32 s15, v0;
	v24 =	vor.u32 v4, v24  }
0x459: {  	v41 =	vadd.s32 s16, v0;
	v38 =	vand.u32 $0x3F, v38;
	v7 =	vor.u32 v4, v7  }
0x45a: {  	s3 =	simm.s32 $0x1;
	v41 =	vand.u32 $0x3F, v41;
	v43 =	vadd.s32 v3, v38;
	v25 =	vld.idx.msk [tilespmem:v25+s25+$0x0], $0xffff  }
0x45b: {  	s9 =	simm.s32 $0x0;
	v6 =	vadd.s32 s3, v0;
	v46 =	vor.u32 v4, v41;
	v26 =	vld.idx.msk [tilespmem:v26+s25+$0x0], $0xffff  }
0x45c: {  	v41 =	vadd.s32 v3, v41;
	v36 =	vld.idx.msk [tilespmem:v5+s9+$0x0], $0xffff;
	v5 =	vand.u32 $0x3F, v6  }
0x45d: {  	v37 =	vadd.s32 s9, v0;
	v24 =	vld.idx.msk [tilespmem:v24+s24+$0x0], $0xffff;
	v6 =	vadd.s32 v3, v5  }
0x45e: {  	v37 =	vand.u32 $0x38, v37;
	v7 =	vld.idx.msk [tilespmem:v7+s24+$0x0], $0xffff;
	v5 =	vor.u32 v4, v5  }
0x45f: {  	v42 =	vor.u32 v1, v37;
	v37 =	vadd.s32 v2, v37;
	v50 =	vld.idx.msk [tilespmem:v43+s25+$0x0], $0xffff  }
0x460: {  	s21 =	simm.s32 $0x6;
	v38 =	vor.u32 v4, v38;
	v46 =	vld.idx.msk [tilespmem:v46+s24+$0x0], $0xffff  }
0x461: {  	s20 =	simm.s32 $0x2;
	v45 =	vadd.s32 s21, v0;
	v41 =	vld.idx.msk [tilespmem:v41+s25+$0x0], $0xffff  }
0x462: {  	v39 =	vimm.f32 $0.0e+00;
	v44 =	vadd.s32 s20, v0;
	v45 =	vand.u32 $0x3F, v45;
	v6 =	vld.idx.msk [tilespmem:v6+s25+$0x0], $0xffff  }
0x463: {  	v44 =	vand.u32 $0x3F, v44;
	v48 =	vor.u32 v4, v45;
	v56 =	vadd.s32 v3, v45;
	v5 =	vld.idx.msk [tilespmem:v5+s24+$0x0], $0xffff  }
0x464: {  	v37 =	vld.idx.msk [tilespmem:v37+s25+$0x0], $0xffff;
	v57 =	vand.u32 $0xFFFF0000, v26;
	v58 =	vand.u32 $0xFFFF0000, v25;
	v25 =	vshll.u32 v25, $0x10  }
0x465: {  	v52 =	vld.idx.msk [tilespmem:v38+s24+$0x0], $0xffff;
	v51 =	vand.u32 $0xFFFF0000, v24;
	v24 =	vshll.u32 v24, $0x10;
	v59 =	vshll.u32 v7, $0x10  }
0x466: {  	v7 =	vand.u32 $0xFFFF0000, v7;
	v53 =	vshll.u32 v50, $0x10;
	v26 =	vshll.u32 v26, $0x10  }
0x467: {  	v43 =	vand.u32 $0xFFFF0000, v46;
	v60 =	vshll.u32 v41, $0x10;
	v47 =	vshll.u32 v6, $0x10  }
0x468: {  	v6 =	vand.u32 $0xFFFF0000, v6;
	v49 =	vshll.u32 v5, $0x10;
	v5 =	vand.u32 $0xFFFF0000, v5  }
0x469: {  	v42 =	vld.idx.msk [tilespmem:v42+s24+$0x0], $0xffff;
	v40 =	vand.u32 $0x3FFF, v36;
	v47 =	vmul.f32 v47, v49;
	v5 =	vmul.f32 v6, v5  }
0x46a: {  	v54 =	vld.idx.msk [tilespmem:v56+s25+$0x0], $0xffff;
	v55 =	vand.u32 $0xFFFF0000, v37;
	v56 =	vshll.u32 v52, $0x10;
	v6 =	vor.u32 v4, v44  }
0x46b: {  	v45 =	vmul.f32 v57, v51;
	v5 =	vadd.f32 v5, v47;
	v47 =	vadd.s32 v3, v44  }
0x46c: {  	v52 =	vand.u32 $0xFFFF0000, v52;
	v7 =	vmul.f32 v58, v7;
	v25 =	vmul.f32 v25, v59  }
0x46d: {  	v24 =	vmul.f32 v26, v24;
	v26 =	vshll.u32 v46, $0x10;
	v46 =	vand.u32 $0xFFFF0000, v50;
	v49 =	vld.idx.msk [tilespmem:v48+s24+$0x0], $0xffff  }
0x46e: {  	v38 =	vld.idx.msk [tilespmem:v40+s17+$0x0], $0xffff;
	v48 =	vshll.u32 v37, $0x10;
	v44 =	vand.u32 $0xFFFF0000, v42;
	v42 =	vshll.u32 v42, $0x10  }
0x46f: {  	v50 =	vshll.u32 v54, $0x10;
	v24 =	vadd.f32 v45, v24;
	v57 =	vmul.f32 v48, v42;
	v51 =	vld.idx.msk [tilespmem:v6+s24+$0x0], $0xffff  }
0x470: {  	v58 =	vmul.f32 v55, v44;
	v48 =	vmul.f32 v53, v56;
	v5 =	vadd.f32 v5, v39;
	v53 =	vld.idx.msk [tilespmem:v47+s25+$0x0], $0xffff  }
0x471: {  	v54 =	vand.u32 $0xFFFF0000, v54;
	v45 =	vadd.f32 v7, v25;
	v37 =	vld.idx.msk [tilespmem:v40+s18+$0x0], $0xffff;
	v44 =	vmul.f32 v60, v26  }
0x472: {  	s9 =	simm.s32 $0x8;
	v40 =	vld.idx.msk [tilespmem:v40+s19+$0x0], $0xffff;
	v55 =	vand.u32 $0xFFFF0000, v49;
	v42 =	vadd.f32 v24, v5;
	v47 =	vadd.f32 v58, v57  }
.LBB2_24:
0x473: {  	s3 =	sadd.s32 $0x1, s9  }
0x474: {  	s12 =	sadd.s32 $0x3, s9;
	s13 =	sadd.s32 $0x7, s9;
	v5 =	vshll.u32 v51, $0x10;
	v6 =	vshll.u32 v49, $0x10;
	v7 =	vmul.f32 v54, v55;
	s14 =	smov.u32 s9  }
0x475: {  	p0 =	slt.u32 s9, $0x38;
	s9 =	sadd.s32 $0x8, s9;
	v26 =	vshll.u32 v53, $0x10;
	v24 =	vadd.s32 s3, v0;
	v25 =	vadd.s32 s12, v0;
	s3 =	sadd.s32 $0x4, s14  }
0x476: {  	v53 =	vand.u32 $0xFFFF0000, v53;
	v49 =	vadd.s32 s13, v0;
	v24 =	vand.u32 $0x3F, v24  }
0x477: {  	s12 =	sadd.s32 $0x5, s14;
	v5 =	vmul.f32 v26, v5;
	v54 =	vor.u32 v4, v24;
	v24 =	vadd.s32 v3, v24  }
0x478: {  	v51 =	vand.u32 $0xFFFF0000, v51;
	s13 =	sadd.s32 $0x2, s14;
	v25 =	vand.u32 $0x3F, v25;
	v26 =	vadd.s32 s12, v0  }
0x479: {  	v6 =	vmul.f32 v50, v6;
	v55 =	vor.u32 v4, v25;
	v26 =	vand.u32 $0x3F, v26  }
0x47a: {  	v51 =	vmul.f32 v53, v51;
	v50 =	vor.u32 v4, v26;
	v26 =	vadd.s32 v3, v26  }
0x47b: {  	v41 =	vand.u32 $0xFFFF0000, v41;
	v53 =	vadd.s32 s13, v0;
	v25 =	vadd.s32 v3, v25  }
0x47c: {  	v46 =	vmul.f32 v46, v52;
	v56 =	vadd.s32 s14, v0;
	v57 =	vadd.s32 s3, v0;
	v24 =	vld.idx.msk [tilespmem:v24+s25+$0x0], $0xffff  }
0x47d: {  	v41 =	vmul.f32 v41, v43;
	v52 =	vand.u32 $0x38, v56;
	v56 =	vand.u32 $0x3F, v57  }
0x47e: {  	v43 =	vor.u32 v1, v52;
	v52 =	vadd.s32 v2, v52;
	v5 =	vadd.f32 v51, v5;
	v54 =	vld.idx.msk [tilespmem:v54+s24+$0x0], $0xffff  }
0x47f: {  	s3 =	sadd.s32 $0x6, s14;
	v49 =	vand.u32 $0x3F, v49;
	v46 =	vadd.f32 v46, v48;
	v51 =	vadd.s32 v3, v56;
	v26 =	vld.idx.msk [tilespmem:v26+s25+$0x0], $0xffff  }
0x480: {  	v48 =	vadd.s32 s3, v0;
	v57 =	vor.u32 v4, v49;
	v49 =	vadd.s32 v3, v49;
	v25 =	vld.idx.msk [tilespmem:v25+s25+$0x0], $0xffff  }
0x481: {  	v39 =	vadd.f32 v47, v39;
	v53 =	vand.u32 $0x3F, v53;
	v48 =	vand.u32 $0x3F, v48;
	v55 =	vld.idx.msk [tilespmem:v55+s24+$0x0], $0xffff  }
0x482: {  	v41 =	vadd.f32 v41, v44;
	v58 =	vor.u32 v4, v48;
	v47 =	vshll.u32 v24, $0x10;
	v50 =	vld.idx.msk [tilespmem:v50+s24+$0x0], $0xffff  }
0x483: {  	v42 =	vadd.f32 v45, v42;
	v24 =	vand.u32 $0xFFFF0000, v24;
	v44 =	vld.idx.msk [tilespmem:v43+s24+$0x0], $0xffff;
	v43 =	vor.u32 v4, v56  }
0x484: {  	v6 =	vadd.f32 v7, v6;
	v45 =	vshll.u32 v54, $0x10;
	v54 =	vand.u32 $0xFFFF0000, v54  }
0x485: {  	v42 =	vadd.f32 v41, v42;
	v7 =	vmul.f32 v47, v45;
	v47 =	vadd.s32 v3, v48;
	v45 =	vld.idx.msk [tilespmem:v51+s25+$0x0], $0xffff  }
0x486: {  	v5 =	vadd.f32 v5, v39;
	v48 =	vand.u32 $0xFFFF0000, v25;
	v51 =	vand.u32 $0xFFFF0000, v26;
	v56 =	vld.idx.msk [tilespmem:v57+s24+$0x0], $0xffff  }
0x487: {  	v24 =	vmul.f32 v24, v54;
	v54 =	vor.u32 v4, v53;
	v26 =	vshll.u32 v26, $0x10;
	v41 =	vld.idx.msk [tilespmem:v49+s25+$0x0], $0xffff  }
0x488: {  	v5 =	vadd.f32 v46, v5;
	v57 =	vshll.u32 v55, $0x10;
	v39 =	vand.u32 $0xFFFF0000, v55;
	v52 =	vld.idx.msk [tilespmem:v52+s25+$0x0], $0xffff  }
0x489: {  	v48 =	vmul.f32 v48, v39;
	v39 =	vand.u32 $0xFFFF0000, v50;
	v59 =	vld.idx.msk [tilespmem:v43+s24+$0x0], $0xffff;
	v43 =	vshll.u32 v50, $0x10  }
0x48a: {  	v7 =	vadd.f32 v24, v7;
	v24 =	vadd.s32 v3, v53;
	v60 =	vmul.f32 v51, v39;
	v47 =	vld.idx.msk [tilespmem:v47+s25+$0x0], $0xffff  }
0x48b: {  	v39 =	vadd.f32 v6, v5;
	v50 =	vand.u32 $0xFFFF0000, v44;
	v55 =	vshll.u32 v45, $0x10  }
0x48c: {  	v5 =	vadd.f32 v7, v42;
	v6 =	vshll.u32 v25, $0x10;
	v7 =	vmul.f32 v26, v43;
	v49 =	vld.idx.msk [tilespmem:v58+s24+$0x0], $0xffff  }
0x48d: {  	v6 =	vmul.f32 v6, v57;
	v25 =	vshll.u32 v56, $0x10;
	v43 =	vand.u32 $0xFFFF0000, v56  }
0x48e: {  	v26 =	vshll.u32 v44, $0x10;
	v44 =	vshll.u32 v41, $0x10;
	v42 =	vshll.u32 v52, $0x10;
	v51 =	vld.idx.msk [tilespmem:v54+s24+$0x0], $0xffff  }
.Ltmp11:
0x48f: {  	v46 =	vand.u32 $0xFFFF0000, v45;
	v52 =	vand.u32 $0xFFFF0000, v52;
	v53 =	vld.idx.msk [tilespmem:v24+s25+$0x0], $0xffff;
	v24 =	vshll.u32 v59, $0x10;
	(pc) =	sbr.rel @p0 .LBB2_24-.Ltmp11, $4  }
0x490: {  	v6 =	vadd.f32 v48, v6;
	v26 =	vmul.f32 v42, v26;
	v45 =	vmul.f32 v52, v50  }
0x491: {  	v44 =	vmul.f32 v44, v25;
	v50 =	vshll.u32 v47, $0x10;
	v54 =	vand.u32 $0xFFFF0000, v47  }
0x492: {  	v42 =	vadd.f32 v6, v5;
	v48 =	vmul.f32 v55, v24;
	v55 =	vand.u32 $0xFFFF0000, v49  }
0x493: {  	v52 =	vand.u32 $0xFFFF0000, v59;
	v47 =	vadd.f32 v45, v26;
	v45 =	vadd.f32 v60, v7  }
0x494: {  	v5 =	vshra.s32 v36, $0xE  }
0x495: {  	v6 =	vadd.s32 v63, v5;
	_ =	sdelay $0x4  }
0x496: {  	v6 =	vld.idx.msk [tilespmem:v6+s25+$0x0], $0xffff;
	_ =	sdelay $0x4  }
0x497: {  	v6 =	vadd.f32 v6, v40;
	_ =	sdelay $0x1  }
0x498: {  	v7 =	vand.u32 $0x7FFFFFFF, v6  }
0x499: {  	v7 =	vsub.f32 $0.0e+00, v7;
	_ =	sdelay $0x1  }
0x49a: {  	v7 =	vmul.f32 $1.442695020e+00, v7;
	_ =	sdelay $0x1  }
0x49b: {  	(erf) = vpow2.f32 v7;
	_ =	sdelay $0x8  }
0x49c: {  	v7 =	vpop (erf)  }
0x49d: {  	v24 =	vmul.f32 $-2.368956990e-02, v7;
	_ =	sdelay $0x1  }
0x49e: {  	v24 =	vadd.f32 $1.002884360e-01, v24  }
0x49f: {  	v25 =	vshll.u32 v51, $0x10;
	v26 =	vmul.f32 v54, v55;
	v57 =	vshll.u32 v53, $0x10  }
0x4a0: {  	v58 =	vand.u32 $0xFFFF0000, v53;
	v59 =	vand.u32 $0xFFFF0000, v51;
	v24 =	vmul.f32 v24, v7  }
0x4a1: {  	v49 =	vshll.u32 v49, $0x10;
	v25 =	vmul.f32 v57, v25;
	v60 =	vmul.f32 v58, v59  }
0x4a2: {  	v51 =	vand.u32 $0xFFFF0000, v41;
	v52 =	vmul.f32 v46, v52;
	v24 =	vadd.f32 $-2.086712570e-01, v24  }
0x4a3: {  	v53 =	vadd.f32 v47, v39;
	v54 =	vmul.f32 v50, v49;
	v25 =	vadd.f32 v60, v25  }
0x4a4: {  	v55 =	vadd.s32 v61, v5;
	v42 =	vadd.f32 v45, v42;
	v24 =	vmul.f32 v24, v7  }
0x4a5: {  	v41 =	vadd.f32 v52, v48;
	v25 =	vadd.f32 v25, v53;
	v40 =	vmul.f32 v51, v43  }
0x4a6: {  	v26 =	vadd.f32 v26, v54;
	v24 =	vadd.f32 $3.244126740e-01, v24  }
0x4a7: {  	v25 =	vadd.f32 v41, v25;
	v40 =	vadd.f32 v40, v44  }
0x4a8: {  	v24 =	vmul.f32 v24, v7  }
0x4a9: {  	v5 =	vadd.s32 v62, v5;
	v25 =	vadd.f32 v26, v25;
	v56 =	vadd.f32 v40, v42  }
0x4aa: {  	v26 =	vld.idx.msk [tilespmem:v55+s25+$0x0], $0xffff;
	v24 =	vadd.f32 $-4.991880360e-01, v24  }
0x4ab: {  	v25 =	vadd.f32 v56, v25  }
0x4ac: {  	v24 =	vmul.f32 v24, v7  }
0x4ad: {  	v25 =	vmul.f32 v25, v38  }
0x4ae: {  	v5 =	vld.idx.msk [tilespmem:v5+s25+$0x0], $0xffff;
	v24 =	vadd.f32 $9.999818800e-01, v24  }
0x4af: {  	s14 =	simm.s32 $0x0;
	v25 =	vmul.f32 v26, v25;
	v26 =	vld [tilespmem:$0xC310]  }
0x4b0: {  	s15 =	simm.s32 $0x4;
	v57 =	vadd.s32 s14, v0;
	v7 =	vmul.f32 v24, v7  }
0x4b1: {  	s16 =	simm.s32 $0x7;
	v58 =	vadd.s32 s15, v0;
	v6 =	vmax.f32 v6, $0.0e+00;
	v24 =	vadd.f32 v25, v37  }
0x4b2: {  	v59 =	vadd.s32 s16, v0;
	v37 =	vand.u32 $0x38, v57;
	v6 =	vadd.f32 v7, v6  }
0x4b3: {  	v39 =	vand.u32 $0x3F, v58;
	v60 =	vor.u32 v8, v37;
	v5 =	vadd.f32 v5, v24  }
0x4b4: {  	v52 =	vadd.s32 v11, v39;
	v40 =	vand.u32 $0x3F, v59;
	v6 =	vadd.f32 $9.999999740e-05, v6  }
0x4b5: {  	s21 =	simm.s32 $0x6;
	v55 =	vor.u32 v10, v40;
	[tilespmem:$0x14E60] =	vst v5  }
0x4b6: {  	s3 =	simm.s32 $0x1;
	v54 =	vadd.s32 s21, v0;
	v40 =	vadd.s32 v11, v40;
	[tilespmem:$0x14F00] =	vst v6  }
0x4b7: {  	v45 =	vand.u32 $0x3F, v54;
	v37 =	vadd.s32 v9, v37;
	v7 =	vadd.s32 s3, v0;
	v36 =	vld.idx.msk [tilespmem:v26+s14+$0x0], $0xffff  }
0x4b8: {  	s13 =	simm.s32 $0x5;
	v48 =	vor.u32 v10, v45;
	v7 =	vand.u32 $0x3F, v7;
	v50 =	vld.idx.msk [tilespmem:v60+s24+$0x0], $0xffff  }
0x4b9: {  	v24 =	vadd.s32 s13, v0;
	v5 =	vadd.s32 v11, v7;
	v51 =	vld.idx.msk [tilespmem:v52+s25+$0x0], $0xffff  }
0x4ba: {  	v24 =	vand.u32 $0x3F, v24;
	v7 =	vor.u32 v10, v7;
	v46 =	vld.idx.msk [tilespmem:v55+s24+$0x0], $0xffff  }
0x4bb: {  	s9 =	simm.s32 $0x3;
	v25 =	vadd.s32 v11, v24;
	v41 =	vld.idx.msk [tilespmem:v40+s25+$0x0], $0xffff  }
0x4bc: {  	v24 =	vor.u32 v10, v24;
	v6 =	vadd.s32 s9, v0;
	v37 =	vld.idx.msk [tilespmem:v37+s25+$0x0], $0xffff  }
0x4bd: {  	v6 =	vand.u32 $0x3F, v6;
	v60 =	vadd.s32 v11, v45;
	v49 =	vld.idx.msk [tilespmem:v48+s24+$0x0], $0xffff  }
0x4be: {  	s20 =	simm.s32 $0x2;
	v26 =	vadd.s32 v11, v6;
	v5 =	vld.idx.msk [tilespmem:v5+s25+$0x0], $0xffff  }
0x4bf: {  	v53 =	vadd.s32 s20, v0;
	v6 =	vor.u32 v10, v6;
	v7 =	vld.idx.msk [tilespmem:v7+s24+$0x0], $0xffff  }
0x4c0: {  	v39 =	vor.u32 v10, v39;
	v44 =	vand.u32 $0x3F, v53;
	v38 =	vimm.f32 $0.0e+00;
	v25 =	vld.idx.msk [tilespmem:v25+s25+$0x0], $0xffff  }
0x4c1: {  	v24 =	vld.idx.msk [tilespmem:v24+s24+$0x0], $0xffff;
	v42 =	vand.u32 $0x3FFF, v36;
	v53 =	vshll.u32 v51, $0x10;
	v43 =	vand.u32 $0xFFFF0000, v46  }
0x4c2: {  	v54 =	vld.idx.msk [tilespmem:v60+s25+$0x0], $0xffff;
	v45 =	vshll.u32 v50, $0x10;
	v48 =	vshll.u32 v37, $0x10;
	v55 =	vshll.u32 v41, $0x10  }
0x4c3: {  	v60 =	vand.u32 $0xFFFF0000, v37;
	v26 =	vld.idx.msk [tilespmem:v26+s25+$0x0], $0xffff;
	v45 =	vmul.f32 v48, v45;
	v58 =	vshll.u32 v5, $0x10  }
0x4c4: {  	v6 =	vld.idx.msk [tilespmem:v6+s24+$0x0], $0xffff;
	v5 =	vand.u32 $0xFFFF0000, v5;
	v59 =	vshll.u32 v7, $0x10;
	v7 =	vand.u32 $0xFFFF0000, v7  }
0x4c5: {  	v57 =	vand.u32 $0xFFFF0000, v25;
	v25 =	vshll.u32 v25, $0x10;
	v47 =	vmul.f32 v58, v59  }
0x4c6: {  	v5 =	vmul.f32 v5, v7;
	v59 =	vshll.u32 v24, $0x10;
	v24 =	vand.u32 $0xFFFF0000, v24  }
0x4c7: {  	v52 =	vld.idx.msk [tilespmem:v39+s24+$0x0], $0xffff;
	v7 =	vor.u32 v10, v44;
	v24 =	vmul.f32 v57, v24;
	v25 =	vmul.f32 v25, v59  }
0x4c8: {  	v5 =	vadd.f32 v5, v47;
	v47 =	vadd.s32 v11, v44;
	v44 =	vand.u32 $0xFFFF0000, v50  }
0x4c9: {  	v50 =	vshll.u32 v54, $0x10;
	v56 =	vand.u32 $0xFFFF0000, v26;
	v58 =	vand.u32 $0xFFFF0000, v6  }
0x4ca: {  	v6 =	vshll.u32 v6, $0x10;
	v26 =	vshll.u32 v26, $0x10;
	v57 =	vmul.f32 v60, v44  }
0x4cb: {  	v39 =	vld.idx.msk [tilespmem:v42+s17+$0x0], $0xffff;
	v54 =	vand.u32 $0xFFFF0000, v54;
	v40 =	vmul.f32 v56, v58;
	v6 =	vmul.f32 v26, v6  }
0x4cc: {  	v26 =	vshll.u32 v46, $0x10;
	v56 =	vshll.u32 v52, $0x10;
	v46 =	vand.u32 $0xFFFF0000, v51;
	v51 =	vld.idx.msk [tilespmem:v7+s24+$0x0], $0xffff  }
0x4cd: {  	v5 =	vadd.f32 v5, v38;
	v48 =	vmul.f32 v53, v56;
	v6 =	vadd.f32 v40, v6;
	v53 =	vld.idx.msk [tilespmem:v47+s25+$0x0], $0xffff  }
0x4ce: {  	v37 =	vld.idx.msk [tilespmem:v42+s18+$0x0], $0xffff;
	v52 =	vand.u32 $0xFFFF0000, v52;
	v44 =	vmul.f32 v55, v26;
	v47 =	vadd.f32 v57, v45  }
0x4cf: {  	s9 =	simm.s32 $0x8;
	v55 =	vand.u32 $0xFFFF0000, v49;
	v40 =	vld.idx.msk [tilespmem:v42+s19+$0x0], $0xffff;
	v45 =	vadd.f32 v24, v25;
	v42 =	vadd.f32 v6, v5  }
.LBB2_26:
0x4d0: {  	s3 =	sadd.s32 $0x1, s9  }
0x4d1: {  	s12 =	sadd.s32 $0x3, s9;
	s13 =	sadd.s32 $0x7, s9;
	v5 =	vshll.u32 v51, $0x10;
	v6 =	vshll.u32 v49, $0x10;
	v7 =	vmul.f32 v54, v55;
	s14 =	smov.u32 s9  }
0x4d2: {  	p0 =	slt.u32 s9, $0x38;
	s9 =	sadd.s32 $0x8, s9;
	v26 =	vshll.u32 v53, $0x10;
	v24 =	vadd.s32 s3, v0;
	v25 =	vadd.s32 s12, v0;
	s3 =	sadd.s32 $0x4, s14  }
0x4d3: {  	v53 =	vand.u32 $0xFFFF0000, v53;
	v49 =	vadd.s32 s13, v0;
	v24 =	vand.u32 $0x3F, v24  }
0x4d4: {  	s12 =	sadd.s32 $0x5, s14;
	v5 =	vmul.f32 v26, v5;
	v54 =	vor.u32 v10, v24;
	v24 =	vadd.s32 v11, v24  }
0x4d5: {  	v51 =	vand.u32 $0xFFFF0000, v51;
	s13 =	sadd.s32 $0x2, s14;
	v25 =	vand.u32 $0x3F, v25;
	v26 =	vadd.s32 s12, v0  }
0x4d6: {  	v6 =	vmul.f32 v50, v6;
	v55 =	vor.u32 v10, v25;
	v26 =	vand.u32 $0x3F, v26  }
0x4d7: {  	v51 =	vmul.f32 v53, v51;
	v50 =	vor.u32 v10, v26;
	v26 =	vadd.s32 v11, v26  }
0x4d8: {  	v41 =	vand.u32 $0xFFFF0000, v41;
	v53 =	vadd.s32 s13, v0;
	v25 =	vadd.s32 v11, v25  }
0x4d9: {  	v46 =	vmul.f32 v46, v52;
	v56 =	vadd.s32 s14, v0;
	v57 =	vadd.s32 s3, v0;
	v24 =	vld.idx.msk [tilespmem:v24+s25+$0x0], $0xffff  }
0x4da: {  	v41 =	vmul.f32 v41, v43;
	v52 =	vand.u32 $0x38, v56;
	v56 =	vand.u32 $0x3F, v57  }
0x4db: {  	v43 =	vor.u32 v8, v52;
	v52 =	vadd.s32 v9, v52;
	v5 =	vadd.f32 v51, v5;
	v54 =	vld.idx.msk [tilespmem:v54+s24+$0x0], $0xffff  }
0x4dc: {  	s3 =	sadd.s32 $0x6, s14;
	v49 =	vand.u32 $0x3F, v49;
	v46 =	vadd.f32 v46, v48;
	v51 =	vadd.s32 v11, v56;
	v26 =	vld.idx.msk [tilespmem:v26+s25+$0x0], $0xffff  }
0x4dd: {  	v48 =	vadd.s32 s3, v0;
	v57 =	vor.u32 v10, v49;
	v49 =	vadd.s32 v11, v49;
	v25 =	vld.idx.msk [tilespmem:v25+s25+$0x0], $0xffff  }
0x4de: {  	v38 =	vadd.f32 v47, v38;
	v53 =	vand.u32 $0x3F, v53;
	v48 =	vand.u32 $0x3F, v48;
	v55 =	vld.idx.msk [tilespmem:v55+s24+$0x0], $0xffff  }
0x4df: {  	v41 =	vadd.f32 v41, v44;
	v58 =	vor.u32 v10, v48;
	v47 =	vshll.u32 v24, $0x10;
	v50 =	vld.idx.msk [tilespmem:v50+s24+$0x0], $0xffff  }
0x4e0: {  	v42 =	vadd.f32 v45, v42;
	v24 =	vand.u32 $0xFFFF0000, v24;
	v44 =	vld.idx.msk [tilespmem:v43+s24+$0x0], $0xffff;
	v43 =	vor.u32 v10, v56  }
0x4e1: {  	v6 =	vadd.f32 v7, v6;
	v45 =	vshll.u32 v54, $0x10;
	v54 =	vand.u32 $0xFFFF0000, v54  }
0x4e2: {  	v42 =	vadd.f32 v41, v42;
	v7 =	vmul.f32 v47, v45;
	v47 =	vadd.s32 v11, v48;
	v45 =	vld.idx.msk [tilespmem:v51+s25+$0x0], $0xffff  }
0x4e3: {  	v5 =	vadd.f32 v5, v38;
	v48 =	vand.u32 $0xFFFF0000, v25;
	v51 =	vand.u32 $0xFFFF0000, v26;
	v56 =	vld.idx.msk [tilespmem:v57+s24+$0x0], $0xffff  }
0x4e4: {  	v24 =	vmul.f32 v24, v54;
	v54 =	vor.u32 v10, v53;
	v26 =	vshll.u32 v26, $0x10;
	v41 =	vld.idx.msk [tilespmem:v49+s25+$0x0], $0xffff  }
0x4e5: {  	v5 =	vadd.f32 v46, v5;
	v57 =	vshll.u32 v55, $0x10;
	v38 =	vand.u32 $0xFFFF0000, v55;
	v52 =	vld.idx.msk [tilespmem:v52+s25+$0x0], $0xffff  }
0x4e6: {  	v48 =	vmul.f32 v48, v38;
	v38 =	vand.u32 $0xFFFF0000, v50;
	v59 =	vld.idx.msk [tilespmem:v43+s24+$0x0], $0xffff;
	v43 =	vshll.u32 v50, $0x10  }
0x4e7: {  	v7 =	vadd.f32 v24, v7;
	v24 =	vadd.s32 v11, v53;
	v60 =	vmul.f32 v51, v38;
	v47 =	vld.idx.msk [tilespmem:v47+s25+$0x0], $0xffff  }
0x4e8: {  	v38 =	vadd.f32 v6, v5;
	v50 =	vand.u32 $0xFFFF0000, v44;
	v55 =	vshll.u32 v45, $0x10  }
0x4e9: {  	v5 =	vadd.f32 v7, v42;
	v6 =	vshll.u32 v25, $0x10;
	v7 =	vmul.f32 v26, v43;
	v49 =	vld.idx.msk [tilespmem:v58+s24+$0x0], $0xffff  }
0x4ea: {  	v6 =	vmul.f32 v6, v57;
	v25 =	vshll.u32 v56, $0x10;
	v43 =	vand.u32 $0xFFFF0000, v56  }
0x4eb: {  	v26 =	vshll.u32 v44, $0x10;
	v44 =	vshll.u32 v41, $0x10;
	v42 =	vshll.u32 v52, $0x10;
	v51 =	vld.idx.msk [tilespmem:v54+s24+$0x0], $0xffff  }
.Ltmp12:
0x4ec: {  	v46 =	vand.u32 $0xFFFF0000, v45;
	v52 =	vand.u32 $0xFFFF0000, v52;
	v53 =	vld.idx.msk [tilespmem:v24+s25+$0x0], $0xffff;
	v24 =	vshll.u32 v59, $0x10;
	(pc) =	sbr.rel @p0 .LBB2_26-.Ltmp12, $4  }
0x4ed: {  	v6 =	vadd.f32 v48, v6;
	v26 =	vmul.f32 v42, v26;
	v45 =	vmul.f32 v52, v50  }
0x4ee: {  	v44 =	vmul.f32 v44, v25;
	v50 =	vshll.u32 v47, $0x10;
	v54 =	vand.u32 $0xFFFF0000, v47  }
0x4ef: {  	v42 =	vadd.f32 v6, v5;
	v48 =	vmul.f32 v55, v24;
	v55 =	vand.u32 $0xFFFF0000, v49  }
0x4f0: {  	v52 =	vand.u32 $0xFFFF0000, v59;
	v47 =	vadd.f32 v45, v26;
	v45 =	vadd.f32 v60, v7  }
0x4f1: {  	v6 =	vld [tilespmem:$0x1FFB0];
	_ =	sdelay $0x3  }
0x4f2: {  	v5 =	vshra.s32 v36, $0xE  }
0x4f3: {  	v6 =	vadd.s32 v6, v5;
	_ =	sdelay $0x4  }
0x4f4: {  	v6 =	vld.idx.msk [tilespmem:v6+s25+$0x0], $0xffff;
	_ =	sdelay $0x4  }
0x4f5: {  	v6 =	vadd.f32 v6, v40;
	_ =	sdelay $0x1  }
0x4f6: {  	v7 =	vand.u32 $0x7FFFFFFF, v6  }
0x4f7: {  	v7 =	vsub.f32 $0.0e+00, v7;
	_ =	sdelay $0x1  }
0x4f8: {  	v7 =	vmul.f32 $1.442695020e+00, v7;
	_ =	sdelay $0x1  }
0x4f9: {  	(erf) = vpow2.f32 v7;
	_ =	sdelay $0x7  }
0x4fa: {  	v25 =	vshll.u32 v51, $0x10;
	v26 =	vmul.f32 v54, v55;
	v59 =	vshll.u32 v53, $0x10  }
0x4fb: {  	v60 =	vand.u32 $0xFFFF0000, v53;
	v54 =	vand.u32 $0xFFFF0000, v51;
	v25 =	vmul.f32 v59, v25;
	v7 =	vpop (erf)  }
0x4fc: {  	v55 =	vmul.f32 v60, v54;
	v24 =	vmul.f32 $-2.368956990e-02, v7  }
0x4fd: {  	v49 =	vshll.u32 v49, $0x10;
	v58 =	vadd.f32 v47, v38  }
0x4fe: {  	v57 =	vmul.f32 v46, v52;
	v25 =	vadd.f32 v55, v25;
	v24 =	vadd.f32 $1.002884360e-01, v24  }
0x4ff: {  	v56 =	vand.u32 $0xFFFF0000, v41;
	v59 =	vmul.f32 v50, v49  }
0x500: {  	v41 =	vadd.f32 v57, v48;
	v25 =	vadd.f32 v25, v58;
	v24 =	vmul.f32 v24, v7  }
0x501: {  	v26 =	vadd.f32 v26, v59  }
0x502: {  	v25 =	vadd.f32 v41, v25;
	v24 =	vadd.f32 $-2.086712570e-01, v24;
	_ =	sdelay $0x1  }
0x503: {  	v25 =	vadd.f32 v26, v25;
	v26 =	vld [tilespmem:$0x1FFD0];
	v24 =	vmul.f32 v24, v7  }
0x504: {  	v60 =	vadd.s32 v27, v5;
	v40 =	vmul.f32 v56, v43  }
0x505: {  	v24 =	vadd.f32 $3.244126740e-01, v24  }
0x506: {  	v42 =	vadd.f32 v45, v42;
	v40 =	vadd.f32 v40, v44  }
0x507: {  	v24 =	vmul.f32 v24, v7  }
0x508: {  	v5 =	vadd.s32 v26, v5;
	v46 =	vadd.f32 v40, v42  }
0x509: {  	v26 =	vld.idx.msk [tilespmem:v60+s25+$0x0], $0xffff;
	v24 =	vadd.f32 $-4.991880360e-01, v24  }
0x50a: {  	v25 =	vadd.f32 v46, v25  }
0x50b: {  	v24 =	vmul.f32 v24, v7  }
0x50c: {  	v25 =	vmul.f32 v25, v39  }
0x50d: {  	v5 =	vld.idx.msk [tilespmem:v5+s25+$0x0], $0xffff;
	v24 =	vadd.f32 $9.999818800e-01, v24  }
0x50e: {  	s14 =	simm.s32 $0x0;
	s16 =	simm.s32 $0x7;
	v25 =	vmul.f32 v26, v25;
	v26 =	vld [tilespmem:$0xC320]  }
0x50f: {  	v49 =	vadd.s32 s14, v0;
	v51 =	vadd.s32 s16, v0;
	v7 =	vmul.f32 v24, v7  }
0x510: {  	s21 =	simm.s32 $0x6;
	v38 =	vand.u32 $0x38, v49;
	v6 =	vmax.f32 v6, $0.0e+00;
	v24 =	vadd.f32 v25, v37  }
0x511: {  	v52 =	vor.u32 v12, v38;
	v56 =	vadd.s32 s21, v0;
	v6 =	vadd.f32 v7, v6  }
0x512: {  	s3 =	simm.s32 $0x1;
	v58 =	vand.u32 $0x3F, v56;
	v40 =	vand.u32 $0x3F, v51;
	v5 =	vadd.f32 v5, v24  }
0x513: {  	v57 =	vor.u32 v18, v40;
	v7 =	vadd.s32 s3, v0;
	v6 =	vadd.f32 $9.999999740e-05, v6  }
0x514: {  	s13 =	simm.s32 $0x5;
	v60 =	vor.u32 v18, v58;
	v7 =	vand.u32 $0x3F, v7;
	[tilespmem:$0x14E70] =	vst v5  }
0x515: {  	s15 =	simm.s32 $0x4;
	v24 =	vadd.s32 s13, v0;
	v5 =	vadd.s32 v19, v7;
	[tilespmem:$0x14F10] =	vst v6  }
0x516: {  	v50 =	vadd.s32 s15, v0;
	v25 =	vand.u32 $0x3F, v24;
	v7 =	vor.u32 v18, v7;
	v24 =	vld.idx.msk [tilespmem:v26+s14+$0x0], $0xffff  }
0x517: {  	v39 =	vand.u32 $0x3F, v50;
	v47 =	vadd.s32 v19, v25;
	v41 =	vld.idx.msk [tilespmem:v52+s24+$0x0], $0xffff  }
0x518: {  	s9 =	simm.s32 $0x3;
	v53 =	vadd.s32 v19, v39;
	v57 =	vld.idx.msk [tilespmem:v57+s24+$0x0], $0xffff  }
0x519: {  	v25 =	vor.u32 v18, v25;
	v6 =	vadd.s32 s9, v0;
	v46 =	vld.idx.msk [tilespmem:v60+s24+$0x0], $0xffff  }
0x51a: {  	v39 =	vor.u32 v18, v39;
	v6 =	vand.u32 $0x3F, v6;
	v5 =	vld.idx.msk [tilespmem:v5+s25+$0x0], $0xffff  }
0x51b: {  	s20 =	simm.s32 $0x2;
	v48 =	vadd.s32 v19, v6;
	v7 =	vld.idx.msk [tilespmem:v7+s24+$0x0], $0xffff  }
0x51c: {  	v55 =	vadd.s32 s20, v0;
	v6 =	vor.u32 v18, v6;
	v36 =	vld.idx.msk [tilespmem:v47+s25+$0x0], $0xffff  }
0x51d: {  	v43 =	vld.idx.msk [tilespmem:v53+s25+$0x0], $0xffff;
	v47 =	vadd.s32 v13, v38;
	v38 =	vadd.s32 v19, v40;
	v40 =	vadd.s32 v19, v58  }
0x51e: {  	v44 =	vand.u32 $0x3F, v55;
	v26 =	vimm.f32 $0.0e+00;
	v25 =	vld.idx.msk [tilespmem:v25+s24+$0x0], $0xffff  }
0x51f: {  	v53 =	vld.idx.msk [tilespmem:v39+s24+$0x0], $0xffff;
	v42 =	vand.u32 $0x3FFF, v24;
	v39 =	vand.u32 $0xFFFF0000, v41;
	v52 =	vand.u32 $0xFFFF0000, v46  }
0x520: {  	v37 =	vld.idx.msk [tilespmem:v48+s25+$0x0], $0xffff;
	v48 =	vshll.u32 v57, $0x10;
	v59 =	vshll.u32 v5, $0x10;
	v5 =	vand.u32 $0xFFFF0000, v5  }
0x521: {  	v6 =	vld.idx.msk [tilespmem:v6+s24+$0x0], $0xffff;
	v54 =	vshll.u32 v7, $0x10;
	v7 =	vand.u32 $0xFFFF0000, v7;
	v56 =	vand.u32 $0xFFFF0000, v36  }
0x522: {  	v36 =	vshll.u32 v36, $0x10;
	v50 =	vld.idx.msk [tilespmem:v40+s25+$0x0], $0xffff;
	v40 =	vand.u32 $0xFFFF0000, v57;
	v45 =	vmul.f32 v59, v54  }
0x523: {  	v38 =	vld.idx.msk [tilespmem:v38+s25+$0x0], $0xffff;
	v5 =	vmul.f32 v5, v7;
	v59 =	vshll.u32 v25, $0x10;
	v25 =	vand.u32 $0xFFFF0000, v25  }
0x524: {  	v47 =	vld.idx.msk [tilespmem:v47+s25+$0x0], $0xffff;
	v7 =	vor.u32 v18, v44;
	v44 =	vadd.s32 v19, v44;
	v54 =	vmul.f32 v56, v25  }
0x525: {  	v56 =	vshll.u32 v53, $0x10;
	v5 =	vadd.f32 v5, v45;
	v45 =	vshll.u32 v43, $0x10  }
0x526: {  	v55 =	vand.u32 $0xFFFF0000, v37;
	v58 =	vand.u32 $0xFFFF0000, v6;
	v6 =	vshll.u32 v6, $0x10  }
0x527: {  	v25 =	vshll.u32 v37, $0x10;
	v37 =	vshll.u32 v41, $0x10;
	v49 =	vmul.f32 v55, v58  }
0x528: {  	v5 =	vadd.f32 v5, v26;
	v55 =	vmul.f32 v36, v59;
	v6 =	vmul.f32 v25, v6;
	v36 =	vld.idx.msk [tilespmem:v42+s17+$0x0], $0xffff  }
0x529: {  	v41 =	vshll.u32 v47, $0x10;
	v60 =	vshll.u32 v38, $0x10;
	v47 =	vand.u32 $0xFFFF0000, v47;
	v25 =	vld.idx.msk [tilespmem:v42+s18+$0x0], $0xffff  }
0x52a: {  	v51 =	vand.u32 $0xFFFF0000, v50;
	v57 =	vmul.f32 v41, v37;
	v41 =	vmul.f32 v60, v48;
	v48 =	vld.idx.msk [tilespmem:v7+s24+$0x0], $0xffff  }
0x52b: {  	v58 =	vmul.f32 v47, v39;
	v47 =	vshll.u32 v50, $0x10;
	v50 =	vld.idx.msk [tilespmem:v44+s25+$0x0], $0xffff;
	v6 =	vadd.f32 v49, v6  }
0x52c: {  	v43 =	vand.u32 $0xFFFF0000, v43;
	v45 =	vmul.f32 v45, v56;
	v37 =	vld.idx.msk [tilespmem:v42+s19+$0x0], $0xffff;
	v42 =	vadd.f32 v54, v55  }
0x52d: {  	s9 =	simm.s32 $0x8;
	v49 =	vand.u32 $0xFFFF0000, v53;
	v44 =	vadd.f32 v58, v57;
	v39 =	vadd.f32 v6, v5  }
.LBB2_28:
0x52e: {  	s3 =	sadd.s32 $0x1, s9  }
0x52f: {  	s12 =	sadd.s32 $0x3, s9;
	s13 =	sadd.s32 $0x7, s9;
	v5 =	vshll.u32 v48, $0x10;
	v6 =	vshll.u32 v46, $0x10;
	v7 =	vmul.f32 v51, v52;
	s14 =	smov.u32 s9  }
0x530: {  	p0 =	slt.u32 s9, $0x38;
	s9 =	sadd.s32 $0x8, s9;
	v52 =	vshll.u32 v50, $0x10;
	v46 =	vadd.s32 s3, v0;
	v51 =	vadd.s32 s12, v0;
	s3 =	sadd.s32 $0x4, s14  }
0x531: {  	v50 =	vand.u32 $0xFFFF0000, v50;
	v53 =	vadd.s32 s13, v0;
	v46 =	vand.u32 $0x3F, v46  }
0x532: {  	s12 =	sadd.s32 $0x5, s14;
	v5 =	vmul.f32 v52, v5;
	v54 =	vor.u32 v18, v46;
	v46 =	vadd.s32 v19, v46  }
0x533: {  	v48 =	vand.u32 $0xFFFF0000, v48;
	s13 =	sadd.s32 $0x2, s14;
	v51 =	vand.u32 $0x3F, v51;
	v52 =	vadd.s32 s12, v0  }
0x534: {  	v6 =	vmul.f32 v47, v6;
	v55 =	vor.u32 v18, v51;
	v52 =	vand.u32 $0x3F, v52  }
0x535: {  	v48 =	vmul.f32 v50, v48;
	v47 =	vor.u32 v18, v52;
	v52 =	vadd.s32 v19, v52  }
0x536: {  	v38 =	vand.u32 $0xFFFF0000, v38;
	v50 =	vadd.s32 s13, v0;
	v51 =	vadd.s32 v19, v51  }
0x537: {  	v43 =	vmul.f32 v43, v49;
	v56 =	vadd.s32 s14, v0;
	v57 =	vadd.s32 s3, v0;
	v46 =	vld.idx.msk [tilespmem:v46+s25+$0x0], $0xffff  }
0x538: {  	v38 =	vmul.f32 v38, v40;
	v49 =	vand.u32 $0x38, v56;
	v56 =	vand.u32 $0x3F, v57  }
0x539: {  	v40 =	vor.u32 v12, v49;
	v49 =	vadd.s32 v13, v49;
	v5 =	vadd.f32 v48, v5;
	v54 =	vld.idx.msk [tilespmem:v54+s24+$0x0], $0xffff  }
0x53a: {  	s3 =	sadd.s32 $0x6, s14;
	v53 =	vand.u32 $0x3F, v53;
	v43 =	vadd.f32 v43, v45;
	v48 =	vadd.s32 v19, v56;
	v52 =	vld.idx.msk [tilespmem:v52+s25+$0x0], $0xffff  }
0x53b: {  	v57 =	vor.u32 v18, v53;
	v53 =	vadd.s32 v19, v53;
	v45 =	vld.idx.msk [tilespmem:v51+s25+$0x0], $0xffff;
	v51 =	vadd.s32 s3, v0  }
0x53c: {  	v26 =	vadd.f32 v44, v26;
	v50 =	vand.u32 $0x3F, v50;
	v55 =	vld.idx.msk [tilespmem:v55+s24+$0x0], $0xffff;
	v51 =	vand.u32 $0x3F, v51  }
0x53d: {  	v38 =	vadd.f32 v38, v41;
	v44 =	vshll.u32 v46, $0x10;
	v47 =	vld.idx.msk [tilespmem:v47+s24+$0x0], $0xffff;
	v58 =	vor.u32 v18, v51  }
0x53e: {  	v39 =	vadd.f32 v42, v39;
	v41 =	vld.idx.msk [tilespmem:v40+s24+$0x0], $0xffff;
	v40 =	vand.u32 $0xFFFF0000, v46;
	v46 =	vor.u32 v18, v56  }
0x53f: {  	v6 =	vadd.f32 v7, v6;
	v42 =	vshll.u32 v54, $0x10;
	v54 =	vand.u32 $0xFFFF0000, v54  }
0x540: {  	v39 =	vadd.f32 v38, v39;
	v7 =	vmul.f32 v44, v42;
	v44 =	vadd.s32 v19, v51;
	v42 =	vld.idx.msk [tilespmem:v48+s25+$0x0], $0xffff  }
0x541: {  	v5 =	vadd.f32 v5, v26;
	v51 =	vand.u32 $0xFFFF0000, v52;
	v48 =	vand.u32 $0xFFFF0000, v45;
	v56 =	vld.idx.msk [tilespmem:v57+s24+$0x0], $0xffff  }
0x542: {  	v26 =	vmul.f32 v40, v54;
	v54 =	vor.u32 v18, v50;
	v40 =	vshll.u32 v52, $0x10;
	v38 =	vld.idx.msk [tilespmem:v53+s25+$0x0], $0xffff  }
0x543: {  	v5 =	vadd.f32 v43, v5;
	v52 =	vshll.u32 v55, $0x10;
	v53 =	vand.u32 $0xFFFF0000, v55;
	v49 =	vld.idx.msk [tilespmem:v49+s25+$0x0], $0xffff  }
0x544: {  	v43 =	vshll.u32 v47, $0x10;
	v53 =	vmul.f32 v48, v53;
	v55 =	vld.idx.msk [tilespmem:v46+s24+$0x0], $0xffff;
	v46 =	vand.u32 $0xFFFF0000, v47  }
0x545: {  	v7 =	vadd.f32 v26, v7;
	v47 =	vadd.s32 v19, v50;
	v57 =	vmul.f32 v51, v46;
	v44 =	vld.idx.msk [tilespmem:v44+s25+$0x0], $0xffff  }
0x546: {  	v26 =	vadd.f32 v6, v5;
	v51 =	vand.u32 $0xFFFF0000, v41;
	v59 =	vshll.u32 v42, $0x10  }
0x547: {  	v6 =	vshll.u32 v45, $0x10;
	v5 =	vadd.f32 v7, v39;
	v7 =	vmul.f32 v40, v43;
	v46 =	vld.idx.msk [tilespmem:v58+s24+$0x0], $0xffff  }
0x548: {  	v6 =	vmul.f32 v6, v52;
	v39 =	vshll.u32 v56, $0x10;
	v40 =	vand.u32 $0xFFFF0000, v56  }
0x549: {  	v41 =	vshll.u32 v41, $0x10;
	v52 =	vshll.u32 v38, $0x10;
	v45 =	vshll.u32 v49, $0x10;
	v48 =	vld.idx.msk [tilespmem:v54+s24+$0x0], $0xffff  }
.Ltmp13:
0x54a: {  	v43 =	vand.u32 $0xFFFF0000, v42;
	v49 =	vand.u32 $0xFFFF0000, v49;
	v54 =	vshll.u32 v55, $0x10;
	v50 =	vld.idx.msk [tilespmem:v47+s25+$0x0], $0xffff;
	(pc) =	sbr.rel @p0 .LBB2_28-.Ltmp13, $4  }
0x54b: {  	v6 =	vadd.f32 v53, v6;
	v42 =	vmul.f32 v45, v41;
	v49 =	vmul.f32 v49, v51  }
0x54c: {  	v41 =	vmul.f32 v52, v39;
	v47 =	vshll.u32 v44, $0x10;
	v51 =	vand.u32 $0xFFFF0000, v44  }
0x54d: {  	v39 =	vadd.f32 v6, v5;
	v45 =	vmul.f32 v59, v54;
	v52 =	vand.u32 $0xFFFF0000, v46  }
0x54e: {  	v44 =	vadd.f32 v49, v42;
	v49 =	vand.u32 $0xFFFF0000, v55;
	v42 =	vadd.f32 v57, v7  }
0x54f: {  	v6 =	vld [tilespmem:$0x1FFA0];
	_ =	sdelay $0x3  }
0x550: {  	v5 =	vshra.s32 v24, $0xE  }
0x551: {  	v6 =	vadd.s32 v6, v5;
	_ =	sdelay $0x4  }
0x552: {  	v6 =	vld.idx.msk [tilespmem:v6+s25+$0x0], $0xffff;
	_ =	sdelay $0x4  }
0x553: {  	v6 =	vadd.f32 v6, v37;
	_ =	sdelay $0x1  }
0x554: {  	v7 =	vand.u32 $0x7FFFFFFF, v6  }
0x555: {  	v7 =	vsub.f32 $0.0e+00, v7;
	_ =	sdelay $0x1  }
0x556: {  	v7 =	vmul.f32 $1.442695020e+00, v7;
	_ =	sdelay $0x1  }
0x557: {  	(erf) = vpow2.f32 v7;
	_ =	sdelay $0x8  }
0x558: {  	v7 =	vpop (erf)  }
0x559: {  	v18 =	vmul.f32 $-2.368956990e-02, v7;
	_ =	sdelay $0x1  }
0x55a: {  	v19 =	vshll.u32 v48, $0x10;
	v27 =	vshll.u32 v50, $0x10;
	v18 =	vadd.f32 $1.002884360e-01, v18  }
0x55b: {  	v59 =	vand.u32 $0xFFFF0000, v50;
	v60 =	vand.u32 $0xFFFF0000, v48;
	v19 =	vmul.f32 v27, v19  }
0x55c: {  	v27 =	vmul.f32 v59, v60;
	v18 =	vmul.f32 v18, v7  }
0x55d: {  	v24 =	vmul.f32 v51, v52;
	v52 =	vmul.f32 v43, v49;
	v26 =	vadd.f32 v44, v26  }
0x55e: {  	v19 =	vadd.f32 v27, v19;
	v18 =	vadd.f32 $-2.086712570e-01, v18  }
0x55f: {  	v46 =	vshll.u32 v46, $0x10;
	v51 =	vand.u32 $0xFFFF0000, v38;
	v38 =	vadd.f32 v52, v45  }
0x560: {  	v27 =	vmul.f32 v47, v46;
	v19 =	vadd.f32 v19, v26;
	v18 =	vmul.f32 v18, v7  }
0x561: {  	v26 =	vadd.s32 v28, v5;
	v28 =	vadd.f32 v42, v39;
	v37 =	vmul.f32 v51, v40  }
0x562: {  	v24 =	vadd.f32 v24, v27;
	v18 =	vadd.f32 $3.244126740e-01, v18  }
0x563: {  	v19 =	vadd.f32 v38, v19;
	v37 =	vadd.f32 v37, v41  }
0x564: {  	v18 =	vmul.f32 v18, v7  }
0x565: {  	v5 =	vadd.s32 v29, v5;
	v19 =	vadd.f32 v24, v19;
	v27 =	vadd.f32 v37, v28  }
0x566: {  	v24 =	vld.idx.msk [tilespmem:v26+s25+$0x0], $0xffff;
	v18 =	vadd.f32 $-4.991880360e-01, v18  }
0x567: {  	v19 =	vadd.f32 v27, v19  }
0x568: {  	v18 =	vmul.f32 v18, v7  }
0x569: {  	v19 =	vmul.f32 v19, v36  }
0x56a: {  	v5 =	vld.idx.msk [tilespmem:v5+s25+$0x0], $0xffff;
	v18 =	vadd.f32 $9.999818800e-01, v18  }
0x56b: {  	v19 =	vmul.f32 v24, v19;
	v24 =	vld [tilespmem:$0xC330]  }
0x56c: {  	s14 =	simm.s32 $0x0;
	v7 =	vmul.f32 v18, v7  }
0x56d: {  	s16 =	simm.s32 $0x7;
	v6 =	vmax.f32 v6, $0.0e+00;
	v27 =	vadd.s32 s14, v0;
	v18 =	vadd.f32 v19, v25  }
0x56e: {  	v29 =	vadd.s32 s16, v0;
	v27 =	vand.u32 $0x38, v27;
	v6 =	vadd.f32 v7, v6  }
0x56f: {  	s15 =	simm.s32 $0x4;
	v29 =	vand.u32 $0x3F, v29;
	v53 =	vor.u32 v14, v27;
	v5 =	vadd.f32 v5, v18  }
0x570: {  	v57 =	vor.u32 v20, v29;
	v28 =	vadd.s32 s15, v0;
	v6 =	vadd.f32 $9.999999740e-05, v6  }
0x571: {  	s13 =	simm.s32 $0x5;
	s21 =	simm.s32 $0x6;
	v28 =	vand.u32 $0x3F, v28;
	v58 =	vadd.s32 v15, v27;
	v27 =	vadd.s32 v21, v29;
	[tilespmem:$0x14E80] =	vst v5  }
0x572: {  	v56 =	vadd.s32 s21, v0;
	v54 =	vadd.s32 v21, v28;
	v18 =	vadd.s32 s13, v0;
	[tilespmem:$0x14F20] =	vst v6  }
0x573: {  	s3 =	simm.s32 $0x1;
	v28 =	vor.u32 v20, v28;
	v29 =	vand.u32 $0x3F, v56;
	v19 =	vand.u32 $0x3F, v18;
	v18 =	vld.idx.msk [tilespmem:v24+s14+$0x0], $0xffff  }
0x574: {  	v60 =	vor.u32 v20, v29;
	v29 =	vadd.s32 v21, v29;
	v7 =	vadd.s32 s3, v0;
	v36 =	vld.idx.msk [tilespmem:v53+s24+$0x0], $0xffff  }
0x575: {  	v7 =	vand.u32 $0x3F, v7;
	v53 =	vld.idx.msk [tilespmem:v57+s24+$0x0], $0xffff  }
0x576: {  	v5 =	vadd.s32 v21, v7;
	v27 =	vld.idx.msk [tilespmem:v27+s25+$0x0], $0xffff  }
0x577: {  	v7 =	vor.u32 v20, v7;
	v42 =	vld.idx.msk [tilespmem:v58+s25+$0x0], $0xffff  }
0x578: {  	v25 =	vadd.s32 v21, v19;
	v48 =	vld.idx.msk [tilespmem:v28+s24+$0x0], $0xffff  }
0x579: {  	s9 =	simm.s32 $0x3;
	v19 =	vor.u32 v20, v19;
	v45 =	vld.idx.msk [tilespmem:v29+s25+$0x0], $0xffff  }
0x57a: {  	v6 =	vadd.s32 s9, v0;
	v41 =	vld.idx.msk [tilespmem:v60+s24+$0x0], $0xffff  }
0x57b: {  	s20 =	simm.s32 $0x2;
	v6 =	vand.u32 $0x3F, v6;
	v5 =	vld.idx.msk [tilespmem:v5+s25+$0x0], $0xffff  }
0x57c: {  	v55 =	vadd.s32 s20, v0;
	v26 =	vadd.s32 v21, v6;
	v7 =	vld.idx.msk [tilespmem:v7+s24+$0x0], $0xffff  }
0x57d: {  	v39 =	vand.u32 $0x3F, v55;
	v24 =	vimm.f32 $0.0e+00;
	v6 =	vor.u32 v20, v6;
	v25 =	vld.idx.msk [tilespmem:v25+s25+$0x0], $0xffff  }
0x57e: {  	v19 =	vld.idx.msk [tilespmem:v19+s24+$0x0], $0xffff;
	v37 =	vand.u32 $0x3FFF, v18;
	v28 =	vand.u32 $0xFFFF0000, v36;
	v56 =	vshll.u32 v53, $0x10  }
0x57f: {  	v29 =	vand.u32 $0xFFFF0000, v53;
	v57 =	vshll.u32 v42, $0x10;
	v58 =	vshll.u32 v27, $0x10  }
0x580: {  	v42 =	vand.u32 $0xFFFF0000, v42;
	v46 =	vand.u32 $0xFFFF0000, v45;
	v47 =	vand.u32 $0xFFFF0000, v41  }
0x581: {  	v26 =	vld.idx.msk [tilespmem:v26+s25+$0x0], $0xffff;
	v53 =	vmul.f32 v42, v28;
	v42 =	vshll.u32 v45, $0x10;
	v59 =	vshll.u32 v5, $0x10  }
0x582: {  	v6 =	vld.idx.msk [tilespmem:v6+s24+$0x0], $0xffff;
	v5 =	vand.u32 $0xFFFF0000, v5;
	v50 =	vshll.u32 v7, $0x10;
	v7 =	vand.u32 $0xFFFF0000, v7  }
0x583: {  	v52 =	vand.u32 $0xFFFF0000, v25;
	v25 =	vshll.u32 v25, $0x10;
	v55 =	vshll.u32 v19, $0x10  }
0x584: {  	v38 =	vld.idx.msk [tilespmem:v54+s25+$0x0], $0xffff;
	v19 =	vand.u32 $0xFFFF0000, v19;
	v5 =	vmul.f32 v5, v7;
	v7 =	vor.u32 v20, v39  }
0x585: {  	v40 =	vmul.f32 v59, v50;
	v39 =	vadd.s32 v21, v39;
	v49 =	vmul.f32 v52, v19  }
0x586: {  	v50 =	vmul.f32 v25, v55;
	v59 =	vshll.u32 v48, $0x10;
	v51 =	vand.u32 $0xFFFF0000, v26  }
0x587: {  	v25 =	vld.idx.msk [tilespmem:v37+s17+$0x0], $0xffff;
	v54 =	vand.u32 $0xFFFF0000, v6;
	v6 =	vshll.u32 v6, $0x10;
	v19 =	vshll.u32 v26, $0x10  }
0x588: {  	v5 =	vadd.f32 v5, v40;
	v44 =	vmul.f32 v51, v54;
	v6 =	vmul.f32 v19, v6;
	v19 =	vld.idx.msk [tilespmem:v37+s18+$0x0], $0xffff  }
0x589: {  	v40 =	vshll.u32 v38, $0x10;
	v38 =	vand.u32 $0xFFFF0000, v38;
	v26 =	vshll.u32 v36, $0x10;
	v43 =	vld.idx.msk [tilespmem:v7+s24+$0x0], $0xffff  }
0x58a: {  	v5 =	vadd.f32 v5, v24;
	v60 =	vmul.f32 v57, v26;
	v45 =	vld.idx.msk [tilespmem:v39+s25+$0x0], $0xffff;
	v6 =	vadd.f32 v44, v6  }
0x58b: {  	v36 =	vmul.f32 v58, v56;
	v40 =	vmul.f32 v40, v59;
	v26 =	vld.idx.msk [tilespmem:v37+s19+$0x0], $0xffff;
	v37 =	vadd.f32 v49, v50  }
0x58c: {  	s9 =	simm.s32 $0x8;
	v39 =	vadd.f32 v53, v60;
	v44 =	vand.u32 $0xFFFF0000, v48;
	v28 =	vadd.f32 v6, v5  }
.LBB2_30:
0x58d: {  	s3 =	sadd.s32 $0x1, s9  }
0x58e: {  	s12 =	sadd.s32 $0x3, s9;
	s13 =	sadd.s32 $0x7, s9;
	v5 =	vshll.u32 v43, $0x10;
	v6 =	vshll.u32 v41, $0x10;
	v7 =	vmul.f32 v46, v47;
	s14 =	smov.u32 s9  }
0x58f: {  	p0 =	slt.u32 s9, $0x38;
	s9 =	sadd.s32 $0x8, s9;
	v47 =	vshll.u32 v45, $0x10;
	v41 =	vadd.s32 s3, v0;
	v46 =	vadd.s32 s12, v0;
	s3 =	sadd.s32 $0x4, s14  }
0x590: {  	v45 =	vand.u32 $0xFFFF0000, v45;
	v48 =	vadd.s32 s13, v0;
	v41 =	vand.u32 $0x3F, v41  }
0x591: {  	s12 =	sadd.s32 $0x5, s14;
	v5 =	vmul.f32 v47, v5;
	v49 =	vor.u32 v20, v41;
	v41 =	vadd.s32 v21, v41  }
0x592: {  	v43 =	vand.u32 $0xFFFF0000, v43;
	s13 =	sadd.s32 $0x2, s14;
	v46 =	vand.u32 $0x3F, v46;
	v47 =	vadd.s32 s12, v0  }
0x593: {  	v6 =	vmul.f32 v42, v6;
	v50 =	vor.u32 v20, v46;
	v47 =	vand.u32 $0x3F, v47  }
0x594: {  	v43 =	vmul.f32 v45, v43;
	v42 =	vor.u32 v20, v47;
	v47 =	vadd.s32 v21, v47  }
0x595: {  	v27 =	vand.u32 $0xFFFF0000, v27;
	v45 =	vadd.s32 s13, v0;
	v46 =	vadd.s32 v21, v46  }
0x596: {  	v38 =	vmul.f32 v38, v44;
	v51 =	vadd.s32 s14, v0;
	v52 =	vadd.s32 s3, v0;
	v41 =	vld.idx.msk [tilespmem:v41+s25+$0x0], $0xffff  }
0x597: {  	v27 =	vmul.f32 v27, v29;
	v44 =	vand.u32 $0x38, v51;
	v51 =	vand.u32 $0x3F, v52  }
0x598: {  	v29 =	vor.u32 v14, v44;
	v44 =	vadd.s32 v15, v44;
	v5 =	vadd.f32 v43, v5;
	v49 =	vld.idx.msk [tilespmem:v49+s24+$0x0], $0xffff  }
0x599: {  	s3 =	sadd.s32 $0x6, s14;
	v48 =	vand.u32 $0x3F, v48;
	v38 =	vadd.f32 v38, v40;
	v43 =	vadd.s32 v21, v51;
	v47 =	vld.idx.msk [tilespmem:v47+s25+$0x0], $0xffff  }
0x59a: {  	v52 =	vor.u32 v20, v48;
	v48 =	vadd.s32 v21, v48;
	v40 =	vld.idx.msk [tilespmem:v46+s25+$0x0], $0xffff;
	v46 =	vadd.s32 s3, v0  }
0x59b: {  	v24 =	vadd.f32 v39, v24;
	v45 =	vand.u32 $0x3F, v45;
	v50 =	vld.idx.msk [tilespmem:v50+s24+$0x0], $0xffff;
	v46 =	vand.u32 $0x3F, v46  }
0x59c: {  	v27 =	vadd.f32 v27, v36;
	v39 =	vshll.u32 v41, $0x10;
	v42 =	vld.idx.msk [tilespmem:v42+s24+$0x0], $0xffff;
	v53 =	vor.u32 v20, v46  }
0x59d: {  	v28 =	vadd.f32 v37, v28;
	v36 =	vld.idx.msk [tilespmem:v29+s24+$0x0], $0xffff;
	v29 =	vand.u32 $0xFFFF0000, v41;
	v41 =	vor.u32 v20, v51  }
0x59e: {  	v6 =	vadd.f32 v7, v6;
	v37 =	vshll.u32 v49, $0x10;
	v49 =	vand.u32 $0xFFFF0000, v49  }
0x59f: {  	v28 =	vadd.f32 v27, v28;
	v7 =	vmul.f32 v39, v37;
	v39 =	vadd.s32 v21, v46;
	v37 =	vld.idx.msk [tilespmem:v43+s25+$0x0], $0xffff  }
0x5a0: {  	v5 =	vadd.f32 v5, v24;
	v46 =	vand.u32 $0xFFFF0000, v47;
	v43 =	vand.u32 $0xFFFF0000, v40;
	v51 =	vld.idx.msk [tilespmem:v52+s24+$0x0], $0xffff  }
0x5a1: {  	v24 =	vmul.f32 v29, v49;
	v49 =	vor.u32 v20, v45;
	v29 =	vshll.u32 v47, $0x10;
	v27 =	vld.idx.msk [tilespmem:v48+s25+$0x0], $0xffff  }
0x5a2: {  	v5 =	vadd.f32 v38, v5;
	v47 =	vshll.u32 v50, $0x10;
	v48 =	vand.u32 $0xFFFF0000, v50;
	v44 =	vld.idx.msk [tilespmem:v44+s25+$0x0], $0xffff  }
0x5a3: {  	v38 =	vshll.u32 v42, $0x10;
	v48 =	vmul.f32 v43, v48;
	v50 =	vld.idx.msk [tilespmem:v41+s24+$0x0], $0xffff;
	v41 =	vand.u32 $0xFFFF0000, v42  }
0x5a4: {  	v7 =	vadd.f32 v24, v7;
	v42 =	vadd.s32 v21, v45;
	v52 =	vmul.f32 v46, v41;
	v39 =	vld.idx.msk [tilespmem:v39+s25+$0x0], $0xffff  }
0x5a5: {  	v24 =	vadd.f32 v6, v5;
	v46 =	vand.u32 $0xFFFF0000, v36;
	v54 =	vshll.u32 v37, $0x10  }
0x5a6: {  	v6 =	vshll.u32 v40, $0x10;
	v5 =	vadd.f32 v7, v28;
	v7 =	vmul.f32 v29, v38;
	v41 =	vld.idx.msk [tilespmem:v53+s24+$0x0], $0xffff  }
0x5a7: {  	v6 =	vmul.f32 v6, v47;
	v28 =	vshll.u32 v51, $0x10;
	v29 =	vand.u32 $0xFFFF0000, v51  }
0x5a8: {  	v36 =	vshll.u32 v36, $0x10;
	v47 =	vshll.u32 v27, $0x10;
	v40 =	vshll.u32 v44, $0x10;
	v43 =	vld.idx.msk [tilespmem:v49+s24+$0x0], $0xffff  }
.Ltmp14:
0x5a9: {  	v38 =	vand.u32 $0xFFFF0000, v37;
	v44 =	vand.u32 $0xFFFF0000, v44;
	v49 =	vshll.u32 v50, $0x10;
	v45 =	vld.idx.msk [tilespmem:v42+s25+$0x0], $0xffff;
	(pc) =	sbr.rel @p0 .LBB2_30-.Ltmp14, $4  }
0x5aa: {  	v6 =	vadd.f32 v48, v6;
	v37 =	vmul.f32 v40, v36;
	v44 =	vmul.f32 v44, v46  }
0x5ab: {  	v36 =	vmul.f32 v47, v28;
	v42 =	vshll.u32 v39, $0x10;
	v46 =	vand.u32 $0xFFFF0000, v39  }
0x5ac: {  	v28 =	vadd.f32 v6, v5;
	v40 =	vmul.f32 v54, v49;
	v47 =	vand.u32 $0xFFFF0000, v41  }
0x5ad: {  	v39 =	vadd.f32 v44, v37;
	v44 =	vand.u32 $0xFFFF0000, v50;
	v37 =	vadd.f32 v52, v7  }
0x5ae: {  	v5 =	vshra.s32 v18, $0xE  }
0x5af: {  	v6 =	vadd.s32 v30, v5;
	_ =	sdelay $0x4  }
0x5b0: {  	v6 =	vld.idx.msk [tilespmem:v6+s25+$0x0], $0xffff;
	_ =	sdelay $0x4  }
0x5b1: {  	v6 =	vadd.f32 v6, v26;
	_ =	sdelay $0x1  }
0x5b2: {  	v7 =	vand.u32 $0x7FFFFFFF, v6  }
0x5b3: {  	v7 =	vsub.f32 $0.0e+00, v7;
	_ =	sdelay $0x1  }
0x5b4: {  	v7 =	vmul.f32 $1.442695020e+00, v7;
	_ =	sdelay $0x1  }
0x5b5: {  	(erf) = vpow2.f32 v7;
	_ =	sdelay $0x8  }
0x5b6: {  	v7 =	vpop (erf)  }
0x5b7: {  	v18 =	vmul.f32 $-2.368956990e-02, v7;
	_ =	sdelay $0x1  }
0x5b8: {  	v18 =	vadd.f32 $1.002884360e-01, v18  }
0x5b9: {  	v20 =	vshll.u32 v43, $0x10;
	v21 =	vmul.f32 v46, v47;
	v55 =	vand.u32 $0xFFFF0000, v43  }
0x5ba: {  	v30 =	vand.u32 $0xFFFF0000, v45;
	v26 =	vshll.u32 v45, $0x10;
	v18 =	vmul.f32 v18, v7  }
0x5bb: {  	v27 =	vand.u32 $0xFFFF0000, v27;
	v20 =	vmul.f32 v26, v20;
	v26 =	vmul.f32 v30, v55  }
0x5bc: {  	v41 =	vshll.u32 v41, $0x10;
	v27 =	vmul.f32 v27, v29;
	v18 =	vadd.f32 $-2.086712570e-01, v18  }
0x5bd: {  	v24 =	vadd.f32 v39, v24;
	v30 =	vmul.f32 v38, v44;
	v20 =	vadd.f32 v26, v20  }
0x5be: {  	v28 =	vadd.f32 v37, v28;
	v26 =	vmul.f32 v42, v41;
	v18 =	vmul.f32 v18, v7  }
0x5bf: {  	v29 =	vadd.f32 v30, v40;
	v20 =	vadd.f32 v20, v24;
	v24 =	vadd.s32 v31, v5  }
0x5c0: {  	v27 =	vadd.f32 v27, v36;
	v18 =	vadd.f32 $3.244126740e-01, v18  }
0x5c1: {  	v21 =	vadd.f32 v21, v26;
	v20 =	vadd.f32 v29, v20  }
0x5c2: {  	v18 =	vmul.f32 v18, v7  }
0x5c3: {  	v26 =	vadd.f32 v27, v28;
	v5 =	vadd.s32 v32, v5;
	v20 =	vadd.f32 v21, v20  }
0x5c4: {  	v21 =	vld.idx.msk [tilespmem:v24+s25+$0x0], $0xffff;
	v18 =	vadd.f32 $-4.991880360e-01, v18  }
0x5c5: {  	v20 =	vadd.f32 v26, v20  }
0x5c6: {  	v18 =	vmul.f32 v18, v7  }
0x5c7: {  	v20 =	vmul.f32 v20, v25  }
0x5c8: {  	v5 =	vld.idx.msk [tilespmem:v5+s25+$0x0], $0xffff;
	v18 =	vadd.f32 $9.999818800e-01, v18  }
0x5c9: {  	v20 =	vmul.f32 v21, v20;
	v21 =	vld [tilespmem:$0xC340]  }
0x5ca: {  	s14 =	simm.s32 $0x0;
	s16 =	simm.s32 $0x7;
	v6 =	vmax.f32 v6, $0.0e+00;
	v7 =	vmul.f32 v18, v7  }
0x5cb: {  	s15 =	simm.s32 $0x4;
	v27 =	vadd.s32 s16, v0;
	v25 =	vadd.s32 s14, v0;
	v18 =	vadd.f32 v20, v19  }
0x5cc: {  	v26 =	vadd.s32 s15, v0;
	v25 =	vand.u32 $0x38, v25;
	v6 =	vadd.f32 v7, v6  }
0x5cd: {  	v26 =	vand.u32 $0x3F, v26;
	v28 =	vor.u32 v16, v25;
	v5 =	vadd.f32 v5, v18  }
0x5ce: {  	v27 =	vand.u32 $0x3F, v27;
	v30 =	vadd.s32 v23, v26;
	v6 =	vadd.f32 $9.999999740e-05, v6  }
0x5cf: {  	s13 =	simm.s32 $0x5;
	v57 =	vor.u32 v22, v27;
	[tilespmem:$0x14E90] =	vst v5  }
0x5d0: {  	s21 =	simm.s32 $0x6;
	v58 =	vadd.s32 v17, v25;
	v25 =	vadd.s32 v23, v27;
	v18 =	vadd.s32 s13, v0;
	[tilespmem:$0x14F30] =	vst v6  }
0x5d1: {  	s3 =	simm.s32 $0x1;
	v56 =	vadd.s32 s21, v0;
	v20 =	vand.u32 $0x3F, v18;
	v18 =	vld.idx.msk [tilespmem:v21+s14+$0x0], $0xffff  }
0x5d2: {  	v26 =	vor.u32 v22, v26;
	v27 =	vand.u32 $0x3F, v56;
	v7 =	vadd.s32 s3, v0;
	v28 =	vld.idx.msk [tilespmem:v28+s24+$0x0], $0xffff  }
0x5d3: {  	v60 =	vor.u32 v22, v27;
	v27 =	vadd.s32 v23, v27;
	v7 =	vand.u32 $0x3F, v7;
	v30 =	vld.idx.msk [tilespmem:v30+s25+$0x0], $0xffff  }
0x5d4: {  	v5 =	vadd.s32 v23, v7;
	v49 =	vld.idx.msk [tilespmem:v57+s24+$0x0], $0xffff  }
0x5d5: {  	v7 =	vor.u32 v22, v7;
	v25 =	vld.idx.msk [tilespmem:v25+s25+$0x0], $0xffff  }
0x5d6: {  	s9 =	simm.s32 $0x3;
	v37 =	vld.idx.msk [tilespmem:v58+s25+$0x0], $0xffff  }
0x5d7: {  	v6 =	vadd.s32 s9, v0;
	v21 =	vadd.s32 v23, v20;
	v52 =	vld.idx.msk [tilespmem:v26+s24+$0x0], $0xffff  }
0x5d8: {  	v6 =	vand.u32 $0x3F, v6;
	v20 =	vor.u32 v22, v20;
	v55 =	vld.idx.msk [tilespmem:v27+s25+$0x0], $0xffff  }
0x5d9: {  	s20 =	simm.s32 $0x2;
	v24 =	vadd.s32 v23, v6;
	v5 =	vld.idx.msk [tilespmem:v5+s25+$0x0], $0xffff  }
0x5da: {  	v31 =	vadd.s32 s20, v0;
	v6 =	vor.u32 v22, v6;
	v7 =	vld.idx.msk [tilespmem:v7+s24+$0x0], $0xffff  }
0x5db: {  	v31 =	vand.u32 $0x3F, v31;
	v19 =	vimm.f32 $0.0e+00;
	v36 =	vld.idx.msk [tilespmem:v60+s24+$0x0], $0xffff  }
0x5dc: {  	v29 =	vand.u32 $0x3FFF, v18;
	v21 =	vld.idx.msk [tilespmem:v21+s25+$0x0], $0xffff;
	v26 =	vand.u32 $0xFFFF0000, v28;
	v54 =	vshll.u32 v30, $0x10  }
0x5dd: {  	v20 =	vld.idx.msk [tilespmem:v20+s24+$0x0], $0xffff;
	v57 =	vshll.u32 v49, $0x10;
	v27 =	vand.u32 $0xFFFF0000, v49;
	v58 =	vshll.u32 v25, $0x10  }
0x5de: {  	v30 =	vand.u32 $0xFFFF0000, v30;
	v41 =	vand.u32 $0xFFFF0000, v55;
	v24 =	vld.idx.msk [tilespmem:v24+s25+$0x0], $0xffff;
	v59 =	vshll.u32 v5, $0x10  }
0x5df: {  	v6 =	vld.idx.msk [tilespmem:v6+s24+$0x0], $0xffff;
	v5 =	vand.u32 $0xFFFF0000, v5;
	v46 =	vshll.u32 v7, $0x10;
	v7 =	vand.u32 $0xFFFF0000, v7  }
0x5e0: {  	v42 =	vand.u32 $0xFFFF0000, v36;
	v32 =	vmul.f32 v59, v46;
	v5 =	vmul.f32 v5, v7  }
0x5e1: {  	v7 =	vor.u32 v22, v31;
	v31 =	vadd.s32 v23, v31;
	v59 =	vshll.u32 v52, $0x10  }
0x5e2: {  	v48 =	vand.u32 $0xFFFF0000, v21;
	v21 =	vshll.u32 v21, $0x10;
	v51 =	vshll.u32 v20, $0x10  }
0x5e3: {  	v20 =	vand.u32 $0xFFFF0000, v20;
	v5 =	vadd.f32 v5, v32;
	v32 =	vmul.f32 v54, v59  }
0x5e4: {  	v47 =	vand.u32 $0xFFFF0000, v24;
	v50 =	vand.u32 $0xFFFF0000, v6;
	v6 =	vshll.u32 v6, $0x10  }
0x5e5: {  	v53 =	vmul.f32 v48, v20;
	v20 =	vshll.u32 v24, $0x10;
	v56 =	vmul.f32 v21, v51;
	v21 =	vld.idx.msk [tilespmem:v29+s17+$0x0], $0xffff  }
0x5e6: {  	v24 =	vshll.u32 v28, $0x10;
	v39 =	vmul.f32 v47, v50;
	v6 =	vmul.f32 v20, v6;
	v20 =	vld.idx.msk [tilespmem:v29+s18+$0x0], $0xffff  }
0x5e7: {  	v28 =	vshll.u32 v37, $0x10;
	v37 =	vand.u32 $0xFFFF0000, v37;
	v5 =	vadd.f32 v5, v19;
	v38 =	vld.idx.msk [tilespmem:v7+s24+$0x0], $0xffff  }
0x5e8: {  	v60 =	vmul.f32 v28, v24;
	v48 =	vmul.f32 v37, v26;
	v40 =	vld.idx.msk [tilespmem:v31+s25+$0x0], $0xffff;
	v6 =	vadd.f32 v39, v6  }
0x5e9: {  	v24 =	vld.idx.msk [tilespmem:v29+s19+$0x0], $0xffff;
	v37 =	vshll.u32 v55, $0x10;
	v28 =	vmul.f32 v58, v57;
	v29 =	vadd.f32 v53, v56  }
0x5ea: {  	s9 =	simm.s32 $0x8;
	v31 =	vadd.f32 v48, v60;
	v39 =	vand.u32 $0xFFFF0000, v52;
	v26 =	vadd.f32 v6, v5  }
.LBB2_32:
0x5eb: {  	s3 =	sadd.s32 $0x1, s9  }
0x5ec: {  	s12 =	sadd.s32 $0x3, s9;
	s13 =	sadd.s32 $0x7, s9;
	v5 =	vshll.u32 v38, $0x10;
	v6 =	vshll.u32 v36, $0x10;
	v7 =	vmul.f32 v41, v42;
	s14 =	smov.u32 s9  }
0x5ed: {  	p0 =	slt.u32 s9, $0x38;
	s9 =	sadd.s32 $0x8, s9;
	v42 =	vshll.u32 v40, $0x10;
	v36 =	vadd.s32 s3, v0;
	v41 =	vadd.s32 s12, v0;
	s3 =	sadd.s32 $0x4, s14  }
0x5ee: {  	v40 =	vand.u32 $0xFFFF0000, v40;
	v43 =	vadd.s32 s13, v0;
	v36 =	vand.u32 $0x3F, v36  }
0x5ef: {  	s12 =	sadd.s32 $0x5, s14;
	v5 =	vmul.f32 v42, v5;
	v44 =	vor.u32 v22, v36;
	v36 =	vadd.s32 v23, v36  }
0x5f0: {  	v38 =	vand.u32 $0xFFFF0000, v38;
	s13 =	sadd.s32 $0x2, s14;
	v41 =	vand.u32 $0x3F, v41;
	v42 =	vadd.s32 s12, v0  }
0x5f1: {  	v6 =	vmul.f32 v37, v6;
	v45 =	vor.u32 v22, v41;
	v42 =	vand.u32 $0x3F, v42  }
0x5f2: {  	v38 =	vmul.f32 v40, v38;
	v37 =	vor.u32 v22, v42;
	v42 =	vadd.s32 v23, v42  }
0x5f3: {  	v25 =	vand.u32 $0xFFFF0000, v25;
	v40 =	vadd.s32 s13, v0;
	v41 =	vadd.s32 v23, v41  }
0x5f4: {  	v30 =	vmul.f32 v30, v39;
	v46 =	vadd.s32 s14, v0;
	v47 =	vadd.s32 s3, v0;
	v36 =	vld.idx.msk [tilespmem:v36+s25+$0x0], $0xffff  }
0x5f5: {  	v25 =	vmul.f32 v25, v27;
	v39 =	vand.u32 $0x38, v46;
	v46 =	vand.u32 $0x3F, v47  }
0x5f6: {  	v27 =	vor.u32 v16, v39;
	v39 =	vadd.s32 v17, v39;
	v5 =	vadd.f32 v38, v5;
	v44 =	vld.idx.msk [tilespmem:v44+s24+$0x0], $0xffff  }
0x5f7: {  	s3 =	sadd.s32 $0x6, s14;
	v43 =	vand.u32 $0x3F, v43;
	v30 =	vadd.f32 v30, v32;
	v38 =	vadd.s32 v23, v46;
	v42 =	vld.idx.msk [tilespmem:v42+s25+$0x0], $0xffff  }
0x5f8: {  	v47 =	vor.u32 v22, v43;
	v43 =	vadd.s32 v23, v43;
	v32 =	vld.idx.msk [tilespmem:v41+s25+$0x0], $0xffff;
	v41 =	vadd.s32 s3, v0  }
0x5f9: {  	v19 =	vadd.f32 v31, v19;
	v40 =	vand.u32 $0x3F, v40;
	v45 =	vld.idx.msk [tilespmem:v45+s24+$0x0], $0xffff;
	v41 =	vand.u32 $0x3F, v41  }
0x5fa: {  	v25 =	vadd.f32 v25, v28;
	v31 =	vshll.u32 v36, $0x10;
	v37 =	vld.idx.msk [tilespmem:v37+s24+$0x0], $0xffff;
	v48 =	vor.u32 v22, v41  }
0x5fb: {  	v26 =	vadd.f32 v29, v26;
	v28 =	vld.idx.msk [tilespmem:v27+s24+$0x0], $0xffff;
	v27 =	vand.u32 $0xFFFF0000, v36;
	v36 =	vor.u32 v22, v46  }
0x5fc: {  	v6 =	vadd.f32 v7, v6;
	v29 =	vshll.u32 v44, $0x10;
	v44 =	vand.u32 $0xFFFF0000, v44  }
0x5fd: {  	v26 =	vadd.f32 v25, v26;
	v7 =	vmul.f32 v31, v29;
	v31 =	vadd.s32 v23, v41;
	v29 =	vld.idx.msk [tilespmem:v38+s25+$0x0], $0xffff  }
0x5fe: {  	v5 =	vadd.f32 v5, v19;
	v41 =	vand.u32 $0xFFFF0000, v42;
	v38 =	vand.u32 $0xFFFF0000, v32;
	v46 =	vld.idx.msk [tilespmem:v47+s24+$0x0], $0xffff  }
0x5ff: {  	v19 =	vmul.f32 v27, v44;
	v44 =	vor.u32 v22, v40;
	v27 =	vshll.u32 v42, $0x10;
	v25 =	vld.idx.msk [tilespmem:v43+s25+$0x0], $0xffff  }
0x600: {  	v5 =	vadd.f32 v30, v5;
	v42 =	vshll.u32 v45, $0x10;
	v43 =	vand.u32 $0xFFFF0000, v45;
	v39 =	vld.idx.msk [tilespmem:v39+s25+$0x0], $0xffff  }
0x601: {  	v30 =	vshll.u32 v37, $0x10;
	v43 =	vmul.f32 v38, v43;
	v45 =	vld.idx.msk [tilespmem:v36+s24+$0x0], $0xffff;
	v36 =	vand.u32 $0xFFFF0000, v37  }
0x602: {  	v7 =	vadd.f32 v19, v7;
	v37 =	vadd.s32 v23, v40;
	v47 =	vmul.f32 v41, v36;
	v31 =	vld.idx.msk [tilespmem:v31+s25+$0x0], $0xffff  }
0x603: {  	v19 =	vadd.f32 v6, v5;
	v41 =	vand.u32 $0xFFFF0000, v28;
	v49 =	vshll.u32 v29, $0x10  }
0x604: {  	v6 =	vshll.u32 v32, $0x10;
	v5 =	vadd.f32 v7, v26;
	v7 =	vmul.f32 v27, v30;
	v36 =	vld.idx.msk [tilespmem:v48+s24+$0x0], $0xffff  }
0x605: {  	v6 =	vmul.f32 v6, v42;
	v26 =	vshll.u32 v46, $0x10;
	v27 =	vand.u32 $0xFFFF0000, v46  }
0x606: {  	v28 =	vshll.u32 v28, $0x10;
	v42 =	vshll.u32 v25, $0x10;
	v32 =	vshll.u32 v39, $0x10;
	v38 =	vld.idx.msk [tilespmem:v44+s24+$0x0], $0xffff  }
.Ltmp15:
0x607: {  	v30 =	vand.u32 $0xFFFF0000, v29;
	v39 =	vand.u32 $0xFFFF0000, v39;
	v44 =	vshll.u32 v45, $0x10;
	v40 =	vld.idx.msk [tilespmem:v37+s25+$0x0], $0xffff;
	(pc) =	sbr.rel @p0 .LBB2_32-.Ltmp15, $4  }
0x608: {  	v6 =	vadd.f32 v43, v6;
	v29 =	vmul.f32 v32, v28;
	v39 =	vmul.f32 v39, v41  }
0x609: {  	v28 =	vmul.f32 v42, v26;
	v37 =	vshll.u32 v31, $0x10;
	v41 =	vand.u32 $0xFFFF0000, v31  }
0x60a: {  	v26 =	vadd.f32 v6, v5;
	v32 =	vmul.f32 v49, v44;
	v42 =	vand.u32 $0xFFFF0000, v36  }
0x60b: {  	v31 =	vadd.f32 v39, v29;
	v39 =	vand.u32 $0xFFFF0000, v45;
	v29 =	vadd.f32 v47, v7  }
0x60c: {  	v5 =	vshra.s32 v18, $0xE  }
0x60d: {  	v6 =	vadd.s32 v33, v5;
	_ =	sdelay $0x4  }
0x60e: {  	v6 =	vld.idx.msk [tilespmem:v6+s25+$0x0], $0xffff;
	_ =	sdelay $0x4  }
0x60f: {  	v6 =	vadd.f32 v6, v24;
	_ =	sdelay $0x1  }
0x610: {  	v7 =	vand.u32 $0x7FFFFFFF, v6  }
0x611: {  	v7 =	vsub.f32 $0.0e+00, v7;
	_ =	sdelay $0x1  }
0x612: {  	v7 =	vmul.f32 $1.442695020e+00, v7;
	_ =	sdelay $0x1  }
0x613: {  	(erf) = vpow2.f32 v7;
	_ =	sdelay $0x8  }
0x614: {  	v7 =	vpop (erf)  }
0x615: {  	v18 =	vmul.f32 $-2.368956990e-02, v7;
	_ =	sdelay $0x1  }
0x616: {  	v18 =	vadd.f32 $1.002884360e-01, v18  }
0x617: {  	v22 =	vshll.u32 v38, $0x10;
	v23 =	vmul.f32 v41, v42;
	v54 =	vshll.u32 v40, $0x10  }
0x618: {  	v55 =	vand.u32 $0xFFFF0000, v40;
	v56 =	vand.u32 $0xFFFF0000, v38;
	v18 =	vmul.f32 v18, v7  }
0x619: {  	v57 =	vshll.u32 v36, $0x10;
	v22 =	vmul.f32 v54, v22;
	v33 =	vmul.f32 v55, v56  }
0x61a: {  	v25 =	vand.u32 $0xFFFF0000, v25;
	v30 =	vmul.f32 v30, v39;
	v18 =	vadd.f32 $-2.086712570e-01, v18  }
0x61b: {  	v25 =	vmul.f32 v25, v27;
	v19 =	vadd.f32 v31, v19;
	v22 =	vadd.f32 v33, v22  }
0x61c: {  	v59 =	vadd.s32 v34, v5;
	v26 =	vadd.f32 v29, v26;
	v18 =	vmul.f32 v18, v7  }
0x61d: {  	v58 =	vadd.f32 v30, v32;
	v19 =	vadd.f32 v22, v19;
	v24 =	vmul.f32 v37, v57  }
0x61e: {  	v25 =	vadd.f32 v25, v28;
	v18 =	vadd.f32 $3.244126740e-01, v18  }
0x61f: {  	v19 =	vadd.f32 v58, v19;
	v23 =	vadd.f32 v23, v24  }
0x620: {  	v18 =	vmul.f32 v18, v7  }
0x621: {  	v5 =	vadd.s32 v35, v5;
	v60 =	vadd.f32 v25, v26;
	v19 =	vadd.f32 v23, v19  }
0x622: {  	v22 =	vld.idx.msk [tilespmem:v59+s25+$0x0], $0xffff;
	v18 =	vadd.f32 $-4.991880360e-01, v18  }
0x623: {  	v19 =	vadd.f32 v60, v19  }
0x624: {  	v18 =	vmul.f32 v18, v7  }
0x625: {  	v19 =	vmul.f32 v19, v21  }
0x626: {  	v5 =	vld.idx.msk [tilespmem:v5+s25+$0x0], $0xffff;
	v18 =	vadd.f32 $9.999818800e-01, v18  }
0x627: {  	v19 =	vmul.f32 v22, v19  }
0x628: {  	v7 =	vmul.f32 v18, v7  }
0x629: {  	v6 =	vmax.f32 v6, $0.0e+00;
	v18 =	vadd.f32 v19, v20  }
0x62a: {  	v6 =	vadd.f32 v7, v6  }
0x62b: {  	v5 =	vadd.f32 v5, v18  }
0x62c: {  	v6 =	vadd.f32 $9.999999740e-05, v6  }
0x62d: {  	[tilespmem:$0x14EA0] =	vst v5  }
0x62e: {  	s3 =	rddreg [dreg:$0x9];
	[tilespmem:$0x14F40] =	vst v6  }
0x62f: {  	[hbm4b:s3+s6] =	stream.linear.scatter [tilespmem:s29], [sflag:$0x3], $0x50, $0x38;
	[tilespmem:$0x14FA0] =	vst v63  }
0x630: {  	s20 =	rddreg [dreg:$0xa]  }
0x631: {  	[hbm4b:s20+s6] =	stream.linear.scatter [tilespmem:s30], [sflag:$0x3], $0x50, $0x38;
	[tilespmem:$0x14FA0] =	vst v63  }
0x632: {  	_ =	swait.ge [sflag:s1], $0x50  }
0x633: {  	[sflag:s1] =	ssyncset.done $0x0  }
0x634: {  	[sflag:s1] =	ssyncadd.s32 $0xFFFFFFB0  }
0x635: {  	_ =	swait.ge [sflag:s1], $0x50  }
0x636: {  	[sflag:s1] =	ssyncset.done $0x0  }
0x637: {  	s9 =	simm.s32 $0x4;
	[sflag:s1] =	ssyncadd.s32 $0xFFFFFFB0  }
0x638: {  	_ =	swait.ge [sflag:s9], $0x50  }
0x639: {  	[sflag:s9] =	ssyncset.done $0x0  }
0x63a: {  	[sflag:s9] =	ssyncadd.s32 $0xFFFFFFB0  }
0x63b: {  	_ =	swait.ge [sflag:s9], $0x50  }
0x63c: {  	s5 =	sadd.s32 $0x1, s5;
	s21 =	rddreg [dreg:$0xb]  }
0x63d: {  	p0 =	sne.s32 s5, s21  }
.Ltmp16:
0x63e: {  	_ = 	snop;
	(pc) =	sbr.rel @p0 .LBB2_1-.Ltmp16, $3  }
0x63f: {  	_ =	sdelay $0x1  }
0x640: {  	[sflag:s9] =	ssyncset.done $0x0  }
0x641: {  	[sflag:s9] =	ssyncadd.s32 $0xFFFFFFB0  }
0x642: {  	_ =	sfence.sel $0x180000  }
0x643: {  	[bflag:$0x0] =	sbarrier.arrive $0xFFFF  }
0x644: {  	_ =	strace $0x9000004A  }
0x645: {  	s0 =	stileid.u32;
	[bflag:$0x2] =	sbarrier.arrive $0xFFFF  }
0x646: {  	p0 =	sne.s32 s0, $0x0;
	s0 =	rddreg [dreg:$0x5]  }
0x647: {  	s0 =	sadd.s32 @!p0 $0x100000, s0  }
0x648: {  	[sflag:s0] =	ssyncadd.tile.s32 @!p0 $0x1;
	_ =	shalt  }
.Lfunc_end2:
_tile_overlayer_lowered:
.L_overlay_start_2:
0x649: {  	(tag) =	ssettag $0x2  }
0x64a: {  	s0 =	rddreg [dreg:$0x0];
	s2 =	stileid.u32  }
0x64b: {  	s1 =	rddreg [dreg:$0x1];
	p0 =	sne.s32 s2, $0x0  }
0x64c: {  	s3 =	rddreg [dreg:$0x2];
	[bflag:$0x3] =	sbarrier.arrive $0xFFFF;
	s2 =	simm.s32 @!p0 $0x1C05  }
0x64d: {  	[timem:s3], [sflag:s2] =	dma.local @!p0 [hbm:s0], s1  }
0x64e: {  	s0 =	simm.s32 @!p0 $0x5  }
0x64f: {  	_ =	swait.ge @!p0 [sflag:s0], s1  }
0x650: {  	s1 =	ssub.s32 @!p0 $0x0, s1;
	[sflag:s0] =	ssyncset.done @!p0 $0x0  }
0x651: {  	[sflag:s0] =	ssyncadd.s32 @!p0 s1  }
0x652: {  	[bflag:$0x3] =	sbarrier.arrive $0xFFFF  }
0x653: {  	_ =	shalt  }

</sc_bundles>
